<compile_context>
chip_gen: v7x
topology: tpu7x:2x2x1
jax: 0.10.2.dev20260603
libtpu: 0.0.44.dev20260713+nightly
codegen_flags: <defaults>
</compile_context>

<pallas_src>
import functools

import jax
import jax.numpy as jnp
from jax import lax
from jax.experimental import pallas as pl
from jax.experimental.pallas import tpu as pltpu
from jax.experimental.pallas import tpu_sc as plsc

N_NODES = 10000
N_EDGES = 320000
N_GRAPHS = 200
G_PAD = 256
V_DIM = 128
E_DIM = 16
H_DIM = 128
K_HEAD = 4

NC = 2
NS = 16
NW = NC * NS
EDGES_PER_TILE = N_EDGES // NW
CHUNK = 80
NCHUNK = EDGES_PER_TILE // CHUNK
ACC_ROWS = N_NODES
ZROWS = 640

BLK = 1000
NBLK = N_NODES // BLK


def _ek_body(e_ref, w_ref, b_ref, out_ref):
    out_ref[...] = jnp.dot(e_ref[...], w_ref[...],
                           preferred_element_type=jnp.float32) + b_ref[...]


def _run_ek(e, wT, b):
    blk = 6400
    return pl.pallas_call(
        _ek_body,
        grid=(N_EDGES // blk,),
        in_specs=[
            pl.BlockSpec((blk, E_DIM), lambda i: (i, 0)),
            pl.BlockSpec((E_DIM, 128), lambda i: (0, 0)),
            pl.BlockSpec((1, 128), lambda i: (0, 0)),
        ],
        out_specs=pl.BlockSpec((blk, 128), lambda i: (i, 0)),
        out_shape=jax.ShapeDtypeStruct((N_EDGES, 128), jnp.float32),
    )(e, wT, b)


def _edge_sc(ek_hbm, v_hbm, src_hbm, dst_hbm, out_hbm,
             vr0, vr1, ekr0, ekr1, sb0, sb1, sb2, sb3, db0, db1, db2, db3,
             semg0, semg1, seme0, seme1, semc0, semc1,
             si0, si1, si2, si3, acc):
    cid = lax.axis_index("c")
    sid = lax.axis_index("s")
    wid = sid * NC + cid
    ebase = wid * EDGES_PER_TILE
    vrs, ekrs = [vr0, vr1], [ekr0, ekr1]
    sbs, dbs = [sb0, sb1, sb2, sb3], [db0, db1, db2, db3]
    semg, seme, semc = [semg0, semg1], [seme0, seme1], [semc0, semc1]
    semi = [si0, si1, si2, si3]

    def zrow(r, _):
        for c in range(8):
            vr0[r, pl.ds(c * 16, 16)] = jnp.zeros((16,), jnp.float32)
        return 0
    lax.fori_loop(0, CHUNK, zrow, 0)
    nz = jnp.where(sid == NS - 1, (N_NODES - (NS - 1) * ZROWS) // CHUNK,
                   ZROWS // CHUNK)

    def zcp(k, _):
        pltpu.sync_copy(vr0, acc.at[pl.ds(sid * ZROWS + k * CHUNK, CHUNK), :])
        return 0
    lax.fori_loop(0, nz, zcp, 0)
    plsc.subcore_barrier()

    def _issue(j, sb, vr, ekr, sg, se):
        pltpu.async_copy(v_hbm.at[sb], vr, sg)
        pltpu.async_copy(ek_hbm.at[pl.ds(ebase + j * CHUNK, CHUNK), :],
                         ekr, se)

    pltpu.sync_copy(src_hbm.at[wid, 0], sb0)
    pltpu.sync_copy(dst_hbm.at[wid, 0], db0)
    _issue(0, sb0, vr0, ekr0, semg0, seme0)
    pltpu.async_copy(src_hbm.at[wid, 1], sb1, si1)
    pltpu.async_copy(dst_hbm.at[wid, 1], db1, si1)

    def _step(i, p, q):
        q1, q2 = (q + 1) % 4, (q + 2) % 4
        pltpu.make_async_copy(v_hbm.at[pl.ds(0, CHUNK), :],
                              vrs[p], semg[p]).wait()
        pltpu.make_async_copy(ek_hbm.at[pl.ds(0, CHUNK), :],
                              ekrs[p], seme[p]).wait()

        @pl.when(i + 1 < NCHUNK)
        def _nxt():
            pltpu.make_async_copy(src_hbm.at[0, 0], sbs[q1], semi[q1]).wait()
            pltpu.make_async_copy(dst_hbm.at[0, 0], dbs[q1], semi[q1]).wait()
            @pl.when(i >= 1)
            def _dr():
                pltpu.make_async_copy(vrs[1 - p],
                                      acc.at[pl.ds(0, CHUNK), :],
                                      semc[1 - p]).wait()
            _issue(i + 1, sbs[q1], vrs[1 - p], ekrs[1 - p],
                   semg[1 - p], seme[1 - p])

        def row(r4, _):
            for u in range(4):
                r = r4 * 4 + u
                for c in range(8):
                    sl = pl.ds(c * 16, 16)
                    prod = vrs[p][r, sl] * ekrs[p][r, sl]
                    vrs[p][r, sl] = jnp.maximum(prod, prod * 0.1)
            return 0
        lax.fori_loop(0, CHUNK // 4, row, 0)

        pltpu.async_copy(vrs[p], acc.at[dbs[q]], semc[p], add=True)

        @pl.when(i + 2 < NCHUNK)
        def _pf():
            pltpu.async_copy(src_hbm.at[wid, i + 2], sbs[q2], semi[q2])
            pltpu.async_copy(dst_hbm.at[wid, i + 2], dbs[q2], semi[q2])

    def quad(i4, _):
        i = i4 * 4
        _step(i, 0, 0)
        _step(i + 1, 1, 1)
        _step(i + 2, 0, 2)
        _step(i + 3, 1, 3)
        return 0
    lax.fori_loop(0, NCHUNK // 4, quad, 0)
    for t in range((NCHUNK // 4) * 4, NCHUNK):
        _step(t, t % 2, t % 4)

    pltpu.make_async_copy(vrs[0], acc.at[pl.ds(0, CHUNK), :], semc[0]).wait()
    pltpu.make_async_copy(vrs[1], acc.at[pl.ds(0, CHUNK), :], semc[1]).wait()

    plsc.subcore_barrier()

    nzo = jnp.where(sid == NS - 1, (N_NODES - (NS - 1) * ZROWS) // CHUNK,
                    ZROWS // CHUNK)

    def ocp(k, _):
        r0 = sid * ZROWS + k * CHUNK
        pltpu.sync_copy(acc.at[pl.ds(r0, CHUNK), :],
                        out_hbm.at[cid, pl.ds(r0, CHUNK), :])
        return 0
    lax.fori_loop(0, nzo, ocp, 0)


def _run_edge(ek, v, src3d, dst3d):
    mesh = plsc.VectorSubcoreMesh(core_axis_name="c", subcore_axis_name="s")
    fn = functools.partial(
        pl.kernel,
        mesh=mesh,
        out_type=jax.ShapeDtypeStruct((NC, N_NODES, V_DIM), jnp.float32),
        scratch_types=(
            [pltpu.VMEM((CHUNK, V_DIM), jnp.float32)] * 4
            + [pltpu.VMEM((CHUNK,), jnp.int32)] * 8
            + [pltpu.SemaphoreType.DMA] * 10
            + [pltpu.VMEM_SHARED((ACC_ROWS, V_DIM), jnp.float32)]
        ),
    )(_edge_sc)
    return fn(ek, v, src3d, dst3d)


def _node_body(v_ref, svep_ref, seg_ref, s_ref,
               waT_ref, ba_ref, wdT_ref, bd_ref, wbT_ref, bb_ref,
               cw_ref, cb_ref,
               aT_ref, ab_ref, cT_ref, cbias_ref, bT_ref, bbias_ref,
               e1T_ref, e2T_ref, eb_ref,
               gmAT_ref, gmAb_ref, gmBT_ref, gmBb_ref,
               gmIT_ref, gmIb_ref, gmHT_ref, gmHb_ref,
               gsAT_ref, gsAb_ref, gsBT_ref, gsBb_ref,
               gsIT_ref, gsIb_ref, gsHT_ref, gsHb_ref,
               outv_ref, outs_ref,
               num_acc, den_acc):
    i = pl.program_id(0)

    @pl.when(i == 0)
    def _init():
        num_acc[...] = jnp.zeros((K_HEAD * G_PAD, H_DIM), jnp.float32)
        den_acc[...] = jnp.zeros((8, G_PAD), jnp.float32)

    seg = seg_ref[0, 0, :]
    gids = lax.broadcasted_iota(jnp.int32, (BLK, G_PAD), 1)
    onehot = (seg[:, None] == gids).astype(jnp.float32)

    v = v_ref[...]
    s = s_ref[...]

    P = jnp.tanh(jnp.dot(v, waT_ref[...],
                         preferred_element_type=jnp.float32) + ba_ref[...])
    Dv = jnp.dot(v, wdT_ref[...],
                 preferred_element_type=jnp.float32) + bd_ref[...]
    Q = jnp.tanh(jnp.dot(s, wbT_ref[...],
                         preferred_element_type=jnp.float32) + bb_ref[...])
    Q = Q * cw_ref[...]
    Qseg = jnp.dot(onehot, Q, preferred_element_type=jnp.float32)
    prod = P * Qseg
    cb = cb_ref[...]
    for h in range(K_HEAD):
        sl = slice(h * H_DIM, (h + 1) * H_DIM)
        a = jnp.sum(prod[:, sl], axis=1) + cb[0, h]
        ea = jnp.exp(a)
        Wh = onehot * ea[:, None]
        numc = lax.dot_general(Wh, Dv[:, sl],
                               (((0,), (0,)), ((), ())),
                               preferred_element_type=jnp.float32)
        rs = pl.ds(h * G_PAD, G_PAD)
        num_acc[rs, :] = num_acc[rs, :] + numc
        den_acc[h, :] = den_acc[h, :] + jnp.sum(Wh, axis=0)

    sve = svep_ref[0] + svep_ref[1]
    tsc = jnp.tanh(jnp.dot(s, cT_ref[...],
                           preferred_element_type=jnp.float32) + cbias_ref[...])
    s2m = jnp.dot(onehot, tsc, preferred_element_type=jnp.float32)
    pre = (jnp.dot(sve, e1T_ref[...], preferred_element_type=jnp.float32)
           + jnp.dot(v, e2T_ref[...], preferred_element_type=jnp.float32)
           + eb_ref[...])
    m2m = jnp.maximum(pre, pre * 0.1)
    z = jax.nn.sigmoid(
        jnp.dot(m2m, gmAT_ref[...], preferred_element_type=jnp.float32)
        + gmAb_ref[...]
        + jnp.dot(s2m, gmBT_ref[...], preferred_element_type=jnp.float32)
        + gmBb_ref[...])
    h0 = z * s2m + (1.0 - z) * m2m
    gi = jnp.dot(v, gmIT_ref[...],
                 preferred_element_type=jnp.float32) + gmIb_ref[...]
    gh = jnp.dot(h0, gmHT_ref[...],
                 preferred_element_type=jnp.float32) + gmHb_ref[...]
    r = jax.nn.sigmoid(gi[:, :128] + gh[:, :128])
    zz = jax.nn.sigmoid(gi[:, 128:256] + gh[:, 128:256])
    n = jnp.tanh(gi[:, 256:] + r * gh[:, 256:])
    outv_ref[...] = (1.0 - zz) * n + zz * h0

    @pl.when(i == NBLK - 1)
    def _fin():
        den = den_acc[...]
        hs_list = []
        for h in range(K_HEAD):
            dh = den[h, :]
            dh = jnp.where(dh == 0.0, 1.0, dh)
            hs_list.append(num_acc[pl.ds(h * G_PAD, G_PAD), :] / dh[:, None])
        cat = jnp.concatenate(hs_list, axis=1)
        m2s = jnp.tanh(jnp.dot(cat, bT_ref[...],
                               preferred_element_type=jnp.float32)
                       + bbias_ref[...])
        s2s = jnp.tanh(jnp.dot(s, aT_ref[...],
                               preferred_element_type=jnp.float32)
                       + ab_ref[...])
        zs = jax.nn.sigmoid(
            jnp.dot(s2s, gsAT_ref[...], preferred_element_type=jnp.float32)
            + gsAb_ref[...]
            + jnp.dot(m2s, gsBT_ref[...], preferred_element_type=jnp.float32)
            + gsBb_ref[...])
        hs = zs * m2s + (1.0 - zs) * s2s
        gi2 = jnp.dot(s, gsIT_ref[...],
                      preferred_element_type=jnp.float32) + gsIb_ref[...]
        gh2 = jnp.dot(hs, gsHT_ref[...],
                      preferred_element_type=jnp.float32) + gsHb_ref[...]
        r2 = jax.nn.sigmoid(gi2[:, :128] + gh2[:, :128])
        zz2 = jax.nn.sigmoid(gi2[:, 128:256] + gh2[:, 128:256])
        n2 = jnp.tanh(gi2[:, 256:] + r2 * gh2[:, 256:])
        res = (1.0 - zz2) * n2 + zz2 * hs
        outs_ref[...] = res[:N_GRAPHS, :]


def _run_node(v, svep, seg3, s_pad, weights):
    full = lambda shape: pl.BlockSpec(shape, lambda i: tuple(0 for _ in shape))
    w_specs = [full(w.shape) for w in weights]
    return pl.pallas_call(
        _node_body,
        grid=(NBLK,),
        in_specs=[
            pl.BlockSpec((BLK, V_DIM), lambda i: (i, 0)),
            pl.BlockSpec((NC, BLK, V_DIM), lambda i: (0, i, 0)),
            pl.BlockSpec((1, 1, BLK), lambda i: (i, 0, 0)),
            full((G_PAD, V_DIM)),
        ] + w_specs,
        out_specs=[
            pl.BlockSpec((BLK, H_DIM), lambda i: (i, 0)),
            pl.BlockSpec((N_GRAPHS, H_DIM), lambda i: (0, 0)),
        ],
        out_shape=[
            jax.ShapeDtypeStruct((N_NODES, H_DIM), jnp.float32),
            jax.ShapeDtypeStruct((N_GRAPHS, H_DIM), jnp.float32),
        ],
        scratch_shapes=[
            pltpu.VMEM((K_HEAD * G_PAD, H_DIM), jnp.float32),
            pltpu.VMEM((8, G_PAD), jnp.float32),
        ],
    )(v, svep, seg3, s_pad, *weights)


def kernel(edge_index, node2graph, v, e, s, params):
    f32 = jnp.float32

    kw, kb = params['K']['w'], params['K']['b']
    ek = _run_ek(e, kw.T, kb[None, :])

    src3d = edge_index[0].reshape(NW, NCHUNK, CHUNK)
    dst3d = edge_index[1].reshape(NW, NCHUNK, CHUNK)
    svep = _run_edge(ek, v, src3d, dst3d)

    seg3 = node2graph.reshape(NBLK, 1, BLK)
    s_pad = jnp.zeros((G_PAD, V_DIM), f32).at[:N_GRAPHS].set(s)

    heads = params['heads']
    waT = jnp.concatenate([hp['A']['w'] for hp in heads], axis=0).T
    ba = jnp.concatenate([hp['A']['b'] for hp in heads])[None, :]
    wdT = jnp.concatenate([hp['D']['w'] for hp in heads], axis=0).T
    bd = jnp.concatenate([hp['D']['b'] for hp in heads])[None, :]
    wbT = jnp.concatenate([hp['B']['w'] for hp in heads], axis=0).T
    bb = jnp.concatenate([hp['B']['b'] for hp in heads])[None, :]
    cw = jnp.concatenate([hp['C']['w'][0] for hp in heads])[None, :]
    cb = jnp.zeros((1, 128), f32)
    for h in range(K_HEAD):
        cb = cb.at[0, h].set(heads[h]['C']['b'][0])

    gm, gs = params['gm'], params['gs']
    weights = [
        waT, ba, wdT, bd, wbT, bb, cw, cb,
        params['A']['w'].T, params['A']['b'][None, :],
        params['C']['w'].T, params['C']['b'][None, :],
        params['B']['w'].T, params['B']['b'][None, :],
        params['E']['w'][:, :128].T, params['E']['w'][:, 128:].T,
        params['E']['b'][None, :],
        gm['A']['w'].T, gm['A']['b'][None, :],
        gm['B']['w'].T, gm['B']['b'][None, :],
        gm['w_ih'].T, gm['b_ih'][None, :],
        gm['w_hh'].T, gm['b_hh'][None, :],
        gs['A']['w'].T, gs['A']['b'][None, :],
        gs['B']['w'].T, gs['B']['b'][None, :],
        gs['w_ih'].T, gs['b_ih'][None, :],
        gs['w_hh'].T, gs['b_hh'][None, :],
    ]
    update_v, update_s = _run_node(v, svep, seg3, s_pad, weights)
    return update_v, update_s

# --- scband reference (transcript-rebuilt; emitter-appended) ---
"""Pipeline reference for scband-model-new-5841155522616 (READ-ONLY COPY).

The authoritative reference and input builder live on the scoring server;
editing this copy changes nothing except your own understanding.
"""

import jax, jax.numpy as jnp
import numpy as np

N_NODES = 10000
N_EDGES = 320000
N_GRAPHS = 200
V_DIM = 128
E_DIM = 16
H_DIM = 128
K_HEAD = 4


def _lin(key, out_d, in_d):
    k1, k2 = jax.random.split(key)
    return {'w': jax.random.normal(k1, (out_d, in_d), jnp.float32) * 0.05,
            'b': jax.random.normal(k2, (out_d,), jnp.float32) * 0.05}


def _linear(x, p):
    return x @ p['w'].T + p['b']


def setup_inputs(seed: int = 0) -> dict:
    key = jax.random.key(seed)
    cnt = [0]
    def nk():
        cnt[0] += 1
        return jax.random.fold_in(key, cnt[0])
    v = jax.random.normal(nk(), (N_NODES, V_DIM), jnp.float32)
    e = jax.random.normal(nk(), (N_EDGES, E_DIM), jnp.float32)
    s = jax.random.normal(nk(), (N_GRAPHS, V_DIM), jnp.float32)
    edge_index = jax.random.randint(nk(), (2, N_EDGES), 0, N_NODES, jnp.int32)
    node2graph = jnp.sort(jax.random.randint(nk(), (N_NODES,), 0, N_GRAPHS, jnp.int32))
    def gru_params():
        return {'A': _lin(nk(), H_DIM, H_DIM), 'B': _lin(nk(), H_DIM, H_DIM),
                'w_ih': jax.random.normal(nk(), (3 * H_DIM, H_DIM), jnp.float32) * 0.05,
                'w_hh': jax.random.normal(nk(), (3 * H_DIM, H_DIM), jnp.float32) * 0.05,
                'b_ih': jax.random.normal(nk(), (3 * H_DIM,), jnp.float32) * 0.05,
                'b_hh': jax.random.normal(nk(), (3 * H_DIM,), jnp.float32) * 0.05}
    params = {
        'A': _lin(nk(), H_DIM, V_DIM),
        'heads': [{'A': _lin(nk(), H_DIM, V_DIM), 'B': _lin(nk(), H_DIM, V_DIM),
                   'C': _lin(nk(), 1, H_DIM), 'D': _lin(nk(), H_DIM, V_DIM)} for _ in range(K_HEAD)],
        'B': _lin(nk(), H_DIM, H_DIM * K_HEAD),
        'C': _lin(nk(), H_DIM, V_DIM),
        'E': _lin(nk(), H_DIM, H_DIM + V_DIM),
        'K': _lin(nk(), H_DIM, E_DIM),
        'gm': gru_params(),
        'gs': gru_params(),
    }
    return {'edge_index': edge_index, 'node2graph': node2graph, 'v': v, 'e': e, 's': s, 'params': params}


def _gru_cell(x, h, p):
    gi = x @ p['w_ih'].T + p['b_ih']
    gh = h @ p['w_hh'].T + p['b_hh']
    i_r, i_z, i_n = jnp.split(gi, 3, axis=1)
    h_r, h_z, h_n = jnp.split(gh, 3, axis=1)
    r = jax.nn.sigmoid(i_r + h_r)
    z = jax.nn.sigmoid(i_z + h_z)
    n = jnp.tanh(i_n + r * h_n)
    return (1.0 - z) * n + z * h


def _adaptive_gru(p, a, b, c):
    z = jax.nn.sigmoid(_linear(a, p['A']) + _linear(b, p['B']))
    h = z * b + (1.0 - z) * a
    return _gru_cell(c, h, p)


def _seg_softmax(a, seg, num_segments):
    m = jax.ops.segment_max(a, seg, num_segments=num_segments)
    ea = jnp.exp(a - m[seg])
    ssum = jax.ops.segment_sum(ea, seg, num_segments=num_segments)
    return ea / ssum[seg]


def _forward(v, e, s, params, src, dst, seg):
    G = s.shape[0]
    N = v.shape[0]
    s2s = jnp.tanh(_linear(s, params['A']))
    heads = []
    for hp in params['heads']:
        d_node = jnp.tanh(_linear(v, hp['A']))
        d_super = jnp.tanh(_linear(s, hp['B']))[seg]
        a = _linear(d_node * d_super, hp['C']).reshape(-1)
        aw = _seg_softmax(a, seg, G)
        hmsg = _linear(v, hp['D']) * aw[:, None]
        heads.append(jax.ops.segment_sum(hmsg, seg, num_segments=G))
    m2s = jnp.tanh(_linear(jnp.concatenate(heads, axis=1), params['B']))
    s2m = jnp.tanh(_linear(s, params['C']))[seg]
    ve = jax.nn.leaky_relu(_linear(e, params['K']) * v[src], 0.1)
    sve = jax.ops.segment_sum(ve, dst, num_segments=N)
    svev = jnp.concatenate([sve, v], axis=1)
    m2m = jax.nn.leaky_relu(_linear(svev, params['E']), 0.1)
    update_v = _adaptive_gru(params['gm'], m2m, s2m, v)
    update_s = _adaptive_gru(params['gs'], s2s, m2s, s)
    return update_v, update_s


def reference(edge_index, node2graph, v, e, s, params):
    src = edge_index[0]
    dst = edge_index[1]
    return _forward(v, e, s, params, src, dst, node2graph)

if __name__ == "__main__":
    import jax
    _d = setup_inputs()
    print(jax.jit(kernel)(*tuple(_d.values())))

</pallas_src>

<mosaic_0001>
#map = affine_map<(d0, d1) -> (0, 0)>
#map1 = affine_map<(d0, d1) -> (0, 0, 0)>
module attributes {stable_mosaic.version = 14 : i64} {
  func.func @_edge_sc(%arg0: i32, %arg1: i32, %arg2: memref<320000x128xf32, #tpu.memory_space<hbm>>, %arg3: memref<10000x128xf32, #tpu.memory_space<hbm>>, %arg4: memref<32x125x80xi32, #tpu.memory_space<hbm>>, %arg5: memref<32x125x80xi32, #tpu.memory_space<hbm>>, %arg6: memref<2x10000x128xf32, #tpu.memory_space<hbm>>, %arg7: memref<80x128xf32, #tpu.memory_space<vmem>>, %arg8: memref<80x128xf32, #tpu.memory_space<vmem>>, %arg9: memref<80x128xf32, #tpu.memory_space<vmem>>, %arg10: memref<80x128xf32, #tpu.memory_space<vmem>>, %arg11: memref<80xi32, #tpu.memory_space<vmem>>, %arg12: memref<80xi32, #tpu.memory_space<vmem>>, %arg13: memref<80xi32, #tpu.memory_space<vmem>>, %arg14: memref<80xi32, #tpu.memory_space<vmem>>, %arg15: memref<80xi32, #tpu.memory_space<vmem>>, %arg16: memref<80xi32, #tpu.memory_space<vmem>>, %arg17: memref<80xi32, #tpu.memory_space<vmem>>, %arg18: memref<80xi32, #tpu.memory_space<vmem>>, %arg19: memref<!tpu.dma_semaphore, #tpu.memory_space<semaphore_mem>>, %arg20: memref<!tpu.dma_semaphore, #tpu.memory_space<semaphore_mem>>, %arg21: memref<!tpu.dma_semaphore, #tpu.memory_space<semaphore_mem>>, %arg22: memref<!tpu.dma_semaphore, #tpu.memory_space<semaphore_mem>>, %arg23: memref<!tpu.dma_semaphore, #tpu.memory_space<semaphore_mem>>, %arg24: memref<!tpu.dma_semaphore, #tpu.memory_space<semaphore_mem>>, %arg25: memref<!tpu.dma_semaphore, #tpu.memory_space<semaphore_mem>>, %arg26: memref<!tpu.dma_semaphore, #tpu.memory_space<semaphore_mem>>, %arg27: memref<!tpu.dma_semaphore, #tpu.memory_space<semaphore_mem>>, %arg28: memref<!tpu.dma_semaphore, #tpu.memory_space<semaphore_mem>>, %arg29: memref<10000x128xf32, #tpu.memory_space<vmem_shared>>) attributes {dimension_semantics = [#tpu.dimension_semantics<core_parallel>, #tpu.dimension_semantics<subcore_parallel>], iteration_bounds = array<i64: 2, 16>, scalar_prefetch = 0 : i64, scratch_operands = 23 : i64, tpu.core_type = #tpu.core_type<sc_vector_subcore>, window_params = [{transform_indices = #map}, {transform_indices = #map}, {transform_indices = #map1}, {transform_indices = #map1}, {transform_indices = #map1}]} {
    %mul3A = arith.constant 2 : i32
    %mul3A_0 = arith.muli %arg1, %mul3A : i32
    %add3A = arith.addi %mul3A_0, %arg0 : i32
    %mul3A_1 = arith.constant 10000 : i32
    %mul3A_2 = arith.muli %add3A, %mul3A_1 : i32
    %scan3A = arith.constant 0 : i32
    %scan3A_3 = arith.constant 0 : i32
    %scan3A_4 = arith.constant 80 : i32
    %scan3A_5 = arith.addi %scan3A_3, %scan3A_4 : i32
    %scan3A_6 = arith.constant 1 : i32
    %scan3A_7 = scf.for %scan3A_103 = %scan3A_3 to %scan3A_5 step %scan3A_6 iter_args(%scan3A_104 = %scan3A) -> (i32)  : i32 {
      %broadcast_in_dim3A = arith.constant 0.000000e+00 : f32
      %broadcast_in_dim3A_105 = vector.broadcast %broadcast_in_dim3A : f32 to vector<16xf32>
      %swap3A = arith.index_cast %scan3A_103 : i32 to index
      %swap3A_106 = arith.constant 0 : index
      %swap3A_107 = tpu.vector_load %arg7[%swap3A, %swap3A_106] {strides = array<i32>} : memref<80x128xf32, #tpu.memory_space<vmem>>, vector<1x16xf32>,
      %swap3A_108 = vector.shape_cast %swap3A_107 : vector<1x16xf32> to vector<16xf32>
      %swap3A_109 = vector.shape_cast %broadcast_in_dim3A_105 : vector<16xf32> to vector<1x16xf32>
      tpu.vector_store %arg7[%swap3A, %swap3A_106], %swap3A_109 {strides = array<i32>} : memref<80x128xf32, #tpu.memory_space<vmem>>, vector<1x16xf32>,
      %broadcast_in_dim3A_110 = arith.constant 0.000000e+00 : f32
      %broadcast_in_dim3A_111 = vector.broadcast %broadcast_in_dim3A_110 : f32 to vector<16xf32>
      %swap3A_112 = arith.index_cast %scan3A_103 : i32 to index
      %swap3A_113 = arith.constant 16 : index
      %swap3A_114 = tpu.vector_load %arg7[%swap3A_112, %swap3A_113] {strides = array<i32>} : memref<80x128xf32, #tpu.memory_space<vmem>>, vector<1x16xf32>,
      %swap3A_115 = vector.shape_cast %swap3A_114 : vector<1x16xf32> to vector<16xf32>
      %swap3A_116 = vector.shape_cast %broadcast_in_dim3A_111 : vector<16xf32> to vector<1x16xf32>
      tpu.vector_store %arg7[%swap3A_112, %swap3A_113], %swap3A_116 {strides = array<i32>} : memref<80x128xf32, #tpu.memory_space<vmem>>, vector<1x16xf32>,
      %broadcast_in_dim3A_117 = arith.constant 0.000000e+00 : f32
      %broadcast_in_dim3A_118 = vector.broadcast %broadcast_in_dim3A_117 : f32 to vector<16xf32>
      %swap3A_119 = arith.index_cast %scan3A_103 : i32 to index
      %swap3A_120 = arith.constant 32 : index
      %swap3A_121 = tpu.vector_load %arg7[%swap3A_119, %swap3A_120] {strides = array<i32>} : memref<80x128xf32, #tpu.memory_space<vmem>>, vector<1x16xf32>,
      %swap3A_122 = vector.shape_cast %swap3A_121 : vector<1x16xf32> to vector<16xf32>
      %swap3A_123 = vector.shape_cast %broadcast_in_dim3A_118 : vector<16xf32> to vector<1x16xf32>
      tpu.vector_store %arg7[%swap3A_119, %swap3A_120], %swap3A_123 {strides = array<i32>} : memref<80x128xf32, #tpu.memory_space<vmem>>, vector<1x16xf32>,
      %broadcast_in_dim3A_124 = arith.constant 0.000000e+00 : f32
      %broadcast_in_dim3A_125 = vector.broadcast %broadcast_in_dim3A_124 : f32 to vector<16xf32>
      %swap3A_126 = arith.index_cast %scan3A_103 : i32 to index
      %swap3A_127 = arith.constant 48 : index
      %swap3A_128 = tpu.vector_load %arg7[%swap3A_126, %swap3A_127] {strides = array<i32>} : memref<80x128xf32, #tpu.memory_space<vmem>>, vector<1x16xf32>,
      %swap3A_129 = vector.shape_cast %swap3A_128 : vector<1x16xf32> to vector<16xf32>
      %swap3A_130 = vector.shape_cast %broadcast_in_dim3A_125 : vector<16xf32> to vector<1x16xf32>
      tpu.vector_store %arg7[%swap3A_126, %swap3A_127], %swap3A_130 {strides = array<i32>} : memref<80x128xf32, #tpu.memory_space<vmem>>, vector<1x16xf32>,
      %broadcast_in_dim3A_131 = arith.constant 0.000000e+00 : f32
      %broadcast_in_dim3A_132 = vector.broadcast %broadcast_in_dim3A_131 : f32 to vector<16xf32>
      %swap3A_133 = arith.index_cast %scan3A_103 : i32 to index
      %swap3A_134 = arith.constant 64 : index
      %swap3A_135 = tpu.vector_load %arg7[%swap3A_133, %swap3A_134] {strides = array<i32>} : memref<80x128xf32, #tpu.memory_space<vmem>>, vector<1x16xf32>,
      %swap3A_136 = vector.shape_cast %swap3A_135 : vector<1x16xf32> to vector<16xf32>
      %swap3A_137 = vector.shape_cast %broadcast_in_dim3A_132 : vector<16xf32> to vector<1x16xf32>
      tpu.vector_store %arg7[%swap3A_133, %swap3A_134], %swap3A_137 {strides = array<i32>} : memref<80x128xf32, #tpu.memory_space<vmem>>, vector<1x16xf32>,
      %broadcast_in_dim3A_138 = arith.constant 0.000000e+00 : f32
      %broadcast_in_dim3A_139 = vector.broadcast %broadcast_in_dim3A_138 : f32 to vector<16xf32>
      %swap3A_140 = arith.index_cast %scan3A_103 : i32 to index
      %swap3A_141 = arith.constant 80 : index
      %swap3A_142 = tpu.vector_load %arg7[%swap3A_140, %swap3A_141] {strides = array<i32>} : memref<80x128xf32, #tpu.memory_space<vmem>>, vector<1x16xf32>,
      %swap3A_143 = vector.shape_cast %swap3A_142 : vector<1x16xf32> to vector<16xf32>
      %swap3A_144 = vector.shape_cast %broadcast_in_dim3A_139 : vector<16xf32> to vector<1x16xf32>
      tpu.vector_store %arg7[%swap3A_140, %swap3A_141], %swap3A_144 {strides = array<i32>} : memref<80x128xf32, #tpu.memory_space<vmem>>, vector<1x16xf32>,
      %broadcast_in_dim3A_145 = arith.constant 0.000000e+00 : f32
      %broadcast_in_dim3A_146 = vector.broadcast %broadcast_in_dim3A_145 : f32 to vector<16xf32>
      %swap3A_147 = arith.index_cast %scan3A_103 : i32 to index
      %swap3A_148 = arith.constant 96 : index
      %swap3A_149 = tpu.vector_load %arg7[%swap3A_147, %swap3A_148] {strides = array<i32>} : memref<80x128xf32, #tpu.memory_space<vmem>>, vector<1x16xf32>,
      %swap3A_150 = vector.shape_cast %swap3A_149 : vector<1x16xf32> to vector<16xf32>
      %swap3A_151 = vector.shape_cast %broadcast_in_dim3A_146 : vector<16xf32> to vector<1x16xf32>
      tpu.vector_store %arg7[%swap3A_147, %swap3A_148], %swap3A_151 {strides = array<i32>} : memref<80x128xf32, #tpu.memory_space<vmem>>, vector<1x16xf32>,
      %broadcast_in_dim3A_152 = arith.constant 0.000000e+00 : f32
      %broadcast_in_dim3A_153 = vector.broadcast %broadcast_in_dim3A_152 : f32 to vector<16xf32>
      %swap3A_154 = arith.index_cast %scan3A_103 : i32 to index
      %swap3A_155 = arith.constant 112 : index
      %swap3A_156 = tpu.vector_load %arg7[%swap3A_154, %swap3A_155] {strides = array<i32>} : memref<80x128xf32, #tpu.memory_space<vmem>>, vector<1x16xf32>,
      %swap3A_157 = vector.shape_cast %swap3A_156 : vector<1x16xf32> to vector<16xf32>
      %swap3A_158 = vector.shape_cast %broadcast_in_dim3A_153 : vector<16xf32> to vector<1x16xf32>
      tpu.vector_store %arg7[%swap3A_154, %swap3A_155], %swap3A_158 {strides = array<i32>} : memref<80x128xf32, #tpu.memory_space<vmem>>, vector<1x16xf32>,
      %scan3A_159 = arith.constant 0 : i32
      scf.yield %scan3A_159 : i32
    }
    %scan3A_8 = arith.constant 80 : i32
    %eq3A = arith.constant 15 : i32
    %eq3A_9 = arith.cmpi eq, %arg1, %eq3A : i32
    %jit3A = arith.constant 5 : i32
    %jit3A_10 = arith.constant 8 : i32
    %select_n3A = arith.select %eq3A_9, %jit3A, %jit3A_10 : i32
    %while3A = arith.constant 0 : i32
    %while3A_11 = arith.constant 0 : i32
    %while3A_12 = arith.subi %select_n3A, %while3A : i32
    %while3A_13 = arith.addi %while3A, %while3A_12 : i32
    %while3A_14 = arith.constant 1 : i32
    %while3A_15 = arith.divsi %while3A_12, %while3A_14 : i32
    %while3A_16 = arith.muli %while3A_15, %while3A_14 : i32
    %while3A_17 = arith.addi %while3A, %while3A_16 : i32
    %while3A_18 = arith.constant 1 : i32
    %while3A_19 = scf.for %while3A_103 = %while3A to %while3A_17 step %while3A_18 iter_args(%while3A_104 = %while3A_11) -> (i32)  : i32 {
      %mul3A_105 = arith.constant 640 : i32
      %mul3A_106 = arith.muli %arg1, %mul3A_105 : i32
      %mul3A_107 = arith.constant 80 : i32
      %mul3A_108 = arith.muli %while3A_103, %mul3A_107 : i32
      %add3A_109 = arith.addi %mul3A_106, %mul3A_108 : i32
      "tpu.region"() ({
        %run_scoped3A_111 = tpu.sem_alloc : memref<!tpu.dma_semaphore, #tpu.memory_space<semaphore_mem>>
        %dma_start3A_112 = arith.constant 0 : i32
        %dma_start3A_113 = tpu.memref_slice %arg29[%add3A_109, %dma_start3A_112] : memref<10000x128xf32, #tpu.memory_space<vmem_shared>> -> memref<80x128xf32, #tpu.memory_space<vmem_shared>>
        %dma_start3A_114 = arith.constant 0 : i32
        %dma_start3A_115 = tpu.memref_slice %arg29[%add3A_109, %dma_start3A_114] : memref<10000x128xf32, #tpu.memory_space<vmem_shared>> -> memref<80x128xf32, #tpu.memory_space<vmem_shared>>
        tpu.enqueue_dma source(%arg7 : memref<80x128xf32, #tpu.memory_space<vmem>>) target(%dma_start3A_115 : memref<80x128xf32, #tpu.memory_space<vmem_shared>>) target_semaphore(%run_scoped3A_111 : memref<!tpu.dma_semaphore, #tpu.memory_space<semaphore_mem>>)
        %dma_wait3A_116 = arith.constant 0 : i32
        %dma_wait3A_117 = tpu.memref_slice %arg29[%add3A_109, %dma_wait3A_116] : memref<10000x128xf32, #tpu.memory_space<vmem_shared>> -> memref<80x128xf32, #tpu.memory_space<vmem_shared>>
        %dma_wait3A_118 = arith.constant 0 : i32
        %dma_wait3A_119 = tpu.memref_slice %arg29[%add3A_109, %dma_wait3A_118] : memref<10000x128xf32, #tpu.memory_space<vmem_shared>> -> memref<80x128xf32, #tpu.memory_space<vmem_shared>>
        tpu.wait_dma2 semaphore(%run_scoped3A_111 : memref<!tpu.dma_semaphore, #tpu.memory_space<semaphore_mem>>) src(%arg7 : memref<80x128xf32, #tpu.memory_space<vmem>>) dst(%dma_wait3A_119 : memref<80x128xf32, #tpu.memory_space<vmem_shared>>)
        tpu.yield
      }) : () -> ()
      %while3A_110 = arith.constant 0 : i32
      scf.yield %while3A_110 : i32
    }
    %while3A_20 = arith.constant 1 : i32
    %while3A_21 = scf.for %while3A_103 = %while3A_17 to %while3A_13 step %while3A_20 iter_args(%while3A_104 = %while3A_19) -> (i32)  : i32 {
      %mul3A_105 = arith.constant 640 : i32
      %mul3A_106 = arith.muli %arg1, %mul3A_105 : i32
      %mul3A_107 = arith.constant 80 : i32
      %mul3A_108 = arith.muli %while3A_103, %mul3A_107 : i32
      %add3A_109 = arith.addi %mul3A_106, %mul3A_108 : i32
      "tpu.region"() ({
        %run_scoped3A_111 = tpu.sem_alloc : memref<!tpu.dma_semaphore, #tpu.memory_space<semaphore_mem>>
        %dma_start3A_112 = arith.constant 0 : i32
        %dma_start3A_113 = tpu.memref_slice %arg29[%add3A_109, %dma_start3A_112] : memref<10000x128xf32, #tpu.memory_space<vmem_shared>> -> memref<80x128xf32, #tpu.memory_space<vmem_shared>>
        %dma_start3A_114 = arith.constant 0 : i32
        %dma_start3A_115 = tpu.memref_slice %arg29[%add3A_109, %dma_start3A_114] : memref<10000x128xf32, #tpu.memory_space<vmem_shared>> -> memref<80x128xf32, #tpu.memory_space<vmem_shared>>
        tpu.enqueue_dma source(%arg7 : memref<80x128xf32, #tpu.memory_space<vmem>>) target(%dma_start3A_115 : memref<80x128xf32, #tpu.memory_space<vmem_shared>>) target_semaphore(%run_scoped3A_111 : memref<!tpu.dma_semaphore, #tpu.memory_space<semaphore_mem>>)
        %dma_wait3A_116 = arith.constant 0 : i32
        %dma_wait3A_117 = tpu.memref_slice %arg29[%add3A_109, %dma_wait3A_116] : memref<10000x128xf32, #tpu.memory_space<vmem_shared>> -> memref<80x128xf32, #tpu.memory_space<vmem_shared>>
        %dma_wait3A_118 = arith.constant 0 : i32
        %dma_wait3A_119 = tpu.memref_slice %arg29[%add3A_109, %dma_wait3A_118] : memref<10000x128xf32, #tpu.memory_space<vmem_shared>> -> memref<80x128xf32, #tpu.memory_space<vmem_shared>>
        tpu.wait_dma2 semaphore(%run_scoped3A_111 : memref<!tpu.dma_semaphore, #tpu.memory_space<semaphore_mem>>) src(%arg7 : memref<80x128xf32, #tpu.memory_space<vmem>>) dst(%dma_wait3A_119 : memref<80x128xf32, #tpu.memory_space<vmem_shared>>)
        tpu.yield
      }) : () -> ()
      %while3A_110 = arith.constant 0 : i32
      scf.yield %while3A_110 : i32
    }
    %barrier3A = arith.constant 0 : index
    tpu.barrier barrier_id(%barrier3A)
    %run_scoped3A = arith.constant 0 : i32
    "tpu.region"() ({
      %run_scoped3A_103 = tpu.sem_alloc : memref<!tpu.dma_semaphore, #tpu.memory_space<semaphore_mem>>
      %dma_start3A_104 = arith.constant 0 : i32
      %dma_start3A_105 = tpu.memref_slice %arg4[%add3A, %run_scoped3A, %dma_start3A_104] : memref<32x125x80xi32, #tpu.memory_space<hbm>> -> memref<1x1x80xi32, #tpu.memory_space<hbm>>
      %dma_start3A_106 = tpu.memref_squeeze %dma_start3A_105 : memref<1x1x80xi32, #tpu.memory_space<hbm>> -> memref<80xi32, #tpu.memory_space<hbm>>
      %dma_start3A_107 = arith.constant 0 : i32
      %dma_start3A_108 = tpu.memref_slice %arg4[%add3A, %run_scoped3A, %dma_start3A_107] : memref<32x125x80xi32, #tpu.memory_space<hbm>> -> memref<1x1x80xi32, #tpu.memory_space<hbm>>
      %dma_start3A_109 = tpu.memref_squeeze %dma_start3A_108 : memref<1x1x80xi32, #tpu.memory_space<hbm>> -> memref<80xi32, #tpu.memory_space<hbm>>
      tpu.enqueue_dma source(%dma_start3A_109 : memref<80xi32, #tpu.memory_space<hbm>>) target(%arg11 : memref<80xi32, #tpu.memory_space<vmem>>) target_semaphore(%run_scoped3A_103 : memref<!tpu.dma_semaphore, #tpu.memory_space<semaphore_mem>>)
      %dma_wait3A_110 = arith.constant 0 : i32
      %dma_wait3A_111 = tpu.memref_slice %arg4[%add3A, %run_scoped3A, %dma_wait3A_110] : memref<32x125x80xi32, #tpu.memory_space<hbm>> -> memref<1x1x80xi32, #tpu.memory_space<hbm>>
      %dma_wait3A_112 = tpu.memref_squeeze %dma_wait3A_111 : memref<1x1x80xi32, #tpu.memory_space<hbm>> -> memref<80xi32, #tpu.memory_space<hbm>>
      %dma_wait3A_113 = arith.constant 0 : i32
      %dma_wait3A_114 = tpu.memref_slice %arg4[%add3A, %run_scoped3A, %dma_wait3A_113] : memref<32x125x80xi32, #tpu.memory_space<hbm>> -> memref<1x1x80xi32, #tpu.memory_space<hbm>>
      %dma_wait3A_115 = tpu.memref_squeeze %dma_wait3A_114 : memref<1x1x80xi32, #tpu.memory_space<hbm>> -> memref<80xi32, #tpu.memory_space<hbm>>
      tpu.wait_dma2 semaphore(%run_scoped3A_103 : memref<!tpu.dma_semaphore, #tpu.memory_space<semaphore_mem>>) src(%dma_wait3A_115 : memref<80xi32, #tpu.memory_space<hbm>>) dst(%arg11 : memref<80xi32, #tpu.memory_space<vmem>>)
      tpu.yield
    }) : () -> ()
    %run_scoped3A_22 = arith.constant 0 : i32
    "tpu.region"() ({
      %run_scoped3A_103 = tpu.sem_alloc : memref<!tpu.dma_semaphore, #tpu.memory_space<semaphore_mem>>
      %dma_start3A_104 = arith.constant 0 : i32
      %dma_start3A_105 = tpu.memref_slice %arg5[%add3A, %run_scoped3A_22, %dma_start3A_104] : memref<32x125x80xi32, #tpu.memory_space<hbm>> -> memref<1x1x80xi32, #tpu.memory_space<hbm>>
      %dma_start3A_106 = tpu.memref_squeeze %dma_start3A_105 : memref<1x1x80xi32, #tpu.memory_space<hbm>> -> memref<80xi32, #tpu.memory_space<hbm>>
      %dma_start3A_107 = arith.constant 0 : i32
      %dma_start3A_108 = tpu.memref_slice %arg5[%add3A, %run_scoped3A_22, %dma_start3A_107] : memref<32x125x80xi32, #tpu.memory_space<hbm>> -> memref<1x1x80xi32, #tpu.memory_space<hbm>>
      %dma_start3A_109 = tpu.memref_squeeze %dma_start3A_108 : memref<1x1x80xi32, #tpu.memory_space<hbm>> -> memref<80xi32, #tpu.memory_space<hbm>>
      tpu.enqueue_dma source(%dma_start3A_109 : memref<80xi32, #tpu.memory_space<hbm>>) target(%arg15 : memref<80xi32, #tpu.memory_space<vmem>>) target_semaphore(%run_scoped3A_103 : memref<!tpu.dma_semaphore, #tpu.memory_space<semaphore_mem>>)
      %dma_wait3A_110 = arith.constant 0 : i32
      %dma_wait3A_111 = tpu.memref_slice %arg5[%add3A, %run_scoped3A_22, %dma_wait3A_110] : memref<32x125x80xi32, #tpu.memory_space<hbm>> -> memref<1x1x80xi32, #tpu.memory_space<hbm>>
      %dma_wait3A_112 = tpu.memref_squeeze %dma_wait3A_111 : memref<1x1x80xi32, #tpu.memory_space<hbm>> -> memref<80xi32, #tpu.memory_space<hbm>>
      %dma_wait3A_113 = arith.constant 0 : i32
      %dma_wait3A_114 = tpu.memref_slice %arg5[%add3A, %run_scoped3A_22, %dma_wait3A_113] : memref<32x125x80xi32, #tpu.memory_space<hbm>> -> memref<1x1x80xi32, #tpu.memory_space<hbm>>
      %dma_wait3A_115 = tpu.memref_squeeze %dma_wait3A_114 : memref<1x1x80xi32, #tpu.memory_space<hbm>> -> memref<80xi32, #tpu.memory_space<hbm>>
      tpu.wait_dma2 semaphore(%run_scoped3A_103 : memref<!tpu.dma_semaphore, #tpu.memory_space<semaphore_mem>>) src(%dma_wait3A_115 : memref<80xi32, #tpu.memory_space<hbm>>) dst(%arg15 : memref<80xi32, #tpu.memory_space<vmem>>)
      tpu.yield
    }) : () -> ()
    %dma_start3A = arith.constant 0 : i32
    %dma_start3A_23 = arith.constant 0 : i32
    %dma_start3A_24 = tpu.memref_slice %arg3[%dma_start3A, %dma_start3A_23] : memref<10000x128xf32, #tpu.memory_space<hbm>> -> memref<10000x128xf32, #tpu.memory_space<hbm>>
    tpu.enqueue_indirect_dma source(%dma_start3A_24 : memref<10000x128xf32, #tpu.memory_space<hbm>>) target(%arg7 : memref<80x128xf32, #tpu.memory_space<vmem>>) offsets(%arg11 : memref<80xi32, #tpu.memory_space<vmem>>) semaphore(%arg19 : memref<!tpu.dma_semaphore, #tpu.memory_space<semaphore_mem>>)
    %add3A_25 = arith.constant 0 : i32
    %add3A_26 = arith.addi %mul3A_2, %add3A_25 : i32
    %dma_start3A_27 = arith.constant 0 : i32
    %dma_start3A_28 = tpu.memref_slice %arg2[%add3A_26, %dma_start3A_27] : memref<320000x128xf32, #tpu.memory_space<hbm>> -> memref<80x128xf32, #tpu.memory_space<hbm>>
    %dma_start3A_29 = arith.constant 0 : i32
    %dma_start3A_30 = tpu.memref_slice %arg2[%add3A_26, %dma_start3A_29] : memref<320000x128xf32, #tpu.memory_space<hbm>> -> memref<80x128xf32, #tpu.memory_space<hbm>>
    tpu.enqueue_dma source(%dma_start3A_30 : memref<80x128xf32, #tpu.memory_space<hbm>>) target(%arg9 : memref<80x128xf32, #tpu.memory_space<vmem>>) target_semaphore(%arg21 : memref<!tpu.dma_semaphore, #tpu.memory_space<semaphore_mem>>)
    %dma_start3A_31 = arith.constant 1 : i32
    %dma_start3A_32 = arith.constant 0 : i32
    %dma_start3A_33 = tpu.memref_slice %arg4[%add3A, %dma_start3A_31, %dma_start3A_32] : memref<32x125x80xi32, #tpu.memory_space<hbm>> -> memref<1x1x80xi32, #tpu.memory_space<hbm>>
    %dma_start3A_34 = tpu.memref_squeeze %dma_start3A_33 : memref<1x1x80xi32, #tpu.memory_space<hbm>> -> memref<80xi32, #tpu.memory_space<hbm>>
    %dma_start3A_35 = arith.constant 0 : i32
    %dma_start3A_36 = tpu.memref_slice %arg4[%add3A, %dma_start3A_31, %dma_start3A_35] : memref<32x125x80xi32, #tpu.memory_space<hbm>> -> memref<1x1x80xi32, #tpu.memory_space<hbm>>
    %dma_start3A_37 = tpu.memref_squeeze %dma_start3A_36 : memref<1x1x80xi32, #tpu.memory_space<hbm>> -> memref<80xi32, #tpu.memory_space<hbm>>
    tpu.enqueue_dma source(%dma_start3A_37 : memref<80xi32, #tpu.memory_space<hbm>>) target(%arg12 : memref<80xi32, #tpu.memory_space<vmem>>) target_semaphore(%arg26 : memref<!tpu.dma_semaphore, #tpu.memory_space<semaphore_mem>>)
    %dma_start3A_38 = arith.constant 1 : i32
    %dma_start3A_39 = arith.constant 0 : i32
    %dma_start3A_40 = tpu.memref_slice %arg5[%add3A, %dma_start3A_38, %dma_start3A_39] : memref<32x125x80xi32, #tpu.memory_space<hbm>> -> memref<1x1x80xi32, #tpu.memory_space<hbm>>
    %dma_start3A_41 = tpu.memref_squeeze %dma_start3A_40 : memref<1x1x80xi32, #tpu.memory_space<hbm>> -> memref<80xi32, #tpu.memory_space<hbm>>
    %dma_start3A_42 = arith.constant 0 : i32
    %dma_start3A_43 = tpu.memref_slice %arg5[%add3A, %dma_start3A_38, %dma_start3A_42] : memref<32x125x80xi32, #tpu.memory_space<hbm>> -> memref<1x1x80xi32, #tpu.memory_space<hbm>>
    %dma_start3A_44 = tpu.memref_squeeze %dma_start3A_43 : memref<1x1x80xi32, #tpu.memory_space<hbm>> -> memref<80xi32, #tpu.memory_space<hbm>>
    tpu.enqueue_dma source(%dma_start3A_44 : memref<80xi32, #tpu.memory_space<hbm>>) target(%arg16 : memref<80xi32, #tpu.memory_space<vmem>>) target_semaphore(%arg26 : memref<!tpu.dma_semaphore, #tpu.memory_space<semaphore_mem>>)
    %scan3A_45 = arith.constant 0 : i32
    %scan3A_46 = arith.constant 0 : i32
    %scan3A_47 = arith.constant 31 : i32
    %scan3A_48 = arith.addi %scan3A_46, %scan3A_47 : i32
    %scan3A_49 = arith.constant 1 : i32
    %scan3A_50 = scf.for %scan3A_103 = %scan3A_46 to %scan3A_48 step %scan3A_49 iter_args(%scan3A_104 = %scan3A_45) -> (i32)  : i32 {
      %mul3A_105 = arith.constant 4 : i32
      %mul3A_106 = arith.muli %scan3A_103, %mul3A_105 : i32
      %dma_wait3A_107 = arith.constant 0 : i32
      %dma_wait3A_108 = arith.constant 0 : i32
      %dma_wait3A_109 = tpu.memref_slice %arg3[%dma_wait3A_107, %dma_wait3A_108] : memref<10000x128xf32, #tpu.memory_space<hbm>> -> memref<80x128xf32, #tpu.memory_space<hbm>>
      %dma_wait3A_110 = arith.constant 0 : i32
      %dma_wait3A_111 = arith.constant 0 : i32
      %dma_wait3A_112 = tpu.memref_slice %arg3[%dma_wait3A_110, %dma_wait3A_111] : memref<10000x128xf32, #tpu.memory_space<hbm>> -> memref<80x128xf32, #tpu.memory_space<hbm>>
      tpu.wait_dma2 semaphore(%arg19 : memref<!tpu.dma_semaphore, #tpu.memory_space<semaphore_mem>>) src(%dma_wait3A_112 : memref<80x128xf32, #tpu.memory_space<hbm>>) dst(%arg7 : memref<80x128xf32, #tpu.memory_space<vmem>>)
      %dma_wait3A_113 = arith.constant 0 : i32
      %dma_wait3A_114 = arith.constant 0 : i32
      %dma_wait3A_115 = tpu.memref_slice %arg2[%dma_wait3A_113, %dma_wait3A_114] : memref<320000x128xf32, #tpu.memory_space<hbm>> -> memref<80x128xf32, #tpu.memory_space<hbm>>
      %dma_wait3A_116 = arith.constant 0 : i32
      %dma_wait3A_117 = arith.constant 0 : i32
      %dma_wait3A_118 = tpu.memref_slice %arg2[%dma_wait3A_116, %dma_wait3A_117] : memref<320000x128xf32, #tpu.memory_space<hbm>> -> memref<80x128xf32, #tpu.memory_space<hbm>>
      tpu.wait_dma2 semaphore(%arg21 : memref<!tpu.dma_semaphore, #tpu.memory_space<semaphore_mem>>) src(%dma_wait3A_118 : memref<80x128xf32, #tpu.memory_space<hbm>>) dst(%arg9 : memref<80x128xf32, #tpu.memory_space<vmem>>)
      %add3A_119 = arith.constant 1 : i32
      %add3A_120 = arith.addi %mul3A_106, %add3A_119 : i32
      %lt3A = arith.constant 125 : i32
      %lt3A_121 = arith.cmpi slt, %add3A_120, %lt3A : i32
      %convert_element_type3A = arith.extui %lt3A_121 : i1 to i32
      %cond3A = arith.constant 0 : i32
      %cond3A_122 = arith.cmpi ne, %convert_element_type3A, %cond3A : i32
      scf.if %cond3A_122 {
        %dma_wait3A_255 = arith.constant 0 : i32
        %dma_wait3A_256 = arith.constant 0 : i32
        %dma_wait3A_257 = arith.constant 0 : i32
        %dma_wait3A_258 = tpu.memref_slice %arg4[%dma_wait3A_255, %dma_wait3A_256, %dma_wait3A_257] : memref<32x125x80xi32, #tpu.memory_space<hbm>> -> memref<1x1x80xi32, #tpu.memory_space<hbm>>
        %dma_wait3A_259 = tpu.memref_squeeze %dma_wait3A_258 : memref<1x1x80xi32, #tpu.memory_space<hbm>> -> memref<80xi32, #tpu.memory_space<hbm>>
        %dma_wait3A_260 = arith.constant 0 : i32
        %dma_wait3A_261 = tpu.memref_slice %arg4[%dma_wait3A_255, %dma_wait3A_256, %dma_wait3A_260] : memref<32x125x80xi32, #tpu.memory_space<hbm>> -> memref<1x1x80xi32, #tpu.memory_space<hbm>>
        %dma_wait3A_262 = tpu.memref_squeeze %dma_wait3A_261 : memref<1x1x80xi32, #tpu.memory_space<hbm>> -> memref<80xi32, #tpu.memory_space<hbm>>
        tpu.wait_dma2 semaphore(%arg26 : memref<!tpu.dma_semaphore, #tpu.memory_space<semaphore_mem>>) src(%dma_wait3A_262 : memref<80xi32, #tpu.memory_space<hbm>>) dst(%arg12 : memref<80xi32, #tpu.memory_space<vmem>>)
        %dma_wait3A_263 = arith.constant 0 : i32
        %dma_wait3A_264 = arith.constant 0 : i32
        %dma_wait3A_265 = arith.constant 0 : i32
        %dma_wait3A_266 = tpu.memref_slice %arg5[%dma_wait3A_263, %dma_wait3A_264, %dma_wait3A_265] : memref<32x125x80xi32, #tpu.memory_space<hbm>> -> memref<1x1x80xi32, #tpu.memory_space<hbm>>
        %dma_wait3A_267 = tpu.memref_squeeze %dma_wait3A_266 : memref<1x1x80xi32, #tpu.memory_space<hbm>> -> memref<80xi32, #tpu.memory_space<hbm>>
        %dma_wait3A_268 = arith.constant 0 : i32
        %dma_wait3A_269 = tpu.memref_slice %arg5[%dma_wait3A_263, %dma_wait3A_264, %dma_wait3A_268] : memref<32x125x80xi32, #tpu.memory_space<hbm>> -> memref<1x1x80xi32, #tpu.memory_space<hbm>>
        %dma_wait3A_270 = tpu.memref_squeeze %dma_wait3A_269 : memref<1x1x80xi32, #tpu.memory_space<hbm>> -> memref<80xi32, #tpu.memory_space<hbm>>
        tpu.wait_dma2 semaphore(%arg26 : memref<!tpu.dma_semaphore, #tpu.memory_space<semaphore_mem>>) src(%dma_wait3A_270 : memref<80xi32, #tpu.memory_space<hbm>>) dst(%arg16 : memref<80xi32, #tpu.memory_space<vmem>>)
        %ge3A = arith.constant 1 : i32
        %ge3A_271 = arith.cmpi sge, %mul3A_106, %ge3A : i32
        %convert_element_type3A_272 = arith.extui %ge3A_271 : i1 to i32
        %cond3A_273 = arith.constant 0 : i32
        %cond3A_274 = arith.cmpi ne, %convert_element_type3A_272, %cond3A_273 : i32
        scf.if %cond3A_274 {
          %dma_wait3A_287 = arith.constant 0 : i32
          %dma_wait3A_288 = arith.constant 0 : i32
          %dma_wait3A_289 = tpu.memref_slice %arg29[%dma_wait3A_287, %dma_wait3A_288] : memref<10000x128xf32, #tpu.memory_space<vmem_shared>> -> memref<80x128xf32, #tpu.memory_space<vmem_shared>>
          %dma_wait3A_290 = arith.constant 0 : i32
          %dma_wait3A_291 = arith.constant 0 : i32
          %dma_wait3A_292 = tpu.memref_slice %arg29[%dma_wait3A_290, %dma_wait3A_291] : memref<10000x128xf32, #tpu.memory_space<vmem_shared>> -> memref<80x128xf32, #tpu.memory_space<vmem_shared>>
          tpu.wait_dma2 semaphore(%arg24 : memref<!tpu.dma_semaphore, #tpu.memory_space<semaphore_mem>>) src(%arg8 : memref<80x128xf32, #tpu.memory_space<vmem>>) dst(%dma_wait3A_292 : memref<80x128xf32, #tpu.memory_space<vmem_shared>>)
        } else {
        }
        %add3A_275 = arith.constant 1 : i32
        %add3A_276 = arith.addi %mul3A_106, %add3A_275 : i32
        %dma_start3A_277 = arith.constant 0 : i32
        %dma_start3A_278 = arith.constant 0 : i32
        %dma_start3A_279 = tpu.memref_slice %arg3[%dma_start3A_277, %dma_start3A_278] : memref<10000x128xf32, #tpu.memory_space<hbm>> -> memref<10000x128xf32, #tpu.memory_space<hbm>>
        tpu.enqueue_indirect_dma source(%dma_start3A_279 : memref<10000x128xf32, #tpu.memory_space<hbm>>) target(%arg8 : memref<80x128xf32, #tpu.memory_space<vmem>>) offsets(%arg12 : memref<80xi32, #tpu.memory_space<vmem>>) semaphore(%arg20 : memref<!tpu.dma_semaphore, #tpu.memory_space<semaphore_mem>>)
        %mul3A_280 = arith.constant 80 : i32
        %mul3A_281 = arith.muli %add3A_276, %mul3A_280 : i32
        %add3A_282 = arith.addi %mul3A_2, %mul3A_281 : i32
        %dma_start3A_283 = arith.constant 0 : i32
        %dma_start3A_284 = tpu.memref_slice %arg2[%add3A_282, %dma_start3A_283] : memref<320000x128xf32, #tpu.memory_space<hbm>> -> memref<80x128xf32, #tpu.memory_space<hbm>>
        %dma_start3A_285 = arith.constant 0 : i32
        %dma_start3A_286 = tpu.memref_slice %arg2[%add3A_282, %dma_start3A_285] : memref<320000x128xf32, #tpu.memory_space<hbm>> -> memref<80x128xf32, #tpu.memory_space<hbm>>
        tpu.enqueue_dma source(%dma_start3A_286 : memref<80x128xf32, #tpu.memory_space<hbm>>) target(%arg10 : memref<80x128xf32, #tpu.memory_space<vmem>>) target_semaphore(%arg22 : memref<!tpu.dma_semaphore, #tpu.memory_space<semaphore_mem>>)
      } else {
      }
      %scan3A_123 = arith.constant 0 : i32
      %scan3A_124 = arith.constant 0 : i32
      %scan3A_125 = arith.constant 20 : i32
      %scan3A_126 = arith.addi %scan3A_124, %scan3A_125 : i32
      %scan3A_127 = arith.constant 1 : i32
      %scan3A_128 = scf.for %scan3A_255 = %scan3A_124 to %scan3A_126 step %scan3A_127 iter_args(%scan3A_256 = %scan3A_123) -> (i32)  : i32 {
        %mul3A_257 = arith.constant 4 : i32
        %mul3A_258 = arith.muli %scan3A_255, %mul3A_257 : i32
        %add3A_259 = arith.constant 0 : i32
        %add3A_260 = arith.addi %mul3A_258, %add3A_259 : i32
        %get3A = arith.index_cast %add3A_260 : i32 to index
        %get3A_261 = arith.constant 0 : index
        %get3A_262 = tpu.vector_load %arg7[%get3A, %get3A_261] {strides = array<i32>} : memref<80x128xf32, #tpu.memory_space<vmem>>, vector<1x16xf32>,
        %get3A_263 = vector.shape_cast %get3A_262 : vector<1x16xf32> to vector<16xf32>
        %get3A_264 = arith.index_cast %add3A_260 : i32 to index
        %get3A_265 = arith.constant 0 : index
        %get3A_266 = tpu.vector_load %arg9[%get3A_264, %get3A_265] {strides = array<i32>} : memref<80x128xf32, #tpu.memory_space<vmem>>, vector<1x16xf32>,
        %get3A_267 = vector.shape_cast %get3A_266 : vector<1x16xf32> to vector<16xf32>
        %mul3A_268 = arith.mulf %get3A_263, %get3A_267 : vector<16xf32>
        %mul3A_269 = arith.constant 1.000000e-01 : f32
        %mul3A_270 = vector.broadcast %mul3A_269 : f32 to vector<16xf32>
        %mul3A_271 = arith.mulf %mul3A_268, %mul3A_270 : vector<16xf32>
        %max3A = arith.maximumf %mul3A_268, %mul3A_271 : vector<16xf32>
        %swap3A = arith.index_cast %add3A_260 : i32 to index
        %swap3A_272 = arith.constant 0 : index
        %swap3A_273 = tpu.vector_load %arg7[%swap3A, %swap3A_272] {strides = array<i32>} : memref<80x128xf32, #tpu.memory_space<vmem>>, vector<1x16xf32>,
        %swap3A_274 = vector.shape_cast %swap3A_273 : vector<1x16xf32> to vector<16xf32>
        %swap3A_275 = vector.shape_cast %max3A : vector<16xf32> to vector<1x16xf32>
        tpu.vector_store %arg7[%swap3A, %swap3A_272], %swap3A_275 {strides = array<i32>} : memref<80x128xf32, #tpu.memory_space<vmem>>, vector<1x16xf32>,
        %get3A_276 = arith.index_cast %add3A_260 : i32 to index
        %get3A_277 = arith.constant 16 : index
        %get3A_278 = tpu.vector_load %arg7[%get3A_276, %get3A_277] {strides = array<i32>} : memref<80x128xf32, #tpu.memory_space<vmem>>, vector<1x16xf32>,
        %get3A_279 = vector.shape_cast %get3A_278 : vector<1x16xf32> to vector<16xf32>
        %get3A_280 = arith.index_cast %add3A_260 : i32 to index
        %get3A_281 = arith.constant 16 : index
        %get3A_282 = tpu.vector_load %arg9[%get3A_280, %get3A_281] {strides = array<i32>} : memref<80x128xf32, #tpu.memory_space<vmem>>, vector<1x16xf32>,
        %get3A_283 = vector.shape_cast %get3A_282 : vector<1x16xf32> to vector<16xf32>
        %mul3A_284 = arith.mulf %get3A_279, %get3A_283 : vector<16xf32>
        %mul3A_285 = arith.constant 1.000000e-01 : f32
        %mul3A_286 = vector.broadcast %mul3A_285 : f32 to vector<16xf32>
        %mul3A_287 = arith.mulf %mul3A_284, %mul3A_286 : vector<16xf32>
        %max3A_288 = arith.maximumf %mul3A_284, %mul3A_287 : vector<16xf32>
        %swap3A_289 = arith.index_cast %add3A_260 : i32 to index
        %swap3A_290 = arith.constant 16 : index
        %swap3A_291 = tpu.vector_load %arg7[%swap3A_289, %swap3A_290] {strides = array<i32>} : memref<80x128xf32, #tpu.memory_space<vmem>>, vector<1x16xf32>,
        %swap3A_292 = vector.shape_cast %swap3A_291 : vector<1x16xf32> to vector<16xf32>
        %swap3A_293 = vector.shape_cast %max3A_288 : vector<16xf32> to vector<1x16xf32>
        tpu.vector_store %arg7[%swap3A_289, %swap3A_290], %swap3A_293 {strides = array<i32>} : memref<80x128xf32, #tpu.memory_space<vmem>>, vector<1x16xf32>,
        %get3A_294 = arith.index_cast %add3A_260 : i32 to index
        %get3A_295 = arith.constant 32 : index
        %get3A_296 = tpu.vector_load %arg7[%get3A_294, %get3A_295] {strides = array<i32>} : memref<80x128xf32, #tpu.memory_space<vmem>>, vector<1x16xf32>,
        %get3A_297 = vector.shape_cast %get3A_296 : vector<1x16xf32> to vector<16xf32>
        %get3A_298 = arith.index_cast %add3A_260 : i32 to index
        %get3A_299 = arith.constant 32 : index
        %get3A_300 = tpu.vector_load %arg9[%get3A_298, %get3A_299] {strides = array<i32>} : memref<80x128xf32, #tpu.memory_space<vmem>>, vector<1x16xf32>,
        %get3A_301 = vector.shape_cast %get3A_300 : vector<1x16xf32> to vector<16xf32>
        %mul3A_302 = arith.mulf %get3A_297, %get3A_301 : vector<16xf32>
        %mul3A_303 = arith.constant 1.000000e-01 : f32
        %mul3A_304 = vector.broadcast %mul3A_303 : f32 to vector<16xf32>
        %mul3A_305 = arith.mulf %mul3A_302, %mul3A_304 : vector<16xf32>
        %max3A_306 = arith.maximumf %mul3A_302, %mul3A_305 : vector<16xf32>
        %swap3A_307 = arith.index_cast %add3A_260 : i32 to index
        %swap3A_308 = arith.constant 32 : index
        %swap3A_309 = tpu.vector_load %arg7[%swap3A_307, %swap3A_308] {strides = array<i32>} : memref<80x128xf32, #tpu.memory_space<vmem>>, vector<1x16xf32>,
        %swap3A_310 = vector.shape_cast %swap3A_309 : vector<1x16xf32> to vector<16xf32>
        %swap3A_311 = vector.shape_cast %max3A_306 : vector<16xf32> to vector<1x16xf32>
        tpu.vector_store %arg7[%swap3A_307, %swap3A_308], %swap3A_311 {strides = array<i32>} : memref<80x128xf32, #tpu.memory_space<vmem>>, vector<1x16xf32>,
        %get3A_312 = arith.index_cast %add3A_260 : i32 to index
        %get3A_313 = arith.constant 48 : index
        %get3A_314 = tpu.vector_load %arg7[%get3A_312, %get3A_313] {strides = array<i32>} : memref<80x128xf32, #tpu.memory_space<vmem>>, vector<1x16xf32>,
        %get3A_315 = vector.shape_cast %get3A_314 : vector<1x16xf32> to vector<16xf32>
        %get3A_316 = arith.index_cast %add3A_260 : i32 to index
        %get3A_317 = arith.constant 48 : index
        %get3A_318 = tpu.vector_load %arg9[%get3A_316, %get3A_317] {strides = array<i32>} : memref<80x128xf32, #tpu.memory_space<vmem>>, vector<1x16xf32>,
        %get3A_319 = vector.shape_cast %get3A_318 : vector<1x16xf32> to vector<16xf32>
        %mul3A_320 = arith.mulf %get3A_315, %get3A_319 : vector<16xf32>
        %mul3A_321 = arith.constant 1.000000e-01 : f32
        %mul3A_322 = vector.broadcast %mul3A_321 : f32 to vector<16xf32>
        %mul3A_323 = arith.mulf %mul3A_320, %mul3A_322 : vector<16xf32>
        %max3A_324 = arith.maximumf %mul3A_320, %mul3A_323 : vector<16xf32>
        %swap3A_325 = arith.index_cast %add3A_260 : i32 to index
        %swap3A_326 = arith.constant 48 : index
        %swap3A_327 = tpu.vector_load %arg7[%swap3A_325, %swap3A_326] {strides = array<i32>} : memref<80x128xf32, #tpu.memory_space<vmem>>, vector<1x16xf32>,
        %swap3A_328 = vector.shape_cast %swap3A_327 : vector<1x16xf32> to vector<16xf32>
        %swap3A_329 = vector.shape_cast %max3A_324 : vector<16xf32> to vector<1x16xf32>
        tpu.vector_store %arg7[%swap3A_325, %swap3A_326], %swap3A_329 {strides = array<i32>} : memref<80x128xf32, #tpu.memory_space<vmem>>, vector<1x16xf32>,
        %get3A_330 = arith.index_cast %add3A_260 : i32 to index
        %get3A_331 = arith.constant 64 : index
        %get3A_332 = tpu.vector_load %arg7[%get3A_330, %get3A_331] {strides = array<i32>} : memref<80x128xf32, #tpu.memory_space<vmem>>, vector<1x16xf32>,
        %get3A_333 = vector.shape_cast %get3A_332 : vector<1x16xf32> to vector<16xf32>
        %get3A_334 = arith.index_cast %add3A_260 : i32 to index
        %get3A_335 = arith.constant 64 : index
        %get3A_336 = tpu.vector_load %arg9[%get3A_334, %get3A_335] {strides = array<i32>} : memref<80x128xf32, #tpu.memory_space<vmem>>, vector<1x16xf32>,
        %get3A_337 = vector.shape_cast %get3A_336 : vector<1x16xf32> to vector<16xf32>
        %mul3A_338 = arith.mulf %get3A_333, %get3A_337 : vector<16xf32>
        %mul3A_339 = arith.constant 1.000000e-01 : f32
        %mul3A_340 = vector.broadcast %mul3A_339 : f32 to vector<16xf32>
        %mul3A_341 = arith.mulf %mul3A_338, %mul3A_340 : vector<16xf32>
        %max3A_342 = arith.maximumf %mul3A_338, %mul3A_341 : vector<16xf32>
        %swap3A_343 = arith.index_cast %add3A_260 : i32 to index
        %swap3A_344 = arith.constant 64 : index
        %swap3A_345 = tpu.vector_load %arg7[%swap3A_343, %swap3A_344] {strides = array<i32>} : memref<80x128xf32, #tpu.memory_space<vmem>>, vector<1x16xf32>,
        %swap3A_346 = vector.shape_cast %swap3A_345 : vector<1x16xf32> to vector<16xf32>
        %swap3A_347 = vector.shape_cast %max3A_342 : vector<16xf32> to vector<1x16xf32>
        tpu.vector_store %arg7[%swap3A_343, %swap3A_344], %swap3A_347 {strides = array<i32>} : memref<80x128xf32, #tpu.memory_space<vmem>>, vector<1x16xf32>,
        %get3A_348 = arith.index_cast %add3A_260 : i32 to index
        %get3A_349 = arith.constant 80 : index
        %get3A_350 = tpu.vector_load %arg7[%get3A_348, %get3A_349] {strides = array<i32>} : memref<80x128xf32, #tpu.memory_space<vmem>>, vector<1x16xf32>,
        %get3A_351 = vector.shape_cast %get3A_350 : vector<1x16xf32> to vector<16xf32>
        %get3A_352 = arith.index_cast %add3A_260 : i32 to index
        %get3A_353 = arith.constant 80 : index
        %get3A_354 = tpu.vector_load %arg9[%get3A_352, %get3A_353] {strides = array<i32>} : memref<80x128xf32, #tpu.memory_space<vmem>>, vector<1x16xf32>,
        %get3A_355 = vector.shape_cast %get3A_354 : vector<1x16xf32> to vector<16xf32>
        %mul3A_356 = arith.mulf %get3A_351, %get3A_355 : vector<16xf32>
        %mul3A_357 = arith.constant 1.000000e-01 : f32
        %mul3A_358 = vector.broadcast %mul3A_357 : f32 to vector<16xf32>
        %mul3A_359 = arith.mulf %mul3A_356, %mul3A_358 : vector<16xf32>
        %max3A_360 = arith.maximumf %mul3A_356, %mul3A_359 : vector<16xf32>
        %swap3A_361 = arith.index_cast %add3A_260 : i32 to index
        %swap3A_362 = arith.constant 80 : index
        %swap3A_363 = tpu.vector_load %arg7[%swap3A_361, %swap3A_362] {strides = array<i32>} : memref<80x128xf32, #tpu.memory_space<vmem>>, vector<1x16xf32>,
        %swap3A_364 = vector.shape_cast %swap3A_363 : vector<1x16xf32> to vector<16xf32>
        %swap3A_365 = vector.shape_cast %max3A_360 : vector<16xf32> to vector<1x16xf32>
        tpu.vector_store %arg7[%swap3A_361, %swap3A_362], %swap3A_365 {strides = array<i32>} : memref<80x128xf32, #tpu.memory_space<vmem>>, vector<1x16xf32>,
        %get3A_366 = arith.index_cast %add3A_260 : i32 to index
        %get3A_367 = arith.constant 96 : index
        %get3A_368 = tpu.vector_load %arg7[%get3A_366, %get3A_367] {strides = array<i32>} : memref<80x128xf32, #tpu.memory_space<vmem>>, vector<1x16xf32>,
        %get3A_369 = vector.shape_cast %get3A_368 : vector<1x16xf32> to vector<16xf32>
        %get3A_370 = arith.index_cast %add3A_260 : i32 to index
        %get3A_371 = arith.constant 96 : index
        %get3A_372 = tpu.vector_load %arg9[%get3A_370, %get3A_371] {strides = array<i32>} : memref<80x128xf32, #tpu.memory_space<vmem>>, vector<1x16xf32>,
        %get3A_373 = vector.shape_cast %get3A_372 : vector<1x16xf32> to vector<16xf32>
        %mul3A_374 = arith.mulf %get3A_369, %get3A_373 : vector<16xf32>
        %mul3A_375 = arith.constant 1.000000e-01 : f32
        %mul3A_376 = vector.broadcast %mul3A_375 : f32 to vector<16xf32>
        %mul3A_377 = arith.mulf %mul3A_374, %mul3A_376 : vector<16xf32>
        %max3A_378 = arith.maximumf %mul3A_374, %mul3A_377 : vector<16xf32>
        %swap3A_379 = arith.index_cast %add3A_260 : i32 to index
        %swap3A_380 = arith.constant 96 : index
        %swap3A_381 = tpu.vector_load %arg7[%swap3A_379, %swap3A_380] {strides = array<i32>} : memref<80x128xf32, #tpu.memory_space<vmem>>, vector<1x16xf32>,
        %swap3A_382 = vector.shape_cast %swap3A_381 : vector<1x16xf32> to vector<16xf32>
        %swap3A_383 = vector.shape_cast %max3A_378 : vector<16xf32> to vector<1x16xf32>
        tpu.vector_store %arg7[%swap3A_379, %swap3A_380], %swap3A_383 {strides = array<i32>} : memref<80x128xf32, #tpu.memory_space<vmem>>, vector<1x16xf32>,
        %get3A_384 = arith.index_cast %add3A_260 : i32 to index
        %get3A_385 = arith.constant 112 : index
        %get3A_386 = tpu.vector_load %arg7[%get3A_384, %get3A_385] {strides = array<i32>} : memref<80x128xf32, #tpu.memory_space<vmem>>, vector<1x16xf32>,
        %get3A_387 = vector.shape_cast %get3A_386 : vector<1x16xf32> to vector<16xf32>
        %get3A_388 = arith.index_cast %add3A_260 : i32 to index
        %get3A_389 = arith.constant 112 : index
        %get3A_390 = tpu.vector_load %arg9[%get3A_388, %get3A_389] {strides = array<i32>} : memref<80x128xf32, #tpu.memory_space<vmem>>, vector<1x16xf32>,
        %get3A_391 = vector.shape_cast %get3A_390 : vector<1x16xf32> to vector<16xf32>
        %mul3A_392 = arith.mulf %get3A_387, %get3A_391 : vector<16xf32>
        %mul3A_393 = arith.constant 1.000000e-01 : f32
        %mul3A_394 = vector.broadcast %mul3A_393 : f32 to vector<16xf32>
        %mul3A_395 = arith.mulf %mul3A_392, %mul3A_394 : vector<16xf32>
        %max3A_396 = arith.maximumf %mul3A_392, %mul3A_395 : vector<16xf32>
        %swap3A_397 = arith.index_cast %add3A_260 : i32 to index
        %swap3A_398 = arith.constant 112 : index
        %swap3A_399 = tpu.vector_load %arg7[%swap3A_397, %swap3A_398] {strides = array<i32>} : memref<80x128xf32, #tpu.memory_space<vmem>>, vector<1x16xf32>,
        %swap3A_400 = vector.shape_cast %swap3A_399 : vector<1x16xf32> to vector<16xf32>
        %swap3A_401 = vector.shape_cast %max3A_396 : vector<16xf32> to vector<1x16xf32>
        tpu.vector_store %arg7[%swap3A_397, %swap3A_398], %swap3A_401 {strides = array<i32>} : memref<80x128xf32, #tpu.memory_space<vmem>>, vector<1x16xf32>,
        %mul3A_402 = arith.constant 4 : i32
        %mul3A_403 = arith.muli %scan3A_255, %mul3A_402 : i32
        %add3A_404 = arith.constant 1 : i32
        %add3A_405 = arith.addi %mul3A_403, %add3A_404 : i32
        %get3A_406 = arith.index_cast %add3A_405 : i32 to index
        %get3A_407 = arith.constant 0 : index
        %get3A_408 = tpu.vector_load %arg7[%get3A_406, %get3A_407] {strides = array<i32>} : memref<80x128xf32, #tpu.memory_space<vmem>>, vector<1x16xf32>,
        %get3A_409 = vector.shape_cast %get3A_408 : vector<1x16xf32> to vector<16xf32>
        %get3A_410 = arith.index_cast %add3A_405 : i32 to index
        %get3A_411 = arith.constant 0 : index
        %get3A_412 = tpu.vector_load %arg9[%get3A_410, %get3A_411] {strides = array<i32>} : memref<80x128xf32, #tpu.memory_space<vmem>>, vector<1x16xf32>,
        %get3A_413 = vector.shape_cast %get3A_412 : vector<1x16xf32> to vector<16xf32>
        %mul3A_414 = arith.mulf %get3A_409, %get3A_413 : vector<16xf32>
        %mul3A_415 = arith.constant 1.000000e-01 : f32
        %mul3A_416 = vector.broadcast %mul3A_415 : f32 to vector<16xf32>
        %mul3A_417 = arith.mulf %mul3A_414, %mul3A_416 : vector<16xf32>
        %max3A_418 = arith.maximumf %mul3A_414, %mul3A_417 : vector<16xf32>
        %swap3A_419 = arith.index_cast %add3A_405 : i32 to index
        %swap3A_420 = arith.constant 0 : index
        %swap3A_421 = tpu.vector_load %arg7[%swap3A_419, %swap3A_420] {strides = array<i32>} : memref<80x128xf32, #tpu.memory_space<vmem>>, vector<1x16xf32>,
        %swap3A_422 = vector.shape_cast %swap3A_421 : vector<1x16xf32> to vector<16xf32>
        %swap3A_423 = vector.shape_cast %max3A_418 : vector<16xf32> to vector<1x16xf32>
        tpu.vector_store %arg7[%swap3A_419, %swap3A_420], %swap3A_423 {strides = array<i32>} : memref<80x128xf32, #tpu.memory_space<vmem>>, vector<1x16xf32>,
        %get3A_424 = arith.index_cast %add3A_405 : i32 to index
        %get3A_425 = arith.constant 16 : index
        %get3A_426 = tpu.vector_load %arg7[%get3A_424, %get3A_425] {strides = array<i32>} : memref<80x128xf32, #tpu.memory_space<vmem>>, vector<1x16xf32>,
        %get3A_427 = vector.shape_cast %get3A_426 : vector<1x16xf32> to vector<16xf32>
        %get3A_428 = arith.index_cast %add3A_405 : i32 to index
        %get3A_429 = arith.constant 16 : index
        %get3A_430 = tpu.vector_load %arg9[%get3A_428, %get3A_429] {strides = array<i32>} : memref<80x128xf32, #tpu.memory_space<vmem>>, vector<1x16xf32>,
        %get3A_431 = vector.shape_cast %get3A_430 : vector<1x16xf32> to vector<16xf32>
        %mul3A_432 = arith.mulf %get3A_427, %get3A_431 : vector<16xf32>
        %mul3A_433 = arith.constant 1.000000e-01 : f32
        %mul3A_434 = vector.broadcast %mul3A_433 : f32 to vector<16xf32>
        %mul3A_435 = arith.mulf %mul3A_432, %mul3A_434 : vector<16xf32>
        %max3A_436 = arith.maximumf %mul3A_432, %mul3A_435 : vector<16xf32>
        %swap3A_437 = arith.index_cast %add3A_405 : i32 to index
        %swap3A_438 = arith.constant 16 : index
        %swap3A_439 = tpu.vector_load %arg7[%swap3A_437, %swap3A_438] {strides = array<i32>} : memref<80x128xf32, #tpu.memory_space<vmem>>, vector<1x16xf32>,
        %swap3A_440 = vector.shape_cast %swap3A_439 : vector<1x16xf32> to vector<16xf32>
        %swap3A_441 = vector.shape_cast %max3A_436 : vector<16xf32> to vector<1x16xf32>
        tpu.vector_store %arg7[%swap3A_437, %swap3A_438], %swap3A_441 {strides = array<i32>} : memref<80x128xf32, #tpu.memory_space<vmem>>, vector<1x16xf32>,
        %get3A_442 = arith.index_cast %add3A_405 : i32 to index
        %get3A_443 = arith.constant 32 : index
        %get3A_444 = tpu.vector_load %arg7[%get3A_442, %get3A_443] {strides = array<i32>} : memref<80x128xf32, #tpu.memory_space<vmem>>, vector<1x16xf32>,
        %get3A_445 = vector.shape_cast %get3A_444 : vector<1x16xf32> to vector<16xf32>
        %get3A_446 = arith.index_cast %add3A_405 : i32 to index
        %get3A_447 = arith.constant 32 : index
        %get3A_448 = tpu.vector_load %arg9[%get3A_446, %get3A_447] {strides = array<i32>} : memref<80x128xf32, #tpu.memory_space<vmem>>, vector<1x16xf32>,
        %get3A_449 = vector.shape_cast %get3A_448 : vector<1x16xf32> to vector<16xf32>
        %mul3A_450 = arith.mulf %get3A_445, %get3A_449 : vector<16xf32>
        %mul3A_451 = arith.constant 1.000000e-01 : f32
        %mul3A_452 = vector.broadcast %mul3A_451 : f32 to vector<16xf32>
        %mul3A_453 = arith.mulf %mul3A_450, %mul3A_452 : vector<16xf32>
        %max3A_454 = arith.maximumf %mul3A_450, %mul3A_453 : vector<16xf32>
        %swap3A_455 = arith.index_cast %add3A_405 : i32 to index
        %swap3A_456 = arith.constant 32 : index
        %swap3A_457 = tpu.vector_load %arg7[%swap3A_455, %swap3A_456] {strides = array<i32>} : memref<80x128xf32, #tpu.memory_space<vmem>>, vector<1x16xf32>,
        %swap3A_458 = vector.shape_cast %swap3A_457 : vector<1x16xf32> to vector<16xf32>
        %swap3A_459 = vector.shape_cast %max3A_454 : vector<16xf32> to vector<1x16xf32>
        tpu.vector_store %arg7[%swap3A_455, %swap3A_456], %swap3A_459 {strides = array<i32>} : memref<80x128xf32, #tpu.memory_space<vmem>>, vector<1x16xf32>,
        %get3A_460 = arith.index_cast %add3A_405 : i32 to index
        %get3A_461 = arith.constant 48 : index
        %get3A_462 = tpu.vector_load %arg7[%get3A_460, %get3A_461] {strides = array<i32>} : memref<80x128xf32, #tpu.memory_space<vmem>>, vector<1x16xf32>,
        %get3A_463 = vector.shape_cast %get3A_462 : vector<1x16xf32> to vector<16xf32>
        %get3A_464 = arith.index_cast %add3A_405 : i32 to index
        %get3A_465 = arith.constant 48 : index
        %get3A_466 = tpu.vector_load %arg9[%get3A_464, %get3A_465] {strides = array<i32>} : memref<80x128xf32, #tpu.memory_space<vmem>>, vector<1x16xf32>,
        %get3A_467 = vector.shape_cast %get3A_466 : vector<1x16xf32> to vector<16xf32>
        %mul3A_468 = arith.mulf %get3A_463, %get3A_467 : vector<16xf32>
        %mul3A_469 = arith.constant 1.000000e-01 : f32
        %mul3A_470 = vector.broadcast %mul3A_469 : f32 to vector<16xf32>
        %mul3A_471 = arith.mulf %mul3A_468, %mul3A_470 : vector<16xf32>
        %max3A_472 = arith.maximumf %mul3A_468, %mul3A_471 : vector<16xf32>
        %swap3A_473 = arith.index_cast %add3A_405 : i32 to index
        %swap3A_474 = arith.constant 48 : index
        %swap3A_475 = tpu.vector_load %arg7[%swap3A_473, %swap3A_474] {strides = array<i32>} : memref<80x128xf32, #tpu.memory_space<vmem>>, vector<1x16xf32>,
        %swap3A_476 = vector.shape_cast %swap3A_475 : vector<1x16xf32> to vector<16xf32>
        %swap3A_477 = vector.shape_cast %max3A_472 : vector<16xf32> to vector<1x16xf32>
        tpu.vector_store %arg7[%swap3A_473, %swap3A_474], %swap3A_477 {strides = array<i32>} : memref<80x128xf32, #tpu.memory_space<vmem>>, vector<1x16xf32>,
        %get3A_478 = arith.index_cast %add3A_405 : i32 to index
        %get3A_479 = arith.constant 64 : index
        %get3A_480 = tpu.vector_load %arg7[%get3A_478, %get3A_479] {strides = array<i32>} : memref<80x128xf32, #tpu.memory_space<vmem>>, vector<1x16xf32>,
        %get3A_481 = vector.shape_cast %get3A_480 : vector<1x16xf32> to vector<16xf32>
        %get3A_482 = arith.index_cast %add3A_405 : i32 to index
        %get3A_483 = arith.constant 64 : index
        %get3A_484 = tpu.vector_load %arg9[%get3A_482, %get3A_483] {strides = array<i32>} : memref<80x128xf32, #tpu.memory_space<vmem>>, vector<1x16xf32>,
        %get3A_485 = vector.shape_cast %get3A_484 : vector<1x16xf32> to vector<16xf32>
        %mul3A_486 = arith.mulf %get3A_481, %get3A_485 : vector<16xf32>
        %mul3A_487 = arith.constant 1.000000e-01 : f32
        %mul3A_488 = vector.broadcast %mul3A_487 : f32 to vector<16xf32>
        %mul3A_489 = arith.mulf %mul3A_486, %mul3A_488 : vector<16xf32>
        %max3A_490 = arith.maximumf %mul3A_486, %mul3A_489 : vector<16xf32>
        %swap3A_491 = arith.index_cast %add3A_405 : i32 to index
        %swap3A_492 = arith.constant 64 : index
        %swap3A_493 = tpu.vector_load %arg7[%swap3A_491, %swap3A_492] {strides = array<i32>} : memref<80x128xf32, #tpu.memory_space<vmem>>, vector<1x16xf32>,
        %swap3A_494 = vector.shape_cast %swap3A_493 : vector<1x16xf32> to vector<16xf32>
        %swap3A_495 = vector.shape_cast %max3A_490 : vector<16xf32> to vector<1x16xf32>
        tpu.vector_store %arg7[%swap3A_491, %swap3A_492], %swap3A_495 {strides = array<i32>} : memref<80x128xf32, #tpu.memory_space<vmem>>, vector<1x16xf32>,
        %get3A_496 = arith.index_cast %add3A_405 : i32 to index
        %get3A_497 = arith.constant 80 : index
        %get3A_498 = tpu.vector_load %arg7[%get3A_496, %get3A_497] {strides = array<i32>} : memref<80x128xf32, #tpu.memory_space<vmem>>, vector<1x16xf32>,
        %get3A_499 = vector.shape_cast %get3A_498 : vector<1x16xf32> to vector<16xf32>
        %get3A_500 = arith.index_cast %add3A_405 : i32 to index
        %get3A_501 = arith.constant 80 : index
        %get3A_502 = tpu.vector_load %arg9[%get3A_500, %get3A_501] {strides = array<i32>} : memref<80x128xf32, #tpu.memory_space<vmem>>, vector<1x16xf32>,
        %get3A_503 = vector.shape_cast %get3A_502 : vector<1x16xf32> to vector<16xf32>
        %mul3A_504 = arith.mulf %get3A_499, %get3A_503 : vector<16xf32>
        %mul3A_505 = arith.constant 1.000000e-01 : f32
        %mul3A_506 = vector.broadcast %mul3A_505 : f32 to vector<16xf32>
        %mul3A_507 = arith.mulf %mul3A_504, %mul3A_506 : vector<16xf32>
        %max3A_508 = arith.maximumf %mul3A_504, %mul3A_507 : vector<16xf32>
        %swap3A_509 = arith.index_cast %add3A_405 : i32 to index
        %swap3A_510 = arith.constant 80 : index
        %swap3A_511 = tpu.vector_load %arg7[%swap3A_509, %swap3A_510] {strides = array<i32>} : memref<80x128xf32, #tpu.memory_space<vmem>>, vector<1x16xf32>,
        %swap3A_512 = vector.shape_cast %swap3A_511 : vector<1x16xf32> to vector<16xf32>
        %swap3A_513 = vector.shape_cast %max3A_508 : vector<16xf32> to vector<1x16xf32>
        tpu.vector_store %arg7[%swap3A_509, %swap3A_510], %swap3A_513 {strides = array<i32>} : memref<80x128xf32, #tpu.memory_space<vmem>>, vector<1x16xf32>,
        %get3A_514 = arith.index_cast %add3A_405 : i32 to index
        %get3A_515 = arith.constant 96 : index
        %get3A_516 = tpu.vector_load %arg7[%get3A_514, %get3A_515] {strides = array<i32>} : memref<80x128xf32, #tpu.memory_space<vmem>>, vector<1x16xf32>,
        %get3A_517 = vector.shape_cast %get3A_516 : vector<1x16xf32> to vector<16xf32>
        %get3A_518 = arith.index_cast %add3A_405 : i32 to index
        %get3A_519 = arith.constant 96 : index
        %get3A_520 = tpu.vector_load %arg9[%get3A_518, %get3A_519] {strides = array<i32>} : memref<80x128xf32, #tpu.memory_space<vmem>>, vector<1x16xf32>,
        %get3A_521 = vector.shape_cast %get3A_520 : vector<1x16xf32> to vector<16xf32>
        %mul3A_522 = arith.mulf %get3A_517, %get3A_521 : vector<16xf32>
        %mul3A_523 = arith.constant 1.000000e-01 : f32
        %mul3A_524 = vector.broadcast %mul3A_523 : f32 to vector<16xf32>
        %mul3A_525 = arith.mulf %mul3A_522, %mul3A_524 : vector<16xf32>
        %max3A_526 = arith.maximumf %mul3A_522, %mul3A_525 : vector<16xf32>
        %swap3A_527 = arith.index_cast %add3A_405 : i32 to index
        %swap3A_528 = arith.constant 96 : index
        %swap3A_529 = tpu.vector_load %arg7[%swap3A_527, %swap3A_528] {strides = array<i32>} : memref<80x128xf32, #tpu.memory_space<vmem>>, vector<1x16xf32>,
        %swap3A_530 = vector.shape_cast %swap3A_529 : vector<1x16xf32> to vector<16xf32>
        %swap3A_531 = vector.shape_cast %max3A_526 : vector<16xf32> to vector<1x16xf32>
        tpu.vector_store %arg7[%swap3A_527, %swap3A_528], %swap3A_531 {strides = array<i32>} : memref<80x128xf32, #tpu.memory_space<vmem>>, vector<1x16xf32>,
        %get3A_532 = arith.index_cast %add3A_405 : i32 to index
        %get3A_533 = arith.constant 112 : index
        %get3A_534 = tpu.vector_load %arg7[%get3A_532, %get3A_533] {strides = array<i32>} : memref<80x128xf32, #tpu.memory_space<vmem>>, vector<1x16xf32>,
        %get3A_535 = vector.shape_cast %get3A_534 : vector<1x16xf32> to vector<16xf32>
        %get3A_536 = arith.index_cast %add3A_405 : i32 to index
        %get3A_537 = arith.constant 112 : index
        %get3A_538 = tpu.vector_load %arg9[%get3A_536, %get3A_537] {strides = array<i32>} : memref<80x128xf32, #tpu.memory_space<vmem>>, vector<1x16xf32>,
        %get3A_539 = vector.shape_cast %get3A_538 : vector<1x16xf32> to vector<16xf32>
        %mul3A_540 = arith.mulf %get3A_535, %get3A_539 : vector<16xf32>
        %mul3A_541 = arith.constant 1.000000e-01 : f32
        %mul3A_542 = vector.broadcast %mul3A_541 : f32 to vector<16xf32>
        %mul3A_543 = arith.mulf %mul3A_540, %mul3A_542 : vector<16xf32>
        %max3A_544 = arith.maximumf %mul3A_540, %mul3A_543 : vector<16xf32>
        %swap3A_545 = arith.index_cast %add3A_405 : i32 to index
        %swap3A_546 = arith.constant 112 : index
        %swap3A_547 = tpu.vector_load %arg7[%swap3A_545, %swap3A_546] {strides = array<i32>} : memref<80x128xf32, #tpu.memory_space<vmem>>, vector<1x16xf32>,
        %swap3A_548 = vector.shape_cast %swap3A_547 : vector<1x16xf32> to vector<16xf32>
        %swap3A_549 = vector.shape_cast %max3A_544 : vector<16xf32> to vector<1x16xf32>
        tpu.vector_store %arg7[%swap3A_545, %swap3A_546], %swap3A_549 {strides = array<i32>} : memref<80x128xf32, #tpu.memory_space<vmem>>, vector<1x16xf32>,
        %mul3A_550 = arith.constant 4 : i32
        %mul3A_551 = arith.muli %scan3A_255, %mul3A_550 : i32
        %add3A_552 = arith.constant 2 : i32
        %add3A_553 = arith.addi %mul3A_551, %add3A_552 : i32
        %get3A_554 = arith.index_cast %add3A_553 : i32 to index
        %get3A_555 = arith.constant 0 : index
        %get3A_556 = tpu.vector_load %arg7[%get3A_554, %get3A_555] {strides = array<i32>} : memref<80x128xf32, #tpu.memory_space<vmem>>, vector<1x16xf32>,
        %get3A_557 = vector.shape_cast %get3A_556 : vector<1x16xf32> to vector<16xf32>
        %get3A_558 = arith.index_cast %add3A_553 : i32 to index
        %get3A_559 = arith.constant 0 : index
        %get3A_560 = tpu.vector_load %arg9[%get3A_558, %get3A_559] {strides = array<i32>} : memref<80x128xf32, #tpu.memory_space<vmem>>, vector<1x16xf32>,
        %get3A_561 = vector.shape_cast %get3A_560 : vector<1x16xf32> to vector<16xf32>
        %mul3A_562 = arith.mulf %get3A_557, %get3A_561 : vector<16xf32>
        %mul3A_563 = arith.constant 1.000000e-01 : f32
        %mul3A_564 = vector.broadcast %mul3A_563 : f32 to vector<16xf32>
        %mul3A_565 = arith.mulf %mul3A_562, %mul3A_564 : vector<16xf32>
        %max3A_566 = arith.maximumf %mul3A_562, %mul3A_565 : vector<16xf32>
        %swap3A_567 = arith.index_cast %add3A_553 : i32 to index
        %swap3A_568 = arith.constant 0 : index
        %swap3A_569 = tpu.vector_load %arg7[%swap3A_567, %swap3A_568] {strides = array<i32>} : memref<80x128xf32, #tpu.memory_space<vmem>>, vector<1x16xf32>,
        %swap3A_570 = vector.shape_cast %swap3A_569 : vector<1x16xf32> to vector<16xf32>
        %swap3A_571 = vector.shape_cast %max3A_566 : vector<16xf32> to vector<1x16xf32>
        tpu.vector_store %arg7[%swap3A_567, %swap3A_568], %swap3A_571 {strides = array<i32>} : memref<80x128xf32, #tpu.memory_space<vmem>>, vector<1x16xf32>,
        %get3A_572 = arith.index_cast %add3A_553 : i32 to index
        %get3A_573 = arith.constant 16 : index
        %get3A_574 = tpu.vector_load %arg7[%get3A_572, %get3A_573] {strides = array<i32>} : memref<80x128xf32, #tpu.memory_space<vmem>>, vector<1x16xf32>,
        %get3A_575 = vector.shape_cast %get3A_574 : vector<1x16xf32> to vector<16xf32>
        %get3A_576 = arith.index_cast %add3A_553 : i32 to index
        %get3A_577 = arith.constant 16 : index
        %get3A_578 = tpu.vector_load %arg9[%get3A_576, %get3A_577] {strides = array<i32>} : memref<80x128xf32, #tpu.memory_space<vmem>>, vector<1x16xf32>,
        %get3A_579 = vector.shape_cast %get3A_578 : vector<1x16xf32> to vector<16xf32>
        %mul3A_580 = arith.mulf %get3A_575, %get3A_579 : vector<16xf32>
        %mul3A_581 = arith.constant 1.000000e-01 : f32
        %mul3A_582 = vector.broadcast %mul3A_581 : f32 to vector<16xf32>
        %mul3A_583 = arith.mulf %mul3A_580, %mul3A_582 : vector<16xf32>
        %max3A_584 = arith.maximumf %mul3A_580, %mul3A_583 : vector<16xf32>
        %swap3A_585 = arith.index_cast %add3A_553 : i32 to index
        %swap3A_586 = arith.constant 16 : index
        %swap3A_587 = tpu.vector_load %arg7[%swap3A_585, %swap3A_586] {strides = array<i32>} : memref<80x128xf32, #tpu.memory_space<vmem>>, vector<1x16xf32>,
        %swap3A_588 = vector.shape_cast %swap3A_587 : vector<1x16xf32> to vector<16xf32>
        %swap3A_589 = vector.shape_cast %max3A_584 : vector<16xf32> to vector<1x16xf32>
        tpu.vector_store %arg7[%swap3A_585, %swap3A_586], %swap3A_589 {strides = array<i32>} : memref<80x128xf32, #tpu.memory_space<vmem>>, vector<1x16xf32>,
        %get3A_590 = arith.index_cast %add3A_553 : i32 to index
        %get3A_591 = arith.constant 32 : index
        %get3A_592 = tpu.vector_load %arg7[%get3A_590, %get3A_591] {strides = array<i32>} : memref<80x128xf32, #tpu.memory_space<vmem>>, vector<1x16xf32>,
        %get3A_593 = vector.shape_cast %get3A_592 : vector<1x16xf32> to vector<16xf32>
        %get3A_594 = arith.index_cast %add3A_553 : i32 to index
        %get3A_595 = arith.constant 32 : index
        %get3A_596 = tpu.vector_load %arg9[%get3A_594, %get3A_595] {strides = array<i32>} : memref<80x128xf32, #tpu.memory_space<vmem>>, vector<1x16xf32>,
        %get3A_597 = vector.shape_cast %get3A_596 : vector<1x16xf32> to vector<16xf32>
        %mul3A_598 = arith.mulf %get3A_593, %get3A_597 : vector<16xf32>
        %mul3A_599 = arith.constant 1.000000e-01 : f32
        %mul3A_600 = vector.broadcast %mul3A_599 : f32 to vector<16xf32>
        %mul3A_601 = arith.mulf %mul3A_598, %mul3A_600 : vector<16xf32>
        %max3A_602 = arith.maximumf %mul3A_598, %mul3A_601 : vector<16xf32>
        %swap3A_603 = arith.index_cast %add3A_553 : i32 to index
        %swap3A_604 = arith.constant 32 : index
        %swap3A_605 = tpu.vector_load %arg7[%swap3A_603, %swap3A_604] {strides = array<i32>} : memref<80x128xf32, #tpu.memory_space<vmem>>, vector<1x16xf32>,
        %swap3A_606 = vector.shape_cast %swap3A_605 : vector<1x16xf32> to vector<16xf32>
        %swap3A_607 = vector.shape_cast %max3A_602 : vector<16xf32> to vector<1x16xf32>
        tpu.vector_store %arg7[%swap3A_603, %swap3A_604], %swap3A_607 {strides = array<i32>} : memref<80x128xf32, #tpu.memory_space<vmem>>, vector<1x16xf32>,
        %get3A_608 = arith.index_cast %add3A_553 : i32 to index
        %get3A_609 = arith.constant 48 : index
        %get3A_610 = tpu.vector_load %arg7[%get3A_608, %get3A_609] {strides = array<i32>} : memref<80x128xf32, #tpu.memory_space<vmem>>, vector<1x16xf32>,
        %get3A_611 = vector.shape_cast %get3A_610 : vector<1x16xf32> to vector<16xf32>
        %get3A_612 = arith.index_cast %add3A_553 : i32 to index
        %get3A_613 = arith.constant 48 : index
        %get3A_614 = tpu.vector_load %arg9[%get3A_612, %get3A_613] {strides = array<i32>} : memref<80x128xf32, #tpu.memory_space<vmem>>, vector<1x16xf32>,
        %get3A_615 = vector.shape_cast %get3A_614 : vector<1x16xf32> to vector<16xf32>
        %mul3A_616 = arith.mulf %get3A_611, %get3A_615 : vector<16xf32>
        %mul3A_617 = arith.constant 1.000000e-01 : f32
        %mul3A_618 = vector.broadcast %mul3A_617 : f32 to vector<16xf32>
        %mul3A_619 = arith.mulf %mul3A_616, %mul3A_618 : vector<16xf32>
        %max3A_620 = arith.maximumf %mul3A_616, %mul3A_619 : vector<16xf32>
        %swap3A_621 = arith.index_cast %add3A_553 : i32 to index
        %swap3A_622 = arith.constant 48 : index
        %swap3A_623 = tpu.vector_load %arg7[%swap3A_621, %swap3A_622] {strides = array<i32>} : memref<80x128xf32, #tpu.memory_space<vmem>>, vector<1x16xf32>,
        %swap3A_624 = vector.shape_cast %swap3A_623 : vector<1x16xf32> to vector<16xf32>
        %swap3A_625 = vector.shape_cast %max3A_620 : vector<16xf32> to vector<1x16xf32>
        tpu.vector_store %arg7[%swap3A_621, %swap3A_622], %swap3A_625 {strides = array<i32>} : memref<80x128xf32, #tpu.memory_space<vmem>>, vector<1x16xf32>,
        %get3A_626 = arith.index_cast %add3A_553 : i32 to index
        %get3A_627 = arith.constant 64 : index
        %get3A_628 = tpu.vector_load %arg7[%get3A_626, %get3A_627] {strides = array<i32>} : memref<80x128xf32, #tpu.memory_space<vmem>>, vector<1x16xf32>,
        %get3A_629 = vector.shape_cast %get3A_628 : vector<1x16xf32> to vector<16xf32>
        %get3A_630 = arith.index_cast %add3A_553 : i32 to index
        %get3A_631 = arith.constant 64 : index
        %get3A_632 = tpu.vector_load %arg9[%get3A_630, %get3A_631] {strides = array<i32>} : memref<80x128xf32, #tpu.memory_space<vmem>>, vector<1x16xf32>,
        %get3A_633 = vector.shape_cast %get3A_632 : vector<1x16xf32> to vector<16xf32>
        %mul3A_634 = arith.mulf %get3A_629, %get3A_633 : vector<16xf32>
        %mul3A_635 = arith.constant 1.000000e-01 : f32
        %mul3A_636 = vector.broadcast %mul3A_635 : f32 to vector<16xf32>
        %mul3A_637 = arith.mulf %mul3A_634, %mul3A_636 : vector<16xf32>
        %max3A_638 = arith.maximumf %mul3A_634, %mul3A_637 : vector<16xf32>
        %swap3A_639 = arith.index_cast %add3A_553 : i32 to index
        %swap3A_640 = arith.constant 64 : index
        %swap3A_641 = tpu.vector_load %arg7[%swap3A_639, %swap3A_640] {strides = array<i32>} : memref<80x128xf32, #tpu.memory_space<vmem>>, vector<1x16xf32>,
        %swap3A_642 = vector.shape_cast %swap3A_641 : vector<1x16xf32> to vector<16xf32>
        %swap3A_643 = vector.shape_cast %max3A_638 : vector<16xf32> to vector<1x16xf32>
        tpu.vector_store %arg7[%swap3A_639, %swap3A_640], %swap3A_643 {strides = array<i32>} : memref<80x128xf32, #tpu.memory_space<vmem>>, vector<1x16xf32>,
        %get3A_644 = arith.index_cast %add3A_553 : i32 to index
        %get3A_645 = arith.constant 80 : index
        %get3A_646 = tpu.vector_load %arg7[%get3A_644, %get3A_645] {strides = array<i32>} : memref<80x128xf32, #tpu.memory_space<vmem>>, vector<1x16xf32>,
        %get3A_647 = vector.shape_cast %get3A_646 : vector<1x16xf32> to vector<16xf32>
        %get3A_648 = arith.index_cast %add3A_553 : i32 to index
        %get3A_649 = arith.constant 80 : index
        %get3A_650 = tpu.vector_load %arg9[%get3A_648, %get3A_649] {strides = array<i32>} : memref<80x128xf32, #tpu.memory_space<vmem>>, vector<1x16xf32>,
        %get3A_651 = vector.shape_cast %get3A_650 : vector<1x16xf32> to vector<16xf32>
        %mul3A_652 = arith.mulf %get3A_647, %get3A_651 : vector<16xf32>
        %mul3A_653 = arith.constant 1.000000e-01 : f32
        %mul3A_654 = vector.broadcast %mul3A_653 : f32 to vector<16xf32>
        %mul3A_655 = arith.mulf %mul3A_652, %mul3A_654 : vector<16xf32>
        %max3A_656 = arith.maximumf %mul3A_652, %mul3A_655 : vector<16xf32>
        %swap3A_657 = arith.index_cast %add3A_553 : i32 to index
        %swap3A_658 = arith.constant 80 : index
        %swap3A_659 = tpu.vector_load %arg7[%swap3A_657, %swap3A_658] {strides = array<i32>} : memref<80x128xf32, #tpu.memory_space<vmem>>, vector<1x16xf32>,
        %swap3A_660 = vector.shape_cast %swap3A_659 : vector<1x16xf32> to vector<16xf32>
        %swap3A_661 = vector.shape_cast %max3A_656 : vector<16xf32> to vector<1x16xf32>
        tpu.vector_store %arg7[%swap3A_657, %swap3A_658], %swap3A_661 {strides = array<i32>} : memref<80x128xf32, #tpu.memory_space<vmem>>, vector<1x16xf32>,
        %get3A_662 = arith.index_cast %add3A_553 : i32 to index
        %get3A_663 = arith.constant 96 : index
        %get3A_664 = tpu.vector_load %arg7[%get3A_662, %get3A_663] {strides = array<i32>} : memref<80x128xf32, #tpu.memory_space<vmem>>, vector<1x16xf32>,
        %get3A_665 = vector.shape_cast %get3A_664 : vector<1x16xf32> to vector<16xf32>
        %get3A_666 = arith.index_cast %add3A_553 : i32 to index
        %get3A_667 = arith.constant 96 : index
        %get3A_668 = tpu.vector_load %arg9[%get3A_666, %get3A_667] {strides = array<i32>} : memref<80x128xf32, #tpu.memory_space<vmem>>, vector<1x16xf32>,
        %get3A_669 = vector.shape_cast %get3A_668 : vector<1x16xf32> to vector<16xf32>
        %mul3A_670 = arith.mulf %get3A_665, %get3A_669 : vector<16xf32>
        %mul3A_671 = arith.constant 1.000000e-01 : f32
        %mul3A_672 = vector.broadcast %mul3A_671 : f32 to vector<16xf32>
        %mul3A_673 = arith.mulf %mul3A_670, %mul3A_672 : vector<16xf32>
        %max3A_674 = arith.maximumf %mul3A_670, %mul3A_673 : vector<16xf32>
        %swap3A_675 = arith.index_cast %add3A_553 : i32 to index
        %swap3A_676 = arith.constant 96 : index
        %swap3A_677 = tpu.vector_load %arg7[%swap3A_675, %swap3A_676] {strides = array<i32>} : memref<80x128xf32, #tpu.memory_space<vmem>>, vector<1x16xf32>,
        %swap3A_678 = vector.shape_cast %swap3A_677 : vector<1x16xf32> to vector<16xf32>
        %swap3A_679 = vector.shape_cast %max3A_674 : vector<16xf32> to vector<1x16xf32>
        tpu.vector_store %arg7[%swap3A_675, %swap3A_676], %swap3A_679 {strides = array<i32>} : memref<80x128xf32, #tpu.memory_space<vmem>>, vector<1x16xf32>,
        %get3A_680 = arith.index_cast %add3A_553 : i32 to index
        %get3A_681 = arith.constant 112 : index
        %get3A_682 = tpu.vector_load %arg7[%get3A_680, %get3A_681] {strides = array<i32>} : memref<80x128xf32, #tpu.memory_space<vmem>>, vector<1x16xf32>,
        %get3A_683 = vector.shape_cast %get3A_682 : vector<1x16xf32> to vector<16xf32>
        %get3A_684 = arith.index_cast %add3A_553 : i32 to index
        %get3A_685 = arith.constant 112 : index
        %get3A_686 = tpu.vector_load %arg9[%get3A_684, %get3A_685] {strides = array<i32>} : memref<80x128xf32, #tpu.memory_space<vmem>>, vector<1x16xf32>,
        %get3A_687 = vector.shape_cast %get3A_686 : vector<1x16xf32> to vector<16xf32>
        %mul3A_688 = arith.mulf %get3A_683, %get3A_687 : vector<16xf32>
        %mul3A_689 = arith.constant 1.000000e-01 : f32
        %mul3A_690 = vector.broadcast %mul3A_689 : f32 to vector<16xf32>
        %mul3A_691 = arith.mulf %mul3A_688, %mul3A_690 : vector<16xf32>
        %max3A_692 = arith.maximumf %mul3A_688, %mul3A_691 : vector<16xf32>
        %swap3A_693 = arith.index_cast %add3A_553 : i32 to index
        %swap3A_694 = arith.constant 112 : index
        %swap3A_695 = tpu.vector_load %arg7[%swap3A_693, %swap3A_694] {strides = array<i32>} : memref<80x128xf32, #tpu.memory_space<vmem>>, vector<1x16xf32>,
        %swap3A_696 = vector.shape_cast %swap3A_695 : vector<1x16xf32> to vector<16xf32>
        %swap3A_697 = vector.shape_cast %max3A_692 : vector<16xf32> to vector<1x16xf32>
        tpu.vector_store %arg7[%swap3A_693, %swap3A_694], %swap3A_697 {strides = array<i32>} : memref<80x128xf32, #tpu.memory_space<vmem>>, vector<1x16xf32>,
        %mul3A_698 = arith.constant 4 : i32
        %mul3A_699 = arith.muli %scan3A_255, %mul3A_698 : i32
        %add3A_700 = arith.constant 3 : i32
        %add3A_701 = arith.addi %mul3A_699, %add3A_700 : i32
        %get3A_702 = arith.index_cast %add3A_701 : i32 to index
        %get3A_703 = arith.constant 0 : index
        %get3A_704 = tpu.vector_load %arg7[%get3A_702, %get3A_703] {strides = array<i32>} : memref<80x128xf32, #tpu.memory_space<vmem>>, vector<1x16xf32>,
        %get3A_705 = vector.shape_cast %get3A_704 : vector<1x16xf32> to vector<16xf32>
        %get3A_706 = arith.index_cast %add3A_701 : i32 to index
        %get3A_707 = arith.constant 0 : index
        %get3A_708 = tpu.vector_load %arg9[%get3A_706, %get3A_707] {strides = array<i32>} : memref<80x128xf32, #tpu.memory_space<vmem>>, vector<1x16xf32>,
        %get3A_709 = vector.shape_cast %get3A_708 : vector<1x16xf32> to vector<16xf32>
        %mul3A_710 = arith.mulf %get3A_705, %get3A_709 : vector<16xf32>
        %mul3A_711 = arith.constant 1.000000e-01 : f32
        %mul3A_712 = vector.broadcast %mul3A_711 : f32 to vector<16xf32>
        %mul3A_713 = arith.mulf %mul3A_710, %mul3A_712 : vector<16xf32>
        %max3A_714 = arith.maximumf %mul3A_710, %mul3A_713 : vector<16xf32>
        %swap3A_715 = arith.index_cast %add3A_701 : i32 to index
        %swap3A_716 = arith.constant 0 : index
        %swap3A_717 = tpu.vector_load %arg7[%swap3A_715, %swap3A_716] {strides = array<i32>} : memref<80x128xf32, #tpu.memory_space<vmem>>, vector<1x16xf32>,
        %swap3A_718 = vector.shape_cast %swap3A_717 : vector<1x16xf32> to vector<16xf32>
        %swap3A_719 = vector.shape_cast %max3A_714 : vector<16xf32> to vector<1x16xf32>
        tpu.vector_store %arg7[%swap3A_715, %swap3A_716], %swap3A_719 {strides = array<i32>} : memref<80x128xf32, #tpu.memory_space<vmem>>, vector<1x16xf32>,
        %get3A_720 = arith.index_cast %add3A_701 : i32 to index
        %get3A_721 = arith.constant 16 : index
        %get3A_722 = tpu.vector_load %arg7[%get3A_720, %get3A_721] {strides = array<i32>} : memref<80x128xf32, #tpu.memory_space<vmem>>, vector<1x16xf32>,
        %get3A_723 = vector.shape_cast %get3A_722 : vector<1x16xf32> to vector<16xf32>
        %get3A_724 = arith.index_cast %add3A_701 : i32 to index
        %get3A_725 = arith.constant 16 : index
        %get3A_726 = tpu.vector_load %arg9[%get3A_724, %get3A_725] {strides = array<i32>} : memref<80x128xf32, #tpu.memory_space<vmem>>, vector<1x16xf32>,
        %get3A_727 = vector.shape_cast %get3A_726 : vector<1x16xf32> to vector<16xf32>
        %mul3A_728 = arith.mulf %get3A_723, %get3A_727 : vector<16xf32>
        %mul3A_729 = arith.constant 1.000000e-01 : f32
        %mul3A_730 = vector.broadcast %mul3A_729 : f32 to vector<16xf32>
        %mul3A_731 = arith.mulf %mul3A_728, %mul3A_730 : vector<16xf32>
        %max3A_732 = arith.maximumf %mul3A_728, %mul3A_731 : vector<16xf32>
        %swap3A_733 = arith.index_cast %add3A_701 : i32 to index
        %swap3A_734 = arith.constant 16 : index
        %swap3A_735 = tpu.vector_load %arg7[%swap3A_733, %swap3A_734] {strides = array<i32>} : memref<80x128xf32, #tpu.memory_space<vmem>>, vector<1x16xf32>,
        %swap3A_736 = vector.shape_cast %swap3A_735 : vector<1x16xf32> to vector<16xf32>
        %swap3A_737 = vector.shape_cast %max3A_732 : vector<16xf32> to vector<1x16xf32>
        tpu.vector_store %arg7[%swap3A_733, %swap3A_734], %swap3A_737 {strides = array<i32>} : memref<80x128xf32, #tpu.memory_space<vmem>>, vector<1x16xf32>,
        %get3A_738 = arith.index_cast %add3A_701 : i32 to index
        %get3A_739 = arith.constant 32 : index
        %get3A_740 = tpu.vector_load %arg7[%get3A_738, %get3A_739] {strides = array<i32>} : memref<80x128xf32, #tpu.memory_space<vmem>>, vector<1x16xf32>,
        %get3A_741 = vector.shape_cast %get3A_740 : vector<1x16xf32> to vector<16xf32>
        %get3A_742 = arith.index_cast %add3A_701 : i32 to index
        %get3A_743 = arith.constant 32 : index
        %get3A_744 = tpu.vector_load %arg9[%get3A_742, %get3A_743] {strides = array<i32>} : memref<80x128xf32, #tpu.memory_space<vmem>>, vector<1x16xf32>,
        %get3A_745 = vector.shape_cast %get3A_744 : vector<1x16xf32> to vector<16xf32>
        %mul3A_746 = arith.mulf %get3A_741, %get3A_745 : vector<16xf32>
        %mul3A_747 = arith.constant 1.000000e-01 : f32
        %mul3A_748 = vector.broadcast %mul3A_747 : f32 to vector<16xf32>
        %mul3A_749 = arith.mulf %mul3A_746, %mul3A_748 : vector<16xf32>
        %max3A_750 = arith.maximumf %mul3A_746, %mul3A_749 : vector<16xf32>
        %swap3A_751 = arith.index_cast %add3A_701 : i32 to index
        %swap3A_752 = arith.constant 32 : index
        %swap3A_753 = tpu.vector_load %arg7[%swap3A_751, %swap3A_752] {strides = array<i32>} : memref<80x128xf32, #tpu.memory_space<vmem>>, vector<1x16xf32>,
        %swap3A_754 = vector.shape_cast %swap3A_753 : vector<1x16xf32> to vector<16xf32>
        %swap3A_755 = vector.shape_cast %max3A_750 : vector<16xf32> to vector<1x16xf32>
        tpu.vector_store %arg7[%swap3A_751, %swap3A_752], %swap3A_755 {strides = array<i32>} : memref<80x128xf32, #tpu.memory_space<vmem>>, vector<1x16xf32>,
        %get3A_756 = arith.index_cast %add3A_701 : i32 to index
        %get3A_757 = arith.constant 48 : index
        %get3A_758 = tpu.vector_load %arg7[%get3A_756, %get3A_757] {strides = array<i32>} : memref<80x128xf32, #tpu.memory_space<vmem>>, vector<1x16xf32>,
        %get3A_759 = vector.shape_cast %get3A_758 : vector<1x16xf32> to vector<16xf32>
        %get3A_760 = arith.index_cast %add3A_701 : i32 to index
        %get3A_761 = arith.constant 48 : index
        %get3A_762 = tpu.vector_load %arg9[%get3A_760, %get3A_761] {strides = array<i32>} : memref<80x128xf32, #tpu.memory_space<vmem>>, vector<1x16xf32>,
        %get3A_763 = vector.shape_cast %get3A_762 : vector<1x16xf32> to vector<16xf32>
        %mul3A_764 = arith.mulf %get3A_759, %get3A_763 : vector<16xf32>
        %mul3A_765 = arith.constant 1.000000e-01 : f32
        %mul3A_766 = vector.broadcast %mul3A_765 : f32 to vector<16xf32>
        %mul3A_767 = arith.mulf %mul3A_764, %mul3A_766 : vector<16xf32>
        %max3A_768 = arith.maximumf %mul3A_764, %mul3A_767 : vector<16xf32>
        %swap3A_769 = arith.index_cast %add3A_701 : i32 to index
        %swap3A_770 = arith.constant 48 : index
        %swap3A_771 = tpu.vector_load %arg7[%swap3A_769, %swap3A_770] {strides = array<i32>} : memref<80x128xf32, #tpu.memory_space<vmem>>, vector<1x16xf32>,
        %swap3A_772 = vector.shape_cast %swap3A_771 : vector<1x16xf32> to vector<16xf32>
        %swap3A_773 = vector.shape_cast %max3A_768 : vector<16xf32> to vector<1x16xf32>
        tpu.vector_store %arg7[%swap3A_769, %swap3A_770], %swap3A_773 {strides = array<i32>} : memref<80x128xf32, #tpu.memory_space<vmem>>, vector<1x16xf32>,
        %get3A_774 = arith.index_cast %add3A_701 : i32 to index
        %get3A_775 = arith.constant 64 : index
        %get3A_776 = tpu.vector_load %arg7[%get3A_774, %get3A_775] {strides = array<i32>} : memref<80x128xf32, #tpu.memory_space<vmem>>, vector<1x16xf32>,
        %get3A_777 = vector.shape_cast %get3A_776 : vector<1x16xf32> to vector<16xf32>
        %get3A_778 = arith.index_cast %add3A_701 : i32 to index
        %get3A_779 = arith.constant 64 : index
        %get3A_780 = tpu.vector_load %arg9[%get3A_778, %get3A_779] {strides = array<i32>} : memref<80x128xf32, #tpu.memory_space<vmem>>, vector<1x16xf32>,
        %get3A_781 = vector.shape_cast %get3A_780 : vector<1x16xf32> to vector<16xf32>
        %mul3A_782 = arith.mulf %get3A_777, %get3A_781 : vector<16xf32>
        %mul3A_783 = arith.constant 1.000000e-01 : f32
        %mul3A_784 = vector.broadcast %mul3A_783 : f32 to vector<16xf32>
        %mul3A_785 = arith.mulf %mul3A_782, %mul3A_784 : vector<16xf32>
        %max3A_786 = arith.maximumf %mul3A_782, %mul3A_785 : vector<16xf32>
        %swap3A_787 = arith.index_cast %add3A_701 : i32 to index
        %swap3A_788 = arith.constant 64 : index
        %swap3A_789 = tpu.vector_load %arg7[%swap3A_787, %swap3A_788] {strides = array<i32>} : memref<80x128xf32, #tpu.memory_space<vmem>>, vector<1x16xf32>,
        %swap3A_790 = vector.shape_cast %swap3A_789 : vector<1x16xf32> to vector<16xf32>
        %swap3A_791 = vector.shape_cast %max3A_786 : vector<16xf32> to vector<1x16xf32>
        tpu.vector_store %arg7[%swap3A_787, %swap3A_788], %swap3A_791 {strides = array<i32>} : memref<80x128xf32, #tpu.memory_space<vmem>>, vector<1x16xf32>,
        %get3A_792 = arith.index_cast %add3A_701 : i32 to index
        %get3A_793 = arith.constant 80 : index
        %get3A_794 = tpu.vector_load %arg7[%get3A_792, %get3A_793] {strides = array<i32>} : memref<80x128xf32, #tpu.memory_space<vmem>>, vector<1x16xf32>,
        %get3A_795 = vector.shape_cast %get3A_794 : vector<1x16xf32> to vector<16xf32>
        %get3A_796 = arith.index_cast %add3A_701 : i32 to index
        %get3A_797 = arith.constant 80 : index
        %get3A_798 = tpu.vector_load %arg9[%get3A_796, %get3A_797] {strides = array<i32>} : memref<80x128xf32, #tpu.memory_space<vmem>>, vector<1x16xf32>,
        %get3A_799 = vector.shape_cast %get3A_798 : vector<1x16xf32> to vector<16xf32>
        %mul3A_800 = arith.mulf %get3A_795, %get3A_799 : vector<16xf32>
        %mul3A_801 = arith.constant 1.000000e-01 : f32
        %mul3A_802 = vector.broadcast %mul3A_801 : f32 to vector<16xf32>
        %mul3A_803 = arith.mulf %mul3A_800, %mul3A_802 : vector<16xf32>
        %max3A_804 = arith.maximumf %mul3A_800, %mul3A_803 : vector<16xf32>
        %swap3A_805 = arith.index_cast %add3A_701 : i32 to index
        %swap3A_806 = arith.constant 80 : index
        %swap3A_807 = tpu.vector_load %arg7[%swap3A_805, %swap3A_806] {strides = array<i32>} : memref<80x128xf32, #tpu.memory_space<vmem>>, vector<1x16xf32>,
        %swap3A_808 = vector.shape_cast %swap3A_807 : vector<1x16xf32> to vector<16xf32>
        %swap3A_809 = vector.shape_cast %max3A_804 : vector<16xf32> to vector<1x16xf32>
        tpu.vector_store %arg7[%swap3A_805, %swap3A_806], %swap3A_809 {strides = array<i32>} : memref<80x128xf32, #tpu.memory_space<vmem>>, vector<1x16xf32>,
        %get3A_810 = arith.index_cast %add3A_701 : i32 to index
        %get3A_811 = arith.constant 96 : index
        %get3A_812 = tpu.vector_load %arg7[%get3A_810, %get3A_811] {strides = array<i32>} : memref<80x128xf32, #tpu.memory_space<vmem>>, vector<1x16xf32>,
        %get3A_813 = vector.shape_cast %get3A_812 : vector<1x16xf32> to vector<16xf32>
        %get3A_814 = arith.index_cast %add3A_701 : i32 to index
        %get3A_815 = arith.constant 96 : index
        %get3A_816 = tpu.vector_load %arg9[%get3A_814, %get3A_815] {strides = array<i32>} : memref<80x128xf32, #tpu.memory_space<vmem>>, vector<1x16xf32>,
        %get3A_817 = vector.shape_cast %get3A_816 : vector<1x16xf32> to vector<16xf32>
        %mul3A_818 = arith.mulf %get3A_813, %get3A_817 : vector<16xf32>
        %mul3A_819 = arith.constant 1.000000e-01 : f32
        %mul3A_820 = vector.broadcast %mul3A_819 : f32 to vector<16xf32>
        %mul3A_821 = arith.mulf %mul3A_818, %mul3A_820 : vector<16xf32>
        %max3A_822 = arith.maximumf %mul3A_818, %mul3A_821 : vector<16xf32>
        %swap3A_823 = arith.index_cast %add3A_701 : i32 to index
        %swap3A_824 = arith.constant 96 : index
        %swap3A_825 = tpu.vector_load %arg7[%swap3A_823, %swap3A_824] {strides = array<i32>} : memref<80x128xf32, #tpu.memory_space<vmem>>, vector<1x16xf32>,
        %swap3A_826 = vector.shape_cast %swap3A_825 : vector<1x16xf32> to vector<16xf32>
        %swap3A_827 = vector.shape_cast %max3A_822 : vector<16xf32> to vector<1x16xf32>
        tpu.vector_store %arg7[%swap3A_823, %swap3A_824], %swap3A_827 {strides = array<i32>} : memref<80x128xf32, #tpu.memory_space<vmem>>, vector<1x16xf32>,
        %get3A_828 = arith.index_cast %add3A_701 : i32 to index
        %get3A_829 = arith.constant 112 : index
        %get3A_830 = tpu.vector_load %arg7[%get3A_828, %get3A_829] {strides = array<i32>} : memref<80x128xf32, #tpu.memory_space<vmem>>, vector<1x16xf32>,
        %get3A_831 = vector.shape_cast %get3A_830 : vector<1x16xf32> to vector<16xf32>
        %get3A_832 = arith.index_cast %add3A_701 : i32 to index
        %get3A_833 = arith.constant 112 : index
        %get3A_834 = tpu.vector_load %arg9[%get3A_832, %get3A_833] {strides = array<i32>} : memref<80x128xf32, #tpu.memory_space<vmem>>, vector<1x16xf32>,
        %get3A_835 = vector.shape_cast %get3A_834 : vector<1x16xf32> to vector<16xf32>
        %mul3A_836 = arith.mulf %get3A_831, %get3A_835 : vector<16xf32>
        %mul3A_837 = arith.constant 1.000000e-01 : f32
        %mul3A_838 = vector.broadcast %mul3A_837 : f32 to vector<16xf32>
        %mul3A_839 = arith.mulf %mul3A_836, %mul3A_838 : vector<16xf32>
        %max3A_840 = arith.maximumf %mul3A_836, %mul3A_839 : vector<16xf32>
        %swap3A_841 = arith.index_cast %add3A_701 : i32 to index
        %swap3A_842 = arith.constant 112 : index
        %swap3A_843 = tpu.vector_load %arg7[%swap3A_841, %swap3A_842] {strides = array<i32>} : memref<80x128xf32, #tpu.memory_space<vmem>>, vector<1x16xf32>,
        %swap3A_844 = vector.shape_cast %swap3A_843 : vector<1x16xf32> to vector<16xf32>
        %swap3A_845 = vector.shape_cast %max3A_840 : vector<16xf32> to vector<1x16xf32>
        tpu.vector_store %arg7[%swap3A_841, %swap3A_842], %swap3A_845 {strides = array<i32>} : memref<80x128xf32, #tpu.memory_space<vmem>>, vector<1x16xf32>,
        %scan3A_846 = arith.constant 0 : i32
        scf.yield %scan3A_846 : i32
      }
      %scan3A_129 = arith.constant 20 : i32
      %dma_start3A_130 = arith.constant 0 : i32
      %dma_start3A_131 = arith.constant 0 : i32
      %dma_start3A_132 = tpu.memref_slice %arg29[%dma_start3A_130, %dma_start3A_131] : memref<10000x128xf32, #tpu.memory_space<vmem_shared>> -> memref<10000x128xf32, #tpu.memory_space<vmem_shared>>
      tpu.enqueue_indirect_dma source(%arg7 : memref<80x128xf32, #tpu.memory_space<vmem>>) target(%dma_start3A_132 : memref<10000x128xf32, #tpu.memory_space<vmem_shared>>) offsets(%arg15 : memref<80xi32, #tpu.memory_space<vmem>>) semaphore(%arg23 : memref<!tpu.dma_semaphore, #tpu.memory_space<semaphore_mem>>) {add = true}
      %add3A_133 = arith.constant 2 : i32
      %add3A_134 = arith.addi %mul3A_106, %add3A_133 : i32
      %lt3A_135 = arith.constant 125 : i32
      %lt3A_136 = arith.cmpi slt, %add3A_134, %lt3A_135 : i32
      %convert_element_type3A_137 = arith.extui %lt3A_136 : i1 to i32
      %cond3A_138 = arith.constant 0 : i32
      %cond3A_139 = arith.cmpi ne, %convert_element_type3A_137, %cond3A_138 : i32
      scf.if %cond3A_139 {
        %add3A_255 = arith.constant 2 : i32
        %add3A_256 = arith.addi %mul3A_106, %add3A_255 : i32
        %dma_start3A_257 = arith.constant 0 : i32
        %dma_start3A_258 = tpu.memref_slice %arg4[%add3A, %add3A_256, %dma_start3A_257] : memref<32x125x80xi32, #tpu.memory_space<hbm>> -> memref<1x1x80xi32, #tpu.memory_space<hbm>>
        %dma_start3A_259 = tpu.memref_squeeze %dma_start3A_258 : memref<1x1x80xi32, #tpu.memory_space<hbm>> -> memref<80xi32, #tpu.memory_space<hbm>>
        %dma_start3A_260 = arith.constant 0 : i32
        %dma_start3A_261 = tpu.memref_slice %arg4[%add3A, %add3A_256, %dma_start3A_260] : memref<32x125x80xi32, #tpu.memory_space<hbm>> -> memref<1x1x80xi32, #tpu.memory_space<hbm>>
        %dma_start3A_262 = tpu.memref_squeeze %dma_start3A_261 : memref<1x1x80xi32, #tpu.memory_space<hbm>> -> memref<80xi32, #tpu.memory_space<hbm>>
        tpu.enqueue_dma source(%dma_start3A_262 : memref<80xi32, #tpu.memory_space<hbm>>) target(%arg13 : memref<80xi32, #tpu.memory_space<vmem>>) target_semaphore(%arg27 : memref<!tpu.dma_semaphore, #tpu.memory_space<semaphore_mem>>)
        %add3A_263 = arith.constant 2 : i32
        %add3A_264 = arith.addi %mul3A_106, %add3A_263 : i32
        %dma_start3A_265 = arith.constant 0 : i32
        %dma_start3A_266 = tpu.memref_slice %arg5[%add3A, %add3A_264, %dma_start3A_265] : memref<32x125x80xi32, #tpu.memory_space<hbm>> -> memref<1x1x80xi32, #tpu.memory_space<hbm>>
        %dma_start3A_267 = tpu.memref_squeeze %dma_start3A_266 : memref<1x1x80xi32, #tpu.memory_space<hbm>> -> memref<80xi32, #tpu.memory_space<hbm>>
        %dma_start3A_268 = arith.constant 0 : i32
        %dma_start3A_269 = tpu.memref_slice %arg5[%add3A, %add3A_264, %dma_start3A_268] : memref<32x125x80xi32, #tpu.memory_space<hbm>> -> memref<1x1x80xi32, #tpu.memory_space<hbm>>
        %dma_start3A_270 = tpu.memref_squeeze %dma_start3A_269 : memref<1x1x80xi32, #tpu.memory_space<hbm>> -> memref<80xi32, #tpu.memory_space<hbm>>
        tpu.enqueue_dma source(%dma_start3A_270 : memref<80xi32, #tpu.memory_space<hbm>>) target(%arg17 : memref<80xi32, #tpu.memory_space<vmem>>) target_semaphore(%arg27 : memref<!tpu.dma_semaphore, #tpu.memory_space<semaphore_mem>>)
      } else {
      }
      %add3A_140 = arith.constant 1 : i32
      %add3A_141 = arith.addi %mul3A_106, %add3A_140 : i32
      %dma_wait3A_142 = arith.constant 0 : i32
      %dma_wait3A_143 = arith.constant 0 : i32
      %dma_wait3A_144 = tpu.memref_slice %arg3[%dma_wait3A_142, %dma_wait3A_143] : memref<10000x128xf32, #tpu.memory_space<hbm>> -> memref<80x128xf32, #tpu.memory_space<hbm>>
      %dma_wait3A_145 = arith.constant 0 : i32
      %dma_wait3A_146 = arith.constant 0 : i32
      %dma_wait3A_147 = tpu.memref_slice %arg3[%dma_wait3A_145, %dma_wait3A_146] : memref<10000x128xf32, #tpu.memory_space<hbm>> -> memref<80x128xf32, #tpu.memory_space<hbm>>
      tpu.wait_dma2 semaphore(%arg20 : memref<!tpu.dma_semaphore, #tpu.memory_space<semaphore_mem>>) src(%dma_wait3A_147 : memref<80x128xf32, #tpu.memory_space<hbm>>) dst(%arg8 : memref<80x128xf32, #tpu.memory_space<vmem>>)
      %dma_wait3A_148 = arith.constant 0 : i32
      %dma_wait3A_149 = arith.constant 0 : i32
      %dma_wait3A_150 = tpu.memref_slice %arg2[%dma_wait3A_148, %dma_wait3A_149] : memref<320000x128xf32, #tpu.memory_space<hbm>> -> memref<80x128xf32, #tpu.memory_space<hbm>>
      %dma_wait3A_151 = arith.constant 0 : i32
      %dma_wait3A_152 = arith.constant 0 : i32
      %dma_wait3A_153 = tpu.memref_slice %arg2[%dma_wait3A_151, %dma_wait3A_152] : memref<320000x128xf32, #tpu.memory_space<hbm>> -> memref<80x128xf32, #tpu.memory_space<hbm>>
      tpu.wait_dma2 semaphore(%arg22 : memref<!tpu.dma_semaphore, #tpu.memory_space<semaphore_mem>>) src(%dma_wait3A_153 : memref<80x128xf32, #tpu.memory_space<hbm>>) dst(%arg10 : memref<80x128xf32, #tpu.memory_space<vmem>>)
      %add3A_154 = arith.constant 1 : i32
      %add3A_155 = arith.addi %add3A_141, %add3A_154 : i32
      %lt3A_156 = arith.constant 125 : i32
      %lt3A_157 = arith.cmpi slt, %add3A_155, %lt3A_156 : i32
      %convert_element_type3A_158 = arith.extui %lt3A_157 : i1 to i32
      %cond3A_159 = arith.constant 0 : i32
      %cond3A_160 = arith.cmpi ne, %convert_element_type3A_158, %cond3A_159 : i32
      scf.if %cond3A_160 {
        %dma_wait3A_255 = arith.constant 0 : i32
        %dma_wait3A_256 = arith.constant 0 : i32
        %dma_wait3A_257 = arith.constant 0 : i32
        %dma_wait3A_258 = tpu.memref_slice %arg4[%dma_wait3A_255, %dma_wait3A_256, %dma_wait3A_257] : memref<32x125x80xi32, #tpu.memory_space<hbm>> -> memref<1x1x80xi32, #tpu.memory_space<hbm>>
        %dma_wait3A_259 = tpu.memref_squeeze %dma_wait3A_258 : memref<1x1x80xi32, #tpu.memory_space<hbm>> -> memref<80xi32, #tpu.memory_space<hbm>>
        %dma_wait3A_260 = arith.constant 0 : i32
        %dma_wait3A_261 = tpu.memref_slice %arg4[%dma_wait3A_255, %dma_wait3A_256, %dma_wait3A_260] : memref<32x125x80xi32, #tpu.memory_space<hbm>> -> memref<1x1x80xi32, #tpu.memory_space<hbm>>
        %dma_wait3A_262 = tpu.memref_squeeze %dma_wait3A_261 : memref<1x1x80xi32, #tpu.memory_space<hbm>> -> memref<80xi32, #tpu.memory_space<hbm>>
        tpu.wait_dma2 semaphore(%arg27 : memref<!tpu.dma_semaphore, #tpu.memory_space<semaphore_mem>>) src(%dma_wait3A_262 : memref<80xi32, #tpu.memory_space<hbm>>) dst(%arg13 : memref<80xi32, #tpu.memory_space<vmem>>)
        %dma_wait3A_263 = arith.constant 0 : i32
        %dma_wait3A_264 = arith.constant 0 : i32
        %dma_wait3A_265 = arith.constant 0 : i32
        %dma_wait3A_266 = tpu.memref_slice %arg5[%dma_wait3A_263, %dma_wait3A_264, %dma_wait3A_265] : memref<32x125x80xi32, #tpu.memory_space<hbm>> -> memref<1x1x80xi32, #tpu.memory_space<hbm>>
        %dma_wait3A_267 = tpu.memref_squeeze %dma_wait3A_266 : memref<1x1x80xi32, #tpu.memory_space<hbm>> -> memref<80xi32, #tpu.memory_space<hbm>>
        %dma_wait3A_268 = arith.constant 0 : i32
        %dma_wait3A_269 = tpu.memref_slice %arg5[%dma_wait3A_263, %dma_wait3A_264, %dma_wait3A_268] : memref<32x125x80xi32, #tpu.memory_space<hbm>> -> memref<1x1x80xi32, #tpu.memory_space<hbm>>
        %dma_wait3A_270 = tpu.memref_squeeze %dma_wait3A_269 : memref<1x1x80xi32, #tpu.memory_space<hbm>> -> memref<80xi32, #tpu.memory_space<hbm>>
        tpu.wait_dma2 semaphore(%arg27 : memref<!tpu.dma_semaphore, #tpu.memory_space<semaphore_mem>>) src(%dma_wait3A_270 : memref<80xi32, #tpu.memory_space<hbm>>) dst(%arg17 : memref<80xi32, #tpu.memory_space<vmem>>)
        %ge3A = arith.constant 1 : i32
        %ge3A_271 = arith.cmpi sge, %add3A_141, %ge3A : i32
        %convert_element_type3A_272 = arith.extui %ge3A_271 : i1 to i32
        %cond3A_273 = arith.constant 0 : i32
        %cond3A_274 = arith.cmpi ne, %convert_element_type3A_272, %cond3A_273 : i32
        scf.if %cond3A_274 {
          %dma_wait3A_287 = arith.constant 0 : i32
          %dma_wait3A_288 = arith.constant 0 : i32
          %dma_wait3A_289 = tpu.memref_slice %arg29[%dma_wait3A_287, %dma_wait3A_288] : memref<10000x128xf32, #tpu.memory_space<vmem_shared>> -> memref<80x128xf32, #tpu.memory_space<vmem_shared>>
          %dma_wait3A_290 = arith.constant 0 : i32
          %dma_wait3A_291 = arith.constant 0 : i32
          %dma_wait3A_292 = tpu.memref_slice %arg29[%dma_wait3A_290, %dma_wait3A_291] : memref<10000x128xf32, #tpu.memory_space<vmem_shared>> -> memref<80x128xf32, #tpu.memory_space<vmem_shared>>
          tpu.wait_dma2 semaphore(%arg23 : memref<!tpu.dma_semaphore, #tpu.memory_space<semaphore_mem>>) src(%arg7 : memref<80x128xf32, #tpu.memory_space<vmem>>) dst(%dma_wait3A_292 : memref<80x128xf32, #tpu.memory_space<vmem_shared>>)
        } else {
        }
        %add3A_275 = arith.constant 1 : i32
        %add3A_276 = arith.addi %add3A_141, %add3A_275 : i32
        %dma_start3A_277 = arith.constant 0 : i32
        %dma_start3A_278 = arith.constant 0 : i32
        %dma_start3A_279 = tpu.memref_slice %arg3[%dma_start3A_277, %dma_start3A_278] : memref<10000x128xf32, #tpu.memory_space<hbm>> -> memref<10000x128xf32, #tpu.memory_space<hbm>>
        tpu.enqueue_indirect_dma source(%dma_start3A_279 : memref<10000x128xf32, #tpu.memory_space<hbm>>) target(%arg7 : memref<80x128xf32, #tpu.memory_space<vmem>>) offsets(%arg13 : memref<80xi32, #tpu.memory_space<vmem>>) semaphore(%arg19 : memref<!tpu.dma_semaphore, #tpu.memory_space<semaphore_mem>>)
        %mul3A_280 = arith.constant 80 : i32
        %mul3A_281 = arith.muli %add3A_276, %mul3A_280 : i32
        %add3A_282 = arith.addi %mul3A_2, %mul3A_281 : i32
        %dma_start3A_283 = arith.constant 0 : i32
        %dma_start3A_284 = tpu.memref_slice %arg2[%add3A_282, %dma_start3A_283] : memref<320000x128xf32, #tpu.memory_space<hbm>> -> memref<80x128xf32, #tpu.memory_space<hbm>>
        %dma_start3A_285 = arith.constant 0 : i32
        %dma_start3A_286 = tpu.memref_slice %arg2[%add3A_282, %dma_start3A_285] : memref<320000x128xf32, #tpu.memory_space<hbm>> -> memref<80x128xf32, #tpu.memory_space<hbm>>
        tpu.enqueue_dma source(%dma_start3A_286 : memref<80x128xf32, #tpu.memory_space<hbm>>) target(%arg9 : memref<80x128xf32, #tpu.memory_space<vmem>>) target_semaphore(%arg21 : memref<!tpu.dma_semaphore, #tpu.memory_space<semaphore_mem>>)
      } else {
      }
      %scan3A_161 = arith.constant 0 : i32
      %scan3A_162 = arith.constant 0 : i32
      %scan3A_163 = arith.constant 20 : i32
      %scan3A_164 = arith.addi %scan3A_162, %scan3A_163 : i32
      %scan3A_165 = arith.constant 1 : i32
      %scan3A_166 = scf.for %scan3A_255 = %scan3A_162 to %scan3A_164 step %scan3A_165 iter_args(%scan3A_256 = %scan3A_161) -> (i32)  : i32 {
        %mul3A_257 = arith.constant 4 : i32
        %mul3A_258 = arith.muli %scan3A_255, %mul3A_257 : i32
        %add3A_259 = arith.constant 0 : i32
        %add3A_260 = arith.addi %mul3A_258, %add3A_259 : i32
        %get3A = arith.index_cast %add3A_260 : i32 to index
        %get3A_261 = arith.constant 0 : index
        %get3A_262 = tpu.vector_load %arg8[%get3A, %get3A_261] {strides = array<i32>} : memref<80x128xf32, #tpu.memory_space<vmem>>, vector<1x16xf32>,
        %get3A_263 = vector.shape_cast %get3A_262 : vector<1x16xf32> to vector<16xf32>
        %get3A_264 = arith.index_cast %add3A_260 : i32 to index
        %get3A_265 = arith.constant 0 : index
        %get3A_266 = tpu.vector_load %arg10[%get3A_264, %get3A_265] {strides = array<i32>} : memref<80x128xf32, #tpu.memory_space<vmem>>, vector<1x16xf32>,
        %get3A_267 = vector.shape_cast %get3A_266 : vector<1x16xf32> to vector<16xf32>
        %mul3A_268 = arith.mulf %get3A_263, %get3A_267 : vector<16xf32>
        %mul3A_269 = arith.constant 1.000000e-01 : f32
        %mul3A_270 = vector.broadcast %mul3A_269 : f32 to vector<16xf32>
        %mul3A_271 = arith.mulf %mul3A_268, %mul3A_270 : vector<16xf32>
        %max3A = arith.maximumf %mul3A_268, %mul3A_271 : vector<16xf32>
        %swap3A = arith.index_cast %add3A_260 : i32 to index
        %swap3A_272 = arith.constant 0 : index
        %swap3A_273 = tpu.vector_load %arg8[%swap3A, %swap3A_272] {strides = array<i32>} : memref<80x128xf32, #tpu.memory_space<vmem>>, vector<1x16xf32>,
        %swap3A_274 = vector.shape_cast %swap3A_273 : vector<1x16xf32> to vector<16xf32>
        %swap3A_275 = vector.shape_cast %max3A : vector<16xf32> to vector<1x16xf32>
        tpu.vector_store %arg8[%swap3A, %swap3A_272], %swap3A_275 {strides = array<i32>} : memref<80x128xf32, #tpu.memory_space<vmem>>, vector<1x16xf32>,
        %get3A_276 = arith.index_cast %add3A_260 : i32 to index
        %get3A_277 = arith.constant 16 : index
        %get3A_278 = tpu.vector_load %arg8[%get3A_276, %get3A_277] {strides = array<i32>} : memref<80x128xf32, #tpu.memory_space<vmem>>, vector<1x16xf32>,
        %get3A_279 = vector.shape_cast %get3A_278 : vector<1x16xf32> to vector<16xf32>
        %get3A_280 = arith.index_cast %add3A_260 : i32 to index
        %get3A_281 = arith.constant 16 : index
        %get3A_282 = tpu.vector_load %arg10[%get3A_280, %get3A_281] {strides = array<i32>} : memref<80x128xf32, #tpu.memory_space<vmem>>, vector<1x16xf32>,
        %get3A_283 = vector.shape_cast %get3A_282 : vector<1x16xf32> to vector<16xf32>
        %mul3A_284 = arith.mulf %get3A_279, %get3A_283 : vector<16xf32>
        %mul3A_285 = arith.constant 1.000000e-01 : f32
        %mul3A_286 = vector.broadcast %mul3A_285 : f32 to vector<16xf32>
        %mul3A_287 = arith.mulf %mul3A_284, %mul3A_286 : vector<16xf32>
        %max3A_288 = arith.maximumf %mul3A_284, %mul3A_287 : vector<16xf32>
        %swap3A_289 = arith.index_cast %add3A_260 : i32 to index
        %swap3A_290 = arith.constant 16 : index
        %swap3A_291 = tpu.vector_load %arg8[%swap3A_289, %swap3A_290] {strides = array<i32>} : memref<80x128xf32, #tpu.memory_space<vmem>>, vector<1x16xf32>,
        %swap3A_292 = vector.shape_cast %swap3A_291 : vector<1x16xf32> to vector<16xf32>
        %swap3A_293 = vector.shape_cast %max3A_288 : vector<16xf32> to vector<1x16xf32>
        tpu.vector_store %arg8[%swap3A_289, %swap3A_290], %swap3A_293 {strides = array<i32>} : memref<80x128xf32, #tpu.memory_space<vmem>>, vector<1x16xf32>,
        %get3A_294 = arith.index_cast %add3A_260 : i32 to index
        %get3A_295 = arith.constant 32 : index
        %get3A_296 = tpu.vector_load %arg8[%get3A_294, %get3A_295] {strides = array<i32>} : memref<80x128xf32, #tpu.memory_space<vmem>>, vector<1x16xf32>,
        %get3A_297 = vector.shape_cast %get3A_296 : vector<1x16xf32> to vector<16xf32>
        %get3A_298 = arith.index_cast %add3A_260 : i32 to index
        %get3A_299 = arith.constant 32 : index
        %get3A_300 = tpu.vector_load %arg10[%get3A_298, %get3A_299] {strides = array<i32>} : memref<80x128xf32, #tpu.memory_space<vmem>>, vector<1x16xf32>,
        %get3A_301 = vector.shape_cast %get3A_300 : vector<1x16xf32> to vector<16xf32>
        %mul3A_302 = arith.mulf %get3A_297, %get3A_301 : vector<16xf32>
        %mul3A_303 = arith.constant 1.000000e-01 : f32
        %mul3A_304 = vector.broadcast %mul3A_303 : f32 to vector<16xf32>
        %mul3A_305 = arith.mulf %mul3A_302, %mul3A_304 : vector<16xf32>
        %max3A_306 = arith.maximumf %mul3A_302, %mul3A_305 : vector<16xf32>
        %swap3A_307 = arith.index_cast %add3A_260 : i32 to index
        %swap3A_308 = arith.constant 32 : index
        %swap3A_309 = tpu.vector_load %arg8[%swap3A_307, %swap3A_308] {strides = array<i32>} : memref<80x128xf32, #tpu.memory_space<vmem>>, vector<1x16xf32>,
        %swap3A_310 = vector.shape_cast %swap3A_309 : vector<1x16xf32> to vector<16xf32>
        %swap3A_311 = vector.shape_cast %max3A_306 : vector<16xf32> to vector<1x16xf32>
        tpu.vector_store %arg8[%swap3A_307, %swap3A_308], %swap3A_311 {strides = array<i32>} : memref<80x128xf32, #tpu.memory_space<vmem>>, vector<1x16xf32>,
        %get3A_312 = arith.index_cast %add3A_260 : i32 to index
        %get3A_313 = arith.constant 48 : index
        %get3A_314 = tpu.vector_load %arg8[%get3A_312, %get3A_313] {strides = array<i32>} : memref<80x128xf32, #tpu.memory_space<vmem>>, vector<1x16xf32>,
        %get3A_315 = vector.shape_cast %get3A_314 : vector<1x16xf32> to vector<16xf32>
        %get3A_316 = arith.index_cast %add3A_260 : i32 to index
        %get3A_317 = arith.constant 48 : index
        %get3A_318 = tpu.vector_load %arg10[%get3A_316, %get3A_317] {strides = array<i32>} : memref<80x128xf32, #tpu.memory_space<vmem>>, vector<1x16xf32>,
        %get3A_319 = vector.shape_cast %get3A_318 : vector<1x16xf32> to vector<16xf32>
        %mul3A_320 = arith.mulf %get3A_315, %get3A_319 : vector<16xf32>
        %mul3A_321 = arith.constant 1.000000e-01 : f32
        %mul3A_322 = vector.broadcast %mul3A_321 : f32 to vector<16xf32>
        %mul3A_323 = arith.mulf %mul3A_320, %mul3A_322 : vector<16xf32>
        %max3A_324 = arith.maximumf %mul3A_320, %mul3A_323 : vector<16xf32>
        %swap3A_325 = arith.index_cast %add3A_260 : i32 to index
        %swap3A_326 = arith.constant 48 : index
        %swap3A_327 = tpu.vector_load %arg8[%swap3A_325, %swap3A_326] {strides = array<i32>} : memref<80x128xf32, #tpu.memory_space<vmem>>, vector<1x16xf32>,
        %swap3A_328 = vector.shape_cast %swap3A_327 : vector<1x16xf32> to vector<16xf32>
        %swap3A_329 = vector.shape_cast %max3A_324 : vector<16xf32> to vector<1x16xf32>
        tpu.vector_store %arg8[%swap3A_325, %swap3A_326], %swap3A_329 {strides = array<i32>} : memref<80x128xf32, #tpu.memory_space<vmem>>, vector<1x16xf32>,
        %get3A_330 = arith.index_cast %add3A_260 : i32 to index
        %get3A_331 = arith.constant 64 : index
        %get3A_332 = tpu.vector_load %arg8[%get3A_330, %get3A_331] {strides = array<i32>} : memref<80x128xf32, #tpu.memory_space<vmem>>, vector<1x16xf32>,
        %get3A_333 = vector.shape_cast %get3A_332 : vector<1x16xf32> to vector<16xf32>
        %get3A_334 = arith.index_cast %add3A_260 : i32 to index
        %get3A_335 = arith.constant 64 : index
        %get3A_336 = tpu.vector_load %arg10[%get3A_334, %get3A_335] {strides = array<i32>} : memref<80x128xf32, #tpu.memory_space<vmem>>, vector<1x16xf32>,
        %get3A_337 = vector.shape_cast %get3A_336 : vector<1x16xf32> to vector<16xf32>
        %mul3A_338 = arith.mulf %get3A_333, %get3A_337 : vector<16xf32>
        %mul3A_339 = arith.constant 1.000000e-01 : f32
        %mul3A_340 = vector.broadcast %mul3A_339 : f32 to vector<16xf32>
        %mul3A_341 = arith.mulf %mul3A_338, %mul3A_340 : vector<16xf32>
        %max3A_342 = arith.maximumf %mul3A_338, %mul3A_341 : vector<16xf32>
        %swap3A_343 = arith.index_cast %add3A_260 : i32 to index
        %swap3A_344 = arith.constant 64 : index
        %swap3A_345 = tpu.vector_load %arg8[%swap3A_343, %swap3A_344] {strides = array<i32>} : memref<80x128xf32, #tpu.memory_space<vmem>>, vector<1x16xf32>,
        %swap3A_346 = vector.shape_cast %swap3A_345 : vector<1x16xf32> to vector<16xf32>
        %swap3A_347 = vector.shape_cast %max3A_342 : vector<16xf32> to vector<1x16xf32>
        tpu.vector_store %arg8[%swap3A_343, %swap3A_344], %swap3A_347 {strides = array<i32>} : memref<80x128xf32, #tpu.memory_space<vmem>>, vector<1x16xf32>,
        %get3A_348 = arith.index_cast %add3A_260 : i32 to index
        %get3A_349 = arith.constant 80 : index
        %get3A_350 = tpu.vector_load %arg8[%get3A_348, %get3A_349] {strides = array<i32>} : memref<80x128xf32, #tpu.memory_space<vmem>>, vector<1x16xf32>,
        %get3A_351 = vector.shape_cast %get3A_350 : vector<1x16xf32> to vector<16xf32>
        %get3A_352 = arith.index_cast %add3A_260 : i32 to index
        %get3A_353 = arith.constant 80 : index
        %get3A_354 = tpu.vector_load %arg10[%get3A_352, %get3A_353] {strides = array<i32>} : memref<80x128xf32, #tpu.memory_space<vmem>>, vector<1x16xf32>,
        %get3A_355 = vector.shape_cast %get3A_354 : vector<1x16xf32> to vector<16xf32>
        %mul3A_356 = arith.mulf %get3A_351, %get3A_355 : vector<16xf32>
        %mul3A_357 = arith.constant 1.000000e-01 : f32
        %mul3A_358 = vector.broadcast %mul3A_357 : f32 to vector<16xf32>
        %mul3A_359 = arith.mulf %mul3A_356, %mul3A_358 : vector<16xf32>
        %max3A_360 = arith.maximumf %mul3A_356, %mul3A_359 : vector<16xf32>
        %swap3A_361 = arith.index_cast %add3A_260 : i32 to index
        %swap3A_362 = arith.constant 80 : index
        %swap3A_363 = tpu.vector_load %arg8[%swap3A_361, %swap3A_362] {strides = array<i32>} : memref<80x128xf32, #tpu.memory_space<vmem>>, vector<1x16xf32>,
        %swap3A_364 = vector.shape_cast %swap3A_363 : vector<1x16xf32> to vector<16xf32>
        %swap3A_365 = vector.shape_cast %max3A_360 : vector<16xf32> to vector<1x16xf32>
        tpu.vector_store %arg8[%swap3A_361, %swap3A_362], %swap3A_365 {strides = array<i32>} : memref<80x128xf32, #tpu.memory_space<vmem>>, vector<1x16xf32>,
        %get3A_366 = arith.index_cast %add3A_260 : i32 to index
        %get3A_367 = arith.constant 96 : index
        %get3A_368 = tpu.vector_load %arg8[%get3A_366, %get3A_367] {strides = array<i32>} : memref<80x128xf32, #tpu.memory_space<vmem>>, vector<1x16xf32>,
        %get3A_369 = vector.shape_cast %get3A_368 : vector<1x16xf32> to vector<16xf32>
        %get3A_370 = arith.index_cast %add3A_260 : i32 to index
        %get3A_371 = arith.constant 96 : index
        %get3A_372 = tpu.vector_load %arg10[%get3A_370, %get3A_371] {strides = array<i32>} : memref<80x128xf32, #tpu.memory_space<vmem>>, vector<1x16xf32>,
        %get3A_373 = vector.shape_cast %get3A_372 : vector<1x16xf32> to vector<16xf32>
        %mul3A_374 = arith.mulf %get3A_369, %get3A_373 : vector<16xf32>
        %mul3A_375 = arith.constant 1.000000e-01 : f32
        %mul3A_376 = vector.broadcast %mul3A_375 : f32 to vector<16xf32>
        %mul3A_377 = arith.mulf %mul3A_374, %mul3A_376 : vector<16xf32>
        %max3A_378 = arith.maximumf %mul3A_374, %mul3A_377 : vector<16xf32>
        %swap3A_379 = arith.index_cast %add3A_260 : i32 to index
        %swap3A_380 = arith.constant 96 : index
        %swap3A_381 = tpu.vector_load %arg8[%swap3A_379, %swap3A_380] {strides = array<i32>} : memref<80x128xf32, #tpu.memory_space<vmem>>, vector<1x16xf32>,
        %swap3A_382 = vector.shape_cast %swap3A_381 : vector<1x16xf32> to vector<16xf32>
        %swap3A_383 = vector.shape_cast %max3A_378 : vector<16xf32> to vector<1x16xf32>
        tpu.vector_store %arg8[%swap3A_379, %swap3A_380], %swap3A_383 {strides = array<i32>} : memref<80x128xf32, #tpu.memory_space<vmem>>, vector<1x16xf32>,
        %get3A_384 = arith.index_cast %add3A_260 : i32 to index
        %get3A_385 = arith.constant 112 : index
        %get3A_386 = tpu.vector_load %arg8[%get3A_384, %get3A_385] {strides = array<i32>} : memref<80x128xf32, #tpu.memory_space<vmem>>, vector<1x16xf32>,
        %get3A_387 = vector.shape_cast %get3A_386 : vector<1x16xf32> to vector<16xf32>
        %get3A_388 = arith.index_cast %add3A_260 : i32 to index
        %get3A_389 = arith.constant 112 : index
        %get3A_390 = tpu.vector_load %arg10[%get3A_388, %get3A_389] {strides = array<i32>} : memref<80x128xf32, #tpu.memory_space<vmem>>, vector<1x16xf32>,
        %get3A_391 = vector.shape_cast %get3A_390 : vector<1x16xf32> to vector<16xf32>
        %mul3A_392 = arith.mulf %get3A_387, %get3A_391 : vector<16xf32>
        %mul3A_393 = arith.constant 1.000000e-01 : f32
        %mul3A_394 = vector.broadcast %mul3A_393 : f32 to vector<16xf32>
        %mul3A_395 = arith.mulf %mul3A_392, %mul3A_394 : vector<16xf32>
        %max3A_396 = arith.maximumf %mul3A_392, %mul3A_395 : vector<16xf32>
        %swap3A_397 = arith.index_cast %add3A_260 : i32 to index
        %swap3A_398 = arith.constant 112 : index
        %swap3A_399 = tpu.vector_load %arg8[%swap3A_397, %swap3A_398] {strides = array<i32>} : memref<80x128xf32, #tpu.memory_space<vmem>>, vector<1x16xf32>,
        %swap3A_400 = vector.shape_cast %swap3A_399 : vector<1x16xf32> to vector<16xf32>
        %swap3A_401 = vector.shape_cast %max3A_396 : vector<16xf32> to vector<1x16xf32>
        tpu.vector_store %arg8[%swap3A_397, %swap3A_398], %swap3A_401 {strides = array<i32>} : memref<80x128xf32, #tpu.memory_space<vmem>>, vector<1x16xf32>,
        %mul3A_402 = arith.constant 4 : i32
        %mul3A_403 = arith.muli %scan3A_255, %mul3A_402 : i32
        %add3A_404 = arith.constant 1 : i32
        %add3A_405 = arith.addi %mul3A_403, %add3A_404 : i32
        %get3A_406 = arith.index_cast %add3A_405 : i32 to index
        %get3A_407 = arith.constant 0 : index
        %get3A_408 = tpu.vector_load %arg8[%get3A_406, %get3A_407] {strides = array<i32>} : memref<80x128xf32, #tpu.memory_space<vmem>>, vector<1x16xf32>,
        %get3A_409 = vector.shape_cast %get3A_408 : vector<1x16xf32> to vector<16xf32>
        %get3A_410 = arith.index_cast %add3A_405 : i32 to index
        %get3A_411 = arith.constant 0 : index
        %get3A_412 = tpu.vector_load %arg10[%get3A_410, %get3A_411] {strides = array<i32>} : memref<80x128xf32, #tpu.memory_space<vmem>>, vector<1x16xf32>,
        %get3A_413 = vector.shape_cast %get3A_412 : vector<1x16xf32> to vector<16xf32>
        %mul3A_414 = arith.mulf %get3A_409, %get3A_413 : vector<16xf32>
        %mul3A_415 = arith.constant 1.000000e-01 : f32
        %mul3A_416 = vector.broadcast %mul3A_415 : f32 to vector<16xf32>
        %mul3A_417 = arith.mulf %mul3A_414, %mul3A_416 : vector<16xf32>
        %max3A_418 = arith.maximumf %mul3A_414, %mul3A_417 : vector<16xf32>
        %swap3A_419 = arith.index_cast %add3A_405 : i32 to index
        %swap3A_420 = arith.constant 0 : index
        %swap3A_421 = tpu.vector_load %arg8[%swap3A_419, %swap3A_420] {strides = array<i32>} : memref<80x128xf32, #tpu.memory_space<vmem>>, vector<1x16xf32>,
        %swap3A_422 = vector.shape_cast %swap3A_421 : vector<1x16xf32> to vector<16xf32>
        %swap3A_423 = vector.shape_cast %max3A_418 : vector<16xf32> to vector<1x16xf32>
        tpu.vector_store %arg8[%swap3A_419, %swap3A_420], %swap3A_423 {strides = array<i32>} : memref<80x128xf32, #tpu.memory_space<vmem>>, vector<1x16xf32>,
        %get3A_424 = arith.index_cast %add3A_405 : i32 to index
        %get3A_425 = arith.constant 16 : index
        %get3A_426 = tpu.vector_load %arg8[%get3A_424, %get3A_425] {strides = array<i32>} : memref<80x128xf32, #tpu.memory_space<vmem>>, vector<1x16xf32>,
        %get3A_427 = vector.shape_cast %get3A_426 : vector<1x16xf32> to vector<16xf32>
        %get3A_428 = arith.index_cast %add3A_405 : i32 to index
        %get3A_429 = arith.constant 16 : index
        %get3A_430 = tpu.vector_load %arg10[%get3A_428, %get3A_429] {strides = array<i32>} : memref<80x128xf32, #tpu.memory_space<vmem>>, vector<1x16xf32>,
        %get3A_431 = vector.shape_cast %get3A_430 : vector<1x16xf32> to vector<16xf32>
        %mul3A_432 = arith.mulf %get3A_427, %get3A_431 : vector<16xf32>
        %mul3A_433 = arith.constant 1.000000e-01 : f32
        %mul3A_434 = vector.broadcast %mul3A_433 : f32 to vector<16xf32>
        %mul3A_435 = arith.mulf %mul3A_432, %mul3A_434 : vector<16xf32>
        %max3A_436 = arith.maximumf %mul3A_432, %mul3A_435 : vector<16xf32>
        %swap3A_437 = arith.index_cast %add3A_405 : i32 to index
        %swap3A_438 = arith.constant 16 : index
        %swap3A_439 = tpu.vector_load %arg8[%swap3A_437, %swap3A_438] {strides = array<i32>} : memref<80x128xf32, #tpu.memory_space<vmem>>, vector<1x16xf32>,
        %swap3A_440 = vector.shape_cast %swap3A_439 : vector<1x16xf32> to vector<16xf32>
        %swap3A_441 = vector.shape_cast %max3A_436 : vector<16xf32> to vector<1x16xf32>
        tpu.vector_store %arg8[%swap3A_437, %swap3A_438], %swap3A_441 {strides = array<i32>} : memref<80x128xf32, #tpu.memory_space<vmem>>, vector<1x16xf32>,
        %get3A_442 = arith.index_cast %add3A_405 : i32 to index
        %get3A_443 = arith.constant 32 : index
        %get3A_444 = tpu.vector_load %arg8[%get3A_442, %get3A_443] {strides = array<i32>} : memref<80x128xf32, #tpu.memory_space<vmem>>, vector<1x16xf32>,
        %get3A_445 = vector.shape_cast %get3A_444 : vector<1x16xf32> to vector<16xf32>
        %get3A_446 = arith.index_cast %add3A_405 : i32 to index
        %get3A_447 = arith.constant 32 : index
        %get3A_448 = tpu.vector_load %arg10[%get3A_446, %get3A_447] {strides = array<i32>} : memref<80x128xf32, #tpu.memory_space<vmem>>, vector<1x16xf32>,
        %get3A_449 = vector.shape_cast %get3A_448 : vector<1x16xf32> to vector<16xf32>
        %mul3A_450 = arith.mulf %get3A_445, %get3A_449 : vector<16xf32>
        %mul3A_451 = arith.constant 1.000000e-01 : f32
        %mul3A_452 = vector.broadcast %mul3A_451 : f32 to vector<16xf32>
        %mul3A_453 = arith.mulf %mul3A_450, %mul3A_452 : vector<16xf32>
        %max3A_454 = arith.maximumf %mul3A_450, %mul3A_453 : vector<16xf32>
        %swap3A_455 = arith.index_cast %add3A_405 : i32 to index
        %swap3A_456 = arith.constant 32 : index
        %swap3A_457 = tpu.vector_load %arg8[%swap3A_455, %swap3A_456] {strides = array<i32>} : memref<80x128xf32, #tpu.memory_space<vmem>>, vector<1x16xf32>,
        %swap3A_458 = vector.shape_cast %swap3A_457 : vector<1x16xf32> to vector<16xf32>
        %swap3A_459 = vector.shape_cast %max3A_454 : vector<16xf32> to vector<1x16xf32>
        tpu.vector_store %arg8[%swap3A_455, %swap3A_456], %swap3A_459 {strides = array<i32>} : memref<80x128xf32, #tpu.memory_space<vmem>>, vector<1x16xf32>,
        %get3A_460 = arith.index_cast %add3A_405 : i32 to index
        %get3A_461 = arith.constant 48 : index
        %get3A_462 = tpu.vector_load %arg8[%get3A_460, %get3A_461] {strides = array<i32>} : memref<80x128xf32, #tpu.memory_space<vmem>>, vector<1x16xf32>,
        %get3A_463 = vector.shape_cast %get3A_462 : vector<1x16xf32> to vector<16xf32>
        %get3A_464 = arith.index_cast %add3A_405 : i32 to index
        %get3A_465 = arith.constant 48 : index
        %get3A_466 = tpu.vector_load %arg10[%get3A_464, %get3A_465] {strides = array<i32>} : memref<80x128xf32, #tpu.memory_space<vmem>>, vector<1x16xf32>,
        %get3A_467 = vector.shape_cast %get3A_466 : vector<1x16xf32> to vector<16xf32>
        %mul3A_468 = arith.mulf %get3A_463, %get3A_467 : vector<16xf32>
        %mul3A_469 = arith.constant 1.000000e-01 : f32
        %mul3A_470 = vector.broadcast %mul3A_469 : f32 to vector<16xf32>
        %mul3A_471 = arith.mulf %mul3A_468, %mul3A_470 : vector<16xf32>
        %max3A_472 = arith.maximumf %mul3A_468, %mul3A_471 : vector<16xf32>
        %swap3A_473 = arith.index_cast %add3A_405 : i32 to index
        %swap3A_474 = arith.constant 48 : index
        %swap3A_475 = tpu.vector_load %arg8[%swap3A_473, %swap3A_474] {strides = array<i32>} : memref<80x128xf32, #tpu.memory_space<vmem>>, vector<1x16xf32>,
        %swap3A_476 = vector.shape_cast %swap3A_475 : vector<1x16xf32> to vector<16xf32>
        %swap3A_477 = vector.shape_cast %max3A_472 : vector<16xf32> to vector<1x16xf32>
        tpu.vector_store %arg8[%swap3A_473, %swap3A_474], %swap3A_477 {strides = array<i32>} : memref<80x128xf32, #tpu.memory_space<vmem>>, vector<1x16xf32>,
        %get3A_478 = arith.index_cast %add3A_405 : i32 to index
        %get3A_479 = arith.constant 64 : index
        %get3A_480 = tpu.vector_load %arg8[%get3A_478, %get3A_479] {strides = array<i32>} : memref<80x128xf32, #tpu.memory_space<vmem>>, vector<1x16xf32>,
        %get3A_481 = vector.shape_cast %get3A_480 : vector<1x16xf32> to vector<16xf32>
        %get3A_482 = arith.index_cast %add3A_405 : i32 to index
        %get3A_483 = arith.constant 64 : index
        %get3A_484 = tpu.vector_load %arg10[%get3A_482, %get3A_483] {strides = array<i32>} : memref<80x128xf32, #tpu.memory_space<vmem>>, vector<1x16xf32>,
        %get3A_485 = vector.shape_cast %get3A_484 : vector<1x16xf32> to vector<16xf32>
        %mul3A_486 = arith.mulf %get3A_481, %get3A_485 : vector<16xf32>
        %mul3A_487 = arith.constant 1.000000e-01 : f32
        %mul3A_488 = vector.broadcast %mul3A_487 : f32 to vector<16xf32>
        %mul3A_489 = arith.mulf %mul3A_486, %mul3A_488 : vector<16xf32>
        %max3A_490 = arith.maximumf %mul3A_486, %mul3A_489 : vector<16xf32>
        %swap3A_491 = arith.index_cast %add3A_405 : i32 to index
        %swap3A_492 = arith.constant 64 : index
        %swap3A_493 = tpu.vector_load %arg8[%swap3A_491, %swap3A_492] {strides = array<i32>} : memref<80x128xf32, #tpu.memory_space<vmem>>, vector<1x16xf32>,
        %swap3A_494 = vector.shape_cast %swap3A_493 : vector<1x16xf32> to vector<16xf32>
        %swap3A_495 = vector.shape_cast %max3A_490 : vector<16xf32> to vector<1x16xf32>
        tpu.vector_store %arg8[%swap3A_491, %swap3A_492], %swap3A_495 {strides = array<i32>} : memref<80x128xf32, #tpu.memory_space<vmem>>, vector<1x16xf32>,
        %get3A_496 = arith.index_cast %add3A_405 : i32 to index
        %get3A_497 = arith.constant 80 : index
        %get3A_498 = tpu.vector_load %arg8[%get3A_496, %get3A_497] {strides = array<i32>} : memref<80x128xf32, #tpu.memory_space<vmem>>, vector<1x16xf32>,
        %get3A_499 = vector.shape_cast %get3A_498 : vector<1x16xf32> to vector<16xf32>
        %get3A_500 = arith.index_cast %add3A_405 : i32 to index
        %get3A_501 = arith.constant 80 : index
        %get3A_502 = tpu.vector_load %arg10[%get3A_500, %get3A_501] {strides = array<i32>} : memref<80x128xf32, #tpu.memory_space<vmem>>, vector<1x16xf32>,
        %get3A_503 = vector.shape_cast %get3A_502 : vector<1x16xf32> to vector<16xf32>
        %mul3A_504 = arith.mulf %get3A_499, %get3A_503 : vector<16xf32>
        %mul3A_505 = arith.constant 1.000000e-01 : f32
        %mul3A_506 = vector.broadcast %mul3A_505 : f32 to vector<16xf32>
        %mul3A_507 = arith.mulf %mul3A_504, %mul3A_506 : vector<16xf32>
        %max3A_508 = arith.maximumf %mul3A_504, %mul3A_507 : vector<16xf32>
        %swap3A_509 = arith.index_cast %add3A_405 : i32 to index
        %swap3A_510 = arith.constant 80 : index
        %swap3A_511 = tpu.vector_load %arg8[%swap3A_509, %swap3A_510] {strides = array<i32>} : memref<80x128xf32, #tpu.memory_space<vmem>>, vector<1x16xf32>,
        %swap3A_512 = vector.shape_cast %swap3A_511 : vector<1x16xf32> to vector<16xf32>
        %swap3A_513 = vector.shape_cast %max3A_508 : vector<16xf32> to vector<1x16xf32>
        tpu.vector_store %arg8[%swap3A_509, %swap3A_510], %swap3A_513 {strides = array<i32>} : memref<80x128xf32, #tpu.memory_space<vmem>>, vector<1x16xf32>,
        %get3A_514 = arith.index_cast %add3A_405 : i32 to index
        %get3A_515 = arith.constant 96 : index
        %get3A_516 = tpu.vector_load %arg8[%get3A_514, %get3A_515] {strides = array<i32>} : memref<80x128xf32, #tpu.memory_space<vmem>>, vector<1x16xf32>,
        %get3A_517 = vector.shape_cast %get3A_516 : vector<1x16xf32> to vector<16xf32>
        %get3A_518 = arith.index_cast %add3A_405 : i32 to index
        %get3A_519 = arith.constant 96 : index
        %get3A_520 = tpu.vector_load %arg10[%get3A_518, %get3A_519] {strides = array<i32>} : memref<80x128xf32, #tpu.memory_space<vmem>>, vector<1x16xf32>,
        %get3A_521 = vector.shape_cast %get3A_520 : vector<1x16xf32> to vector<16xf32>
        %mul3A_522 = arith.mulf %get3A_517, %get3A_521 : vector<16xf32>
        %mul3A_523 = arith.constant 1.000000e-01 : f32
        %mul3A_524 = vector.broadcast %mul3A_523 : f32 to vector<16xf32>
        %mul3A_525 = arith.mulf %mul3A_522, %mul3A_524 : vector<16xf32>
        %max3A_526 = arith.maximumf %mul3A_522, %mul3A_525 : vector<16xf32>
        %swap3A_527 = arith.index_cast %add3A_405 : i32 to index
        %swap3A_528 = arith.constant 96 : index
        %swap3A_529 = tpu.vector_load %arg8[%swap3A_527, %swap3A_528] {strides = array<i32>} : memref<80x128xf32, #tpu.memory_space<vmem>>, vector<1x16xf32>,
        %swap3A_530 = vector.shape_cast %swap3A_529 : vector<1x16xf32> to vector<16xf32>
        %swap3A_531 = vector.shape_cast %max3A_526 : vector<16xf32> to vector<1x16xf32>
        tpu.vector_store %arg8[%swap3A_527, %swap3A_528], %swap3A_531 {strides = array<i32>} : memref<80x128xf32, #tpu.memory_space<vmem>>, vector<1x16xf32>,
        %get3A_532 = arith.index_cast %add3A_405 : i32 to index
        %get3A_533 = arith.constant 112 : index
        %get3A_534 = tpu.vector_load %arg8[%get3A_532, %get3A_533] {strides = array<i32>} : memref<80x128xf32, #tpu.memory_space<vmem>>, vector<1x16xf32>,
        %get3A_535 = vector.shape_cast %get3A_534 : vector<1x16xf32> to vector<16xf32>
        %get3A_536 = arith.index_cast %add3A_405 : i32 to index
        %get3A_537 = arith.constant 112 : index
        %get3A_538 = tpu.vector_load %arg10[%get3A_536, %get3A_537] {strides = array<i32>} : memref<80x128xf32, #tpu.memory_space<vmem>>, vector<1x16xf32>,
        %get3A_539 = vector.shape_cast %get3A_538 : vector<1x16xf32> to vector<16xf32>
        %mul3A_540 = arith.mulf %get3A_535, %get3A_539 : vector<16xf32>
        %mul3A_541 = arith.constant 1.000000e-01 : f32
        %mul3A_542 = vector.broadcast %mul3A_541 : f32 to vector<16xf32>
        %mul3A_543 = arith.mulf %mul3A_540, %mul3A_542 : vector<16xf32>
        %max3A_544 = arith.maximumf %mul3A_540, %mul3A_543 : vector<16xf32>
        %swap3A_545 = arith.index_cast %add3A_405 : i32 to index
        %swap3A_546 = arith.constant 112 : index
        %swap3A_547 = tpu.vector_load %arg8[%swap3A_545, %swap3A_546] {strides = array<i32>} : memref<80x128xf32, #tpu.memory_space<vmem>>, vector<1x16xf32>,
        %swap3A_548 = vector.shape_cast %swap3A_547 : vector<1x16xf32> to vector<16xf32>
        %swap3A_549 = vector.shape_cast %max3A_544 : vector<16xf32> to vector<1x16xf32>
        tpu.vector_store %arg8[%swap3A_545, %swap3A_546], %swap3A_549 {strides = array<i32>} : memref<80x128xf32, #tpu.memory_space<vmem>>, vector<1x16xf32>,
        %mul3A_550 = arith.constant 4 : i32
        %mul3A_551 = arith.muli %scan3A_255, %mul3A_550 : i32
        %add3A_552 = arith.constant 2 : i32
        %add3A_553 = arith.addi %mul3A_551, %add3A_552 : i32
        %get3A_554 = arith.index_cast %add3A_553 : i32 to index
        %get3A_555 = arith.constant 0 : index
        %get3A_556 = tpu.vector_load %arg8[%get3A_554, %get3A_555] {strides = array<i32>} : memref<80x128xf32, #tpu.memory_space<vmem>>, vector<1x16xf32>,
        %get3A_557 = vector.shape_cast %get3A_556 : vector<1x16xf32> to vector<16xf32>
        %get3A_558 = arith.index_cast %add3A_553 : i32 to index
        %get3A_559 = arith.constant 0 : index
        %get3A_560 = tpu.vector_load %arg10[%get3A_558, %get3A_559] {strides = array<i32>} : memref<80x128xf32, #tpu.memory_space<vmem>>, vector<1x16xf32>,
        %get3A_561 = vector.shape_cast %get3A_560 : vector<1x16xf32> to vector<16xf32>
        %mul3A_562 = arith.mulf %get3A_557, %get3A_561 : vector<16xf32>
        %mul3A_563 = arith.constant 1.000000e-01 : f32
        %mul3A_564 = vector.broadcast %mul3A_563 : f32 to vector<16xf32>
        %mul3A_565 = arith.mulf %mul3A_562, %mul3A_564 : vector<16xf32>
        %max3A_566 = arith.maximumf %mul3A_562, %mul3A_565 : vector<16xf32>
        %swap3A_567 = arith.index_cast %add3A_553 : i32 to index
        %swap3A_568 = arith.constant 0 : index
        %swap3A_569 = tpu.vector_load %arg8[%swap3A_567, %swap3A_568] {strides = array<i32>} : memref<80x128xf32, #tpu.memory_space<vmem>>, vector<1x16xf32>,
        %swap3A_570 = vector.shape_cast %swap3A_569 : vector<1x16xf32> to vector<16xf32>
        %swap3A_571 = vector.shape_cast %max3A_566 : vector<16xf32> to vector<1x16xf32>
        tpu.vector_store %arg8[%swap3A_567, %swap3A_568], %swap3A_571 {strides = array<i32>} : memref<80x128xf32, #tpu.memory_space<vmem>>, vector<1x16xf32>,
        %get3A_572 = arith.index_cast %add3A_553 : i32 to index
        %get3A_573 = arith.constant 16 : index
        %get3A_574 = tpu.vector_load %arg8[%get3A_572, %get3A_573] {strides = array<i32>} : memref<80x128xf32, #tpu.memory_space<vmem>>, vector<1x16xf32>,
        %get3A_575 = vector.shape_cast %get3A_574 : vector<1x16xf32> to vector<16xf32>
        %get3A_576 = arith.index_cast %add3A_553 : i32 to index
        %get3A_577 = arith.constant 16 : index
        %get3A_578 = tpu.vector_load %arg10[%get3A_576, %get3A_577] {strides = array<i32>} : memref<80x128xf32, #tpu.memory_space<vmem>>, vector<1x16xf32>,
        %get3A_579 = vector.shape_cast %get3A_578 : vector<1x16xf32> to vector<16xf32>
        %mul3A_580 = arith.mulf %get3A_575, %get3A_579 : vector<16xf32>
        %mul3A_581 = arith.constant 1.000000e-01 : f32
        %mul3A_582 = vector.broadcast %mul3A_581 : f32 to vector<16xf32>
        %mul3A_583 = arith.mulf %mul3A_580, %mul3A_582 : vector<16xf32>
        %max3A_584 = arith.maximumf %mul3A_580, %mul3A_583 : vector<16xf32>
        %swap3A_585 = arith.index_cast %add3A_553 : i32 to index
        %swap3A_586 = arith.constant 16 : index
        %swap3A_587 = tpu.vector_load %arg8[%swap3A_585, %swap3A_586] {strides = array<i32>} : memref<80x128xf32, #tpu.memory_space<vmem>>, vector<1x16xf32>,
        %swap3A_588 = vector.shape_cast %swap3A_587 : vector<1x16xf32> to vector<16xf32>
        %swap3A_589 = vector.shape_cast %max3A_584 : vector<16xf32> to vector<1x16xf32>
        tpu.vector_store %arg8[%swap3A_585, %swap3A_586], %swap3A_589 {strides = array<i32>} : memref<80x128xf32, #tpu.memory_space<vmem>>, vector<1x16xf32>,
        %get3A_590 = arith.index_cast %add3A_553 : i32 to index
        %get3A_591 = arith.constant 32 : index
        %get3A_592 = tpu.vector_load %arg8[%get3A_590, %get3A_591] {strides = array<i32>} : memref<80x128xf32, #tpu.memory_space<vmem>>, vector<1x16xf32>,
        %get3A_593 = vector.shape_cast %get3A_592 : vector<1x16xf32> to vector<16xf32>
        %get3A_594 = arith.index_cast %add3A_553 : i32 to index
        %get3A_595 = arith.constant 32 : index
        %get3A_596 = tpu.vector_load %arg10[%get3A_594, %get3A_595] {strides = array<i32>} : memref<80x128xf32, #tpu.memory_space<vmem>>, vector<1x16xf32>,
        %get3A_597 = vector.shape_cast %get3A_596 : vector<1x16xf32> to vector<16xf32>
        %mul3A_598 = arith.mulf %get3A_593, %get3A_597 : vector<16xf32>
        %mul3A_599 = arith.constant 1.000000e-01 : f32
        %mul3A_600 = vector.broadcast %mul3A_599 : f32 to vector<16xf32>
        %mul3A_601 = arith.mulf %mul3A_598, %mul3A_600 : vector<16xf32>
        %max3A_602 = arith.maximumf %mul3A_598, %mul3A_601 : vector<16xf32>
        %swap3A_603 = arith.index_cast %add3A_553 : i32 to index
        %swap3A_604 = arith.constant 32 : index
        %swap3A_605 = tpu.vector_load %arg8[%swap3A_603, %swap3A_604] {strides = array<i32>} : memref<80x128xf32, #tpu.memory_space<vmem>>, vector<1x16xf32>,
        %swap3A_606 = vector.shape_cast %swap3A_605 : vector<1x16xf32> to vector<16xf32>
        %swap3A_607 = vector.shape_cast %max3A_602 : vector<16xf32> to vector<1x16xf32>
        tpu.vector_store %arg8[%swap3A_603, %swap3A_604], %swap3A_607 {strides = array<i32>} : memref<80x128xf32, #tpu.memory_space<vmem>>, vector<1x16xf32>,
        %get3A_608 = arith.index_cast %add3A_553 : i32 to index
        %get3A_609 = arith.constant 48 : index
        %get3A_610 = tpu.vector_load %arg8[%get3A_608, %get3A_609] {strides = array<i32>} : memref<80x128xf32, #tpu.memory_space<vmem>>, vector<1x16xf32>,
        %get3A_611 = vector.shape_cast %get3A_610 : vector<1x16xf32> to vector<16xf32>
        %get3A_612 = arith.index_cast %add3A_553 : i32 to index
        %get3A_613 = arith.constant 48 : index
        %get3A_614 = tpu.vector_load %arg10[%get3A_612, %get3A_613] {strides = array<i32>} : memref<80x128xf32, #tpu.memory_space<vmem>>, vector<1x16xf32>,
        %get3A_615 = vector.shape_cast %get3A_614 : vector<1x16xf32> to vector<16xf32>
        %mul3A_616 = arith.mulf %get3A_611, %get3A_615 : vector<16xf32>
        %mul3A_617 = arith.constant 1.000000e-01 : f32
        %mul3A_618 = vector.broadcast %mul3A_617 : f32 to vector<16xf32>
        %mul3A_619 = arith.mulf %mul3A_616, %mul3A_618 : vector<16xf32>
        %max3A_620 = arith.maximumf %mul3A_616, %mul3A_619 : vector<16xf32>
        %swap3A_621 = arith.index_cast %add3A_553 : i32 to index
        %swap3A_622 = arith.constant 48 : index
        %swap3A_623 = tpu.vector_load %arg8[%swap3A_621, %swap3A_622] {strides = array<i32>} : memref<80x128xf32, #tpu.memory_space<vmem>>, vector<1x16xf32>,
        %swap3A_624 = vector.shape_cast %swap3A_623 : vector<1x16xf32> to vector<16xf32>
        %swap3A_625 = vector.shape_cast %max3A_620 : vector<16xf32> to vector<1x16xf32>
        tpu.vector_store %arg8[%swap3A_621, %swap3A_622], %swap3A_625 {strides = array<i32>} : memref<80x128xf32, #tpu.memory_space<vmem>>, vector<1x16xf32>,
        %get3A_626 = arith.index_cast %add3A_553 : i32 to index
        %get3A_627 = arith.constant 64 : index
        %get3A_628 = tpu.vector_load %arg8[%get3A_626, %get3A_627] {strides = array<i32>} : memref<80x128xf32, #tpu.memory_space<vmem>>, vector<1x16xf32>,
        %get3A_629 = vector.shape_cast %get3A_628 : vector<1x16xf32> to vector<16xf32>
        %get3A_630 = arith.index_cast %add3A_553 : i32 to index
        %get3A_631 = arith.constant 64 : index
        %get3A_632 = tpu.vector_load %arg10[%get3A_630, %get3A_631] {strides = array<i32>} : memref<80x128xf32, #tpu.memory_space<vmem>>, vector<1x16xf32>,
        %get3A_633 = vector.shape_cast %get3A_632 : vector<1x16xf32> to vector<16xf32>
        %mul3A_634 = arith.mulf %get3A_629, %get3A_633 : vector<16xf32>
        %mul3A_635 = arith.constant 1.000000e-01 : f32
        %mul3A_636 = vector.broadcast %mul3A_635 : f32 to vector<16xf32>
        %mul3A_637 = arith.mulf %mul3A_634, %mul3A_636 : vector<16xf32>
        %max3A_638 = arith.maximumf %mul3A_634, %mul3A_637 : vector<16xf32>
        %swap3A_639 = arith.index_cast %add3A_553 : i32 to index
        %swap3A_640 = arith.constant 64 : index
        %swap3A_641 = tpu.vector_load %arg8[%swap3A_639, %swap3A_640] {strides = array<i32>} : memref<80x128xf32, #tpu.memory_space<vmem>>, vector<1x16xf32>,
        %swap3A_642 = vector.shape_cast %swap3A_641 : vector<1x16xf32> to vector<16xf32>
        %swap3A_643 = vector.shape_cast %max3A_638 : vector<16xf32> to vector<1x16xf32>
        tpu.vector_store %arg8[%swap3A_639, %swap3A_640], %swap3A_643 {strides = array<i32>} : memref<80x128xf32, #tpu.memory_space<vmem>>, vector<1x16xf32>,
        %get3A_644 = arith.index_cast %add3A_553 : i32 to index
        %get3A_645 = arith.constant 80 : index
        %get3A_646 = tpu.vector_load %arg8[%get3A_644, %get3A_645] {strides = array<i32>} : memref<80x128xf32, #tpu.memory_space<vmem>>, vector<1x16xf32>,
        %get3A_647 = vector.shape_cast %get3A_646 : vector<1x16xf32> to vector<16xf32>
        %get3A_648 = arith.index_cast %add3A_553 : i32 to index
        %get3A_649 = arith.constant 80 : index
        %get3A_650 = tpu.vector_load %arg10[%get3A_648, %get3A_649] {strides = array<i32>} : memref<80x128xf32, #tpu.memory_space<vmem>>, vector<1x16xf32>,
        %get3A_651 = vector.shape_cast %get3A_650 : vector<1x16xf32> to vector<16xf32>
        %mul3A_652 = arith.mulf %get3A_647, %get3A_651 : vector<16xf32>
        %mul3A_653 = arith.constant 1.000000e-01 : f32
        %mul3A_654 = vector.broadcast %mul3A_653 : f32 to vector<16xf32>
        %mul3A_655 = arith.mulf %mul3A_652, %mul3A_654 : vector<16xf32>
        %max3A_656 = arith.maximumf %mul3A_652, %mul3A_655 : vector<16xf32>
        %swap3A_657 = arith.index_cast %add3A_553 : i32 to index
        %swap3A_658 = arith.constant 80 : index
        %swap3A_659 = tpu.vector_load %arg8[%swap3A_657, %swap3A_658] {strides = array<i32>} : memref<80x128xf32, #tpu.memory_space<vmem>>, vector<1x16xf32>,
        %swap3A_660 = vector.shape_cast %swap3A_659 : vector<1x16xf32> to vector<16xf32>
        %swap3A_661 = vector.shape_cast %max3A_656 : vector<16xf32> to vector<1x16xf32>
        tpu.vector_store %arg8[%swap3A_657, %swap3A_658], %swap3A_661 {strides = array<i32>} : memref<80x128xf32, #tpu.memory_space<vmem>>, vector<1x16xf32>,
        %get3A_662 = arith.index_cast %add3A_553 : i32 to index
        %get3A_663 = arith.constant 96 : index
        %get3A_664 = tpu.vector_load %arg8[%get3A_662, %get3A_663] {strides = array<i32>} : memref<80x128xf32, #tpu.memory_space<vmem>>, vector<1x16xf32>,
        %get3A_665 = vector.shape_cast %get3A_664 : vector<1x16xf32> to vector<16xf32>
        %get3A_666 = arith.index_cast %add3A_553 : i32 to index
        %get3A_667 = arith.constant 96 : index
        %get3A_668 = tpu.vector_load %arg10[%get3A_666, %get3A_667] {strides = array<i32>} : memref<80x128xf32, #tpu.memory_space<vmem>>, vector<1x16xf32>,
        %get3A_669 = vector.shape_cast %get3A_668 : vector<1x16xf32> to vector<16xf32>
        %mul3A_670 = arith.mulf %get3A_665, %get3A_669 : vector<16xf32>
        %mul3A_671 = arith.constant 1.000000e-01 : f32
        %mul3A_672 = vector.broadcast %mul3A_671 : f32 to vector<16xf32>
        %mul3A_673 = arith.mulf %mul3A_670, %mul3A_672 : vector<16xf32>
        %max3A_674 = arith.maximumf %mul3A_670, %mul3A_673 : vector<16xf32>
        %swap3A_675 = arith.index_cast %add3A_553 : i32 to index
        %swap3A_676 = arith.constant 96 : index
        %swap3A_677 = tpu.vector_load %arg8[%swap3A_675, %swap3A_676] {strides = array<i32>} : memref<80x128xf32, #tpu.memory_space<vmem>>, vector<1x16xf32>,
        %swap3A_678 = vector.shape_cast %swap3A_677 : vector<1x16xf32> to vector<16xf32>
        %swap3A_679 = vector.shape_cast %max3A_674 : vector<16xf32> to vector<1x16xf32>
        tpu.vector_store %arg8[%swap3A_675, %swap3A_676], %swap3A_679 {strides = array<i32>} : memref<80x128xf32, #tpu.memory_space<vmem>>, vector<1x16xf32>,
        %get3A_680 = arith.index_cast %add3A_553 : i32 to index
        %get3A_681 = arith.constant 112 : index
        %get3A_682 = tpu.vector_load %arg8[%get3A_680, %get3A_681] {strides = array<i32>} : memref<80x128xf32, #tpu.memory_space<vmem>>, vector<1x16xf32>,
        %get3A_683 = vector.shape_cast %get3A_682 : vector<1x16xf32> to vector<16xf32>
        %get3A_684 = arith.index_cast %add3A_553 : i32 to index
        %get3A_685 = arith.constant 112 : index
        %get3A_686 = tpu.vector_load %arg10[%get3A_684, %get3A_685] {strides = array<i32>} : memref<80x128xf32, #tpu.memory_space<vmem>>, vector<1x16xf32>,
        %get3A_687 = vector.shape_cast %get3A_686 : vector<1x16xf32> to vector<16xf32>
        %mul3A_688 = arith.mulf %get3A_683, %get3A_687 : vector<16xf32>
        %mul3A_689 = arith.constant 1.000000e-01 : f32
        %mul3A_690 = vector.broadcast %mul3A_689 : f32 to vector<16xf32>
        %mul3A_691 = arith.mulf %mul3A_688, %mul3A_690 : vector<16xf32>
        %max3A_692 = arith.maximumf %mul3A_688, %mul3A_691 : vector<16xf32>
        %swap3A_693 = arith.index_cast %add3A_553 : i32 to index
        %swap3A_694 = arith.constant 112 : index
        %swap3A_695 = tpu.vector_load %arg8[%swap3A_693, %swap3A_694] {strides = array<i32>} : memref<80x128xf32, #tpu.memory_space<vmem>>, vector<1x16xf32>,
        %swap3A_696 = vector.shape_cast %swap3A_695 : vector<1x16xf32> to vector<16xf32>
        %swap3A_697 = vector.shape_cast %max3A_692 : vector<16xf32> to vector<1x16xf32>
        tpu.vector_store %arg8[%swap3A_693, %swap3A_694], %swap3A_697 {strides = array<i32>} : memref<80x128xf32, #tpu.memory_space<vmem>>, vector<1x16xf32>,
        %mul3A_698 = arith.constant 4 : i32
        %mul3A_699 = arith.muli %scan3A_255, %mul3A_698 : i32
        %add3A_700 = arith.constant 3 : i32
        %add3A_701 = arith.addi %mul3A_699, %add3A_700 : i32
        %get3A_702 = arith.index_cast %add3A_701 : i32 to index
        %get3A_703 = arith.constant 0 : index
        %get3A_704 = tpu.vector_load %arg8[%get3A_702, %get3A_703] {strides = array<i32>} : memref<80x128xf32, #tpu.memory_space<vmem>>, vector<1x16xf32>,
        %get3A_705 = vector.shape_cast %get3A_704 : vector<1x16xf32> to vector<16xf32>
        %get3A_706 = arith.index_cast %add3A_701 : i32 to index
        %get3A_707 = arith.constant 0 : index
        %get3A_708 = tpu.vector_load %arg10[%get3A_706, %get3A_707] {strides = array<i32>} : memref<80x128xf32, #tpu.memory_space<vmem>>, vector<1x16xf32>,
        %get3A_709 = vector.shape_cast %get3A_708 : vector<1x16xf32> to vector<16xf32>
        %mul3A_710 = arith.mulf %get3A_705, %get3A_709 : vector<16xf32>
        %mul3A_711 = arith.constant 1.000000e-01 : f32
        %mul3A_712 = vector.broadcast %mul3A_711 : f32 to vector<16xf32>
        %mul3A_713 = arith.mulf %mul3A_710, %mul3A_712 : vector<16xf32>
        %max3A_714 = arith.maximumf %mul3A_710, %mul3A_713 : vector<16xf32>
        %swap3A_715 = arith.index_cast %add3A_701 : i32 to index
        %swap3A_716 = arith.constant 0 : index
        %swap3A_717 = tpu.vector_load %arg8[%swap3A_715, %swap3A_716] {strides = array<i32>} : memref<80x128xf32, #tpu.memory_space<vmem>>, vector<1x16xf32>,
        %swap3A_718 = vector.shape_cast %swap3A_717 : vector<1x16xf32> to vector<16xf32>
        %swap3A_719 = vector.shape_cast %max3A_714 : vector<16xf32> to vector<1x16xf32>
        tpu.vector_store %arg8[%swap3A_715, %swap3A_716], %swap3A_719 {strides = array<i32>} : memref<80x128xf32, #tpu.memory_space<vmem>>, vector<1x16xf32>,
        %get3A_720 = arith.index_cast %add3A_701 : i32 to index
        %get3A_721 = arith.constant 16 : index
        %get3A_722 = tpu.vector_load %arg8[%get3A_720, %get3A_721] {strides = array<i32>} : memref<80x128xf32, #tpu.memory_space<vmem>>, vector<1x16xf32>,
        %get3A_723 = vector.shape_cast %get3A_722 : vector<1x16xf32> to vector<16xf32>
        %get3A_724 = arith.index_cast %add3A_701 : i32 to index
        %get3A_725 = arith.constant 16 : index
        %get3A_726 = tpu.vector_load %arg10[%get3A_724, %get3A_725] {strides = array<i32>} : memref<80x128xf32, #tpu.memory_space<vmem>>, vector<1x16xf32>,
        %get3A_727 = vector.shape_cast %get3A_726 : vector<1x16xf32> to vector<16xf32>
        %mul3A_728 = arith.mulf %get3A_723, %get3A_727 : vector<16xf32>
        %mul3A_729 = arith.constant 1.000000e-01 : f32
        %mul3A_730 = vector.broadcast %mul3A_729 : f32 to vector<16xf32>
        %mul3A_731 = arith.mulf %mul3A_728, %mul3A_730 : vector<16xf32>
        %max3A_732 = arith.maximumf %mul3A_728, %mul3A_731 : vector<16xf32>
        %swap3A_733 = arith.index_cast %add3A_701 : i32 to index
        %swap3A_734 = arith.constant 16 : index
        %swap3A_735 = tpu.vector_load %arg8[%swap3A_733, %swap3A_734] {strides = array<i32>} : memref<80x128xf32, #tpu.memory_space<vmem>>, vector<1x16xf32>,
        %swap3A_736 = vector.shape_cast %swap3A_735 : vector<1x16xf32> to vector<16xf32>
        %swap3A_737 = vector.shape_cast %max3A_732 : vector<16xf32> to vector<1x16xf32>
        tpu.vector_store %arg8[%swap3A_733, %swap3A_734], %swap3A_737 {strides = array<i32>} : memref<80x128xf32, #tpu.memory_space<vmem>>, vector<1x16xf32>,
        %get3A_738 = arith.index_cast %add3A_701 : i32 to index
        %get3A_739 = arith.constant 32 : index
        %get3A_740 = tpu.vector_load %arg8[%get3A_738, %get3A_739] {strides = array<i32>} : memref<80x128xf32, #tpu.memory_space<vmem>>, vector<1x16xf32>,
        %get3A_741 = vector.shape_cast %get3A_740 : vector<1x16xf32> to vector<16xf32>
        %get3A_742 = arith.index_cast %add3A_701 : i32 to index
        %get3A_743 = arith.constant 32 : index
        %get3A_744 = tpu.vector_load %arg10[%get3A_742, %get3A_743] {strides = array<i32>} : memref<80x128xf32, #tpu.memory_space<vmem>>, vector<1x16xf32>,
        %get3A_745 = vector.shape_cast %get3A_744 : vector<1x16xf32> to vector<16xf32>
        %mul3A_746 = arith.mulf %get3A_741, %get3A_745 : vector<16xf32>
        %mul3A_747 = arith.constant 1.000000e-01 : f32
        %mul3A_748 = vector.broadcast %mul3A_747 : f32 to vector<16xf32>
        %mul3A_749 = arith.mulf %mul3A_746, %mul3A_748 : vector<16xf32>
        %max3A_750 = arith.maximumf %mul3A_746, %mul3A_749 : vector<16xf32>
        %swap3A_751 = arith.index_cast %add3A_701 : i32 to index
        %swap3A_752 = arith.constant 32 : index
        %swap3A_753 = tpu.vector_load %arg8[%swap3A_751, %swap3A_752] {strides = array<i32>} : memref<80x128xf32, #tpu.memory_space<vmem>>, vector<1x16xf32>,
        %swap3A_754 = vector.shape_cast %swap3A_753 : vector<1x16xf32> to vector<16xf32>
        %swap3A_755 = vector.shape_cast %max3A_750 : vector<16xf32> to vector<1x16xf32>
        tpu.vector_store %arg8[%swap3A_751, %swap3A_752], %swap3A_755 {strides = array<i32>} : memref<80x128xf32, #tpu.memory_space<vmem>>, vector<1x16xf32>,
        %get3A_756 = arith.index_cast %add3A_701 : i32 to index
        %get3A_757 = arith.constant 48 : index
        %get3A_758 = tpu.vector_load %arg8[%get3A_756, %get3A_757] {strides = array<i32>} : memref<80x128xf32, #tpu.memory_space<vmem>>, vector<1x16xf32>,
        %get3A_759 = vector.shape_cast %get3A_758 : vector<1x16xf32> to vector<16xf32>
        %get3A_760 = arith.index_cast %add3A_701 : i32 to index
        %get3A_761 = arith.constant 48 : index
        %get3A_762 = tpu.vector_load %arg10[%get3A_760, %get3A_761] {strides = array<i32>} : memref<80x128xf32, #tpu.memory_space<vmem>>, vector<1x16xf32>,
        %get3A_763 = vector.shape_cast %get3A_762 : vector<1x16xf32> to vector<16xf32>
        %mul3A_764 = arith.mulf %get3A_759, %get3A_763 : vector<16xf32>
        %mul3A_765 = arith.constant 1.000000e-01 : f32
        %mul3A_766 = vector.broadcast %mul3A_765 : f32 to vector<16xf32>
        %mul3A_767 = arith.mulf %mul3A_764, %mul3A_766 : vector<16xf32>
        %max3A_768 = arith.maximumf %mul3A_764, %mul3A_767 : vector<16xf32>
        %swap3A_769 = arith.index_cast %add3A_701 : i32 to index
        %swap3A_770 = arith.constant 48 : index
        %swap3A_771 = tpu.vector_load %arg8[%swap3A_769, %swap3A_770] {strides = array<i32>} : memref<80x128xf32, #tpu.memory_space<vmem>>, vector<1x16xf32>,
        %swap3A_772 = vector.shape_cast %swap3A_771 : vector<1x16xf32> to vector<16xf32>
        %swap3A_773 = vector.shape_cast %max3A_768 : vector<16xf32> to vector<1x16xf32>
        tpu.vector_store %arg8[%swap3A_769, %swap3A_770], %swap3A_773 {strides = array<i32>} : memref<80x128xf32, #tpu.memory_space<vmem>>, vector<1x16xf32>,
        %get3A_774 = arith.index_cast %add3A_701 : i32 to index
        %get3A_775 = arith.constant 64 : index
        %get3A_776 = tpu.vector_load %arg8[%get3A_774, %get3A_775] {strides = array<i32>} : memref<80x128xf32, #tpu.memory_space<vmem>>, vector<1x16xf32>,
        %get3A_777 = vector.shape_cast %get3A_776 : vector<1x16xf32> to vector<16xf32>
        %get3A_778 = arith.index_cast %add3A_701 : i32 to index
        %get3A_779 = arith.constant 64 : index
        %get3A_780 = tpu.vector_load %arg10[%get3A_778, %get3A_779] {strides = array<i32>} : memref<80x128xf32, #tpu.memory_space<vmem>>, vector<1x16xf32>,
        %get3A_781 = vector.shape_cast %get3A_780 : vector<1x16xf32> to vector<16xf32>
        %mul3A_782 = arith.mulf %get3A_777, %get3A_781 : vector<16xf32>
        %mul3A_783 = arith.constant 1.000000e-01 : f32
        %mul3A_784 = vector.broadcast %mul3A_783 : f32 to vector<16xf32>
        %mul3A_785 = arith.mulf %mul3A_782, %mul3A_784 : vector<16xf32>
        %max3A_786 = arith.maximumf %mul3A_782, %mul3A_785 : vector<16xf32>
        %swap3A_787 = arith.index_cast %add3A_701 : i32 to index
        %swap3A_788 = arith.constant 64 : index
        %swap3A_789 = tpu.vector_load %arg8[%swap3A_787, %swap3A_788] {strides = array<i32>} : memref<80x128xf32, #tpu.memory_space<vmem>>, vector<1x16xf32>,
        %swap3A_790 = vector.shape_cast %swap3A_789 : vector<1x16xf32> to vector<16xf32>
        %swap3A_791 = vector.shape_cast %max3A_786 : vector<16xf32> to vector<1x16xf32>
        tpu.vector_store %arg8[%swap3A_787, %swap3A_788], %swap3A_791 {strides = array<i32>} : memref<80x128xf32, #tpu.memory_space<vmem>>, vector<1x16xf32>,
        %get3A_792 = arith.index_cast %add3A_701 : i32 to index
        %get3A_793 = arith.constant 80 : index
        %get3A_794 = tpu.vector_load %arg8[%get3A_792, %get3A_793] {strides = array<i32>} : memref<80x128xf32, #tpu.memory_space<vmem>>, vector<1x16xf32>,
        %get3A_795 = vector.shape_cast %get3A_794 : vector<1x16xf32> to vector<16xf32>
        %get3A_796 = arith.index_cast %add3A_701 : i32 to index
        %get3A_797 = arith.constant 80 : index
        %get3A_798 = tpu.vector_load %arg10[%get3A_796, %get3A_797] {strides = array<i32>} : memref<80x128xf32, #tpu.memory_space<vmem>>, vector<1x16xf32>,
        %get3A_799 = vector.shape_cast %get3A_798 : vector<1x16xf32> to vector<16xf32>
        %mul3A_800 = arith.mulf %get3A_795, %get3A_799 : vector<16xf32>
        %mul3A_801 = arith.constant 1.000000e-01 : f32
        %mul3A_802 = vector.broadcast %mul3A_801 : f32 to vector<16xf32>
        %mul3A_803 = arith.mulf %mul3A_800, %mul3A_802 : vector<16xf32>
        %max3A_804 = arith.maximumf %mul3A_800, %mul3A_803 : vector<16xf32>
        %swap3A_805 = arith.index_cast %add3A_701 : i32 to index
        %swap3A_806 = arith.constant 80 : index
        %swap3A_807 = tpu.vector_load %arg8[%swap3A_805, %swap3A_806] {strides = array<i32>} : memref<80x128xf32, #tpu.memory_space<vmem>>, vector<1x16xf32>,
        %swap3A_808 = vector.shape_cast %swap3A_807 : vector<1x16xf32> to vector<16xf32>
        %swap3A_809 = vector.shape_cast %max3A_804 : vector<16xf32> to vector<1x16xf32>
        tpu.vector_store %arg8[%swap3A_805, %swap3A_806], %swap3A_809 {strides = array<i32>} : memref<80x128xf32, #tpu.memory_space<vmem>>, vector<1x16xf32>,
        %get3A_810 = arith.index_cast %add3A_701 : i32 to index
        %get3A_811 = arith.constant 96 : index
        %get3A_812 = tpu.vector_load %arg8[%get3A_810, %get3A_811] {strides = array<i32>} : memref<80x128xf32, #tpu.memory_space<vmem>>, vector<1x16xf32>,
        %get3A_813 = vector.shape_cast %get3A_812 : vector<1x16xf32> to vector<16xf32>
        %get3A_814 = arith.index_cast %add3A_701 : i32 to index
        %get3A_815 = arith.constant 96 : index
        %get3A_816 = tpu.vector_load %arg10[%get3A_814, %get3A_815] {strides = array<i32>} : memref<80x128xf32, #tpu.memory_space<vmem>>, vector<1x16xf32>,
        %get3A_817 = vector.shape_cast %get3A_816 : vector<1x16xf32> to vector<16xf32>
        %mul3A_818 = arith.mulf %get3A_813, %get3A_817 : vector<16xf32>
        %mul3A_819 = arith.constant 1.000000e-01 : f32
        %mul3A_820 = vector.broadcast %mul3A_819 : f32 to vector<16xf32>
        %mul3A_821 = arith.mulf %mul3A_818, %mul3A_820 : vector<16xf32>
        %max3A_822 = arith.maximumf %mul3A_818, %mul3A_821 : vector<16xf32>
        %swap3A_823 = arith.index_cast %add3A_701 : i32 to index
        %swap3A_824 = arith.constant 96 : index
        %swap3A_825 = tpu.vector_load %arg8[%swap3A_823, %swap3A_824] {strides = array<i32>} : memref<80x128xf32, #tpu.memory_space<vmem>>, vector<1x16xf32>,
        %swap3A_826 = vector.shape_cast %swap3A_825 : vector<1x16xf32> to vector<16xf32>
        %swap3A_827 = vector.shape_cast %max3A_822 : vector<16xf32> to vector<1x16xf32>
        tpu.vector_store %arg8[%swap3A_823, %swap3A_824], %swap3A_827 {strides = array<i32>} : memref<80x128xf32, #tpu.memory_space<vmem>>, vector<1x16xf32>,
        %get3A_828 = arith.index_cast %add3A_701 : i32 to index
        %get3A_829 = arith.constant 112 : index
        %get3A_830 = tpu.vector_load %arg8[%get3A_828, %get3A_829] {strides = array<i32>} : memref<80x128xf32, #tpu.memory_space<vmem>>, vector<1x16xf32>,
        %get3A_831 = vector.shape_cast %get3A_830 : vector<1x16xf32> to vector<16xf32>
        %get3A_832 = arith.index_cast %add3A_701 : i32 to index
        %get3A_833 = arith.constant 112 : index
        %get3A_834 = tpu.vector_load %arg10[%get3A_832, %get3A_833] {strides = array<i32>} : memref<80x128xf32, #tpu.memory_space<vmem>>, vector<1x16xf32>,
        %get3A_835 = vector.shape_cast %get3A_834 : vector<1x16xf32> to vector<16xf32>
        %mul3A_836 = arith.mulf %get3A_831, %get3A_835 : vector<16xf32>
        %mul3A_837 = arith.constant 1.000000e-01 : f32
        %mul3A_838 = vector.broadcast %mul3A_837 : f32 to vector<16xf32>
        %mul3A_839 = arith.mulf %mul3A_836, %mul3A_838 : vector<16xf32>
        %max3A_840 = arith.maximumf %mul3A_836, %mul3A_839 : vector<16xf32>
        %swap3A_841 = arith.index_cast %add3A_701 : i32 to index
        %swap3A_842 = arith.constant 112 : index
        %swap3A_843 = tpu.vector_load %arg8[%swap3A_841, %swap3A_842] {strides = array<i32>} : memref<80x128xf32, #tpu.memory_space<vmem>>, vector<1x16xf32>,
        %swap3A_844 = vector.shape_cast %swap3A_843 : vector<1x16xf32> to vector<16xf32>
        %swap3A_845 = vector.shape_cast %max3A_840 : vector<16xf32> to vector<1x16xf32>
        tpu.vector_store %arg8[%swap3A_841, %swap3A_842], %swap3A_845 {strides = array<i32>} : memref<80x128xf32, #tpu.memory_space<vmem>>, vector<1x16xf32>,
        %scan3A_846 = arith.constant 0 : i32
        scf.yield %scan3A_846 : i32
      }
      %scan3A_167 = arith.constant 20 : i32
      %dma_start3A_168 = arith.constant 0 : i32
      %dma_start3A_169 = arith.constant 0 : i32
      %dma_start3A_170 = tpu.memref_slice %arg29[%dma_start3A_168, %dma_start3A_169] : memref<10000x128xf32, #tpu.memory_space<vmem_shared>> -> memref<10000x128xf32, #tpu.memory_space<vmem_shared>>
      tpu.enqueue_indirect_dma source(%arg8 : memref<80x128xf32, #tpu.memory_space<vmem>>) target(%dma_start3A_170 : memref<10000x128xf32, #tpu.memory_space<vmem_shared>>) offsets(%arg16 : memref<80xi32, #tpu.memory_space<vmem>>) semaphore(%arg24 : memref<!tpu.dma_semaphore, #tpu.memory_space<semaphore_mem>>) {add = true}
      %add3A_171 = arith.constant 2 : i32
      %add3A_172 = arith.addi %add3A_141, %add3A_171 : i32
      %lt3A_173 = arith.constant 125 : i32
      %lt3A_174 = arith.cmpi slt, %add3A_172, %lt3A_173 : i32
      %convert_element_type3A_175 = arith.extui %lt3A_174 : i1 to i32
      %cond3A_176 = arith.constant 0 : i32
      %cond3A_177 = arith.cmpi ne, %convert_element_type3A_175, %cond3A_176 : i32
      scf.if %cond3A_177 {
        %add3A_255 = arith.constant 2 : i32
        %add3A_256 = arith.addi %add3A_141, %add3A_255 : i32
        %dma_start3A_257 = arith.constant 0 : i32
        %dma_start3A_258 = tpu.memref_slice %arg4[%add3A, %add3A_256, %dma_start3A_257] : memref<32x125x80xi32, #tpu.memory_space<hbm>> -> memref<1x1x80xi32, #tpu.memory_space<hbm>>
        %dma_start3A_259 = tpu.memref_squeeze %dma_start3A_258 : memref<1x1x80xi32, #tpu.memory_space<hbm>> -> memref<80xi32, #tpu.memory_space<hbm>>
        %dma_start3A_260 = arith.constant 0 : i32
        %dma_start3A_261 = tpu.memref_slice %arg4[%add3A, %add3A_256, %dma_start3A_260] : memref<32x125x80xi32, #tpu.memory_space<hbm>> -> memref<1x1x80xi32, #tpu.memory_space<hbm>>
        %dma_start3A_262 = tpu.memref_squeeze %dma_start3A_261 : memref<1x1x80xi32, #tpu.memory_space<hbm>> -> memref<80xi32, #tpu.memory_space<hbm>>
        tpu.enqueue_dma source(%dma_start3A_262 : memref<80xi32, #tpu.memory_space<hbm>>) target(%arg14 : memref<80xi32, #tpu.memory_space<vmem>>) target_semaphore(%arg28 : memref<!tpu.dma_semaphore, #tpu.memory_space<semaphore_mem>>)
        %add3A_263 = arith.constant 2 : i32
        %add3A_264 = arith.addi %add3A_141, %add3A_263 : i32
        %dma_start3A_265 = arith.constant 0 : i32
        %dma_start3A_266 = tpu.memref_slice %arg5[%add3A, %add3A_264, %dma_start3A_265] : memref<32x125x80xi32, #tpu.memory_space<hbm>> -> memref<1x1x80xi32, #tpu.memory_space<hbm>>
        %dma_start3A_267 = tpu.memref_squeeze %dma_start3A_266 : memref<1x1x80xi32, #tpu.memory_space<hbm>> -> memref<80xi32, #tpu.memory_space<hbm>>
        %dma_start3A_268 = arith.constant 0 : i32
        %dma_start3A_269 = tpu.memref_slice %arg5[%add3A, %add3A_264, %dma_start3A_268] : memref<32x125x80xi32, #tpu.memory_space<hbm>> -> memref<1x1x80xi32, #tpu.memory_space<hbm>>
        %dma_start3A_270 = tpu.memref_squeeze %dma_start3A_269 : memref<1x1x80xi32, #tpu.memory_space<hbm>> -> memref<80xi32, #tpu.memory_space<hbm>>
        tpu.enqueue_dma source(%dma_start3A_270 : memref<80xi32, #tpu.memory_space<hbm>>) target(%arg18 : memref<80xi32, #tpu.memory_space<vmem>>) target_semaphore(%arg28 : memref<!tpu.dma_semaphore, #tpu.memory_space<semaphore_mem>>)
      } else {
      }
      %add3A_178 = arith.constant 2 : i32
      %add3A_179 = arith.addi %mul3A_106, %add3A_178 : i32
      %dma_wait3A_180 = arith.constant 0 : i32
      %dma_wait3A_181 = arith.constant 0 : i32
      %dma_wait3A_182 = tpu.memref_slice %arg3[%dma_wait3A_180, %dma_wait3A_181] : memref<10000x128xf32, #tpu.memory_space<hbm>> -> memref<80x128xf32, #tpu.memory_space<hbm>>
      %dma_wait3A_183 = arith.constant 0 : i32
      %dma_wait3A_184 = arith.constant 0 : i32
      %dma_wait3A_185 = tpu.memref_slice %arg3[%dma_wait3A_183, %dma_wait3A_184] : memref<10000x128xf32, #tpu.memory_space<hbm>> -> memref<80x128xf32, #tpu.memory_space<hbm>>
      tpu.wait_dma2 semaphore(%arg19 : memref<!tpu.dma_semaphore, #tpu.memory_space<semaphore_mem>>) src(%dma_wait3A_185 : memref<80x128xf32, #tpu.memory_space<hbm>>) dst(%arg7 : memref<80x128xf32, #tpu.memory_space<vmem>>)
      %dma_wait3A_186 = arith.constant 0 : i32
      %dma_wait3A_187 = arith.constant 0 : i32
      %dma_wait3A_188 = tpu.memref_slice %arg2[%dma_wait3A_186, %dma_wait3A_187] : memref<320000x128xf32, #tpu.memory_space<hbm>> -> memref<80x128xf32, #tpu.memory_space<hbm>>
      %dma_wait3A_189 = arith.constant 0 : i32
      %dma_wait3A_190 = arith.constant 0 : i32
      %dma_wait3A_191 = tpu.memref_slice %arg2[%dma_wait3A_189, %dma_wait3A_190] : memref<320000x128xf32, #tpu.memory_space<hbm>> -> memref<80x128xf32, #tpu.memory_space<hbm>>
      tpu.wait_dma2 semaphore(%arg21 : memref<!tpu.dma_semaphore, #tpu.memory_space<semaphore_mem>>) src(%dma_wait3A_191 : memref<80x128xf32, #tpu.memory_space<hbm>>) dst(%arg9 : memref<80x128xf32, #tpu.memory_space<vmem>>)
      %add3A_192 = arith.constant 1 : i32
      %add3A_193 = arith.addi %add3A_179, %add3A_192 : i32
      %lt3A_194 = arith.constant 125 : i32
      %lt3A_195 = arith.cmpi slt, %add3A_193, %lt3A_194 : i32
      %convert_element_type3A_196 = arith.extui %lt3A_195 : i1 to i32
      %cond3A_197 = arith.constant 0 : i32
      %cond3A_198 = arith.cmpi ne, %convert_element_type3A_196, %cond3A_197 : i32
      scf.if %cond3A_198 {
        %dma_wait3A_255 = arith.constant 0 : i32
        %dma_wait3A_256 = arith.constant 0 : i32
        %dma_wait3A_257 = arith.constant 0 : i32
        %dma_wait3A_258 = tpu.memref_slice %arg4[%dma_wait3A_255, %dma_wait3A_256, %dma_wait3A_257] : memref<32x125x80xi32, #tpu.memory_space<hbm>> -> memref<1x1x80xi32, #tpu.memory_space<hbm>>
        %dma_wait3A_259 = tpu.memref_squeeze %dma_wait3A_258 : memref<1x1x80xi32, #tpu.memory_space<hbm>> -> memref<80xi32, #tpu.memory_space<hbm>>
        %dma_wait3A_260 = arith.constant 0 : i32
        %dma_wait3A_261 = tpu.memref_slice %arg4[%dma_wait3A_255, %dma_wait3A_256, %dma_wait3A_260] : memref<32x125x80xi32, #tpu.memory_space<hbm>> -> memref<1x1x80xi32, #tpu.memory_space<hbm>>
        %dma_wait3A_262 = tpu.memref_squeeze %dma_wait3A_261 : memref<1x1x80xi32, #tpu.memory_space<hbm>> -> memref<80xi32, #tpu.memory_space<hbm>>
        tpu.wait_dma2 semaphore(%arg28 : memref<!tpu.dma_semaphore, #tpu.memory_space<semaphore_mem>>) src(%dma_wait3A_262 : memref<80xi32, #tpu.memory_space<hbm>>) dst(%arg14 : memref<80xi32, #tpu.memory_space<vmem>>)
        %dma_wait3A_263 = arith.constant 0 : i32
        %dma_wait3A_264 = arith.constant 0 : i32
        %dma_wait3A_265 = arith.constant 0 : i32
        %dma_wait3A_266 = tpu.memref_slice %arg5[%dma_wait3A_263, %dma_wait3A_264, %dma_wait3A_265] : memref<32x125x80xi32, #tpu.memory_space<hbm>> -> memref<1x1x80xi32, #tpu.memory_space<hbm>>
        %dma_wait3A_267 = tpu.memref_squeeze %dma_wait3A_266 : memref<1x1x80xi32, #tpu.memory_space<hbm>> -> memref<80xi32, #tpu.memory_space<hbm>>
        %dma_wait3A_268 = arith.constant 0 : i32
        %dma_wait3A_269 = tpu.memref_slice %arg5[%dma_wait3A_263, %dma_wait3A_264, %dma_wait3A_268] : memref<32x125x80xi32, #tpu.memory_space<hbm>> -> memref<1x1x80xi32, #tpu.memory_space<hbm>>
        %dma_wait3A_270 = tpu.memref_squeeze %dma_wait3A_269 : memref<1x1x80xi32, #tpu.memory_space<hbm>> -> memref<80xi32, #tpu.memory_space<hbm>>
        tpu.wait_dma2 semaphore(%arg28 : memref<!tpu.dma_semaphore, #tpu.memory_space<semaphore_mem>>) src(%dma_wait3A_270 : memref<80xi32, #tpu.memory_space<hbm>>) dst(%arg18 : memref<80xi32, #tpu.memory_space<vmem>>)
        %ge3A = arith.constant 1 : i32
        %ge3A_271 = arith.cmpi sge, %add3A_179, %ge3A : i32
        %convert_element_type3A_272 = arith.extui %ge3A_271 : i1 to i32
        %cond3A_273 = arith.constant 0 : i32
        %cond3A_274 = arith.cmpi ne, %convert_element_type3A_272, %cond3A_273 : i32
        scf.if %cond3A_274 {
          %dma_wait3A_287 = arith.constant 0 : i32
          %dma_wait3A_288 = arith.constant 0 : i32
          %dma_wait3A_289 = tpu.memref_slice %arg29[%dma_wait3A_287, %dma_wait3A_288] : memref<10000x128xf32, #tpu.memory_space<vmem_shared>> -> memref<80x128xf32, #tpu.memory_space<vmem_shared>>
          %dma_wait3A_290 = arith.constant 0 : i32
          %dma_wait3A_291 = arith.constant 0 : i32
          %dma_wait3A_292 = tpu.memref_slice %arg29[%dma_wait3A_290, %dma_wait3A_291] : memref<10000x128xf32, #tpu.memory_space<vmem_shared>> -> memref<80x128xf32, #tpu.memory_space<vmem_shared>>
          tpu.wait_dma2 semaphore(%arg24 : memref<!tpu.dma_semaphore, #tpu.memory_space<semaphore_mem>>) src(%arg8 : memref<80x128xf32, #tpu.memory_space<vmem>>) dst(%dma_wait3A_292 : memref<80x128xf32, #tpu.memory_space<vmem_shared>>)
        } else {
        }
        %add3A_275 = arith.constant 1 : i32
        %add3A_276 = arith.addi %add3A_179, %add3A_275 : i32
        %dma_start3A_277 = arith.constant 0 : i32
        %dma_start3A_278 = arith.constant 0 : i32
        %dma_start3A_279 = tpu.memref_slice %arg3[%dma_start3A_277, %dma_start3A_278] : memref<10000x128xf32, #tpu.memory_space<hbm>> -> memref<10000x128xf32, #tpu.memory_space<hbm>>
        tpu.enqueue_indirect_dma source(%dma_start3A_279 : memref<10000x128xf32, #tpu.memory_space<hbm>>) target(%arg8 : memref<80x128xf32, #tpu.memory_space<vmem>>) offsets(%arg14 : memref<80xi32, #tpu.memory_space<vmem>>) semaphore(%arg20 : memref<!tpu.dma_semaphore, #tpu.memory_space<semaphore_mem>>)
        %mul3A_280 = arith.constant 80 : i32
        %mul3A_281 = arith.muli %add3A_276, %mul3A_280 : i32
        %add3A_282 = arith.addi %mul3A_2, %mul3A_281 : i32
        %dma_start3A_283 = arith.constant 0 : i32
        %dma_start3A_284 = tpu.memref_slice %arg2[%add3A_282, %dma_start3A_283] : memref<320000x128xf32, #tpu.memory_space<hbm>> -> memref<80x128xf32, #tpu.memory_space<hbm>>
        %dma_start3A_285 = arith.constant 0 : i32
        %dma_start3A_286 = tpu.memref_slice %arg2[%add3A_282, %dma_start3A_285] : memref<320000x128xf32, #tpu.memory_space<hbm>> -> memref<80x128xf32, #tpu.memory_space<hbm>>
        tpu.enqueue_dma source(%dma_start3A_286 : memref<80x128xf32, #tpu.memory_space<hbm>>) target(%arg10 : memref<80x128xf32, #tpu.memory_space<vmem>>) target_semaphore(%arg22 : memref<!tpu.dma_semaphore, #tpu.memory_space<semaphore_mem>>)
      } else {
      }
      %scan3A_199 = arith.constant 0 : i32
      %scan3A_200 = arith.constant 0 : i32
      %scan3A_201 = arith.constant 20 : i32
      %scan3A_202 = arith.addi %scan3A_200, %scan3A_201 : i32
      %scan3A_203 = arith.constant 1 : i32
      %scan3A_204 = scf.for %scan3A_255 = %scan3A_200 to %scan3A_202 step %scan3A_203 iter_args(%scan3A_256 = %scan3A_199) -> (i32)  : i32 {
        %mul3A_257 = arith.constant 4 : i32
        %mul3A_258 = arith.muli %scan3A_255, %mul3A_257 : i32
        %add3A_259 = arith.constant 0 : i32
        %add3A_260 = arith.addi %mul3A_258, %add3A_259 : i32
        %get3A = arith.index_cast %add3A_260 : i32 to index
        %get3A_261 = arith.constant 0 : index
        %get3A_262 = tpu.vector_load %arg7[%get3A, %get3A_261] {strides = array<i32>} : memref<80x128xf32, #tpu.memory_space<vmem>>, vector<1x16xf32>,
        %get3A_263 = vector.shape_cast %get3A_262 : vector<1x16xf32> to vector<16xf32>
        %get3A_264 = arith.index_cast %add3A_260 : i32 to index
        %get3A_265 = arith.constant 0 : index
        %get3A_266 = tpu.vector_load %arg9[%get3A_264, %get3A_265] {strides = array<i32>} : memref<80x128xf32, #tpu.memory_space<vmem>>, vector<1x16xf32>,
        %get3A_267 = vector.shape_cast %get3A_266 : vector<1x16xf32> to vector<16xf32>
        %mul3A_268 = arith.mulf %get3A_263, %get3A_267 : vector<16xf32>
        %mul3A_269 = arith.constant 1.000000e-01 : f32
        %mul3A_270 = vector.broadcast %mul3A_269 : f32 to vector<16xf32>
        %mul3A_271 = arith.mulf %mul3A_268, %mul3A_270 : vector<16xf32>
        %max3A = arith.maximumf %mul3A_268, %mul3A_271 : vector<16xf32>
        %swap3A = arith.index_cast %add3A_260 : i32 to index
        %swap3A_272 = arith.constant 0 : index
        %swap3A_273 = tpu.vector_load %arg7[%swap3A, %swap3A_272] {strides = array<i32>} : memref<80x128xf32, #tpu.memory_space<vmem>>, vector<1x16xf32>,
        %swap3A_274 = vector.shape_cast %swap3A_273 : vector<1x16xf32> to vector<16xf32>
        %swap3A_275 = vector.shape_cast %max3A : vector<16xf32> to vector<1x16xf32>
        tpu.vector_store %arg7[%swap3A, %swap3A_272], %swap3A_275 {strides = array<i32>} : memref<80x128xf32, #tpu.memory_space<vmem>>, vector<1x16xf32>,
        %get3A_276 = arith.index_cast %add3A_260 : i32 to index
        %get3A_277 = arith.constant 16 : index
        %get3A_278 = tpu.vector_load %arg7[%get3A_276, %get3A_277] {strides = array<i32>} : memref<80x128xf32, #tpu.memory_space<vmem>>, vector<1x16xf32>,
        %get3A_279 = vector.shape_cast %get3A_278 : vector<1x16xf32> to vector<16xf32>
        %get3A_280 = arith.index_cast %add3A_260 : i32 to index
        %get3A_281 = arith.constant 16 : index
        %get3A_282 = tpu.vector_load %arg9[%get3A_280, %get3A_281] {strides = array<i32>} : memref<80x128xf32, #tpu.memory_space<vmem>>, vector<1x16xf32>,
        %get3A_283 = vector.shape_cast %get3A_282 : vector<1x16xf32> to vector<16xf32>
        %mul3A_284 = arith.mulf %get3A_279, %get3A_283 : vector<16xf32>
        %mul3A_285 = arith.constant 1.000000e-01 : f32
        %mul3A_286 = vector.broadcast %mul3A_285 : f32 to vector<16xf32>
        %mul3A_287 = arith.mulf %mul3A_284, %mul3A_286 : vector<16xf32>
        %max3A_288 = arith.maximumf %mul3A_284, %mul3A_287 : vector<16xf32>
        %swap3A_289 = arith.index_cast %add3A_260 : i32 to index
        %swap3A_290 = arith.constant 16 : index
        %swap3A_291 = tpu.vector_load %arg7[%swap3A_289, %swap3A_290] {strides = array<i32>} : memref<80x128xf32, #tpu.memory_space<vmem>>, vector<1x16xf32>,
        %swap3A_292 = vector.shape_cast %swap3A_291 : vector<1x16xf32> to vector<16xf32>
        %swap3A_293 = vector.shape_cast %max3A_288 : vector<16xf32> to vector<1x16xf32>
        tpu.vector_store %arg7[%swap3A_289, %swap3A_290], %swap3A_293 {strides = array<i32>} : memref<80x128xf32, #tpu.memory_space<vmem>>, vector<1x16xf32>,
        %get3A_294 = arith.index_cast %add3A_260 : i32 to index
        %get3A_295 = arith.constant 32 : index
        %get3A_296 = tpu.vector_load %arg7[%get3A_294, %get3A_295] {strides = array<i32>} : memref<80x128xf32, #tpu.memory_space<vmem>>, vector<1x16xf32>,
        %get3A_297 = vector.shape_cast %get3A_296 : vector<1x16xf32> to vector<16xf32>
        %get3A_298 = arith.index_cast %add3A_260 : i32 to index
        %get3A_299 = arith.constant 32 : index
        %get3A_300 = tpu.vector_load %arg9[%get3A_298, %get3A_299] {strides = array<i32>} : memref<80x128xf32, #tpu.memory_space<vmem>>, vector<1x16xf32>,
        %get3A_301 = vector.shape_cast %get3A_300 : vector<1x16xf32> to vector<16xf32>
        %mul3A_302 = arith.mulf %get3A_297, %get3A_301 : vector<16xf32>
        %mul3A_303 = arith.constant 1.000000e-01 : f32
        %mul3A_304 = vector.broadcast %mul3A_303 : f32 to vector<16xf32>
        %mul3A_305 = arith.mulf %mul3A_302, %mul3A_304 : vector<16xf32>
        %max3A_306 = arith.maximumf %mul3A_302, %mul3A_305 : vector<16xf32>
        %swap3A_307 = arith.index_cast %add3A_260 : i32 to index
        %swap3A_308 = arith.constant 32 : index
        %swap3A_309 = tpu.vector_load %arg7[%swap3A_307, %swap3A_308] {strides = array<i32>} : memref<80x128xf32, #tpu.memory_space<vmem>>, vector<1x16xf32>,
        %swap3A_310 = vector.shape_cast %swap3A_309 : vector<1x16xf32> to vector<16xf32>
        %swap3A_311 = vector.shape_cast %max3A_306 : vector<16xf32> to vector<1x16xf32>
        tpu.vector_store %arg7[%swap3A_307, %swap3A_308], %swap3A_311 {strides = array<i32>} : memref<80x128xf32, #tpu.memory_space<vmem>>, vector<1x16xf32>,
        %get3A_312 = arith.index_cast %add3A_260 : i32 to index
        %get3A_313 = arith.constant 48 : index
        %get3A_314 = tpu.vector_load %arg7[%get3A_312, %get3A_313] {strides = array<i32>} : memref<80x128xf32, #tpu.memory_space<vmem>>, vector<1x16xf32>,
        %get3A_315 = vector.shape_cast %get3A_314 : vector<1x16xf32> to vector<16xf32>
        %get3A_316 = arith.index_cast %add3A_260 : i32 to index
        %get3A_317 = arith.constant 48 : index
        %get3A_318 = tpu.vector_load %arg9[%get3A_316, %get3A_317] {strides = array<i32>} : memref<80x128xf32, #tpu.memory_space<vmem>>, vector<1x16xf32>,
        %get3A_319 = vector.shape_cast %get3A_318 : vector<1x16xf32> to vector<16xf32>
        %mul3A_320 = arith.mulf %get3A_315, %get3A_319 : vector<16xf32>
        %mul3A_321 = arith.constant 1.000000e-01 : f32
        %mul3A_322 = vector.broadcast %mul3A_321 : f32 to vector<16xf32>
        %mul3A_323 = arith.mulf %mul3A_320, %mul3A_322 : vector<16xf32>
        %max3A_324 = arith.maximumf %mul3A_320, %mul3A_323 : vector<16xf32>
        %swap3A_325 = arith.index_cast %add3A_260 : i32 to index
        %swap3A_326 = arith.constant 48 : index
        %swap3A_327 = tpu.vector_load %arg7[%swap3A_325, %swap3A_326] {strides = array<i32>} : memref<80x128xf32, #tpu.memory_space<vmem>>, vector<1x16xf32>,
        %swap3A_328 = vector.shape_cast %swap3A_327 : vector<1x16xf32> to vector<16xf32>
        %swap3A_329 = vector.shape_cast %max3A_324 : vector<16xf32> to vector<1x16xf32>
        tpu.vector_store %arg7[%swap3A_325, %swap3A_326], %swap3A_329 {strides = array<i32>} : memref<80x128xf32, #tpu.memory_space<vmem>>, vector<1x16xf32>,
        %get3A_330 = arith.index_cast %add3A_260 : i32 to index
        %get3A_331 = arith.constant 64 : index
        %get3A_332 = tpu.vector_load %arg7[%get3A_330, %get3A_331] {strides = array<i32>} : memref<80x128xf32, #tpu.memory_space<vmem>>, vector<1x16xf32>,
        %get3A_333 = vector.shape_cast %get3A_332 : vector<1x16xf32> to vector<16xf32>
        %get3A_334 = arith.index_cast %add3A_260 : i32 to index
        %get3A_335 = arith.constant 64 : index
        %get3A_336 = tpu.vector_load %arg9[%get3A_334, %get3A_335] {strides = array<i32>} : memref<80x128xf32, #tpu.memory_space<vmem>>, vector<1x16xf32>,
        %get3A_337 = vector.shape_cast %get3A_336 : vector<1x16xf32> to vector<16xf32>
        %mul3A_338 = arith.mulf %get3A_333, %get3A_337 : vector<16xf32>
        %mul3A_339 = arith.constant 1.000000e-01 : f32
        %mul3A_340 = vector.broadcast %mul3A_339 : f32 to vector<16xf32>
        %mul3A_341 = arith.mulf %mul3A_338, %mul3A_340 : vector<16xf32>
        %max3A_342 = arith.maximumf %mul3A_338, %mul3A_341 : vector<16xf32>
        %swap3A_343 = arith.index_cast %add3A_260 : i32 to index
        %swap3A_344 = arith.constant 64 : index
        %swap3A_345 = tpu.vector_load %arg7[%swap3A_343, %swap3A_344] {strides = array<i32>} : memref<80x128xf32, #tpu.memory_space<vmem>>, vector<1x16xf32>,
        %swap3A_346 = vector.shape_cast %swap3A_345 : vector<1x16xf32> to vector<16xf32>
        %swap3A_347 = vector.shape_cast %max3A_342 : vector<16xf32> to vector<1x16xf32>
        tpu.vector_store %arg7[%swap3A_343, %swap3A_344], %swap3A_347 {strides = array<i32>} : memref<80x128xf32, #tpu.memory_space<vmem>>, vector<1x16xf32>,
        %get3A_348 = arith.index_cast %add3A_260 : i32 to index
        %get3A_349 = arith.constant 80 : index
        %get3A_350 = tpu.vector_load %arg7[%get3A_348, %get3A_349] {strides = array<i32>} : memref<80x128xf32, #tpu.memory_space<vmem>>, vector<1x16xf32>,
        %get3A_351 = vector.shape_cast %get3A_350 : vector<1x16xf32> to vector<16xf32>
        %get3A_352 = arith.index_cast %add3A_260 : i32 to index
        %get3A_353 = arith.constant 80 : index
        %get3A_354 = tpu.vector_load %arg9[%get3A_352, %get3A_353] {strides = array<i32>} : memref<80x128xf32, #tpu.memory_space<vmem>>, vector<1x16xf32>,
        %get3A_355 = vector.shape_cast %get3A_354 : vector<1x16xf32> to vector<16xf32>
        %mul3A_356 = arith.mulf %get3A_351, %get3A_355 : vector<16xf32>
        %mul3A_357 = arith.constant 1.000000e-01 : f32
        %mul3A_358 = vector.broadcast %mul3A_357 : f32 to vector<16xf32>
        %mul3A_359 = arith.mulf %mul3A_356, %mul3A_358 : vector<16xf32>
        %max3A_360 = arith.maximumf %mul3A_356, %mul3A_359 : vector<16xf32>
        %swap3A_361 = arith.index_cast %add3A_260 : i32 to index
        %swap3A_362 = arith.constant 80 : index
        %swap3A_363 = tpu.vector_load %arg7[%swap3A_361, %swap3A_362] {strides = array<i32>} : memref<80x128xf32, #tpu.memory_space<vmem>>, vector<1x16xf32>,
        %swap3A_364 = vector.shape_cast %swap3A_363 : vector<1x16xf32> to vector<16xf32>
        %swap3A_365 = vector.shape_cast %max3A_360 : vector<16xf32> to vector<1x16xf32>
        tpu.vector_store %arg7[%swap3A_361, %swap3A_362], %swap3A_365 {strides = array<i32>} : memref<80x128xf32, #tpu.memory_space<vmem>>, vector<1x16xf32>,
        %get3A_366 = arith.index_cast %add3A_260 : i32 to index
        %get3A_367 = arith.constant 96 : index
        %get3A_368 = tpu.vector_load %arg7[%get3A_366, %get3A_367] {strides = array<i32>} : memref<80x128xf32, #tpu.memory_space<vmem>>, vector<1x16xf32>,
        %get3A_369 = vector.shape_cast %get3A_368 : vector<1x16xf32> to vector<16xf32>
        %get3A_370 = arith.index_cast %add3A_260 : i32 to index
        %get3A_371 = arith.constant 96 : index
        %get3A_372 = tpu.vector_load %arg9[%get3A_370, %get3A_371] {strides = array<i32>} : memref<80x128xf32, #tpu.memory_space<vmem>>, vector<1x16xf32>,
        %get3A_373 = vector.shape_cast %get3A_372 : vector<1x16xf32> to vector<16xf32>
        %mul3A_374 = arith.mulf %get3A_369, %get3A_373 : vector<16xf32>
        %mul3A_375 = arith.constant 1.000000e-01 : f32
        %mul3A_376 = vector.broadcast %mul3A_375 : f32 to vector<16xf32>
        %mul3A_377 = arith.mulf %mul3A_374, %mul3A_376 : vector<16xf32>
        %max3A_378 = arith.maximumf %mul3A_374, %mul3A_377 : vector<16xf32>
        %swap3A_379 = arith.index_cast %add3A_260 : i32 to index
        %swap3A_380 = arith.constant 96 : index
        %swap3A_381 = tpu.vector_load %arg7[%swap3A_379, %swap3A_380] {strides = array<i32>} : memref<80x128xf32, #tpu.memory_space<vmem>>, vector<1x16xf32>,
        %swap3A_382 = vector.shape_cast %swap3A_381 : vector<1x16xf32> to vector<16xf32>
        %swap3A_383 = vector.shape_cast %max3A_378 : vector<16xf32> to vector<1x16xf32>
        tpu.vector_store %arg7[%swap3A_379, %swap3A_380], %swap3A_383 {strides = array<i32>} : memref<80x128xf32, #tpu.memory_space<vmem>>, vector<1x16xf32>,
        %get3A_384 = arith.index_cast %add3A_260 : i32 to index
        %get3A_385 = arith.constant 112 : index
        %get3A_386 = tpu.vector_load %arg7[%get3A_384, %get3A_385] {strides = array<i32>} : memref<80x128xf32, #tpu.memory_space<vmem>>, vector<1x16xf32>,
        %get3A_387 = vector.shape_cast %get3A_386 : vector<1x16xf32> to vector<16xf32>
        %get3A_388 = arith.index_cast %add3A_260 : i32 to index
        %get3A_389 = arith.constant 112 : index
        %get3A_390 = tpu.vector_load %arg9[%get3A_388, %get3A_389] {strides = array<i32>} : memref<80x128xf32, #tpu.memory_space<vmem>>, vector<1x16xf32>,
        %get3A_391 = vector.shape_cast %get3A_390 : vector<1x16xf32> to vector<16xf32>
        %mul3A_392 = arith.mulf %get3A_387, %get3A_391 : vector<16xf32>
        %mul3A_393 = arith.constant 1.000000e-01 : f32
        %mul3A_394 = vector.broadcast %mul3A_393 : f32 to vector<16xf32>
        %mul3A_395 = arith.mulf %mul3A_392, %mul3A_394 : vector<16xf32>
        %max3A_396 = arith.maximumf %mul3A_392, %mul3A_395 : vector<16xf32>
        %swap3A_397 = arith.index_cast %add3A_260 : i32 to index
        %swap3A_398 = arith.constant 112 : index
        %swap3A_399 = tpu.vector_load %arg7[%swap3A_397, %swap3A_398] {strides = array<i32>} : memref<80x128xf32, #tpu.memory_space<vmem>>, vector<1x16xf32>,
        %swap3A_400 = vector.shape_cast %swap3A_399 : vector<1x16xf32> to vector<16xf32>
        %swap3A_401 = vector.shape_cast %max3A_396 : vector<16xf32> to vector<1x16xf32>
        tpu.vector_store %arg7[%swap3A_397, %swap3A_398], %swap3A_401 {strides = array<i32>} : memref<80x128xf32, #tpu.memory_space<vmem>>, vector<1x16xf32>,
        %mul3A_402 = arith.constant 4 : i32
        %mul3A_403 = arith.muli %scan3A_255, %mul3A_402 : i32
        %add3A_404 = arith.constant 1 : i32
        %add3A_405 = arith.addi %mul3A_403, %add3A_404 : i32
        %get3A_406 = arith.index_cast %add3A_405 : i32 to index
        %get3A_407 = arith.constant 0 : index
        %get3A_408 = tpu.vector_load %arg7[%get3A_406, %get3A_407] {strides = array<i32>} : memref<80x128xf32, #tpu.memory_space<vmem>>, vector<1x16xf32>,
        %get3A_409 = vector.shape_cast %get3A_408 : vector<1x16xf32> to vector<16xf32>
        %get3A_410 = arith.index_cast %add3A_405 : i32 to index
        %get3A_411 = arith.constant 0 : index
        %get3A_412 = tpu.vector_load %arg9[%get3A_410, %get3A_411] {strides = array<i32>} : memref<80x128xf32, #tpu.memory_space<vmem>>, vector<1x16xf32>,
        %get3A_413 = vector.shape_cast %get3A_412 : vector<1x16xf32> to vector<16xf32>
        %mul3A_414 = arith.mulf %get3A_409, %get3A_413 : vector<16xf32>
        %mul3A_415 = arith.constant 1.000000e-01 : f32
        %mul3A_416 = vector.broadcast %mul3A_415 : f32 to vector<16xf32>
        %mul3A_417 = arith.mulf %mul3A_414, %mul3A_416 : vector<16xf32>
        %max3A_418 = arith.maximumf %mul3A_414, %mul3A_417 : vector<16xf32>
        %swap3A_419 = arith.index_cast %add3A_405 : i32 to index
        %swap3A_420 = arith.constant 0 : index
        %swap3A_421 = tpu.vector_load %arg7[%swap3A_419, %swap3A_420] {strides = array<i32>} : memref<80x128xf32, #tpu.memory_space<vmem>>, vector<1x16xf32>,
        %swap3A_422 = vector.shape_cast %swap3A_421 : vector<1x16xf32> to vector<16xf32>
        %swap3A_423 = vector.shape_cast %max3A_418 : vector<16xf32> to vector<1x16xf32>
        tpu.vector_store %arg7[%swap3A_419, %swap3A_420], %swap3A_423 {strides = array<i32>} : memref<80x128xf32, #tpu.memory_space<vmem>>, vector<1x16xf32>,
        %get3A_424 = arith.index_cast %add3A_405 : i32 to index
        %get3A_425 = arith.constant 16 : index
        %get3A_426 = tpu.vector_load %arg7[%get3A_424, %get3A_425] {strides = array<i32>} : memref<80x128xf32, #tpu.memory_space<vmem>>, vector<1x16xf32>,
        %get3A_427 = vector.shape_cast %get3A_426 : vector<1x16xf32> to vector<16xf32>
        %get3A_428 = arith.index_cast %add3A_405 : i32 to index
        %get3A_429 = arith.constant 16 : index
        %get3A_430 = tpu.vector_load %arg9[%get3A_428, %get3A_429] {strides = array<i32>} : memref<80x128xf32, #tpu.memory_space<vmem>>, vector<1x16xf32>,
        %get3A_431 = vector.shape_cast %get3A_430 : vector<1x16xf32> to vector<16xf32>
        %mul3A_432 = arith.mulf %get3A_427, %get3A_431 : vector<16xf32>
        %mul3A_433 = arith.constant 1.000000e-01 : f32
        %mul3A_434 = vector.broadcast %mul3A_433 : f32 to vector<16xf32>
        %mul3A_435 = arith.mulf %mul3A_432, %mul3A_434 : vector<16xf32>
        %max3A_436 = arith.maximumf %mul3A_432, %mul3A_435 : vector<16xf32>
        %swap3A_437 = arith.index_cast %add3A_405 : i32 to index
        %swap3A_438 = arith.constant 16 : index
        %swap3A_439 = tpu.vector_load %arg7[%swap3A_437, %swap3A_438] {strides = array<i32>} : memref<80x128xf32, #tpu.memory_space<vmem>>, vector<1x16xf32>,
        %swap3A_440 = vector.shape_cast %swap3A_439 : vector<1x16xf32> to vector<16xf32>
        %swap3A_441 = vector.shape_cast %max3A_436 : vector<16xf32> to vector<1x16xf32>
        tpu.vector_store %arg7[%swap3A_437, %swap3A_438], %swap3A_441 {strides = array<i32>} : memref<80x128xf32, #tpu.memory_space<vmem>>, vector<1x16xf32>,
        %get3A_442 = arith.index_cast %add3A_405 : i32 to index
        %get3A_443 = arith.constant 32 : index
        %get3A_444 = tpu.vector_load %arg7[%get3A_442, %get3A_443] {strides = array<i32>} : memref<80x128xf32, #tpu.memory_space<vmem>>, vector<1x16xf32>,
        %get3A_445 = vector.shape_cast %get3A_444 : vector<1x16xf32> to vector<16xf32>
        %get3A_446 = arith.index_cast %add3A_405 : i32 to index
        %get3A_447 = arith.constant 32 : index
        %get3A_448 = tpu.vector_load %arg9[%get3A_446, %get3A_447] {strides = array<i32>} : memref<80x128xf32, #tpu.memory_space<vmem>>, vector<1x16xf32>,
        %get3A_449 = vector.shape_cast %get3A_448 : vector<1x16xf32> to vector<16xf32>
        %mul3A_450 = arith.mulf %get3A_445, %get3A_449 : vector<16xf32>
        %mul3A_451 = arith.constant 1.000000e-01 : f32
        %mul3A_452 = vector.broadcast %mul3A_451 : f32 to vector<16xf32>
        %mul3A_453 = arith.mulf %mul3A_450, %mul3A_452 : vector<16xf32>
        %max3A_454 = arith.maximumf %mul3A_450, %mul3A_453 : vector<16xf32>
        %swap3A_455 = arith.index_cast %add3A_405 : i32 to index
        %swap3A_456 = arith.constant 32 : index
        %swap3A_457 = tpu.vector_load %arg7[%swap3A_455, %swap3A_456] {strides = array<i32>} : memref<80x128xf32, #tpu.memory_space<vmem>>, vector<1x16xf32>,
        %swap3A_458 = vector.shape_cast %swap3A_457 : vector<1x16xf32> to vector<16xf32>
        %swap3A_459 = vector.shape_cast %max3A_454 : vector<16xf32> to vector<1x16xf32>
        tpu.vector_store %arg7[%swap3A_455, %swap3A_456], %swap3A_459 {strides = array<i32>} : memref<80x128xf32, #tpu.memory_space<vmem>>, vector<1x16xf32>,
        %get3A_460 = arith.index_cast %add3A_405 : i32 to index
        %get3A_461 = arith.constant 48 : index
        %get3A_462 = tpu.vector_load %arg7[%get3A_460, %get3A_461] {strides = array<i32>} : memref<80x128xf32, #tpu.memory_space<vmem>>, vector<1x16xf32>,
        %get3A_463 = vector.shape_cast %get3A_462 : vector<1x16xf32> to vector<16xf32>
        %get3A_464 = arith.index_cast %add3A_405 : i32 to index
        %get3A_465 = arith.constant 48 : index
        %get3A_466 = tpu.vector_load %arg9[%get3A_464, %get3A_465] {strides = array<i32>} : memref<80x128xf32, #tpu.memory_space<vmem>>, vector<1x16xf32>,
        %get3A_467 = vector.shape_cast %get3A_466 : vector<1x16xf32> to vector<16xf32>
        %mul3A_468 = arith.mulf %get3A_463, %get3A_467 : vector<16xf32>
        %mul3A_469 = arith.constant 1.000000e-01 : f32
        %mul3A_470 = vector.broadcast %mul3A_469 : f32 to vector<16xf32>
        %mul3A_471 = arith.mulf %mul3A_468, %mul3A_470 : vector<16xf32>
        %max3A_472 = arith.maximumf %mul3A_468, %mul3A_471 : vector<16xf32>
        %swap3A_473 = arith.index_cast %add3A_405 : i32 to index
        %swap3A_474 = arith.constant 48 : index
        %swap3A_475 = tpu.vector_load %arg7[%swap3A_473, %swap3A_474] {strides = array<i32>} : memref<80x128xf32, #tpu.memory_space<vmem>>, vector<1x16xf32>,
        %swap3A_476 = vector.shape_cast %swap3A_475 : vector<1x16xf32> to vector<16xf32>
        %swap3A_477 = vector.shape_cast %max3A_472 : vector<16xf32> to vector<1x16xf32>
        tpu.vector_store %arg7[%swap3A_473, %swap3A_474], %swap3A_477 {strides = array<i32>} : memref<80x128xf32, #tpu.memory_space<vmem>>, vector<1x16xf32>,
        %get3A_478 = arith.index_cast %add3A_405 : i32 to index
        %get3A_479 = arith.constant 64 : index
        %get3A_480 = tpu.vector_load %arg7[%get3A_478, %get3A_479] {strides = array<i32>} : memref<80x128xf32, #tpu.memory_space<vmem>>, vector<1x16xf32>,
        %get3A_481 = vector.shape_cast %get3A_480 : vector<1x16xf32> to vector<16xf32>
        %get3A_482 = arith.index_cast %add3A_405 : i32 to index
        %get3A_483 = arith.constant 64 : index
        %get3A_484 = tpu.vector_load %arg9[%get3A_482, %get3A_483] {strides = array<i32>} : memref<80x128xf32, #tpu.memory_space<vmem>>, vector<1x16xf32>,
        %get3A_485 = vector.shape_cast %get3A_484 : vector<1x16xf32> to vector<16xf32>
        %mul3A_486 = arith.mulf %get3A_481, %get3A_485 : vector<16xf32>
        %mul3A_487 = arith.constant 1.000000e-01 : f32
        %mul3A_488 = vector.broadcast %mul3A_487 : f32 to vector<16xf32>
        %mul3A_489 = arith.mulf %mul3A_486, %mul3A_488 : vector<16xf32>
        %max3A_490 = arith.maximumf %mul3A_486, %mul3A_489 : vector<16xf32>
        %swap3A_491 = arith.index_cast %add3A_405 : i32 to index
        %swap3A_492 = arith.constant 64 : index
        %swap3A_493 = tpu.vector_load %arg7[%swap3A_491, %swap3A_492] {strides = array<i32>} : memref<80x128xf32, #tpu.memory_space<vmem>>, vector<1x16xf32>,
        %swap3A_494 = vector.shape_cast %swap3A_493 : vector<1x16xf32> to vector<16xf32>
        %swap3A_495 = vector.shape_cast %max3A_490 : vector<16xf32> to vector<1x16xf32>
        tpu.vector_store %arg7[%swap3A_491, %swap3A_492], %swap3A_495 {strides = array<i32>} : memref<80x128xf32, #tpu.memory_space<vmem>>, vector<1x16xf32>,
        %get3A_496 = arith.index_cast %add3A_405 : i32 to index
        %get3A_497 = arith.constant 80 : index
        %get3A_498 = tpu.vector_load %arg7[%get3A_496, %get3A_497] {strides = array<i32>} : memref<80x128xf32, #tpu.memory_space<vmem>>, vector<1x16xf32>,
        %get3A_499 = vector.shape_cast %get3A_498 : vector<1x16xf32> to vector<16xf32>
        %get3A_500 = arith.index_cast %add3A_405 : i32 to index
        %get3A_501 = arith.constant 80 : index
        %get3A_502 = tpu.vector_load %arg9[%get3A_500, %get3A_501] {strides = array<i32>} : memref<80x128xf32, #tpu.memory_space<vmem>>, vector<1x16xf32>,
        %get3A_503 = vector.shape_cast %get3A_502 : vector<1x16xf32> to vector<16xf32>
        %mul3A_504 = arith.mulf %get3A_499, %get3A_503 : vector<16xf32>
        %mul3A_505 = arith.constant 1.000000e-01 : f32
        %mul3A_506 = vector.broadcast %mul3A_505 : f32 to vector<16xf32>
        %mul3A_507 = arith.mulf %mul3A_504, %mul3A_506 : vector<16xf32>
        %max3A_508 = arith.maximumf %mul3A_504, %mul3A_507 : vector<16xf32>
        %swap3A_509 = arith.index_cast %add3A_405 : i32 to index
        %swap3A_510 = arith.constant 80 : index
        %swap3A_511 = tpu.vector_load %arg7[%swap3A_509, %swap3A_510] {strides = array<i32>} : memref<80x128xf32, #tpu.memory_space<vmem>>, vector<1x16xf32>,
        %swap3A_512 = vector.shape_cast %swap3A_511 : vector<1x16xf32> to vector<16xf32>
        %swap3A_513 = vector.shape_cast %max3A_508 : vector<16xf32> to vector<1x16xf32>
        tpu.vector_store %arg7[%swap3A_509, %swap3A_510], %swap3A_513 {strides = array<i32>} : memref<80x128xf32, #tpu.memory_space<vmem>>, vector<1x16xf32>,
        %get3A_514 = arith.index_cast %add3A_405 : i32 to index
        %get3A_515 = arith.constant 96 : index
        %get3A_516 = tpu.vector_load %arg7[%get3A_514, %get3A_515] {strides = array<i32>} : memref<80x128xf32, #tpu.memory_space<vmem>>, vector<1x16xf32>,
        %get3A_517 = vector.shape_cast %get3A_516 : vector<1x16xf32> to vector<16xf32>
        %get3A_518 = arith.index_cast %add3A_405 : i32 to index
        %get3A_519 = arith.constant 96 : index
        %get3A_520 = tpu.vector_load %arg9[%get3A_518, %get3A_519] {strides = array<i32>} : memref<80x128xf32, #tpu.memory_space<vmem>>, vector<1x16xf32>,
        %get3A_521 = vector.shape_cast %get3A_520 : vector<1x16xf32> to vector<16xf32>
        %mul3A_522 = arith.mulf %get3A_517, %get3A_521 : vector<16xf32>
        %mul3A_523 = arith.constant 1.000000e-01 : f32
        %mul3A_524 = vector.broadcast %mul3A_523 : f32 to vector<16xf32>
        %mul3A_525 = arith.mulf %mul3A_522, %mul3A_524 : vector<16xf32>
        %max3A_526 = arith.maximumf %mul3A_522, %mul3A_525 : vector<16xf32>
        %swap3A_527 = arith.index_cast %add3A_405 : i32 to index
        %swap3A_528 = arith.constant 96 : index
        %swap3A_529 = tpu.vector_load %arg7[%swap3A_527, %swap3A_528] {strides = array<i32>} : memref<80x128xf32, #tpu.memory_space<vmem>>, vector<1x16xf32>,
        %swap3A_530 = vector.shape_cast %swap3A_529 : vector<1x16xf32> to vector<16xf32>
        %swap3A_531 = vector.shape_cast %max3A_526 : vector<16xf32> to vector<1x16xf32>
        tpu.vector_store %arg7[%swap3A_527, %swap3A_528], %swap3A_531 {strides = array<i32>} : memref<80x128xf32, #tpu.memory_space<vmem>>, vector<1x16xf32>,
        %get3A_532 = arith.index_cast %add3A_405 : i32 to index
        %get3A_533 = arith.constant 112 : index
        %get3A_534 = tpu.vector_load %arg7[%get3A_532, %get3A_533] {strides = array<i32>} : memref<80x128xf32, #tpu.memory_space<vmem>>, vector<1x16xf32>,
        %get3A_535 = vector.shape_cast %get3A_534 : vector<1x16xf32> to vector<16xf32>
        %get3A_536 = arith.index_cast %add3A_405 : i32 to index
        %get3A_537 = arith.constant 112 : index
        %get3A_538 = tpu.vector_load %arg9[%get3A_536, %get3A_537] {strides = array<i32>} : memref<80x128xf32, #tpu.memory_space<vmem>>, vector<1x16xf32>,
        %get3A_539 = vector.shape_cast %get3A_538 : vector<1x16xf32> to vector<16xf32>
        %mul3A_540 = arith.mulf %get3A_535, %get3A_539 : vector<16xf32>
        %mul3A_541 = arith.constant 1.000000e-01 : f32
        %mul3A_542 = vector.broadcast %mul3A_541 : f32 to vector<16xf32>
        %mul3A_543 = arith.mulf %mul3A_540, %mul3A_542 : vector<16xf32>
        %max3A_544 = arith.maximumf %mul3A_540, %mul3A_543 : vector<16xf32>
        %swap3A_545 = arith.index_cast %add3A_405 : i32 to index
        %swap3A_546 = arith.constant 112 : index
        %swap3A_547 = tpu.vector_load %arg7[%swap3A_545, %swap3A_546] {strides = array<i32>} : memref<80x128xf32, #tpu.memory_space<vmem>>, vector<1x16xf32>,
        %swap3A_548 = vector.shape_cast %swap3A_547 : vector<1x16xf32> to vector<16xf32>
        %swap3A_549 = vector.shape_cast %max3A_544 : vector<16xf32> to vector<1x16xf32>
        tpu.vector_store %arg7[%swap3A_545, %swap3A_546], %swap3A_549 {strides = array<i32>} : memref<80x128xf32, #tpu.memory_space<vmem>>, vector<1x16xf32>,
        %mul3A_550 = arith.constant 4 : i32
        %mul3A_551 = arith.muli %scan3A_255, %mul3A_550 : i32
        %add3A_552 = arith.constant 2 : i32
        %add3A_553 = arith.addi %mul3A_551, %add3A_552 : i32
        %get3A_554 = arith.index_cast %add3A_553 : i32 to index
        %get3A_555 = arith.constant 0 : index
        %get3A_556 = tpu.vector_load %arg7[%get3A_554, %get3A_555] {strides = array<i32>} : memref<80x128xf32, #tpu.memory_space<vmem>>, vector<1x16xf32>,
        %get3A_557 = vector.shape_cast %get3A_556 : vector<1x16xf32> to vector<16xf32>
        %get3A_558 = arith.index_cast %add3A_553 : i32 to index
        %get3A_559 = arith.constant 0 : index
        %get3A_560 = tpu.vector_load %arg9[%get3A_558, %get3A_559] {strides = array<i32>} : memref<80x128xf32, #tpu.memory_space<vmem>>, vector<1x16xf32>,
        %get3A_561 = vector.shape_cast %get3A_560 : vector<1x16xf32> to vector<16xf32>
        %mul3A_562 = arith.mulf %get3A_557, %get3A_561 : vector<16xf32>
        %mul3A_563 = arith.constant 1.000000e-01 : f32
        %mul3A_564 = vector.broadcast %mul3A_563 : f32 to vector<16xf32>
        %mul3A_565 = arith.mulf %mul3A_562, %mul3A_564 : vector<16xf32>
        %max3A_566 = arith.maximumf %mul3A_562, %mul3A_565 : vector<16xf32>
        %swap3A_567 = arith.index_cast %add3A_553 : i32 to index
        %swap3A_568 = arith.constant 0 : index
        %swap3A_569 = tpu.vector_load %arg7[%swap3A_567, %swap3A_568] {strides = array<i32>} : memref<80x128xf32, #tpu.memory_space<vmem>>, vector<1x16xf32>,
        %swap3A_570 = vector.shape_cast %swap3A_569 : vector<1x16xf32> to vector<16xf32>
        %swap3A_571 = vector.shape_cast %max3A_566 : vector<16xf32> to vector<1x16xf32>
        tpu.vector_store %arg7[%swap3A_567, %swap3A_568], %swap3A_571 {strides = array<i32>} : memref<80x128xf32, #tpu.memory_space<vmem>>, vector<1x16xf32>,
        %get3A_572 = arith.index_cast %add3A_553 : i32 to index
        %get3A_573 = arith.constant 16 : index
        %get3A_574 = tpu.vector_load %arg7[%get3A_572, %get3A_573] {strides = array<i32>} : memref<80x128xf32, #tpu.memory_space<vmem>>, vector<1x16xf32>,
        %get3A_575 = vector.shape_cast %get3A_574 : vector<1x16xf32> to vector<16xf32>
        %get3A_576 = arith.index_cast %add3A_553 : i32 to index
        %get3A_577 = arith.constant 16 : index
        %get3A_578 = tpu.vector_load %arg9[%get3A_576, %get3A_577] {strides = array<i32>} : memref<80x128xf32, #tpu.memory_space<vmem>>, vector<1x16xf32>,
        %get3A_579 = vector.shape_cast %get3A_578 : vector<1x16xf32> to vector<16xf32>
        %mul3A_580 = arith.mulf %get3A_575, %get3A_579 : vector<16xf32>
        %mul3A_581 = arith.constant 1.000000e-01 : f32
        %mul3A_582 = vector.broadcast %mul3A_581 : f32 to vector<16xf32>
        %mul3A_583 = arith.mulf %mul3A_580, %mul3A_582 : vector<16xf32>
        %max3A_584 = arith.maximumf %mul3A_580, %mul3A_583 : vector<16xf32>
        %swap3A_585 = arith.index_cast %add3A_553 : i32 to index
        %swap3A_586 = arith.constant 16 : index
        %swap3A_587 = tpu.vector_load %arg7[%swap3A_585, %swap3A_586] {strides = array<i32>} : memref<80x128xf32, #tpu.memory_space<vmem>>, vector<1x16xf32>,
        %swap3A_588 = vector.shape_cast %swap3A_587 : vector<1x16xf32> to vector<16xf32>
        %swap3A_589 = vector.shape_cast %max3A_584 : vector<16xf32> to vector<1x16xf32>
        tpu.vector_store %arg7[%swap3A_585, %swap3A_586], %swap3A_589 {strides = array<i32>} : memref<80x128xf32, #tpu.memory_space<vmem>>, vector<1x16xf32>,
        %get3A_590 = arith.index_cast %add3A_553 : i32 to index
        %get3A_591 = arith.constant 32 : index
        %get3A_592 = tpu.vector_load %arg7[%get3A_590, %get3A_591] {strides = array<i32>} : memref<80x128xf32, #tpu.memory_space<vmem>>, vector<1x16xf32>,
        %get3A_593 = vector.shape_cast %get3A_592 : vector<1x16xf32> to vector<16xf32>
        %get3A_594 = arith.index_cast %add3A_553 : i32 to index
        %get3A_595 = arith.constant 32 : index
        %get3A_596 = tpu.vector_load %arg9[%get3A_594, %get3A_595] {strides = array<i32>} : memref<80x128xf32, #tpu.memory_space<vmem>>, vector<1x16xf32>,
        %get3A_597 = vector.shape_cast %get3A_596 : vector<1x16xf32> to vector<16xf32>
        %mul3A_598 = arith.mulf %get3A_593, %get3A_597 : vector<16xf32>
        %mul3A_599 = arith.constant 1.000000e-01 : f32
        %mul3A_600 = vector.broadcast %mul3A_599 : f32 to vector<16xf32>
        %mul3A_601 = arith.mulf %mul3A_598, %mul3A_600 : vector<16xf32>
        %max3A_602 = arith.maximumf %mul3A_598, %mul3A_601 : vector<16xf32>
        %swap3A_603 = arith.index_cast %add3A_553 : i32 to index
        %swap3A_604 = arith.constant 32 : index
        %swap3A_605 = tpu.vector_load %arg7[%swap3A_603, %swap3A_604] {strides = array<i32>} : memref<80x128xf32, #tpu.memory_space<vmem>>, vector<1x16xf32>,
        %swap3A_606 = vector.shape_cast %swap3A_605 : vector<1x16xf32> to vector<16xf32>
        %swap3A_607 = vector.shape_cast %max3A_602 : vector<16xf32> to vector<1x16xf32>
        tpu.vector_store %arg7[%swap3A_603, %swap3A_604], %swap3A_607 {strides = array<i32>} : memref<80x128xf32, #tpu.memory_space<vmem>>, vector<1x16xf32>,
        %get3A_608 = arith.index_cast %add3A_553 : i32 to index
        %get3A_609 = arith.constant 48 : index
        %get3A_610 = tpu.vector_load %arg7[%get3A_608, %get3A_609] {strides = array<i32>} : memref<80x128xf32, #tpu.memory_space<vmem>>, vector<1x16xf32>,
        %get3A_611 = vector.shape_cast %get3A_610 : vector<1x16xf32> to vector<16xf32>
        %get3A_612 = arith.index_cast %add3A_553 : i32 to index
        %get3A_613 = arith.constant 48 : index
        %get3A_614 = tpu.vector_load %arg9[%get3A_612, %get3A_613] {strides = array<i32>} : memref<80x128xf32, #tpu.memory_space<vmem>>, vector<1x16xf32>,
        %get3A_615 = vector.shape_cast %get3A_614 : vector<1x16xf32> to vector<16xf32>
        %mul3A_616 = arith.mulf %get3A_611, %get3A_615 : vector<16xf32>
        %mul3A_617 = arith.constant 1.000000e-01 : f32
        %mul3A_618 = vector.broadcast %mul3A_617 : f32 to vector<16xf32>
        %mul3A_619 = arith.mulf %mul3A_616, %mul3A_618 : vector<16xf32>
        %max3A_620 = arith.maximumf %mul3A_616, %mul3A_619 : vector<16xf32>
        %swap3A_621 = arith.index_cast %add3A_553 : i32 to index
        %swap3A_622 = arith.constant 48 : index
        %swap3A_623 = tpu.vector_load %arg7[%swap3A_621, %swap3A_622] {strides = array<i32>} : memref<80x128xf32, #tpu.memory_space<vmem>>, vector<1x16xf32>,
        %swap3A_624 = vector.shape_cast %swap3A_623 : vector<1x16xf32> to vector<16xf32>
        %swap3A_625 = vector.shape_cast %max3A_620 : vector<16xf32> to vector<1x16xf32>
        tpu.vector_store %arg7[%swap3A_621, %swap3A_622], %swap3A_625 {strides = array<i32>} : memref<80x128xf32, #tpu.memory_space<vmem>>, vector<1x16xf32>,
        %get3A_626 = arith.index_cast %add3A_553 : i32 to index
        %get3A_627 = arith.constant 64 : index
        %get3A_628 = tpu.vector_load %arg7[%get3A_626, %get3A_627] {strides = array<i32>} : memref<80x128xf32, #tpu.memory_space<vmem>>, vector<1x16xf32>,
        %get3A_629 = vector.shape_cast %get3A_628 : vector<1x16xf32> to vector<16xf32>
        %get3A_630 = arith.index_cast %add3A_553 : i32 to index
        %get3A_631 = arith.constant 64 : index
        %get3A_632 = tpu.vector_load %arg9[%get3A_630, %get3A_631] {strides = array<i32>} : memref<80x128xf32, #tpu.memory_space<vmem>>, vector<1x16xf32>,
        %get3A_633 = vector.shape_cast %get3A_632 : vector<1x16xf32> to vector<16xf32>
        %mul3A_634 = arith.mulf %get3A_629, %get3A_633 : vector<16xf32>
        %mul3A_635 = arith.constant 1.000000e-01 : f32
        %mul3A_636 = vector.broadcast %mul3A_635 : f32 to vector<16xf32>
        %mul3A_637 = arith.mulf %mul3A_634, %mul3A_636 : vector<16xf32>
        %max3A_638 = arith.maximumf %mul3A_634, %mul3A_637 : vector<16xf32>
        %swap3A_639 = arith.index_cast %add3A_553 : i32 to index
        %swap3A_640 = arith.constant 64 : index
        %swap3A_641 = tpu.vector_load %arg7[%swap3A_639, %swap3A_640] {strides = array<i32>} : memref<80x128xf32, #tpu.memory_space<vmem>>, vector<1x16xf32>,
        %swap3A_642 = vector.shape_cast %swap3A_641 : vector<1x16xf32> to vector<16xf32>
        %swap3A_643 = vector.shape_cast %max3A_638 : vector<16xf32> to vector<1x16xf32>
        tpu.vector_store %arg7[%swap3A_639, %swap3A_640], %swap3A_643 {strides = array<i32>} : memref<80x128xf32, #tpu.memory_space<vmem>>, vector<1x16xf32>,
        %get3A_644 = arith.index_cast %add3A_553 : i32 to index
        %get3A_645 = arith.constant 80 : index
        %get3A_646 = tpu.vector_load %arg7[%get3A_644, %get3A_645] {strides = array<i32>} : memref<80x128xf32, #tpu.memory_space<vmem>>, vector<1x16xf32>,
        %get3A_647 = vector.shape_cast %get3A_646 : vector<1x16xf32> to vector<16xf32>
        %get3A_648 = arith.index_cast %add3A_553 : i32 to index
        %get3A_649 = arith.constant 80 : index
        %get3A_650 = tpu.vector_load %arg9[%get3A_648, %get3A_649] {strides = array<i32>} : memref<80x128xf32, #tpu.memory_space<vmem>>, vector<1x16xf32>,
        %get3A_651 = vector.shape_cast %get3A_650 : vector<1x16xf32> to vector<16xf32>
        %mul3A_652 = arith.mulf %get3A_647, %get3A_651 : vector<16xf32>
        %mul3A_653 = arith.constant 1.000000e-01 : f32
        %mul3A_654 = vector.broadcast %mul3A_653 : f32 to vector<16xf32>
        %mul3A_655 = arith.mulf %mul3A_652, %mul3A_654 : vector<16xf32>
        %max3A_656 = arith.maximumf %mul3A_652, %mul3A_655 : vector<16xf32>
        %swap3A_657 = arith.index_cast %add3A_553 : i32 to index
        %swap3A_658 = arith.constant 80 : index
        %swap3A_659 = tpu.vector_load %arg7[%swap3A_657, %swap3A_658] {strides = array<i32>} : memref<80x128xf32, #tpu.memory_space<vmem>>, vector<1x16xf32>,
        %swap3A_660 = vector.shape_cast %swap3A_659 : vector<1x16xf32> to vector<16xf32>
        %swap3A_661 = vector.shape_cast %max3A_656 : vector<16xf32> to vector<1x16xf32>
        tpu.vector_store %arg7[%swap3A_657, %swap3A_658], %swap3A_661 {strides = array<i32>} : memref<80x128xf32, #tpu.memory_space<vmem>>, vector<1x16xf32>,
        %get3A_662 = arith.index_cast %add3A_553 : i32 to index
        %get3A_663 = arith.constant 96 : index
        %get3A_664 = tpu.vector_load %arg7[%get3A_662, %get3A_663] {strides = array<i32>} : memref<80x128xf32, #tpu.memory_space<vmem>>, vector<1x16xf32>,
        %get3A_665 = vector.shape_cast %get3A_664 : vector<1x16xf32> to vector<16xf32>
        %get3A_666 = arith.index_cast %add3A_553 : i32 to index
        %get3A_667 = arith.constant 96 : index
        %get3A_668 = tpu.vector_load %arg9[%get3A_666, %get3A_667] {strides = array<i32>} : memref<80x128xf32, #tpu.memory_space<vmem>>, vector<1x16xf32>,
        %get3A_669 = vector.shape_cast %get3A_668 : vector<1x16xf32> to vector<16xf32>
        %mul3A_670 = arith.mulf %get3A_665, %get3A_669 : vector<16xf32>
        %mul3A_671 = arith.constant 1.000000e-01 : f32
        %mul3A_672 = vector.broadcast %mul3A_671 : f32 to vector<16xf32>
        %mul3A_673 = arith.mulf %mul3A_670, %mul3A_672 : vector<16xf32>
        %max3A_674 = arith.maximumf %mul3A_670, %mul3A_673 : vector<16xf32>
        %swap3A_675 = arith.index_cast %add3A_553 : i32 to index
        %swap3A_676 = arith.constant 96 : index
        %swap3A_677 = tpu.vector_load %arg7[%swap3A_675, %swap3A_676] {strides = array<i32>} : memref<80x128xf32, #tpu.memory_space<vmem>>, vector<1x16xf32>,
        %swap3A_678 = vector.shape_cast %swap3A_677 : vector<1x16xf32> to vector<16xf32>
        %swap3A_679 = vector.shape_cast %max3A_674 : vector<16xf32> to vector<1x16xf32>
        tpu.vector_store %arg7[%swap3A_675, %swap3A_676], %swap3A_679 {strides = array<i32>} : memref<80x128xf32, #tpu.memory_space<vmem>>, vector<1x16xf32>,
        %get3A_680 = arith.index_cast %add3A_553 : i32 to index
        %get3A_681 = arith.constant 112 : index
        %get3A_682 = tpu.vector_load %arg7[%get3A_680, %get3A_681] {strides = array<i32>} : memref<80x128xf32, #tpu.memory_space<vmem>>, vector<1x16xf32>,
        %get3A_683 = vector.shape_cast %get3A_682 : vector<1x16xf32> to vector<16xf32>
        %get3A_684 = arith.index_cast %add3A_553 : i32 to index
        %get3A_685 = arith.constant 112 : index
        %get3A_686 = tpu.vector_load %arg9[%get3A_684, %get3A_685] {strides = array<i32>} : memref<80x128xf32, #tpu.memory_space<vmem>>, vector<1x16xf32>,
        %get3A_687 = vector.shape_cast %get3A_686 : vector<1x16xf32> to vector<16xf32>
        %mul3A_688 = arith.mulf %get3A_683, %get3A_687 : vector<16xf32>
        %mul3A_689 = arith.constant 1.000000e-01 : f32
        %mul3A_690 = vector.broadcast %mul3A_689 : f32 to vector<16xf32>
        %mul3A_691 = arith.mulf %mul3A_688, %mul3A_690 : vector<16xf32>
        %max3A_692 = arith.maximumf %mul3A_688, %mul3A_691 : vector<16xf32>
        %swap3A_693 = arith.index_cast %add3A_553 : i32 to index
        %swap3A_694 = arith.constant 112 : index
        %swap3A_695 = tpu.vector_load %arg7[%swap3A_693, %swap3A_694] {strides = array<i32>} : memref<80x128xf32, #tpu.memory_space<vmem>>, vector<1x16xf32>,
        %swap3A_696 = vector.shape_cast %swap3A_695 : vector<1x16xf32> to vector<16xf32>
        %swap3A_697 = vector.shape_cast %max3A_692 : vector<16xf32> to vector<1x16xf32>
        tpu.vector_store %arg7[%swap3A_693, %swap3A_694], %swap3A_697 {strides = array<i32>} : memref<80x128xf32, #tpu.memory_space<vmem>>, vector<1x16xf32>,
        %mul3A_698 = arith.constant 4 : i32
        %mul3A_699 = arith.muli %scan3A_255, %mul3A_698 : i32
        %add3A_700 = arith.constant 3 : i32
        %add3A_701 = arith.addi %mul3A_699, %add3A_700 : i32
        %get3A_702 = arith.index_cast %add3A_701 : i32 to index
        %get3A_703 = arith.constant 0 : index
        %get3A_704 = tpu.vector_load %arg7[%get3A_702, %get3A_703] {strides = array<i32>} : memref<80x128xf32, #tpu.memory_space<vmem>>, vector<1x16xf32>,
        %get3A_705 = vector.shape_cast %get3A_704 : vector<1x16xf32> to vector<16xf32>
        %get3A_706 = arith.index_cast %add3A_701 : i32 to index
        %get3A_707 = arith.constant 0 : index
        %get3A_708 = tpu.vector_load %arg9[%get3A_706, %get3A_707] {strides = array<i32>} : memref<80x128xf32, #tpu.memory_space<vmem>>, vector<1x16xf32>,
        %get3A_709 = vector.shape_cast %get3A_708 : vector<1x16xf32> to vector<16xf32>
        %mul3A_710 = arith.mulf %get3A_705, %get3A_709 : vector<16xf32>
        %mul3A_711 = arith.constant 1.000000e-01 : f32
        %mul3A_712 = vector.broadcast %mul3A_711 : f32 to vector<16xf32>
        %mul3A_713 = arith.mulf %mul3A_710, %mul3A_712 : vector<16xf32>
        %max3A_714 = arith.maximumf %mul3A_710, %mul3A_713 : vector<16xf32>
        %swap3A_715 = arith.index_cast %add3A_701 : i32 to index
        %swap3A_716 = arith.constant 0 : index
        %swap3A_717 = tpu.vector_load %arg7[%swap3A_715, %swap3A_716] {strides = array<i32>} : memref<80x128xf32, #tpu.memory_space<vmem>>, vector<1x16xf32>,
        %swap3A_718 = vector.shape_cast %swap3A_717 : vector<1x16xf32> to vector<16xf32>
        %swap3A_719 = vector.shape_cast %max3A_714 : vector<16xf32> to vector<1x16xf32>
        tpu.vector_store %arg7[%swap3A_715, %swap3A_716], %swap3A_719 {strides = array<i32>} : memref<80x128xf32, #tpu.memory_space<vmem>>, vector<1x16xf32>,
        %get3A_720 = arith.index_cast %add3A_701 : i32 to index
        %get3A_721 = arith.constant 16 : index
        %get3A_722 = tpu.vector_load %arg7[%get3A_720, %get3A_721] {strides = array<i32>} : memref<80x128xf32, #tpu.memory_space<vmem>>, vector<1x16xf32>,
        %get3A_723 = vector.shape_cast %get3A_722 : vector<1x16xf32> to vector<16xf32>
        %get3A_724 = arith.index_cast %add3A_701 : i32 to index
        %get3A_725 = arith.constant 16 : index
        %get3A_726 = tpu.vector_load %arg9[%get3A_724, %get3A_725] {strides = array<i32>} : memref<80x128xf32, #tpu.memory_space<vmem>>, vector<1x16xf32>,
        %get3A_727 = vector.shape_cast %get3A_726 : vector<1x16xf32> to vector<16xf32>
        %mul3A_728 = arith.mulf %get3A_723, %get3A_727 : vector<16xf32>
        %mul3A_729 = arith.constant 1.000000e-01 : f32
        %mul3A_730 = vector.broadcast %mul3A_729 : f32 to vector<16xf32>
        %mul3A_731 = arith.mulf %mul3A_728, %mul3A_730 : vector<16xf32>
        %max3A_732 = arith.maximumf %mul3A_728, %mul3A_731 : vector<16xf32>
        %swap3A_733 = arith.index_cast %add3A_701 : i32 to index
        %swap3A_734 = arith.constant 16 : index
        %swap3A_735 = tpu.vector_load %arg7[%swap3A_733, %swap3A_734] {strides = array<i32>} : memref<80x128xf32, #tpu.memory_space<vmem>>, vector<1x16xf32>,
        %swap3A_736 = vector.shape_cast %swap3A_735 : vector<1x16xf32> to vector<16xf32>
        %swap3A_737 = vector.shape_cast %max3A_732 : vector<16xf32> to vector<1x16xf32>
        tpu.vector_store %arg7[%swap3A_733, %swap3A_734], %swap3A_737 {strides = array<i32>} : memref<80x128xf32, #tpu.memory_space<vmem>>, vector<1x16xf32>,
        %get3A_738 = arith.index_cast %add3A_701 : i32 to index
        %get3A_739 = arith.constant 32 : index
        %get3A_740 = tpu.vector_load %arg7[%get3A_738, %get3A_739] {strides = array<i32>} : memref<80x128xf32, #tpu.memory_space<vmem>>, vector<1x16xf32>,
        %get3A_741 = vector.shape_cast %get3A_740 : vector<1x16xf32> to vector<16xf32>
        %get3A_742 = arith.index_cast %add3A_701 : i32 to index
        %get3A_743 = arith.constant 32 : index
        %get3A_744 = tpu.vector_load %arg9[%get3A_742, %get3A_743] {strides = array<i32>} : memref<80x128xf32, #tpu.memory_space<vmem>>, vector<1x16xf32>,
        %get3A_745 = vector.shape_cast %get3A_744 : vector<1x16xf32> to vector<16xf32>
        %mul3A_746 = arith.mulf %get3A_741, %get3A_745 : vector<16xf32>
        %mul3A_747 = arith.constant 1.000000e-01 : f32
        %mul3A_748 = vector.broadcast %mul3A_747 : f32 to vector<16xf32>
        %mul3A_749 = arith.mulf %mul3A_746, %mul3A_748 : vector<16xf32>
        %max3A_750 = arith.maximumf %mul3A_746, %mul3A_749 : vector<16xf32>
        %swap3A_751 = arith.index_cast %add3A_701 : i32 to index
        %swap3A_752 = arith.constant 32 : index
        %swap3A_753 = tpu.vector_load %arg7[%swap3A_751, %swap3A_752] {strides = array<i32>} : memref<80x128xf32, #tpu.memory_space<vmem>>, vector<1x16xf32>,
        %swap3A_754 = vector.shape_cast %swap3A_753 : vector<1x16xf32> to vector<16xf32>
        %swap3A_755 = vector.shape_cast %max3A_750 : vector<16xf32> to vector<1x16xf32>
        tpu.vector_store %arg7[%swap3A_751, %swap3A_752], %swap3A_755 {strides = array<i32>} : memref<80x128xf32, #tpu.memory_space<vmem>>, vector<1x16xf32>,
        %get3A_756 = arith.index_cast %add3A_701 : i32 to index
        %get3A_757 = arith.constant 48 : index
        %get3A_758 = tpu.vector_load %arg7[%get3A_756, %get3A_757] {strides = array<i32>} : memref<80x128xf32, #tpu.memory_space<vmem>>, vector<1x16xf32>,
        %get3A_759 = vector.shape_cast %get3A_758 : vector<1x16xf32> to vector<16xf32>
        %get3A_760 = arith.index_cast %add3A_701 : i32 to index
        %get3A_761 = arith.constant 48 : index
        %get3A_762 = tpu.vector_load %arg9[%get3A_760, %get3A_761] {strides = array<i32>} : memref<80x128xf32, #tpu.memory_space<vmem>>, vector<1x16xf32>,
        %get3A_763 = vector.shape_cast %get3A_762 : vector<1x16xf32> to vector<16xf32>
        %mul3A_764 = arith.mulf %get3A_759, %get3A_763 : vector<16xf32>
        %mul3A_765 = arith.constant 1.000000e-01 : f32
        %mul3A_766 = vector.broadcast %mul3A_765 : f32 to vector<16xf32>
        %mul3A_767 = arith.mulf %mul3A_764, %mul3A_766 : vector<16xf32>
        %max3A_768 = arith.maximumf %mul3A_764, %mul3A_767 : vector<16xf32>
        %swap3A_769 = arith.index_cast %add3A_701 : i32 to index
        %swap3A_770 = arith.constant 48 : index
        %swap3A_771 = tpu.vector_load %arg7[%swap3A_769, %swap3A_770] {strides = array<i32>} : memref<80x128xf32, #tpu.memory_space<vmem>>, vector<1x16xf32>,
        %swap3A_772 = vector.shape_cast %swap3A_771 : vector<1x16xf32> to vector<16xf32>
        %swap3A_773 = vector.shape_cast %max3A_768 : vector<16xf32> to vector<1x16xf32>
        tpu.vector_store %arg7[%swap3A_769, %swap3A_770], %swap3A_773 {strides = array<i32>} : memref<80x128xf32, #tpu.memory_space<vmem>>, vector<1x16xf32>,
        %get3A_774 = arith.index_cast %add3A_701 : i32 to index
        %get3A_775 = arith.constant 64 : index
        %get3A_776 = tpu.vector_load %arg7[%get3A_774, %get3A_775] {strides = array<i32>} : memref<80x128xf32, #tpu.memory_space<vmem>>, vector<1x16xf32>,
        %get3A_777 = vector.shape_cast %get3A_776 : vector<1x16xf32> to vector<16xf32>
        %get3A_778 = arith.index_cast %add3A_701 : i32 to index
        %get3A_779 = arith.constant 64 : index
        %get3A_780 = tpu.vector_load %arg9[%get3A_778, %get3A_779] {strides = array<i32>} : memref<80x128xf32, #tpu.memory_space<vmem>>, vector<1x16xf32>,
        %get3A_781 = vector.shape_cast %get3A_780 : vector<1x16xf32> to vector<16xf32>
        %mul3A_782 = arith.mulf %get3A_777, %get3A_781 : vector<16xf32>
        %mul3A_783 = arith.constant 1.000000e-01 : f32
        %mul3A_784 = vector.broadcast %mul3A_783 : f32 to vector<16xf32>
        %mul3A_785 = arith.mulf %mul3A_782, %mul3A_784 : vector<16xf32>
        %max3A_786 = arith.maximumf %mul3A_782, %mul3A_785 : vector<16xf32>
        %swap3A_787 = arith.index_cast %add3A_701 : i32 to index
        %swap3A_788 = arith.constant 64 : index
        %swap3A_789 = tpu.vector_load %arg7[%swap3A_787, %swap3A_788] {strides = array<i32>} : memref<80x128xf32, #tpu.memory_space<vmem>>, vector<1x16xf32>,
        %swap3A_790 = vector.shape_cast %swap3A_789 : vector<1x16xf32> to vector<16xf32>
        %swap3A_791 = vector.shape_cast %max3A_786 : vector<16xf32> to vector<1x16xf32>
        tpu.vector_store %arg7[%swap3A_787, %swap3A_788], %swap3A_791 {strides = array<i32>} : memref<80x128xf32, #tpu.memory_space<vmem>>, vector<1x16xf32>,
        %get3A_792 = arith.index_cast %add3A_701 : i32 to index
        %get3A_793 = arith.constant 80 : index
        %get3A_794 = tpu.vector_load %arg7[%get3A_792, %get3A_793] {strides = array<i32>} : memref<80x128xf32, #tpu.memory_space<vmem>>, vector<1x16xf32>,
        %get3A_795 = vector.shape_cast %get3A_794 : vector<1x16xf32> to vector<16xf32>
        %get3A_796 = arith.index_cast %add3A_701 : i32 to index
        %get3A_797 = arith.constant 80 : index
        %get3A_798 = tpu.vector_load %arg9[%get3A_796, %get3A_797] {strides = array<i32>} : memref<80x128xf32, #tpu.memory_space<vmem>>, vector<1x16xf32>,
        %get3A_799 = vector.shape_cast %get3A_798 : vector<1x16xf32> to vector<16xf32>
        %mul3A_800 = arith.mulf %get3A_795, %get3A_799 : vector<16xf32>
        %mul3A_801 = arith.constant 1.000000e-01 : f32
        %mul3A_802 = vector.broadcast %mul3A_801 : f32 to vector<16xf32>
        %mul3A_803 = arith.mulf %mul3A_800, %mul3A_802 : vector<16xf32>
        %max3A_804 = arith.maximumf %mul3A_800, %mul3A_803 : vector<16xf32>
        %swap3A_805 = arith.index_cast %add3A_701 : i32 to index
        %swap3A_806 = arith.constant 80 : index
        %swap3A_807 = tpu.vector_load %arg7[%swap3A_805, %swap3A_806] {strides = array<i32>} : memref<80x128xf32, #tpu.memory_space<vmem>>, vector<1x16xf32>,
        %swap3A_808 = vector.shape_cast %swap3A_807 : vector<1x16xf32> to vector<16xf32>
        %swap3A_809 = vector.shape_cast %max3A_804 : vector<16xf32> to vector<1x16xf32>
        tpu.vector_store %arg7[%swap3A_805, %swap3A_806], %swap3A_809 {strides = array<i32>} : memref<80x128xf32, #tpu.memory_space<vmem>>, vector<1x16xf32>,
        %get3A_810 = arith.index_cast %add3A_701 : i32 to index
        %get3A_811 = arith.constant 96 : index
        %get3A_812 = tpu.vector_load %arg7[%get3A_810, %get3A_811] {strides = array<i32>} : memref<80x128xf32, #tpu.memory_space<vmem>>, vector<1x16xf32>,
        %get3A_813 = vector.shape_cast %get3A_812 : vector<1x16xf32> to vector<16xf32>
        %get3A_814 = arith.index_cast %add3A_701 : i32 to index
        %get3A_815 = arith.constant 96 : index
        %get3A_816 = tpu.vector_load %arg9[%get3A_814, %get3A_815] {strides = array<i32>} : memref<80x128xf32, #tpu.memory_space<vmem>>, vector<1x16xf32>,
        %get3A_817 = vector.shape_cast %get3A_816 : vector<1x16xf32> to vector<16xf32>
        %mul3A_818 = arith.mulf %get3A_813, %get3A_817 : vector<16xf32>
        %mul3A_819 = arith.constant 1.000000e-01 : f32
        %mul3A_820 = vector.broadcast %mul3A_819 : f32 to vector<16xf32>
        %mul3A_821 = arith.mulf %mul3A_818, %mul3A_820 : vector<16xf32>
        %max3A_822 = arith.maximumf %mul3A_818, %mul3A_821 : vector<16xf32>
        %swap3A_823 = arith.index_cast %add3A_701 : i32 to index
        %swap3A_824 = arith.constant 96 : index
        %swap3A_825 = tpu.vector_load %arg7[%swap3A_823, %swap3A_824] {strides = array<i32>} : memref<80x128xf32, #tpu.memory_space<vmem>>, vector<1x16xf32>,
        %swap3A_826 = vector.shape_cast %swap3A_825 : vector<1x16xf32> to vector<16xf32>
        %swap3A_827 = vector.shape_cast %max3A_822 : vector<16xf32> to vector<1x16xf32>
        tpu.vector_store %arg7[%swap3A_823, %swap3A_824], %swap3A_827 {strides = array<i32>} : memref<80x128xf32, #tpu.memory_space<vmem>>, vector<1x16xf32>,
        %get3A_828 = arith.index_cast %add3A_701 : i32 to index
        %get3A_829 = arith.constant 112 : index
        %get3A_830 = tpu.vector_load %arg7[%get3A_828, %get3A_829] {strides = array<i32>} : memref<80x128xf32, #tpu.memory_space<vmem>>, vector<1x16xf32>,
        %get3A_831 = vector.shape_cast %get3A_830 : vector<1x16xf32> to vector<16xf32>
        %get3A_832 = arith.index_cast %add3A_701 : i32 to index
        %get3A_833 = arith.constant 112 : index
        %get3A_834 = tpu.vector_load %arg9[%get3A_832, %get3A_833] {strides = array<i32>} : memref<80x128xf32, #tpu.memory_space<vmem>>, vector<1x16xf32>,
        %get3A_835 = vector.shape_cast %get3A_834 : vector<1x16xf32> to vector<16xf32>
        %mul3A_836 = arith.mulf %get3A_831, %get3A_835 : vector<16xf32>
        %mul3A_837 = arith.constant 1.000000e-01 : f32
        %mul3A_838 = vector.broadcast %mul3A_837 : f32 to vector<16xf32>
        %mul3A_839 = arith.mulf %mul3A_836, %mul3A_838 : vector<16xf32>
        %max3A_840 = arith.maximumf %mul3A_836, %mul3A_839 : vector<16xf32>
        %swap3A_841 = arith.index_cast %add3A_701 : i32 to index
        %swap3A_842 = arith.constant 112 : index
        %swap3A_843 = tpu.vector_load %arg7[%swap3A_841, %swap3A_842] {strides = array<i32>} : memref<80x128xf32, #tpu.memory_space<vmem>>, vector<1x16xf32>,
        %swap3A_844 = vector.shape_cast %swap3A_843 : vector<1x16xf32> to vector<16xf32>
        %swap3A_845 = vector.shape_cast %max3A_840 : vector<16xf32> to vector<1x16xf32>
        tpu.vector_store %arg7[%swap3A_841, %swap3A_842], %swap3A_845 {strides = array<i32>} : memref<80x128xf32, #tpu.memory_space<vmem>>, vector<1x16xf32>,
        %scan3A_846 = arith.constant 0 : i32
        scf.yield %scan3A_846 : i32
      }
      %scan3A_205 = arith.constant 20 : i32
      %dma_start3A_206 = arith.constant 0 : i32
      %dma_start3A_207 = arith.constant 0 : i32
      %dma_start3A_208 = tpu.memref_slice %arg29[%dma_start3A_206, %dma_start3A_207] : memref<10000x128xf32, #tpu.memory_space<vmem_shared>> -> memref<10000x128xf32, #tpu.memory_space<vmem_shared>>
      tpu.enqueue_indirect_dma source(%arg7 : memref<80x128xf32, #tpu.memory_space<vmem>>) target(%dma_start3A_208 : memref<10000x128xf32, #tpu.memory_space<vmem_shared>>) offsets(%arg17 : memref<80xi32, #tpu.memory_space<vmem>>) semaphore(%arg23 : memref<!tpu.dma_semaphore, #tpu.memory_space<semaphore_mem>>) {add = true}
      %add3A_209 = arith.constant 2 : i32
      %add3A_210 = arith.addi %add3A_179, %add3A_209 : i32
      %lt3A_211 = arith.constant 125 : i32
      %lt3A_212 = arith.cmpi slt, %add3A_210, %lt3A_211 : i32
      %convert_element_type3A_213 = arith.extui %lt3A_212 : i1 to i32
      %cond3A_214 = arith.constant 0 : i32
      %cond3A_215 = arith.cmpi ne, %convert_element_type3A_213, %cond3A_214 : i32
      scf.if %cond3A_215 {
        %add3A_255 = arith.constant 2 : i32
        %add3A_256 = arith.addi %add3A_179, %add3A_255 : i32
        %dma_start3A_257 = arith.constant 0 : i32
        %dma_start3A_258 = tpu.memref_slice %arg4[%add3A, %add3A_256, %dma_start3A_257] : memref<32x125x80xi32, #tpu.memory_space<hbm>> -> memref<1x1x80xi32, #tpu.memory_space<hbm>>
        %dma_start3A_259 = tpu.memref_squeeze %dma_start3A_258 : memref<1x1x80xi32, #tpu.memory_space<hbm>> -> memref<80xi32, #tpu.memory_space<hbm>>
        %dma_start3A_260 = arith.constant 0 : i32
        %dma_start3A_261 = tpu.memref_slice %arg4[%add3A, %add3A_256, %dma_start3A_260] : memref<32x125x80xi32, #tpu.memory_space<hbm>> -> memref<1x1x80xi32, #tpu.memory_space<hbm>>
        %dma_start3A_262 = tpu.memref_squeeze %dma_start3A_261 : memref<1x1x80xi32, #tpu.memory_space<hbm>> -> memref<80xi32, #tpu.memory_space<hbm>>
        tpu.enqueue_dma source(%dma_start3A_262 : memref<80xi32, #tpu.memory_space<hbm>>) target(%arg11 : memref<80xi32, #tpu.memory_space<vmem>>) target_semaphore(%arg25 : memref<!tpu.dma_semaphore, #tpu.memory_space<semaphore_mem>>)
        %add3A_263 = arith.constant 2 : i32
        %add3A_264 = arith.addi %add3A_179, %add3A_263 : i32
        %dma_start3A_265 = arith.constant 0 : i32
        %dma_start3A_266 = tpu.memref_slice %arg5[%add3A, %add3A_264, %dma_start3A_265] : memref<32x125x80xi32, #tpu.memory_space<hbm>> -> memref<1x1x80xi32, #tpu.memory_space<hbm>>
        %dma_start3A_267 = tpu.memref_squeeze %dma_start3A_266 : memref<1x1x80xi32, #tpu.memory_space<hbm>> -> memref<80xi32, #tpu.memory_space<hbm>>
        %dma_start3A_268 = arith.constant 0 : i32
        %dma_start3A_269 = tpu.memref_slice %arg5[%add3A, %add3A_264, %dma_start3A_268] : memref<32x125x80xi32, #tpu.memory_space<hbm>> -> memref<1x1x80xi32, #tpu.memory_space<hbm>>
        %dma_start3A_270 = tpu.memref_squeeze %dma_start3A_269 : memref<1x1x80xi32, #tpu.memory_space<hbm>> -> memref<80xi32, #tpu.memory_space<hbm>>
        tpu.enqueue_dma source(%dma_start3A_270 : memref<80xi32, #tpu.memory_space<hbm>>) target(%arg15 : memref<80xi32, #tpu.memory_space<vmem>>) target_semaphore(%arg25 : memref<!tpu.dma_semaphore, #tpu.memory_space<semaphore_mem>>)
      } else {
      }
      %add3A_216 = arith.constant 3 : i32
      %add3A_217 = arith.addi %mul3A_106, %add3A_216 : i32
      %dma_wait3A_218 = arith.constant 0 : i32
      %dma_wait3A_219 = arith.constant 0 : i32
      %dma_wait3A_220 = tpu.memref_slice %arg3[%dma_wait3A_218, %dma_wait3A_219] : memref<10000x128xf32, #tpu.memory_space<hbm>> -> memref<80x128xf32, #tpu.memory_space<hbm>>
      %dma_wait3A_221 = arith.constant 0 : i32
      %dma_wait3A_222 = arith.constant 0 : i32
      %dma_wait3A_223 = tpu.memref_slice %arg3[%dma_wait3A_221, %dma_wait3A_222] : memref<10000x128xf32, #tpu.memory_space<hbm>> -> memref<80x128xf32, #tpu.memory_space<hbm>>
      tpu.wait_dma2 semaphore(%arg20 : memref<!tpu.dma_semaphore, #tpu.memory_space<semaphore_mem>>) src(%dma_wait3A_223 : memref<80x128xf32, #tpu.memory_space<hbm>>) dst(%arg8 : memref<80x128xf32, #tpu.memory_space<vmem>>)
      %dma_wait3A_224 = arith.constant 0 : i32
      %dma_wait3A_225 = arith.constant 0 : i32
      %dma_wait3A_226 = tpu.memref_slice %arg2[%dma_wait3A_224, %dma_wait3A_225] : memref<320000x128xf32, #tpu.memory_space<hbm>> -> memref<80x128xf32, #tpu.memory_space<hbm>>
      %dma_wait3A_227 = arith.constant 0 : i32
      %dma_wait3A_228 = arith.constant 0 : i32
      %dma_wait3A_229 = tpu.memref_slice %arg2[%dma_wait3A_227, %dma_wait3A_228] : memref<320000x128xf32, #tpu.memory_space<hbm>> -> memref<80x128xf32, #tpu.memory_space<hbm>>
      tpu.wait_dma2 semaphore(%arg22 : memref<!tpu.dma_semaphore, #tpu.memory_space<semaphore_mem>>) src(%dma_wait3A_229 : memref<80x128xf32, #tpu.memory_space<hbm>>) dst(%arg10 : memref<80x128xf32, #tpu.memory_space<vmem>>)
      %add3A_230 = arith.constant 1 : i32
      %add3A_231 = arith.addi %add3A_217, %add3A_230 : i32
      %lt3A_232 = arith.constant 125 : i32
      %lt3A_233 = arith.cmpi slt, %add3A_231, %lt3A_232 : i32
      %convert_element_type3A_234 = arith.extui %lt3A_233 : i1 to i32
      %cond3A_235 = arith.constant 0 : i32
      %cond3A_236 = arith.cmpi ne, %convert_element_type3A_234, %cond3A_235 : i32
      scf.if %cond3A_236 {
        %dma_wait3A_255 = arith.constant 0 : i32
        %dma_wait3A_256 = arith.constant 0 : i32
        %dma_wait3A_257 = arith.constant 0 : i32
        %dma_wait3A_258 = tpu.memref_slice %arg4[%dma_wait3A_255, %dma_wait3A_256, %dma_wait3A_257] : memref<32x125x80xi32, #tpu.memory_space<hbm>> -> memref<1x1x80xi32, #tpu.memory_space<hbm>>
        %dma_wait3A_259 = tpu.memref_squeeze %dma_wait3A_258 : memref<1x1x80xi32, #tpu.memory_space<hbm>> -> memref<80xi32, #tpu.memory_space<hbm>>
        %dma_wait3A_260 = arith.constant 0 : i32
        %dma_wait3A_261 = tpu.memref_slice %arg4[%dma_wait3A_255, %dma_wait3A_256, %dma_wait3A_260] : memref<32x125x80xi32, #tpu.memory_space<hbm>> -> memref<1x1x80xi32, #tpu.memory_space<hbm>>
        %dma_wait3A_262 = tpu.memref_squeeze %dma_wait3A_261 : memref<1x1x80xi32, #tpu.memory_space<hbm>> -> memref<80xi32, #tpu.memory_space<hbm>>
        tpu.wait_dma2 semaphore(%arg25 : memref<!tpu.dma_semaphore, #tpu.memory_space<semaphore_mem>>) src(%dma_wait3A_262 : memref<80xi32, #tpu.memory_space<hbm>>) dst(%arg11 : memref<80xi32, #tpu.memory_space<vmem>>)
        %dma_wait3A_263 = arith.constant 0 : i32
        %dma_wait3A_264 = arith.constant 0 : i32
        %dma_wait3A_265 = arith.constant 0 : i32
        %dma_wait3A_266 = tpu.memref_slice %arg5[%dma_wait3A_263, %dma_wait3A_264, %dma_wait3A_265] : memref<32x125x80xi32, #tpu.memory_space<hbm>> -> memref<1x1x80xi32, #tpu.memory_space<hbm>>
        %dma_wait3A_267 = tpu.memref_squeeze %dma_wait3A_266 : memref<1x1x80xi32, #tpu.memory_space<hbm>> -> memref<80xi32, #tpu.memory_space<hbm>>
        %dma_wait3A_268 = arith.constant 0 : i32
        %dma_wait3A_269 = tpu.memref_slice %arg5[%dma_wait3A_263, %dma_wait3A_264, %dma_wait3A_268] : memref<32x125x80xi32, #tpu.memory_space<hbm>> -> memref<1x1x80xi32, #tpu.memory_space<hbm>>
        %dma_wait3A_270 = tpu.memref_squeeze %dma_wait3A_269 : memref<1x1x80xi32, #tpu.memory_space<hbm>> -> memref<80xi32, #tpu.memory_space<hbm>>
        tpu.wait_dma2 semaphore(%arg25 : memref<!tpu.dma_semaphore, #tpu.memory_space<semaphore_mem>>) src(%dma_wait3A_270 : memref<80xi32, #tpu.memory_space<hbm>>) dst(%arg15 : memref<80xi32, #tpu.memory_space<vmem>>)
        %ge3A = arith.constant 1 : i32
        %ge3A_271 = arith.cmpi sge, %add3A_217, %ge3A : i32
        %convert_element_type3A_272 = arith.extui %ge3A_271 : i1 to i32
        %cond3A_273 = arith.constant 0 : i32
        %cond3A_274 = arith.cmpi ne, %convert_element_type3A_272, %cond3A_273 : i32
        scf.if %cond3A_274 {
          %dma_wait3A_287 = arith.constant 0 : i32
          %dma_wait3A_288 = arith.constant 0 : i32
          %dma_wait3A_289 = tpu.memref_slice %arg29[%dma_wait3A_287, %dma_wait3A_288] : memref<10000x128xf32, #tpu.memory_space<vmem_shared>> -> memref<80x128xf32, #tpu.memory_space<vmem_shared>>
          %dma_wait3A_290 = arith.constant 0 : i32
          %dma_wait3A_291 = arith.constant 0 : i32
          %dma_wait3A_292 = tpu.memref_slice %arg29[%dma_wait3A_290, %dma_wait3A_291] : memref<10000x128xf32, #tpu.memory_space<vmem_shared>> -> memref<80x128xf32, #tpu.memory_space<vmem_shared>>
          tpu.wait_dma2 semaphore(%arg23 : memref<!tpu.dma_semaphore, #tpu.memory_space<semaphore_mem>>) src(%arg7 : memref<80x128xf32, #tpu.memory_space<vmem>>) dst(%dma_wait3A_292 : memref<80x128xf32, #tpu.memory_space<vmem_shared>>)
        } else {
        }
        %add3A_275 = arith.constant 1 : i32
        %add3A_276 = arith.addi %add3A_217, %add3A_275 : i32
        %dma_start3A_277 = arith.constant 0 : i32
        %dma_start3A_278 = arith.constant 0 : i32
        %dma_start3A_279 = tpu.memref_slice %arg3[%dma_start3A_277, %dma_start3A_278] : memref<10000x128xf32, #tpu.memory_space<hbm>> -> memref<10000x128xf32, #tpu.memory_space<hbm>>
        tpu.enqueue_indirect_dma source(%dma_start3A_279 : memref<10000x128xf32, #tpu.memory_space<hbm>>) target(%arg7 : memref<80x128xf32, #tpu.memory_space<vmem>>) offsets(%arg11 : memref<80xi32, #tpu.memory_space<vmem>>) semaphore(%arg19 : memref<!tpu.dma_semaphore, #tpu.memory_space<semaphore_mem>>)
        %mul3A_280 = arith.constant 80 : i32
        %mul3A_281 = arith.muli %add3A_276, %mul3A_280 : i32
        %add3A_282 = arith.addi %mul3A_2, %mul3A_281 : i32
        %dma_start3A_283 = arith.constant 0 : i32
        %dma_start3A_284 = tpu.memref_slice %arg2[%add3A_282, %dma_start3A_283] : memref<320000x128xf32, #tpu.memory_space<hbm>> -> memref<80x128xf32, #tpu.memory_space<hbm>>
        %dma_start3A_285 = arith.constant 0 : i32
        %dma_start3A_286 = tpu.memref_slice %arg2[%add3A_282, %dma_start3A_285] : memref<320000x128xf32, #tpu.memory_space<hbm>> -> memref<80x128xf32, #tpu.memory_space<hbm>>
        tpu.enqueue_dma source(%dma_start3A_286 : memref<80x128xf32, #tpu.memory_space<hbm>>) target(%arg9 : memref<80x128xf32, #tpu.memory_space<vmem>>) target_semaphore(%arg21 : memref<!tpu.dma_semaphore, #tpu.memory_space<semaphore_mem>>)
      } else {
      }
      %scan3A_237 = arith.constant 0 : i32
      %scan3A_238 = arith.constant 0 : i32
      %scan3A_239 = arith.constant 20 : i32
      %scan3A_240 = arith.addi %scan3A_238, %scan3A_239 : i32
      %scan3A_241 = arith.constant 1 : i32
      %scan3A_242 = scf.for %scan3A_255 = %scan3A_238 to %scan3A_240 step %scan3A_241 iter_args(%scan3A_256 = %scan3A_237) -> (i32)  : i32 {
        %mul3A_257 = arith.constant 4 : i32
        %mul3A_258 = arith.muli %scan3A_255, %mul3A_257 : i32
        %add3A_259 = arith.constant 0 : i32
        %add3A_260 = arith.addi %mul3A_258, %add3A_259 : i32
        %get3A = arith.index_cast %add3A_260 : i32 to index
        %get3A_261 = arith.constant 0 : index
        %get3A_262 = tpu.vector_load %arg8[%get3A, %get3A_261] {strides = array<i32>} : memref<80x128xf32, #tpu.memory_space<vmem>>, vector<1x16xf32>,
        %get3A_263 = vector.shape_cast %get3A_262 : vector<1x16xf32> to vector<16xf32>
        %get3A_264 = arith.index_cast %add3A_260 : i32 to index
        %get3A_265 = arith.constant 0 : index
        %get3A_266 = tpu.vector_load %arg10[%get3A_264, %get3A_265] {strides = array<i32>} : memref<80x128xf32, #tpu.memory_space<vmem>>, vector<1x16xf32>,
        %get3A_267 = vector.shape_cast %get3A_266 : vector<1x16xf32> to vector<16xf32>
        %mul3A_268 = arith.mulf %get3A_263, %get3A_267 : vector<16xf32>
        %mul3A_269 = arith.constant 1.000000e-01 : f32
        %mul3A_270 = vector.broadcast %mul3A_269 : f32 to vector<16xf32>
        %mul3A_271 = arith.mulf %mul3A_268, %mul3A_270 : vector<16xf32>
        %max3A = arith.maximumf %mul3A_268, %mul3A_271 : vector<16xf32>
        %swap3A = arith.index_cast %add3A_260 : i32 to index
        %swap3A_272 = arith.constant 0 : index
        %swap3A_273 = tpu.vector_load %arg8[%swap3A, %swap3A_272] {strides = array<i32>} : memref<80x128xf32, #tpu.memory_space<vmem>>, vector<1x16xf32>,
        %swap3A_274 = vector.shape_cast %swap3A_273 : vector<1x16xf32> to vector<16xf32>
        %swap3A_275 = vector.shape_cast %max3A : vector<16xf32> to vector<1x16xf32>
        tpu.vector_store %arg8[%swap3A, %swap3A_272], %swap3A_275 {strides = array<i32>} : memref<80x128xf32, #tpu.memory_space<vmem>>, vector<1x16xf32>,
        %get3A_276 = arith.index_cast %add3A_260 : i32 to index
        %get3A_277 = arith.constant 16 : index
        %get3A_278 = tpu.vector_load %arg8[%get3A_276, %get3A_277] {strides = array<i32>} : memref<80x128xf32, #tpu.memory_space<vmem>>, vector<1x16xf32>,
        %get3A_279 = vector.shape_cast %get3A_278 : vector<1x16xf32> to vector<16xf32>
        %get3A_280 = arith.index_cast %add3A_260 : i32 to index
        %get3A_281 = arith.constant 16 : index
        %get3A_282 = tpu.vector_load %arg10[%get3A_280, %get3A_281] {strides = array<i32>} : memref<80x128xf32, #tpu.memory_space<vmem>>, vector<1x16xf32>,
        %get3A_283 = vector.shape_cast %get3A_282 : vector<1x16xf32> to vector<16xf32>
        %mul3A_284 = arith.mulf %get3A_279, %get3A_283 : vector<16xf32>
        %mul3A_285 = arith.constant 1.000000e-01 : f32
        %mul3A_286 = vector.broadcast %mul3A_285 : f32 to vector<16xf32>
        %mul3A_287 = arith.mulf %mul3A_284, %mul3A_286 : vector<16xf32>
        %max3A_288 = arith.maximumf %mul3A_284, %mul3A_287 : vector<16xf32>
        %swap3A_289 = arith.index_cast %add3A_260 : i32 to index
        %swap3A_290 = arith.constant 16 : index
        %swap3A_291 = tpu.vector_load %arg8[%swap3A_289, %swap3A_290] {strides = array<i32>} : memref<80x128xf32, #tpu.memory_space<vmem>>, vector<1x16xf32>,
        %swap3A_292 = vector.shape_cast %swap3A_291 : vector<1x16xf32> to vector<16xf32>
        %swap3A_293 = vector.shape_cast %max3A_288 : vector<16xf32> to vector<1x16xf32>
        tpu.vector_store %arg8[%swap3A_289, %swap3A_290], %swap3A_293 {strides = array<i32>} : memref<80x128xf32, #tpu.memory_space<vmem>>, vector<1x16xf32>,
        %get3A_294 = arith.index_cast %add3A_260 : i32 to index
        %get3A_295 = arith.constant 32 : index
        %get3A_296 = tpu.vector_load %arg8[%get3A_294, %get3A_295] {strides = array<i32>} : memref<80x128xf32, #tpu.memory_space<vmem>>, vector<1x16xf32>,
        %get3A_297 = vector.shape_cast %get3A_296 : vector<1x16xf32> to vector<16xf32>
        %get3A_298 = arith.index_cast %add3A_260 : i32 to index
        %get3A_299 = arith.constant 32 : index
        %get3A_300 = tpu.vector_load %arg10[%get3A_298, %get3A_299] {strides = array<i32>} : memref<80x128xf32, #tpu.memory_space<vmem>>, vector<1x16xf32>,
        %get3A_301 = vector.shape_cast %get3A_300 : vector<1x16xf32> to vector<16xf32>
        %mul3A_302 = arith.mulf %get3A_297, %get3A_301 : vector<16xf32>
        %mul3A_303 = arith.constant 1.000000e-01 : f32
        %mul3A_304 = vector.broadcast %mul3A_303 : f32 to vector<16xf32>
        %mul3A_305 = arith.mulf %mul3A_302, %mul3A_304 : vector<16xf32>
        %max3A_306 = arith.maximumf %mul3A_302, %mul3A_305 : vector<16xf32>
        %swap3A_307 = arith.index_cast %add3A_260 : i32 to index
        %swap3A_308 = arith.constant 32 : index
        %swap3A_309 = tpu.vector_load %arg8[%swap3A_307, %swap3A_308] {strides = array<i32>} : memref<80x128xf32, #tpu.memory_space<vmem>>, vector<1x16xf32>,
        %swap3A_310 = vector.shape_cast %swap3A_309 : vector<1x16xf32> to vector<16xf32>
        %swap3A_311 = vector.shape_cast %max3A_306 : vector<16xf32> to vector<1x16xf32>
        tpu.vector_store %arg8[%swap3A_307, %swap3A_308], %swap3A_311 {strides = array<i32>} : memref<80x128xf32, #tpu.memory_space<vmem>>, vector<1x16xf32>,
        %get3A_312 = arith.index_cast %add3A_260 : i32 to index
        %get3A_313 = arith.constant 48 : index
        %get3A_314 = tpu.vector_load %arg8[%get3A_312, %get3A_313] {strides = array<i32>} : memref<80x128xf32, #tpu.memory_space<vmem>>, vector<1x16xf32>,
        %get3A_315 = vector.shape_cast %get3A_314 : vector<1x16xf32> to vector<16xf32>
        %get3A_316 = arith.index_cast %add3A_260 : i32 to index
        %get3A_317 = arith.constant 48 : index
        %get3A_318 = tpu.vector_load %arg10[%get3A_316, %get3A_317] {strides = array<i32>} : memref<80x128xf32, #tpu.memory_space<vmem>>, vector<1x16xf32>,
        %get3A_319 = vector.shape_cast %get3A_318 : vector<1x16xf32> to vector<16xf32>
        %mul3A_320 = arith.mulf %get3A_315, %get3A_319 : vector<16xf32>
        %mul3A_321 = arith.constant 1.000000e-01 : f32
        %mul3A_322 = vector.broadcast %mul3A_321 : f32 to vector<16xf32>
        %mul3A_323 = arith.mulf %mul3A_320, %mul3A_322 : vector<16xf32>
        %max3A_324 = arith.maximumf %mul3A_320, %mul3A_323 : vector<16xf32>
        %swap3A_325 = arith.index_cast %add3A_260 : i32 to index
        %swap3A_326 = arith.constant 48 : index
        %swap3A_327 = tpu.vector_load %arg8[%swap3A_325, %swap3A_326] {strides = array<i32>} : memref<80x128xf32, #tpu.memory_space<vmem>>, vector<1x16xf32>,
        %swap3A_328 = vector.shape_cast %swap3A_327 : vector<1x16xf32> to vector<16xf32>
        %swap3A_329 = vector.shape_cast %max3A_324 : vector<16xf32> to vector<1x16xf32>
        tpu.vector_store %arg8[%swap3A_325, %swap3A_326], %swap3A_329 {strides = array<i32>} : memref<80x128xf32, #tpu.memory_space<vmem>>, vector<1x16xf32>,
        %get3A_330 = arith.index_cast %add3A_260 : i32 to index
        %get3A_331 = arith.constant 64 : index
        %get3A_332 = tpu.vector_load %arg8[%get3A_330, %get3A_331] {strides = array<i32>} : memref<80x128xf32, #tpu.memory_space<vmem>>, vector<1x16xf32>,
        %get3A_333 = vector.shape_cast %get3A_332 : vector<1x16xf32> to vector<16xf32>
        %get3A_334 = arith.index_cast %add3A_260 : i32 to index
        %get3A_335 = arith.constant 64 : index
        %get3A_336 = tpu.vector_load %arg10[%get3A_334, %get3A_335] {strides = array<i32>} : memref<80x128xf32, #tpu.memory_space<vmem>>, vector<1x16xf32>,
        %get3A_337 = vector.shape_cast %get3A_336 : vector<1x16xf32> to vector<16xf32>
        %mul3A_338 = arith.mulf %get3A_333, %get3A_337 : vector<16xf32>
        %mul3A_339 = arith.constant 1.000000e-01 : f32
        %mul3A_340 = vector.broadcast %mul3A_339 : f32 to vector<16xf32>
        %mul3A_341 = arith.mulf %mul3A_338, %mul3A_340 : vector<16xf32>
        %max3A_342 = arith.maximumf %mul3A_338, %mul3A_341 : vector<16xf32>
        %swap3A_343 = arith.index_cast %add3A_260 : i32 to index
        %swap3A_344 = arith.constant 64 : index
        %swap3A_345 = tpu.vector_load %arg8[%swap3A_343, %swap3A_344] {strides = array<i32>} : memref<80x128xf32, #tpu.memory_space<vmem>>, vector<1x16xf32>,
        %swap3A_346 = vector.shape_cast %swap3A_345 : vector<1x16xf32> to vector<16xf32>
        %swap3A_347 = vector.shape_cast %max3A_342 : vector<16xf32> to vector<1x16xf32>
        tpu.vector_store %arg8[%swap3A_343, %swap3A_344], %swap3A_347 {strides = array<i32>} : memref<80x128xf32, #tpu.memory_space<vmem>>, vector<1x16xf32>,
        %get3A_348 = arith.index_cast %add3A_260 : i32 to index
        %get3A_349 = arith.constant 80 : index
        %get3A_350 = tpu.vector_load %arg8[%get3A_348, %get3A_349] {strides = array<i32>} : memref<80x128xf32, #tpu.memory_space<vmem>>, vector<1x16xf32>,
        %get3A_351 = vector.shape_cast %get3A_350 : vector<1x16xf32> to vector<16xf32>
        %get3A_352 = arith.index_cast %add3A_260 : i32 to index
        %get3A_353 = arith.constant 80 : index
        %get3A_354 = tpu.vector_load %arg10[%get3A_352, %get3A_353] {strides = array<i32>} : memref<80x128xf32, #tpu.memory_space<vmem>>, vector<1x16xf32>,
        %get3A_355 = vector.shape_cast %get3A_354 : vector<1x16xf32> to vector<16xf32>
        %mul3A_356 = arith.mulf %get3A_351, %get3A_355 : vector<16xf32>
        %mul3A_357 = arith.constant 1.000000e-01 : f32
        %mul3A_358 = vector.broadcast %mul3A_357 : f32 to vector<16xf32>
        %mul3A_359 = arith.mulf %mul3A_356, %mul3A_358 : vector<16xf32>
        %max3A_360 = arith.maximumf %mul3A_356, %mul3A_359 : vector<16xf32>
        %swap3A_361 = arith.index_cast %add3A_260 : i32 to index
        %swap3A_362 = arith.constant 80 : index
        %swap3A_363 = tpu.vector_load %arg8[%swap3A_361, %swap3A_362] {strides = array<i32>} : memref<80x128xf32, #tpu.memory_space<vmem>>, vector<1x16xf32>,
        %swap3A_364 = vector.shape_cast %swap3A_363 : vector<1x16xf32> to vector<16xf32>
        %swap3A_365 = vector.shape_cast %max3A_360 : vector<16xf32> to vector<1x16xf32>
        tpu.vector_store %arg8[%swap3A_361, %swap3A_362], %swap3A_365 {strides = array<i32>} : memref<80x128xf32, #tpu.memory_space<vmem>>, vector<1x16xf32>,
        %get3A_366 = arith.index_cast %add3A_260 : i32 to index
        %get3A_367 = arith.constant 96 : index
        %get3A_368 = tpu.vector_load %arg8[%get3A_366, %get3A_367] {strides = array<i32>} : memref<80x128xf32, #tpu.memory_space<vmem>>, vector<1x16xf32>,
        %get3A_369 = vector.shape_cast %get3A_368 : vector<1x16xf32> to vector<16xf32>
        %get3A_370 = arith.index_cast %add3A_260 : i32 to index
        %get3A_371 = arith.constant 96 : index
        %get3A_372 = tpu.vector_load %arg10[%get3A_370, %get3A_371] {strides = array<i32>} : memref<80x128xf32, #tpu.memory_space<vmem>>, vector<1x16xf32>,
        %get3A_373 = vector.shape_cast %get3A_372 : vector<1x16xf32> to vector<16xf32>
        %mul3A_374 = arith.mulf %get3A_369, %get3A_373 : vector<16xf32>
        %mul3A_375 = arith.constant 1.000000e-01 : f32
        %mul3A_376 = vector.broadcast %mul3A_375 : f32 to vector<16xf32>
        %mul3A_377 = arith.mulf %mul3A_374, %mul3A_376 : vector<16xf32>
        %max3A_378 = arith.maximumf %mul3A_374, %mul3A_377 : vector<16xf32>
        %swap3A_379 = arith.index_cast %add3A_260 : i32 to index
        %swap3A_380 = arith.constant 96 : index
        %swap3A_381 = tpu.vector_load %arg8[%swap3A_379, %swap3A_380] {strides = array<i32>} : memref<80x128xf32, #tpu.memory_space<vmem>>, vector<1x16xf32>,
        %swap3A_382 = vector.shape_cast %swap3A_381 : vector<1x16xf32> to vector<16xf32>
        %swap3A_383 = vector.shape_cast %max3A_378 : vector<16xf32> to vector<1x16xf32>
        tpu.vector_store %arg8[%swap3A_379, %swap3A_380], %swap3A_383 {strides = array<i32>} : memref<80x128xf32, #tpu.memory_space<vmem>>, vector<1x16xf32>,
        %get3A_384 = arith.index_cast %add3A_260 : i32 to index
        %get3A_385 = arith.constant 112 : index
        %get3A_386 = tpu.vector_load %arg8[%get3A_384, %get3A_385] {strides = array<i32>} : memref<80x128xf32, #tpu.memory_space<vmem>>, vector<1x16xf32>,
        %get3A_387 = vector.shape_cast %get3A_386 : vector<1x16xf32> to vector<16xf32>
        %get3A_388 = arith.index_cast %add3A_260 : i32 to index
        %get3A_389 = arith.constant 112 : index
        %get3A_390 = tpu.vector_load %arg10[%get3A_388, %get3A_389] {strides = array<i32>} : memref<80x128xf32, #tpu.memory_space<vmem>>, vector<1x16xf32>,
        %get3A_391 = vector.shape_cast %get3A_390 : vector<1x16xf32> to vector<16xf32>
        %mul3A_392 = arith.mulf %get3A_387, %get3A_391 : vector<16xf32>
        %mul3A_393 = arith.constant 1.000000e-01 : f32
        %mul3A_394 = vector.broadcast %mul3A_393 : f32 to vector<16xf32>
        %mul3A_395 = arith.mulf %mul3A_392, %mul3A_394 : vector<16xf32>
        %max3A_396 = arith.maximumf %mul3A_392, %mul3A_395 : vector<16xf32>
        %swap3A_397 = arith.index_cast %add3A_260 : i32 to index
        %swap3A_398 = arith.constant 112 : index
        %swap3A_399 = tpu.vector_load %arg8[%swap3A_397, %swap3A_398] {strides = array<i32>} : memref<80x128xf32, #tpu.memory_space<vmem>>, vector<1x16xf32>,
        %swap3A_400 = vector.shape_cast %swap3A_399 : vector<1x16xf32> to vector<16xf32>
        %swap3A_401 = vector.shape_cast %max3A_396 : vector<16xf32> to vector<1x16xf32>
        tpu.vector_store %arg8[%swap3A_397, %swap3A_398], %swap3A_401 {strides = array<i32>} : memref<80x128xf32, #tpu.memory_space<vmem>>, vector<1x16xf32>,
        %mul3A_402 = arith.constant 4 : i32
        %mul3A_403 = arith.muli %scan3A_255, %mul3A_402 : i32
        %add3A_404 = arith.constant 1 : i32
        %add3A_405 = arith.addi %mul3A_403, %add3A_404 : i32
        %get3A_406 = arith.index_cast %add3A_405 : i32 to index
        %get3A_407 = arith.constant 0 : index
        %get3A_408 = tpu.vector_load %arg8[%get3A_406, %get3A_407] {strides = array<i32>} : memref<80x128xf32, #tpu.memory_space<vmem>>, vector<1x16xf32>,
        %get3A_409 = vector.shape_cast %get3A_408 : vector<1x16xf32> to vector<16xf32>
        %get3A_410 = arith.index_cast %add3A_405 : i32 to index
        %get3A_411 = arith.constant 0 : index
        %get3A_412 = tpu.vector_load %arg10[%get3A_410, %get3A_411] {strides = array<i32>} : memref<80x128xf32, #tpu.memory_space<vmem>>, vector<1x16xf32>,
        %get3A_413 = vector.shape_cast %get3A_412 : vector<1x16xf32> to vector<16xf32>
        %mul3A_414 = arith.mulf %get3A_409, %get3A_413 : vector<16xf32>
        %mul3A_415 = arith.constant 1.000000e-01 : f32
        %mul3A_416 = vector.broadcast %mul3A_415 : f32 to vector<16xf32>
        %mul3A_417 = arith.mulf %mul3A_414, %mul3A_416 : vector<16xf32>
        %max3A_418 = arith.maximumf %mul3A_414, %mul3A_417 : vector<16xf32>
        %swap3A_419 = arith.index_cast %add3A_405 : i32 to index
        %swap3A_420 = arith.constant 0 : index
        %swap3A_421 = tpu.vector_load %arg8[%swap3A_419, %swap3A_420] {strides = array<i32>} : memref<80x128xf32, #tpu.memory_space<vmem>>, vector<1x16xf32>,
        %swap3A_422 = vector.shape_cast %swap3A_421 : vector<1x16xf32> to vector<16xf32>
        %swap3A_423 = vector.shape_cast %max3A_418 : vector<16xf32> to vector<1x16xf32>
        tpu.vector_store %arg8[%swap3A_419, %swap3A_420], %swap3A_423 {strides = array<i32>} : memref<80x128xf32, #tpu.memory_space<vmem>>, vector<1x16xf32>,
        %get3A_424 = arith.index_cast %add3A_405 : i32 to index
        %get3A_425 = arith.constant 16 : index
        %get3A_426 = tpu.vector_load %arg8[%get3A_424, %get3A_425] {strides = array<i32>} : memref<80x128xf32, #tpu.memory_space<vmem>>, vector<1x16xf32>,
        %get3A_427 = vector.shape_cast %get3A_426 : vector<1x16xf32> to vector<16xf32>
        %get3A_428 = arith.index_cast %add3A_405 : i32 to index
        %get3A_429 = arith.constant 16 : index
        %get3A_430 = tpu.vector_load %arg10[%get3A_428, %get3A_429] {strides = array<i32>} : memref<80x128xf32, #tpu.memory_space<vmem>>, vector<1x16xf32>,
        %get3A_431 = vector.shape_cast %get3A_430 : vector<1x16xf32> to vector<16xf32>
        %mul3A_432 = arith.mulf %get3A_427, %get3A_431 : vector<16xf32>
        %mul3A_433 = arith.constant 1.000000e-01 : f32
        %mul3A_434 = vector.broadcast %mul3A_433 : f32 to vector<16xf32>
        %mul3A_435 = arith.mulf %mul3A_432, %mul3A_434 : vector<16xf32>
        %max3A_436 = arith.maximumf %mul3A_432, %mul3A_435 : vector<16xf32>
        %swap3A_437 = arith.index_cast %add3A_405 : i32 to index
        %swap3A_438 = arith.constant 16 : index
        %swap3A_439 = tpu.vector_load %arg8[%swap3A_437, %swap3A_438] {strides = array<i32>} : memref<80x128xf32, #tpu.memory_space<vmem>>, vector<1x16xf32>,
        %swap3A_440 = vector.shape_cast %swap3A_439 : vector<1x16xf32> to vector<16xf32>
        %swap3A_441 = vector.shape_cast %max3A_436 : vector<16xf32> to vector<1x16xf32>
        tpu.vector_store %arg8[%swap3A_437, %swap3A_438], %swap3A_441 {strides = array<i32>} : memref<80x128xf32, #tpu.memory_space<vmem>>, vector<1x16xf32>,
        %get3A_442 = arith.index_cast %add3A_405 : i32 to index
        %get3A_443 = arith.constant 32 : index
        %get3A_444 = tpu.vector_load %arg8[%get3A_442, %get3A_443] {strides = array<i32>} : memref<80x128xf32, #tpu.memory_space<vmem>>, vector<1x16xf32>,
        %get3A_445 = vector.shape_cast %get3A_444 : vector<1x16xf32> to vector<16xf32>
        %get3A_446 = arith.index_cast %add3A_405 : i32 to index
        %get3A_447 = arith.constant 32 : index
        %get3A_448 = tpu.vector_load %arg10[%get3A_446, %get3A_447] {strides = array<i32>} : memref<80x128xf32, #tpu.memory_space<vmem>>, vector<1x16xf32>,
        %get3A_449 = vector.shape_cast %get3A_448 : vector<1x16xf32> to vector<16xf32>
        %mul3A_450 = arith.mulf %get3A_445, %get3A_449 : vector<16xf32>
        %mul3A_451 = arith.constant 1.000000e-01 : f32
        %mul3A_452 = vector.broadcast %mul3A_451 : f32 to vector<16xf32>
        %mul3A_453 = arith.mulf %mul3A_450, %mul3A_452 : vector<16xf32>
        %max3A_454 = arith.maximumf %mul3A_450, %mul3A_453 : vector<16xf32>
        %swap3A_455 = arith.index_cast %add3A_405 : i32 to index
        %swap3A_456 = arith.constant 32 : index
        %swap3A_457 = tpu.vector_load %arg8[%swap3A_455, %swap3A_456] {strides = array<i32>} : memref<80x128xf32, #tpu.memory_space<vmem>>, vector<1x16xf32>,
        %swap3A_458 = vector.shape_cast %swap3A_457 : vector<1x16xf32> to vector<16xf32>
        %swap3A_459 = vector.shape_cast %max3A_454 : vector<16xf32> to vector<1x16xf32>
        tpu.vector_store %arg8[%swap3A_455, %swap3A_456], %swap3A_459 {strides = array<i32>} : memref<80x128xf32, #tpu.memory_space<vmem>>, vector<1x16xf32>,
        %get3A_460 = arith.index_cast %add3A_405 : i32 to index
        %get3A_461 = arith.constant 48 : index
        %get3A_462 = tpu.vector_load %arg8[%get3A_460, %get3A_461] {strides = array<i32>} : memref<80x128xf32, #tpu.memory_space<vmem>>, vector<1x16xf32>,
        %get3A_463 = vector.shape_cast %get3A_462 : vector<1x16xf32> to vector<16xf32>
        %get3A_464 = arith.index_cast %add3A_405 : i32 to index
        %get3A_465 = arith.constant 48 : index
        %get3A_466 = tpu.vector_load %arg10[%get3A_464, %get3A_465] {strides = array<i32>} : memref<80x128xf32, #tpu.memory_space<vmem>>, vector<1x16xf32>,
        %get3A_467 = vector.shape_cast %get3A_466 : vector<1x16xf32> to vector<16xf32>
        %mul3A_468 = arith.mulf %get3A_463, %get3A_467 : vector<16xf32>
        %mul3A_469 = arith.constant 1.000000e-01 : f32
        %mul3A_470 = vector.broadcast %mul3A_469 : f32 to vector<16xf32>
        %mul3A_471 = arith.mulf %mul3A_468, %mul3A_470 : vector<16xf32>
        %max3A_472 = arith.maximumf %mul3A_468, %mul3A_471 : vector<16xf32>
        %swap3A_473 = arith.index_cast %add3A_405 : i32 to index
        %swap3A_474 = arith.constant 48 : index
        %swap3A_475 = tpu.vector_load %arg8[%swap3A_473, %swap3A_474] {strides = array<i32>} : memref<80x128xf32, #tpu.memory_space<vmem>>, vector<1x16xf32>,
        %swap3A_476 = vector.shape_cast %swap3A_475 : vector<1x16xf32> to vector<16xf32>
        %swap3A_477 = vector.shape_cast %max3A_472 : vector<16xf32> to vector<1x16xf32>
        tpu.vector_store %arg8[%swap3A_473, %swap3A_474], %swap3A_477 {strides = array<i32>} : memref<80x128xf32, #tpu.memory_space<vmem>>, vector<1x16xf32>,
        %get3A_478 = arith.index_cast %add3A_405 : i32 to index
        %get3A_479 = arith.constant 64 : index
        %get3A_480 = tpu.vector_load %arg8[%get3A_478, %get3A_479] {strides = array<i32>} : memref<80x128xf32, #tpu.memory_space<vmem>>, vector<1x16xf32>,
        %get3A_481 = vector.shape_cast %get3A_480 : vector<1x16xf32> to vector<16xf32>
        %get3A_482 = arith.index_cast %add3A_405 : i32 to index
        %get3A_483 = arith.constant 64 : index
        %get3A_484 = tpu.vector_load %arg10[%get3A_482, %get3A_483] {strides = array<i32>} : memref<80x128xf32, #tpu.memory_space<vmem>>, vector<1x16xf32>,
        %get3A_485 = vector.shape_cast %get3A_484 : vector<1x16xf32> to vector<16xf32>
        %mul3A_486 = arith.mulf %get3A_481, %get3A_485 : vector<16xf32>
        %mul3A_487 = arith.constant 1.000000e-01 : f32
        %mul3A_488 = vector.broadcast %mul3A_487 : f32 to vector<16xf32>
        %mul3A_489 = arith.mulf %mul3A_486, %mul3A_488 : vector<16xf32>
        %max3A_490 = arith.maximumf %mul3A_486, %mul3A_489 : vector<16xf32>
        %swap3A_491 = arith.index_cast %add3A_405 : i32 to index
        %swap3A_492 = arith.constant 64 : index
        %swap3A_493 = tpu.vector_load %arg8[%swap3A_491, %swap3A_492] {strides = array<i32>} : memref<80x128xf32, #tpu.memory_space<vmem>>, vector<1x16xf32>,
        %swap3A_494 = vector.shape_cast %swap3A_493 : vector<1x16xf32> to vector<16xf32>
        %swap3A_495 = vector.shape_cast %max3A_490 : vector<16xf32> to vector<1x16xf32>
        tpu.vector_store %arg8[%swap3A_491, %swap3A_492], %swap3A_495 {strides = array<i32>} : memref<80x128xf32, #tpu.memory_space<vmem>>, vector<1x16xf32>,
        %get3A_496 = arith.index_cast %add3A_405 : i32 to index
        %get3A_497 = arith.constant 80 : index
        %get3A_498 = tpu.vector_load %arg8[%get3A_496, %get3A_497] {strides = array<i32>} : memref<80x128xf32, #tpu.memory_space<vmem>>, vector<1x16xf32>,
        %get3A_499 = vector.shape_cast %get3A_498 : vector<1x16xf32> to vector<16xf32>
        %get3A_500 = arith.index_cast %add3A_405 : i32 to index
        %get3A_501 = arith.constant 80 : index
        %get3A_502 = tpu.vector_load %arg10[%get3A_500, %get3A_501] {strides = array<i32>} : memref<80x128xf32, #tpu.memory_space<vmem>>, vector<1x16xf32>,
        %get3A_503 = vector.shape_cast %get3A_502 : vector<1x16xf32> to vector<16xf32>
        %mul3A_504 = arith.mulf %get3A_499, %get3A_503 : vector<16xf32>
        %mul3A_505 = arith.constant 1.000000e-01 : f32
        %mul3A_506 = vector.broadcast %mul3A_505 : f32 to vector<16xf32>
        %mul3A_507 = arith.mulf %mul3A_504, %mul3A_506 : vector<16xf32>
        %max3A_508 = arith.maximumf %mul3A_504, %mul3A_507 : vector<16xf32>
        %swap3A_509 = arith.index_cast %add3A_405 : i32 to index
        %swap3A_510 = arith.constant 80 : index
        %swap3A_511 = tpu.vector_load %arg8[%swap3A_509, %swap3A_510] {strides = array<i32>} : memref<80x128xf32, #tpu.memory_space<vmem>>, vector<1x16xf32>,
        %swap3A_512 = vector.shape_cast %swap3A_511 : vector<1x16xf32> to vector<16xf32>
        %swap3A_513 = vector.shape_cast %max3A_508 : vector<16xf32> to vector<1x16xf32>
        tpu.vector_store %arg8[%swap3A_509, %swap3A_510], %swap3A_513 {strides = array<i32>} : memref<80x128xf32, #tpu.memory_space<vmem>>, vector<1x16xf32>,
        %get3A_514 = arith.index_cast %add3A_405 : i32 to index
        %get3A_515 = arith.constant 96 : index
        %get3A_516 = tpu.vector_load %arg8[%get3A_514, %get3A_515] {strides = array<i32>} : memref<80x128xf32, #tpu.memory_space<vmem>>, vector<1x16xf32>,
        %get3A_517 = vector.shape_cast %get3A_516 : vector<1x16xf32> to vector<16xf32>
        %get3A_518 = arith.index_cast %add3A_405 : i32 to index
        %get3A_519 = arith.constant 96 : index
        %get3A_520 = tpu.vector_load %arg10[%get3A_518, %get3A_519] {strides = array<i32>} : memref<80x128xf32, #tpu.memory_space<vmem>>, vector<1x16xf32>,
        %get3A_521 = vector.shape_cast %get3A_520 : vector<1x16xf32> to vector<16xf32>
        %mul3A_522 = arith.mulf %get3A_517, %get3A_521 : vector<16xf32>
        %mul3A_523 = arith.constant 1.000000e-01 : f32
        %mul3A_524 = vector.broadcast %mul3A_523 : f32 to vector<16xf32>
        %mul3A_525 = arith.mulf %mul3A_522, %mul3A_524 : vector<16xf32>
        %max3A_526 = arith.maximumf %mul3A_522, %mul3A_525 : vector<16xf32>
        %swap3A_527 = arith.index_cast %add3A_405 : i32 to index
        %swap3A_528 = arith.constant 96 : index
        %swap3A_529 = tpu.vector_load %arg8[%swap3A_527, %swap3A_528] {strides = array<i32>} : memref<80x128xf32, #tpu.memory_space<vmem>>, vector<1x16xf32>,
        %swap3A_530 = vector.shape_cast %swap3A_529 : vector<1x16xf32> to vector<16xf32>
        %swap3A_531 = vector.shape_cast %max3A_526 : vector<16xf32> to vector<1x16xf32>
        tpu.vector_store %arg8[%swap3A_527, %swap3A_528], %swap3A_531 {strides = array<i32>} : memref<80x128xf32, #tpu.memory_space<vmem>>, vector<1x16xf32>,
        %get3A_532 = arith.index_cast %add3A_405 : i32 to index
        %get3A_533 = arith.constant 112 : index
        %get3A_534 = tpu.vector_load %arg8[%get3A_532, %get3A_533] {strides = array<i32>} : memref<80x128xf32, #tpu.memory_space<vmem>>, vector<1x16xf32>,
        %get3A_535 = vector.shape_cast %get3A_534 : vector<1x16xf32> to vector<16xf32>
        %get3A_536 = arith.index_cast %add3A_405 : i32 to index
        %get3A_537 = arith.constant 112 : index
        %get3A_538 = tpu.vector_load %arg10[%get3A_536, %get3A_537] {strides = array<i32>} : memref<80x128xf32, #tpu.memory_space<vmem>>, vector<1x16xf32>,
        %get3A_539 = vector.shape_cast %get3A_538 : vector<1x16xf32> to vector<16xf32>
        %mul3A_540 = arith.mulf %get3A_535, %get3A_539 : vector<16xf32>
        %mul3A_541 = arith.constant 1.000000e-01 : f32
        %mul3A_542 = vector.broadcast %mul3A_541 : f32 to vector<16xf32>
        %mul3A_543 = arith.mulf %mul3A_540, %mul3A_542 : vector<16xf32>
        %max3A_544 = arith.maximumf %mul3A_540, %mul3A_543 : vector<16xf32>
        %swap3A_545 = arith.index_cast %add3A_405 : i32 to index
        %swap3A_546 = arith.constant 112 : index
        %swap3A_547 = tpu.vector_load %arg8[%swap3A_545, %swap3A_546] {strides = array<i32>} : memref<80x128xf32, #tpu.memory_space<vmem>>, vector<1x16xf32>,
        %swap3A_548 = vector.shape_cast %swap3A_547 : vector<1x16xf32> to vector<16xf32>
        %swap3A_549 = vector.shape_cast %max3A_544 : vector<16xf32> to vector<1x16xf32>
        tpu.vector_store %arg8[%swap3A_545, %swap3A_546], %swap3A_549 {strides = array<i32>} : memref<80x128xf32, #tpu.memory_space<vmem>>, vector<1x16xf32>,
        %mul3A_550 = arith.constant 4 : i32
        %mul3A_551 = arith.muli %scan3A_255, %mul3A_550 : i32
        %add3A_552 = arith.constant 2 : i32
        %add3A_553 = arith.addi %mul3A_551, %add3A_552 : i32
        %get3A_554 = arith.index_cast %add3A_553 : i32 to index
        %get3A_555 = arith.constant 0 : index
        %get3A_556 = tpu.vector_load %arg8[%get3A_554, %get3A_555] {strides = array<i32>} : memref<80x128xf32, #tpu.memory_space<vmem>>, vector<1x16xf32>,
        %get3A_557 = vector.shape_cast %get3A_556 : vector<1x16xf32> to vector<16xf32>
        %get3A_558 = arith.index_cast %add3A_553 : i32 to index
        %get3A_559 = arith.constant 0 : index
        %get3A_560 = tpu.vector_load %arg10[%get3A_558, %get3A_559] {strides = array<i32>} : memref<80x128xf32, #tpu.memory_space<vmem>>, vector<1x16xf32>,
        %get3A_561 = vector.shape_cast %get3A_560 : vector<1x16xf32> to vector<16xf32>
        %mul3A_562 = arith.mulf %get3A_557, %get3A_561 : vector<16xf32>
        %mul3A_563 = arith.constant 1.000000e-01 : f32
        %mul3A_564 = vector.broadcast %mul3A_563 : f32 to vector<16xf32>
        %mul3A_565 = arith.mulf %mul3A_562, %mul3A_564 : vector<16xf32>
        %max3A_566 = arith.maximumf %mul3A_562, %mul3A_565 : vector<16xf32>
        %swap3A_567 = arith.index_cast %add3A_553 : i32 to index
        %swap3A_568 = arith.constant 0 : index
        %swap3A_569 = tpu.vector_load %arg8[%swap3A_567, %swap3A_568] {strides = array<i32>} : memref<80x128xf32, #tpu.memory_space<vmem>>, vector<1x16xf32>,
        %swap3A_570 = vector.shape_cast %swap3A_569 : vector<1x16xf32> to vector<16xf32>
        %swap3A_571 = vector.shape_cast %max3A_566 : vector<16xf32> to vector<1x16xf32>
        tpu.vector_store %arg8[%swap3A_567, %swap3A_568], %swap3A_571 {strides = array<i32>} : memref<80x128xf32, #tpu.memory_space<vmem>>, vector<1x16xf32>,
        %get3A_572 = arith.index_cast %add3A_553 : i32 to index
        %get3A_573 = arith.constant 16 : index
        %get3A_574 = tpu.vector_load %arg8[%get3A_572, %get3A_573] {strides = array<i32>} : memref<80x128xf32, #tpu.memory_space<vmem>>, vector<1x16xf32>,
        %get3A_575 = vector.shape_cast %get3A_574 : vector<1x16xf32> to vector<16xf32>
        %get3A_576 = arith.index_cast %add3A_553 : i32 to index
        %get3A_577 = arith.constant 16 : index
        %get3A_578 = tpu.vector_load %arg10[%get3A_576, %get3A_577] {strides = array<i32>} : memref<80x128xf32, #tpu.memory_space<vmem>>, vector<1x16xf32>,
        %get3A_579 = vector.shape_cast %get3A_578 : vector<1x16xf32> to vector<16xf32>
        %mul3A_580 = arith.mulf %get3A_575, %get3A_579 : vector<16xf32>
        %mul3A_581 = arith.constant 1.000000e-01 : f32
        %mul3A_582 = vector.broadcast %mul3A_581 : f32 to vector<16xf32>
        %mul3A_583 = arith.mulf %mul3A_580, %mul3A_582 : vector<16xf32>
        %max3A_584 = arith.maximumf %mul3A_580, %mul3A_583 : vector<16xf32>
        %swap3A_585 = arith.index_cast %add3A_553 : i32 to index
        %swap3A_586 = arith.constant 16 : index
        %swap3A_587 = tpu.vector_load %arg8[%swap3A_585, %swap3A_586] {strides = array<i32>} : memref<80x128xf32, #tpu.memory_space<vmem>>, vector<1x16xf32>,
        %swap3A_588 = vector.shape_cast %swap3A_587 : vector<1x16xf32> to vector<16xf32>
        %swap3A_589 = vector.shape_cast %max3A_584 : vector<16xf32> to vector<1x16xf32>
        tpu.vector_store %arg8[%swap3A_585, %swap3A_586], %swap3A_589 {strides = array<i32>} : memref<80x128xf32, #tpu.memory_space<vmem>>, vector<1x16xf32>,
        %get3A_590 = arith.index_cast %add3A_553 : i32 to index
        %get3A_591 = arith.constant 32 : index
        %get3A_592 = tpu.vector_load %arg8[%get3A_590, %get3A_591] {strides = array<i32>} : memref<80x128xf32, #tpu.memory_space<vmem>>, vector<1x16xf32>,
        %get3A_593 = vector.shape_cast %get3A_592 : vector<1x16xf32> to vector<16xf32>
        %get3A_594 = arith.index_cast %add3A_553 : i32 to index
        %get3A_595 = arith.constant 32 : index
        %get3A_596 = tpu.vector_load %arg10[%get3A_594, %get3A_595] {strides = array<i32>} : memref<80x128xf32, #tpu.memory_space<vmem>>, vector<1x16xf32>,
        %get3A_597 = vector.shape_cast %get3A_596 : vector<1x16xf32> to vector<16xf32>
        %mul3A_598 = arith.mulf %get3A_593, %get3A_597 : vector<16xf32>
        %mul3A_599 = arith.constant 1.000000e-01 : f32
        %mul3A_600 = vector.broadcast %mul3A_599 : f32 to vector<16xf32>
        %mul3A_601 = arith.mulf %mul3A_598, %mul3A_600 : vector<16xf32>
        %max3A_602 = arith.maximumf %mul3A_598, %mul3A_601 : vector<16xf32>
        %swap3A_603 = arith.index_cast %add3A_553 : i32 to index
        %swap3A_604 = arith.constant 32 : index
        %swap3A_605 = tpu.vector_load %arg8[%swap3A_603, %swap3A_604] {strides = array<i32>} : memref<80x128xf32, #tpu.memory_space<vmem>>, vector<1x16xf32>,
        %swap3A_606 = vector.shape_cast %swap3A_605 : vector<1x16xf32> to vector<16xf32>
        %swap3A_607 = vector.shape_cast %max3A_602 : vector<16xf32> to vector<1x16xf32>
        tpu.vector_store %arg8[%swap3A_603, %swap3A_604], %swap3A_607 {strides = array<i32>} : memref<80x128xf32, #tpu.memory_space<vmem>>, vector<1x16xf32>,
        %get3A_608 = arith.index_cast %add3A_553 : i32 to index
        %get3A_609 = arith.constant 48 : index
        %get3A_610 = tpu.vector_load %arg8[%get3A_608, %get3A_609] {strides = array<i32>} : memref<80x128xf32, #tpu.memory_space<vmem>>, vector<1x16xf32>,
        %get3A_611 = vector.shape_cast %get3A_610 : vector<1x16xf32> to vector<16xf32>
        %get3A_612 = arith.index_cast %add3A_553 : i32 to index
        %get3A_613 = arith.constant 48 : index
        %get3A_614 = tpu.vector_load %arg10[%get3A_612, %get3A_613] {strides = array<i32>} : memref<80x128xf32, #tpu.memory_space<vmem>>, vector<1x16xf32>,
        %get3A_615 = vector.shape_cast %get3A_614 : vector<1x16xf32> to vector<16xf32>
        %mul3A_616 = arith.mulf %get3A_611, %get3A_615 : vector<16xf32>
        %mul3A_617 = arith.constant 1.000000e-01 : f32
        %mul3A_618 = vector.broadcast %mul3A_617 : f32 to vector<16xf32>
        %mul3A_619 = arith.mulf %mul3A_616, %mul3A_618 : vector<16xf32>
        %max3A_620 = arith.maximumf %mul3A_616, %mul3A_619 : vector<16xf32>
        %swap3A_621 = arith.index_cast %add3A_553 : i32 to index
        %swap3A_622 = arith.constant 48 : index
        %swap3A_623 = tpu.vector_load %arg8[%swap3A_621, %swap3A_622] {strides = array<i32>} : memref<80x128xf32, #tpu.memory_space<vmem>>, vector<1x16xf32>,
        %swap3A_624 = vector.shape_cast %swap3A_623 : vector<1x16xf32> to vector<16xf32>
        %swap3A_625 = vector.shape_cast %max3A_620 : vector<16xf32> to vector<1x16xf32>
        tpu.vector_store %arg8[%swap3A_621, %swap3A_622], %swap3A_625 {strides = array<i32>} : memref<80x128xf32, #tpu.memory_space<vmem>>, vector<1x16xf32>,
        %get3A_626 = arith.index_cast %add3A_553 : i32 to index
        %get3A_627 = arith.constant 64 : index
        %get3A_628 = tpu.vector_load %arg8[%get3A_626, %get3A_627] {strides = array<i32>} : memref<80x128xf32, #tpu.memory_space<vmem>>, vector<1x16xf32>,
        %get3A_629 = vector.shape_cast %get3A_628 : vector<1x16xf32> to vector<16xf32>
        %get3A_630 = arith.index_cast %add3A_553 : i32 to index
        %get3A_631 = arith.constant 64 : index
        %get3A_632 = tpu.vector_load %arg10[%get3A_630, %get3A_631] {strides = array<i32>} : memref<80x128xf32, #tpu.memory_space<vmem>>, vector<1x16xf32>,
        %get3A_633 = vector.shape_cast %get3A_632 : vector<1x16xf32> to vector<16xf32>
        %mul3A_634 = arith.mulf %get3A_629, %get3A_633 : vector<16xf32>
        %mul3A_635 = arith.constant 1.000000e-01 : f32
        %mul3A_636 = vector.broadcast %mul3A_635 : f32 to vector<16xf32>
        %mul3A_637 = arith.mulf %mul3A_634, %mul3A_636 : vector<16xf32>
        %max3A_638 = arith.maximumf %mul3A_634, %mul3A_637 : vector<16xf32>
        %swap3A_639 = arith.index_cast %add3A_553 : i32 to index
        %swap3A_640 = arith.constant 64 : index
        %swap3A_641 = tpu.vector_load %arg8[%swap3A_639, %swap3A_640] {strides = array<i32>} : memref<80x128xf32, #tpu.memory_space<vmem>>, vector<1x16xf32>,
        %swap3A_642 = vector.shape_cast %swap3A_641 : vector<1x16xf32> to vector<16xf32>
        %swap3A_643 = vector.shape_cast %max3A_638 : vector<16xf32> to vector<1x16xf32>
        tpu.vector_store %arg8[%swap3A_639, %swap3A_640], %swap3A_643 {strides = array<i32>} : memref<80x128xf32, #tpu.memory_space<vmem>>, vector<1x16xf32>,
        %get3A_644 = arith.index_cast %add3A_553 : i32 to index
        %get3A_645 = arith.constant 80 : index
        %get3A_646 = tpu.vector_load %arg8[%get3A_644, %get3A_645] {strides = array<i32>} : memref<80x128xf32, #tpu.memory_space<vmem>>, vector<1x16xf32>,
        %get3A_647 = vector.shape_cast %get3A_646 : vector<1x16xf32> to vector<16xf32>
        %get3A_648 = arith.index_cast %add3A_553 : i32 to index
        %get3A_649 = arith.constant 80 : index
        %get3A_650 = tpu.vector_load %arg10[%get3A_648, %get3A_649] {strides = array<i32>} : memref<80x128xf32, #tpu.memory_space<vmem>>, vector<1x16xf32>,
        %get3A_651 = vector.shape_cast %get3A_650 : vector<1x16xf32> to vector<16xf32>
        %mul3A_652 = arith.mulf %get3A_647, %get3A_651 : vector<16xf32>
        %mul3A_653 = arith.constant 1.000000e-01 : f32
        %mul3A_654 = vector.broadcast %mul3A_653 : f32 to vector<16xf32>
        %mul3A_655 = arith.mulf %mul3A_652, %mul3A_654 : vector<16xf32>
        %max3A_656 = arith.maximumf %mul3A_652, %mul3A_655 : vector<16xf32>
        %swap3A_657 = arith.index_cast %add3A_553 : i32 to index
        %swap3A_658 = arith.constant 80 : index
        %swap3A_659 = tpu.vector_load %arg8[%swap3A_657, %swap3A_658] {strides = array<i32>} : memref<80x128xf32, #tpu.memory_space<vmem>>, vector<1x16xf32>,
        %swap3A_660 = vector.shape_cast %swap3A_659 : vector<1x16xf32> to vector<16xf32>
        %swap3A_661 = vector.shape_cast %max3A_656 : vector<16xf32> to vector<1x16xf32>
        tpu.vector_store %arg8[%swap3A_657, %swap3A_658], %swap3A_661 {strides = array<i32>} : memref<80x128xf32, #tpu.memory_space<vmem>>, vector<1x16xf32>,
        %get3A_662 = arith.index_cast %add3A_553 : i32 to index
        %get3A_663 = arith.constant 96 : index
        %get3A_664 = tpu.vector_load %arg8[%get3A_662, %get3A_663] {strides = array<i32>} : memref<80x128xf32, #tpu.memory_space<vmem>>, vector<1x16xf32>,
        %get3A_665 = vector.shape_cast %get3A_664 : vector<1x16xf32> to vector<16xf32>
        %get3A_666 = arith.index_cast %add3A_553 : i32 to index
        %get3A_667 = arith.constant 96 : index
        %get3A_668 = tpu.vector_load %arg10[%get3A_666, %get3A_667] {strides = array<i32>} : memref<80x128xf32, #tpu.memory_space<vmem>>, vector<1x16xf32>,
        %get3A_669 = vector.shape_cast %get3A_668 : vector<1x16xf32> to vector<16xf32>
        %mul3A_670 = arith.mulf %get3A_665, %get3A_669 : vector<16xf32>
        %mul3A_671 = arith.constant 1.000000e-01 : f32
        %mul3A_672 = vector.broadcast %mul3A_671 : f32 to vector<16xf32>
        %mul3A_673 = arith.mulf %mul3A_670, %mul3A_672 : vector<16xf32>
        %max3A_674 = arith.maximumf %mul3A_670, %mul3A_673 : vector<16xf32>
        %swap3A_675 = arith.index_cast %add3A_553 : i32 to index
        %swap3A_676 = arith.constant 96 : index
        %swap3A_677 = tpu.vector_load %arg8[%swap3A_675, %swap3A_676] {strides = array<i32>} : memref<80x128xf32, #tpu.memory_space<vmem>>, vector<1x16xf32>,
        %swap3A_678 = vector.shape_cast %swap3A_677 : vector<1x16xf32> to vector<16xf32>
        %swap3A_679 = vector.shape_cast %max3A_674 : vector<16xf32> to vector<1x16xf32>
        tpu.vector_store %arg8[%swap3A_675, %swap3A_676], %swap3A_679 {strides = array<i32>} : memref<80x128xf32, #tpu.memory_space<vmem>>, vector<1x16xf32>,
        %get3A_680 = arith.index_cast %add3A_553 : i32 to index
        %get3A_681 = arith.constant 112 : index
        %get3A_682 = tpu.vector_load %arg8[%get3A_680, %get3A_681] {strides = array<i32>} : memref<80x128xf32, #tpu.memory_space<vmem>>, vector<1x16xf32>,
        %get3A_683 = vector.shape_cast %get3A_682 : vector<1x16xf32> to vector<16xf32>
        %get3A_684 = arith.index_cast %add3A_553 : i32 to index
        %get3A_685 = arith.constant 112 : index
        %get3A_686 = tpu.vector_load %arg10[%get3A_684, %get3A_685] {strides = array<i32>} : memref<80x128xf32, #tpu.memory_space<vmem>>, vector<1x16xf32>,
        %get3A_687 = vector.shape_cast %get3A_686 : vector<1x16xf32> to vector<16xf32>
        %mul3A_688 = arith.mulf %get3A_683, %get3A_687 : vector<16xf32>
        %mul3A_689 = arith.constant 1.000000e-01 : f32
        %mul3A_690 = vector.broadcast %mul3A_689 : f32 to vector<16xf32>
        %mul3A_691 = arith.mulf %mul3A_688, %mul3A_690 : vector<16xf32>
        %max3A_692 = arith.maximumf %mul3A_688, %mul3A_691 : vector<16xf32>
        %swap3A_693 = arith.index_cast %add3A_553 : i32 to index
        %swap3A_694 = arith.constant 112 : index
        %swap3A_695 = tpu.vector_load %arg8[%swap3A_693, %swap3A_694] {strides = array<i32>} : memref<80x128xf32, #tpu.memory_space<vmem>>, vector<1x16xf32>,
        %swap3A_696 = vector.shape_cast %swap3A_695 : vector<1x16xf32> to vector<16xf32>
        %swap3A_697 = vector.shape_cast %max3A_692 : vector<16xf32> to vector<1x16xf32>
        tpu.vector_store %arg8[%swap3A_693, %swap3A_694], %swap3A_697 {strides = array<i32>} : memref<80x128xf32, #tpu.memory_space<vmem>>, vector<1x16xf32>,
        %mul3A_698 = arith.constant 4 : i32
        %mul3A_699 = arith.muli %scan3A_255, %mul3A_698 : i32
        %add3A_700 = arith.constant 3 : i32
        %add3A_701 = arith.addi %mul3A_699, %add3A_700 : i32
        %get3A_702 = arith.index_cast %add3A_701 : i32 to index
        %get3A_703 = arith.constant 0 : index
        %get3A_704 = tpu.vector_load %arg8[%get3A_702, %get3A_703] {strides = array<i32>} : memref<80x128xf32, #tpu.memory_space<vmem>>, vector<1x16xf32>,
        %get3A_705 = vector.shape_cast %get3A_704 : vector<1x16xf32> to vector<16xf32>
        %get3A_706 = arith.index_cast %add3A_701 : i32 to index
        %get3A_707 = arith.constant 0 : index
        %get3A_708 = tpu.vector_load %arg10[%get3A_706, %get3A_707] {strides = array<i32>} : memref<80x128xf32, #tpu.memory_space<vmem>>, vector<1x16xf32>,
        %get3A_709 = vector.shape_cast %get3A_708 : vector<1x16xf32> to vector<16xf32>
        %mul3A_710 = arith.mulf %get3A_705, %get3A_709 : vector<16xf32>
        %mul3A_711 = arith.constant 1.000000e-01 : f32
        %mul3A_712 = vector.broadcast %mul3A_711 : f32 to vector<16xf32>
        %mul3A_713 = arith.mulf %mul3A_710, %mul3A_712 : vector<16xf32>
        %max3A_714 = arith.maximumf %mul3A_710, %mul3A_713 : vector<16xf32>
        %swap3A_715 = arith.index_cast %add3A_701 : i32 to index
        %swap3A_716 = arith.constant 0 : index
        %swap3A_717 = tpu.vector_load %arg8[%swap3A_715, %swap3A_716] {strides = array<i32>} : memref<80x128xf32, #tpu.memory_space<vmem>>, vector<1x16xf32>,
        %swap3A_718 = vector.shape_cast %swap3A_717 : vector<1x16xf32> to vector<16xf32>
        %swap3A_719 = vector.shape_cast %max3A_714 : vector<16xf32> to vector<1x16xf32>
        tpu.vector_store %arg8[%swap3A_715, %swap3A_716], %swap3A_719 {strides = array<i32>} : memref<80x128xf32, #tpu.memory_space<vmem>>, vector<1x16xf32>,
        %get3A_720 = arith.index_cast %add3A_701 : i32 to index
        %get3A_721 = arith.constant 16 : index
        %get3A_722 = tpu.vector_load %arg8[%get3A_720, %get3A_721] {strides = array<i32>} : memref<80x128xf32, #tpu.memory_space<vmem>>, vector<1x16xf32>,
        %get3A_723 = vector.shape_cast %get3A_722 : vector<1x16xf32> to vector<16xf32>
        %get3A_724 = arith.index_cast %add3A_701 : i32 to index
        %get3A_725 = arith.constant 16 : index
        %get3A_726 = tpu.vector_load %arg10[%get3A_724, %get3A_725] {strides = array<i32>} : memref<80x128xf32, #tpu.memory_space<vmem>>, vector<1x16xf32>,
        %get3A_727 = vector.shape_cast %get3A_726 : vector<1x16xf32> to vector<16xf32>
        %mul3A_728 = arith.mulf %get3A_723, %get3A_727 : vector<16xf32>
        %mul3A_729 = arith.constant 1.000000e-01 : f32
        %mul3A_730 = vector.broadcast %mul3A_729 : f32 to vector<16xf32>
        %mul3A_731 = arith.mulf %mul3A_728, %mul3A_730 : vector<16xf32>
        %max3A_732 = arith.maximumf %mul3A_728, %mul3A_731 : vector<16xf32>
        %swap3A_733 = arith.index_cast %add3A_701 : i32 to index
        %swap3A_734 = arith.constant 16 : index
        %swap3A_735 = tpu.vector_load %arg8[%swap3A_733, %swap3A_734] {strides = array<i32>} : memref<80x128xf32, #tpu.memory_space<vmem>>, vector<1x16xf32>,
        %swap3A_736 = vector.shape_cast %swap3A_735 : vector<1x16xf32> to vector<16xf32>
        %swap3A_737 = vector.shape_cast %max3A_732 : vector<16xf32> to vector<1x16xf32>
        tpu.vector_store %arg8[%swap3A_733, %swap3A_734], %swap3A_737 {strides = array<i32>} : memref<80x128xf32, #tpu.memory_space<vmem>>, vector<1x16xf32>,
        %get3A_738 = arith.index_cast %add3A_701 : i32 to index
        %get3A_739 = arith.constant 32 : index
        %get3A_740 = tpu.vector_load %arg8[%get3A_738, %get3A_739] {strides = array<i32>} : memref<80x128xf32, #tpu.memory_space<vmem>>, vector<1x16xf32>,
        %get3A_741 = vector.shape_cast %get3A_740 : vector<1x16xf32> to vector<16xf32>
        %get3A_742 = arith.index_cast %add3A_701 : i32 to index
        %get3A_743 = arith.constant 32 : index
        %get3A_744 = tpu.vector_load %arg10[%get3A_742, %get3A_743] {strides = array<i32>} : memref<80x128xf32, #tpu.memory_space<vmem>>, vector<1x16xf32>,
        %get3A_745 = vector.shape_cast %get3A_744 : vector<1x16xf32> to vector<16xf32>
        %mul3A_746 = arith.mulf %get3A_741, %get3A_745 : vector<16xf32>
        %mul3A_747 = arith.constant 1.000000e-01 : f32
        %mul3A_748 = vector.broadcast %mul3A_747 : f32 to vector<16xf32>
        %mul3A_749 = arith.mulf %mul3A_746, %mul3A_748 : vector<16xf32>
        %max3A_750 = arith.maximumf %mul3A_746, %mul3A_749 : vector<16xf32>
        %swap3A_751 = arith.index_cast %add3A_701 : i32 to index
        %swap3A_752 = arith.constant 32 : index
        %swap3A_753 = tpu.vector_load %arg8[%swap3A_751, %swap3A_752] {strides = array<i32>} : memref<80x128xf32, #tpu.memory_space<vmem>>, vector<1x16xf32>,
        %swap3A_754 = vector.shape_cast %swap3A_753 : vector<1x16xf32> to vector<16xf32>
        %swap3A_755 = vector.shape_cast %max3A_750 : vector<16xf32> to vector<1x16xf32>
        tpu.vector_store %arg8[%swap3A_751, %swap3A_752], %swap3A_755 {strides = array<i32>} : memref<80x128xf32, #tpu.memory_space<vmem>>, vector<1x16xf32>,
        %get3A_756 = arith.index_cast %add3A_701 : i32 to index
        %get3A_757 = arith.constant 48 : index
        %get3A_758 = tpu.vector_load %arg8[%get3A_756, %get3A_757] {strides = array<i32>} : memref<80x128xf32, #tpu.memory_space<vmem>>, vector<1x16xf32>,
        %get3A_759 = vector.shape_cast %get3A_758 : vector<1x16xf32> to vector<16xf32>
        %get3A_760 = arith.index_cast %add3A_701 : i32 to index
        %get3A_761 = arith.constant 48 : index
        %get3A_762 = tpu.vector_load %arg10[%get3A_760, %get3A_761] {strides = array<i32>} : memref<80x128xf32, #tpu.memory_space<vmem>>, vector<1x16xf32>,
        %get3A_763 = vector.shape_cast %get3A_762 : vector<1x16xf32> to vector<16xf32>
        %mul3A_764 = arith.mulf %get3A_759, %get3A_763 : vector<16xf32>
        %mul3A_765 = arith.constant 1.000000e-01 : f32
        %mul3A_766 = vector.broadcast %mul3A_765 : f32 to vector<16xf32>
        %mul3A_767 = arith.mulf %mul3A_764, %mul3A_766 : vector<16xf32>
        %max3A_768 = arith.maximumf %mul3A_764, %mul3A_767 : vector<16xf32>
        %swap3A_769 = arith.index_cast %add3A_701 : i32 to index
        %swap3A_770 = arith.constant 48 : index
        %swap3A_771 = tpu.vector_load %arg8[%swap3A_769, %swap3A_770] {strides = array<i32>} : memref<80x128xf32, #tpu.memory_space<vmem>>, vector<1x16xf32>,
        %swap3A_772 = vector.shape_cast %swap3A_771 : vector<1x16xf32> to vector<16xf32>
        %swap3A_773 = vector.shape_cast %max3A_768 : vector<16xf32> to vector<1x16xf32>
        tpu.vector_store %arg8[%swap3A_769, %swap3A_770], %swap3A_773 {strides = array<i32>} : memref<80x128xf32, #tpu.memory_space<vmem>>, vector<1x16xf32>,
        %get3A_774 = arith.index_cast %add3A_701 : i32 to index
        %get3A_775 = arith.constant 64 : index
        %get3A_776 = tpu.vector_load %arg8[%get3A_774, %get3A_775] {strides = array<i32>} : memref<80x128xf32, #tpu.memory_space<vmem>>, vector<1x16xf32>,
        %get3A_777 = vector.shape_cast %get3A_776 : vector<1x16xf32> to vector<16xf32>
        %get3A_778 = arith.index_cast %add3A_701 : i32 to index
        %get3A_779 = arith.constant 64 : index
        %get3A_780 = tpu.vector_load %arg10[%get3A_778, %get3A_779] {strides = array<i32>} : memref<80x128xf32, #tpu.memory_space<vmem>>, vector<1x16xf32>,
        %get3A_781 = vector.shape_cast %get3A_780 : vector<1x16xf32> to vector<16xf32>
        %mul3A_782 = arith.mulf %get3A_777, %get3A_781 : vector<16xf32>
        %mul3A_783 = arith.constant 1.000000e-01 : f32
        %mul3A_784 = vector.broadcast %mul3A_783 : f32 to vector<16xf32>
        %mul3A_785 = arith.mulf %mul3A_782, %mul3A_784 : vector<16xf32>
        %max3A_786 = arith.maximumf %mul3A_782, %mul3A_785 : vector<16xf32>
        %swap3A_787 = arith.index_cast %add3A_701 : i32 to index
        %swap3A_788 = arith.constant 64 : index
        %swap3A_789 = tpu.vector_load %arg8[%swap3A_787, %swap3A_788] {strides = array<i32>} : memref<80x128xf32, #tpu.memory_space<vmem>>, vector<1x16xf32>,
        %swap3A_790 = vector.shape_cast %swap3A_789 : vector<1x16xf32> to vector<16xf32>
        %swap3A_791 = vector.shape_cast %max3A_786 : vector<16xf32> to vector<1x16xf32>
        tpu.vector_store %arg8[%swap3A_787, %swap3A_788], %swap3A_791 {strides = array<i32>} : memref<80x128xf32, #tpu.memory_space<vmem>>, vector<1x16xf32>,
        %get3A_792 = arith.index_cast %add3A_701 : i32 to index
        %get3A_793 = arith.constant 80 : index
        %get3A_794 = tpu.vector_load %arg8[%get3A_792, %get3A_793] {strides = array<i32>} : memref<80x128xf32, #tpu.memory_space<vmem>>, vector<1x16xf32>,
        %get3A_795 = vector.shape_cast %get3A_794 : vector<1x16xf32> to vector<16xf32>
        %get3A_796 = arith.index_cast %add3A_701 : i32 to index
        %get3A_797 = arith.constant 80 : index
        %get3A_798 = tpu.vector_load %arg10[%get3A_796, %get3A_797] {strides = array<i32>} : memref<80x128xf32, #tpu.memory_space<vmem>>, vector<1x16xf32>,
        %get3A_799 = vector.shape_cast %get3A_798 : vector<1x16xf32> to vector<16xf32>
        %mul3A_800 = arith.mulf %get3A_795, %get3A_799 : vector<16xf32>
        %mul3A_801 = arith.constant 1.000000e-01 : f32
        %mul3A_802 = vector.broadcast %mul3A_801 : f32 to vector<16xf32>
        %mul3A_803 = arith.mulf %mul3A_800, %mul3A_802 : vector<16xf32>
        %max3A_804 = arith.maximumf %mul3A_800, %mul3A_803 : vector<16xf32>
        %swap3A_805 = arith.index_cast %add3A_701 : i32 to index
        %swap3A_806 = arith.constant 80 : index
        %swap3A_807 = tpu.vector_load %arg8[%swap3A_805, %swap3A_806] {strides = array<i32>} : memref<80x128xf32, #tpu.memory_space<vmem>>, vector<1x16xf32>,
        %swap3A_808 = vector.shape_cast %swap3A_807 : vector<1x16xf32> to vector<16xf32>
        %swap3A_809 = vector.shape_cast %max3A_804 : vector<16xf32> to vector<1x16xf32>
        tpu.vector_store %arg8[%swap3A_805, %swap3A_806], %swap3A_809 {strides = array<i32>} : memref<80x128xf32, #tpu.memory_space<vmem>>, vector<1x16xf32>,
        %get3A_810 = arith.index_cast %add3A_701 : i32 to index
        %get3A_811 = arith.constant 96 : index
        %get3A_812 = tpu.vector_load %arg8[%get3A_810, %get3A_811] {strides = array<i32>} : memref<80x128xf32, #tpu.memory_space<vmem>>, vector<1x16xf32>,
        %get3A_813 = vector.shape_cast %get3A_812 : vector<1x16xf32> to vector<16xf32>
        %get3A_814 = arith.index_cast %add3A_701 : i32 to index
        %get3A_815 = arith.constant 96 : index
        %get3A_816 = tpu.vector_load %arg10[%get3A_814, %get3A_815] {strides = array<i32>} : memref<80x128xf32, #tpu.memory_space<vmem>>, vector<1x16xf32>,
        %get3A_817 = vector.shape_cast %get3A_816 : vector<1x16xf32> to vector<16xf32>
        %mul3A_818 = arith.mulf %get3A_813, %get3A_817 : vector<16xf32>
        %mul3A_819 = arith.constant 1.000000e-01 : f32
        %mul3A_820 = vector.broadcast %mul3A_819 : f32 to vector<16xf32>
        %mul3A_821 = arith.mulf %mul3A_818, %mul3A_820 : vector<16xf32>
        %max3A_822 = arith.maximumf %mul3A_818, %mul3A_821 : vector<16xf32>
        %swap3A_823 = arith.index_cast %add3A_701 : i32 to index
        %swap3A_824 = arith.constant 96 : index
        %swap3A_825 = tpu.vector_load %arg8[%swap3A_823, %swap3A_824] {strides = array<i32>} : memref<80x128xf32, #tpu.memory_space<vmem>>, vector<1x16xf32>,
        %swap3A_826 = vector.shape_cast %swap3A_825 : vector<1x16xf32> to vector<16xf32>
        %swap3A_827 = vector.shape_cast %max3A_822 : vector<16xf32> to vector<1x16xf32>
        tpu.vector_store %arg8[%swap3A_823, %swap3A_824], %swap3A_827 {strides = array<i32>} : memref<80x128xf32, #tpu.memory_space<vmem>>, vector<1x16xf32>,
        %get3A_828 = arith.index_cast %add3A_701 : i32 to index
        %get3A_829 = arith.constant 112 : index
        %get3A_830 = tpu.vector_load %arg8[%get3A_828, %get3A_829] {strides = array<i32>} : memref<80x128xf32, #tpu.memory_space<vmem>>, vector<1x16xf32>,
        %get3A_831 = vector.shape_cast %get3A_830 : vector<1x16xf32> to vector<16xf32>
        %get3A_832 = arith.index_cast %add3A_701 : i32 to index
        %get3A_833 = arith.constant 112 : index
        %get3A_834 = tpu.vector_load %arg10[%get3A_832, %get3A_833] {strides = array<i32>} : memref<80x128xf32, #tpu.memory_space<vmem>>, vector<1x16xf32>,
        %get3A_835 = vector.shape_cast %get3A_834 : vector<1x16xf32> to vector<16xf32>
        %mul3A_836 = arith.mulf %get3A_831, %get3A_835 : vector<16xf32>
        %mul3A_837 = arith.constant 1.000000e-01 : f32
        %mul3A_838 = vector.broadcast %mul3A_837 : f32 to vector<16xf32>
        %mul3A_839 = arith.mulf %mul3A_836, %mul3A_838 : vector<16xf32>
        %max3A_840 = arith.maximumf %mul3A_836, %mul3A_839 : vector<16xf32>
        %swap3A_841 = arith.index_cast %add3A_701 : i32 to index
        %swap3A_842 = arith.constant 112 : index
        %swap3A_843 = tpu.vector_load %arg8[%swap3A_841, %swap3A_842] {strides = array<i32>} : memref<80x128xf32, #tpu.memory_space<vmem>>, vector<1x16xf32>,
        %swap3A_844 = vector.shape_cast %swap3A_843 : vector<1x16xf32> to vector<16xf32>
        %swap3A_845 = vector.shape_cast %max3A_840 : vector<16xf32> to vector<1x16xf32>
        tpu.vector_store %arg8[%swap3A_841, %swap3A_842], %swap3A_845 {strides = array<i32>} : memref<80x128xf32, #tpu.memory_space<vmem>>, vector<1x16xf32>,
        %scan3A_846 = arith.constant 0 : i32
        scf.yield %scan3A_846 : i32
      }
      %scan3A_243 = arith.constant 20 : i32
      %dma_start3A_244 = arith.constant 0 : i32
      %dma_start3A_245 = arith.constant 0 : i32
      %dma_start3A_246 = tpu.memref_slice %arg29[%dma_start3A_244, %dma_start3A_245] : memref<10000x128xf32, #tpu.memory_space<vmem_shared>> -> memref<10000x128xf32, #tpu.memory_space<vmem_shared>>
      tpu.enqueue_indirect_dma source(%arg8 : memref<80x128xf32, #tpu.memory_space<vmem>>) target(%dma_start3A_246 : memref<10000x128xf32, #tpu.memory_space<vmem_shared>>) offsets(%arg18 : memref<80xi32, #tpu.memory_space<vmem>>) semaphore(%arg24 : memref<!tpu.dma_semaphore, #tpu.memory_space<semaphore_mem>>) {add = true}
      %add3A_247 = arith.constant 2 : i32
      %add3A_248 = arith.addi %add3A_217, %add3A_247 : i32
      %lt3A_249 = arith.constant 125 : i32
      %lt3A_250 = arith.cmpi slt, %add3A_248, %lt3A_249 : i32
      %convert_element_type3A_251 = arith.extui %lt3A_250 : i1 to i32
      %cond3A_252 = arith.constant 0 : i32
      %cond3A_253 = arith.cmpi ne, %convert_element_type3A_251, %cond3A_252 : i32
      scf.if %cond3A_253 {
        %add3A_255 = arith.constant 2 : i32
        %add3A_256 = arith.addi %add3A_217, %add3A_255 : i32
        %dma_start3A_257 = arith.constant 0 : i32
        %dma_start3A_258 = tpu.memref_slice %arg4[%add3A, %add3A_256, %dma_start3A_257] : memref<32x125x80xi32, #tpu.memory_space<hbm>> -> memref<1x1x80xi32, #tpu.memory_space<hbm>>
        %dma_start3A_259 = tpu.memref_squeeze %dma_start3A_258 : memref<1x1x80xi32, #tpu.memory_space<hbm>> -> memref<80xi32, #tpu.memory_space<hbm>>
        %dma_start3A_260 = arith.constant 0 : i32
        %dma_start3A_261 = tpu.memref_slice %arg4[%add3A, %add3A_256, %dma_start3A_260] : memref<32x125x80xi32, #tpu.memory_space<hbm>> -> memref<1x1x80xi32, #tpu.memory_space<hbm>>
        %dma_start3A_262 = tpu.memref_squeeze %dma_start3A_261 : memref<1x1x80xi32, #tpu.memory_space<hbm>> -> memref<80xi32, #tpu.memory_space<hbm>>
        tpu.enqueue_dma source(%dma_start3A_262 : memref<80xi32, #tpu.memory_space<hbm>>) target(%arg12 : memref<80xi32, #tpu.memory_space<vmem>>) target_semaphore(%arg26 : memref<!tpu.dma_semaphore, #tpu.memory_space<semaphore_mem>>)
        %add3A_263 = arith.constant 2 : i32
        %add3A_264 = arith.addi %add3A_217, %add3A_263 : i32
        %dma_start3A_265 = arith.constant 0 : i32
        %dma_start3A_266 = tpu.memref_slice %arg5[%add3A, %add3A_264, %dma_start3A_265] : memref<32x125x80xi32, #tpu.memory_space<hbm>> -> memref<1x1x80xi32, #tpu.memory_space<hbm>>
        %dma_start3A_267 = tpu.memref_squeeze %dma_start3A_266 : memref<1x1x80xi32, #tpu.memory_space<hbm>> -> memref<80xi32, #tpu.memory_space<hbm>>
        %dma_start3A_268 = arith.constant 0 : i32
        %dma_start3A_269 = tpu.memref_slice %arg5[%add3A, %add3A_264, %dma_start3A_268] : memref<32x125x80xi32, #tpu.memory_space<hbm>> -> memref<1x1x80xi32, #tpu.memory_space<hbm>>
        %dma_start3A_270 = tpu.memref_squeeze %dma_start3A_269 : memref<1x1x80xi32, #tpu.memory_space<hbm>> -> memref<80xi32, #tpu.memory_space<hbm>>
        tpu.enqueue_dma source(%dma_start3A_270 : memref<80xi32, #tpu.memory_space<hbm>>) target(%arg16 : memref<80xi32, #tpu.memory_space<vmem>>) target_semaphore(%arg26 : memref<!tpu.dma_semaphore, #tpu.memory_space<semaphore_mem>>)
      } else {
      }
      %scan3A_254 = arith.constant 0 : i32
      scf.yield %scan3A_254 : i32
    }
    %scan3A_51 = arith.constant 31 : i32
    %dma_wait3A = arith.constant 0 : i32
    %dma_wait3A_52 = arith.constant 0 : i32
    %dma_wait3A_53 = tpu.memref_slice %arg3[%dma_wait3A, %dma_wait3A_52] : memref<10000x128xf32, #tpu.memory_space<hbm>> -> memref<80x128xf32, #tpu.memory_space<hbm>>
    %dma_wait3A_54 = arith.constant 0 : i32
    %dma_wait3A_55 = arith.constant 0 : i32
    %dma_wait3A_56 = tpu.memref_slice %arg3[%dma_wait3A_54, %dma_wait3A_55] : memref<10000x128xf32, #tpu.memory_space<hbm>> -> memref<80x128xf32, #tpu.memory_space<hbm>>
    tpu.wait_dma2 semaphore(%arg19 : memref<!tpu.dma_semaphore, #tpu.memory_space<semaphore_mem>>) src(%dma_wait3A_56 : memref<80x128xf32, #tpu.memory_space<hbm>>) dst(%arg7 : memref<80x128xf32, #tpu.memory_space<vmem>>)
    %dma_wait3A_57 = arith.constant 0 : i32
    %dma_wait3A_58 = arith.constant 0 : i32
    %dma_wait3A_59 = tpu.memref_slice %arg2[%dma_wait3A_57, %dma_wait3A_58] : memref<320000x128xf32, #tpu.memory_space<hbm>> -> memref<80x128xf32, #tpu.memory_space<hbm>>
    %dma_wait3A_60 = arith.constant 0 : i32
    %dma_wait3A_61 = arith.constant 0 : i32
    %dma_wait3A_62 = tpu.memref_slice %arg2[%dma_wait3A_60, %dma_wait3A_61] : memref<320000x128xf32, #tpu.memory_space<hbm>> -> memref<80x128xf32, #tpu.memory_space<hbm>>
    tpu.wait_dma2 semaphore(%arg21 : memref<!tpu.dma_semaphore, #tpu.memory_space<semaphore_mem>>) src(%dma_wait3A_62 : memref<80x128xf32, #tpu.memory_space<hbm>>) dst(%arg9 : memref<80x128xf32, #tpu.memory_space<vmem>>)
    %scan3A_63 = arith.constant 0 : i32
    %scan3A_64 = arith.constant 0 : i32
    %scan3A_65 = arith.constant 20 : i32
    %scan3A_66 = arith.addi %scan3A_64, %scan3A_65 : i32
    %scan3A_67 = arith.constant 1 : i32
    %scan3A_68 = scf.for %scan3A_103 = %scan3A_64 to %scan3A_66 step %scan3A_67 iter_args(%scan3A_104 = %scan3A_63) -> (i32)  : i32 {
      %mul3A_105 = arith.constant 4 : i32
      %mul3A_106 = arith.muli %scan3A_103, %mul3A_105 : i32
      %add3A_107 = arith.constant 0 : i32
      %add3A_108 = arith.addi %mul3A_106, %add3A_107 : i32
      %get3A = arith.index_cast %add3A_108 : i32 to index
      %get3A_109 = arith.constant 0 : index
      %get3A_110 = tpu.vector_load %arg7[%get3A, %get3A_109] {strides = array<i32>} : memref<80x128xf32, #tpu.memory_space<vmem>>, vector<1x16xf32>,
      %get3A_111 = vector.shape_cast %get3A_110 : vector<1x16xf32> to vector<16xf32>
      %get3A_112 = arith.index_cast %add3A_108 : i32 to index
      %get3A_113 = arith.constant 0 : index
      %get3A_114 = tpu.vector_load %arg9[%get3A_112, %get3A_113] {strides = array<i32>} : memref<80x128xf32, #tpu.memory_space<vmem>>, vector<1x16xf32>,
      %get3A_115 = vector.shape_cast %get3A_114 : vector<1x16xf32> to vector<16xf32>
      %mul3A_116 = arith.mulf %get3A_111, %get3A_115 : vector<16xf32>
      %mul3A_117 = arith.constant 1.000000e-01 : f32
      %mul3A_118 = vector.broadcast %mul3A_117 : f32 to vector<16xf32>
      %mul3A_119 = arith.mulf %mul3A_116, %mul3A_118 : vector<16xf32>
      %max3A = arith.maximumf %mul3A_116, %mul3A_119 : vector<16xf32>
      %swap3A = arith.index_cast %add3A_108 : i32 to index
      %swap3A_120 = arith.constant 0 : index
      %swap3A_121 = tpu.vector_load %arg7[%swap3A, %swap3A_120] {strides = array<i32>} : memref<80x128xf32, #tpu.memory_space<vmem>>, vector<1x16xf32>,
      %swap3A_122 = vector.shape_cast %swap3A_121 : vector<1x16xf32> to vector<16xf32>
      %swap3A_123 = vector.shape_cast %max3A : vector<16xf32> to vector<1x16xf32>
      tpu.vector_store %arg7[%swap3A, %swap3A_120], %swap3A_123 {strides = array<i32>} : memref<80x128xf32, #tpu.memory_space<vmem>>, vector<1x16xf32>,
      %get3A_124 = arith.index_cast %add3A_108 : i32 to index
      %get3A_125 = arith.constant 16 : index
      %get3A_126 = tpu.vector_load %arg7[%get3A_124, %get3A_125] {strides = array<i32>} : memref<80x128xf32, #tpu.memory_space<vmem>>, vector<1x16xf32>,
      %get3A_127 = vector.shape_cast %get3A_126 : vector<1x16xf32> to vector<16xf32>
      %get3A_128 = arith.index_cast %add3A_108 : i32 to index
      %get3A_129 = arith.constant 16 : index
      %get3A_130 = tpu.vector_load %arg9[%get3A_128, %get3A_129] {strides = array<i32>} : memref<80x128xf32, #tpu.memory_space<vmem>>, vector<1x16xf32>,
      %get3A_131 = vector.shape_cast %get3A_130 : vector<1x16xf32> to vector<16xf32>
      %mul3A_132 = arith.mulf %get3A_127, %get3A_131 : vector<16xf32>
      %mul3A_133 = arith.constant 1.000000e-01 : f32
      %mul3A_134 = vector.broadcast %mul3A_133 : f32 to vector<16xf32>
      %mul3A_135 = arith.mulf %mul3A_132, %mul3A_134 : vector<16xf32>
      %max3A_136 = arith.maximumf %mul3A_132, %mul3A_135 : vector<16xf32>
      %swap3A_137 = arith.index_cast %add3A_108 : i32 to index
      %swap3A_138 = arith.constant 16 : index
      %swap3A_139 = tpu.vector_load %arg7[%swap3A_137, %swap3A_138] {strides = array<i32>} : memref<80x128xf32, #tpu.memory_space<vmem>>, vector<1x16xf32>,
      %swap3A_140 = vector.shape_cast %swap3A_139 : vector<1x16xf32> to vector<16xf32>
      %swap3A_141 = vector.shape_cast %max3A_136 : vector<16xf32> to vector<1x16xf32>
      tpu.vector_store %arg7[%swap3A_137, %swap3A_138], %swap3A_141 {strides = array<i32>} : memref<80x128xf32, #tpu.memory_space<vmem>>, vector<1x16xf32>,
      %get3A_142 = arith.index_cast %add3A_108 : i32 to index
      %get3A_143 = arith.constant 32 : index
      %get3A_144 = tpu.vector_load %arg7[%get3A_142, %get3A_143] {strides = array<i32>} : memref<80x128xf32, #tpu.memory_space<vmem>>, vector<1x16xf32>,
      %get3A_145 = vector.shape_cast %get3A_144 : vector<1x16xf32> to vector<16xf32>
      %get3A_146 = arith.index_cast %add3A_108 : i32 to index
      %get3A_147 = arith.constant 32 : index
      %get3A_148 = tpu.vector_load %arg9[%get3A_146, %get3A_147] {strides = array<i32>} : memref<80x128xf32, #tpu.memory_space<vmem>>, vector<1x16xf32>,
      %get3A_149 = vector.shape_cast %get3A_148 : vector<1x16xf32> to vector<16xf32>
      %mul3A_150 = arith.mulf %get3A_145, %get3A_149 : vector<16xf32>
      %mul3A_151 = arith.constant 1.000000e-01 : f32
      %mul3A_152 = vector.broadcast %mul3A_151 : f32 to vector<16xf32>
      %mul3A_153 = arith.mulf %mul3A_150, %mul3A_152 : vector<16xf32>
      %max3A_154 = arith.maximumf %mul3A_150, %mul3A_153 : vector<16xf32>
      %swap3A_155 = arith.index_cast %add3A_108 : i32 to index
      %swap3A_156 = arith.constant 32 : index
      %swap3A_157 = tpu.vector_load %arg7[%swap3A_155, %swap3A_156] {strides = array<i32>} : memref<80x128xf32, #tpu.memory_space<vmem>>, vector<1x16xf32>,
      %swap3A_158 = vector.shape_cast %swap3A_157 : vector<1x16xf32> to vector<16xf32>
      %swap3A_159 = vector.shape_cast %max3A_154 : vector<16xf32> to vector<1x16xf32>
      tpu.vector_store %arg7[%swap3A_155, %swap3A_156], %swap3A_159 {strides = array<i32>} : memref<80x128xf32, #tpu.memory_space<vmem>>, vector<1x16xf32>,
      %get3A_160 = arith.index_cast %add3A_108 : i32 to index
      %get3A_161 = arith.constant 48 : index
      %get3A_162 = tpu.vector_load %arg7[%get3A_160, %get3A_161] {strides = array<i32>} : memref<80x128xf32, #tpu.memory_space<vmem>>, vector<1x16xf32>,
      %get3A_163 = vector.shape_cast %get3A_162 : vector<1x16xf32> to vector<16xf32>
      %get3A_164 = arith.index_cast %add3A_108 : i32 to index
      %get3A_165 = arith.constant 48 : index
      %get3A_166 = tpu.vector_load %arg9[%get3A_164, %get3A_165] {strides = array<i32>} : memref<80x128xf32, #tpu.memory_space<vmem>>, vector<1x16xf32>,
      %get3A_167 = vector.shape_cast %get3A_166 : vector<1x16xf32> to vector<16xf32>
      %mul3A_168 = arith.mulf %get3A_163, %get3A_167 : vector<16xf32>
      %mul3A_169 = arith.constant 1.000000e-01 : f32
      %mul3A_170 = vector.broadcast %mul3A_169 : f32 to vector<16xf32>
      %mul3A_171 = arith.mulf %mul3A_168, %mul3A_170 : vector<16xf32>
      %max3A_172 = arith.maximumf %mul3A_168, %mul3A_171 : vector<16xf32>
      %swap3A_173 = arith.index_cast %add3A_108 : i32 to index
      %swap3A_174 = arith.constant 48 : index
      %swap3A_175 = tpu.vector_load %arg7[%swap3A_173, %swap3A_174] {strides = array<i32>} : memref<80x128xf32, #tpu.memory_space<vmem>>, vector<1x16xf32>,
      %swap3A_176 = vector.shape_cast %swap3A_175 : vector<1x16xf32> to vector<16xf32>
      %swap3A_177 = vector.shape_cast %max3A_172 : vector<16xf32> to vector<1x16xf32>
      tpu.vector_store %arg7[%swap3A_173, %swap3A_174], %swap3A_177 {strides = array<i32>} : memref<80x128xf32, #tpu.memory_space<vmem>>, vector<1x16xf32>,
      %get3A_178 = arith.index_cast %add3A_108 : i32 to index
      %get3A_179 = arith.constant 64 : index
      %get3A_180 = tpu.vector_load %arg7[%get3A_178, %get3A_179] {strides = array<i32>} : memref<80x128xf32, #tpu.memory_space<vmem>>, vector<1x16xf32>,
      %get3A_181 = vector.shape_cast %get3A_180 : vector<1x16xf32> to vector<16xf32>
      %get3A_182 = arith.index_cast %add3A_108 : i32 to index
      %get3A_183 = arith.constant 64 : index
      %get3A_184 = tpu.vector_load %arg9[%get3A_182, %get3A_183] {strides = array<i32>} : memref<80x128xf32, #tpu.memory_space<vmem>>, vector<1x16xf32>,
      %get3A_185 = vector.shape_cast %get3A_184 : vector<1x16xf32> to vector<16xf32>
      %mul3A_186 = arith.mulf %get3A_181, %get3A_185 : vector<16xf32>
      %mul3A_187 = arith.constant 1.000000e-01 : f32
      %mul3A_188 = vector.broadcast %mul3A_187 : f32 to vector<16xf32>
      %mul3A_189 = arith.mulf %mul3A_186, %mul3A_188 : vector<16xf32>
      %max3A_190 = arith.maximumf %mul3A_186, %mul3A_189 : vector<16xf32>
      %swap3A_191 = arith.index_cast %add3A_108 : i32 to index
      %swap3A_192 = arith.constant 64 : index
      %swap3A_193 = tpu.vector_load %arg7[%swap3A_191, %swap3A_192] {strides = array<i32>} : memref<80x128xf32, #tpu.memory_space<vmem>>, vector<1x16xf32>,
      %swap3A_194 = vector.shape_cast %swap3A_193 : vector<1x16xf32> to vector<16xf32>
      %swap3A_195 = vector.shape_cast %max3A_190 : vector<16xf32> to vector<1x16xf32>
      tpu.vector_store %arg7[%swap3A_191, %swap3A_192], %swap3A_195 {strides = array<i32>} : memref<80x128xf32, #tpu.memory_space<vmem>>, vector<1x16xf32>,
      %get3A_196 = arith.index_cast %add3A_108 : i32 to index
      %get3A_197 = arith.constant 80 : index
      %get3A_198 = tpu.vector_load %arg7[%get3A_196, %get3A_197] {strides = array<i32>} : memref<80x128xf32, #tpu.memory_space<vmem>>, vector<1x16xf32>,
      %get3A_199 = vector.shape_cast %get3A_198 : vector<1x16xf32> to vector<16xf32>
      %get3A_200 = arith.index_cast %add3A_108 : i32 to index
      %get3A_201 = arith.constant 80 : index
      %get3A_202 = tpu.vector_load %arg9[%get3A_200, %get3A_201] {strides = array<i32>} : memref<80x128xf32, #tpu.memory_space<vmem>>, vector<1x16xf32>,
      %get3A_203 = vector.shape_cast %get3A_202 : vector<1x16xf32> to vector<16xf32>
      %mul3A_204 = arith.mulf %get3A_199, %get3A_203 : vector<16xf32>
      %mul3A_205 = arith.constant 1.000000e-01 : f32
      %mul3A_206 = vector.broadcast %mul3A_205 : f32 to vector<16xf32>
      %mul3A_207 = arith.mulf %mul3A_204, %mul3A_206 : vector<16xf32>
      %max3A_208 = arith.maximumf %mul3A_204, %mul3A_207 : vector<16xf32>
      %swap3A_209 = arith.index_cast %add3A_108 : i32 to index
      %swap3A_210 = arith.constant 80 : index
      %swap3A_211 = tpu.vector_load %arg7[%swap3A_209, %swap3A_210] {strides = array<i32>} : memref<80x128xf32, #tpu.memory_space<vmem>>, vector<1x16xf32>,
      %swap3A_212 = vector.shape_cast %swap3A_211 : vector<1x16xf32> to vector<16xf32>
      %swap3A_213 = vector.shape_cast %max3A_208 : vector<16xf32> to vector<1x16xf32>
      tpu.vector_store %arg7[%swap3A_209, %swap3A_210], %swap3A_213 {strides = array<i32>} : memref<80x128xf32, #tpu.memory_space<vmem>>, vector<1x16xf32>,
      %get3A_214 = arith.index_cast %add3A_108 : i32 to index
      %get3A_215 = arith.constant 96 : index
      %get3A_216 = tpu.vector_load %arg7[%get3A_214, %get3A_215] {strides = array<i32>} : memref<80x128xf32, #tpu.memory_space<vmem>>, vector<1x16xf32>,
      %get3A_217 = vector.shape_cast %get3A_216 : vector<1x16xf32> to vector<16xf32>
      %get3A_218 = arith.index_cast %add3A_108 : i32 to index
      %get3A_219 = arith.constant 96 : index
      %get3A_220 = tpu.vector_load %arg9[%get3A_218, %get3A_219] {strides = array<i32>} : memref<80x128xf32, #tpu.memory_space<vmem>>, vector<1x16xf32>,
      %get3A_221 = vector.shape_cast %get3A_220 : vector<1x16xf32> to vector<16xf32>
      %mul3A_222 = arith.mulf %get3A_217, %get3A_221 : vector<16xf32>
      %mul3A_223 = arith.constant 1.000000e-01 : f32
      %mul3A_224 = vector.broadcast %mul3A_223 : f32 to vector<16xf32>
      %mul3A_225 = arith.mulf %mul3A_222, %mul3A_224 : vector<16xf32>
      %max3A_226 = arith.maximumf %mul3A_222, %mul3A_225 : vector<16xf32>
      %swap3A_227 = arith.index_cast %add3A_108 : i32 to index
      %swap3A_228 = arith.constant 96 : index
      %swap3A_229 = tpu.vector_load %arg7[%swap3A_227, %swap3A_228] {strides = array<i32>} : memref<80x128xf32, #tpu.memory_space<vmem>>, vector<1x16xf32>,
      %swap3A_230 = vector.shape_cast %swap3A_229 : vector<1x16xf32> to vector<16xf32>
      %swap3A_231 = vector.shape_cast %max3A_226 : vector<16xf32> to vector<1x16xf32>
      tpu.vector_store %arg7[%swap3A_227, %swap3A_228], %swap3A_231 {strides = array<i32>} : memref<80x128xf32, #tpu.memory_space<vmem>>, vector<1x16xf32>,
      %get3A_232 = arith.index_cast %add3A_108 : i32 to index
      %get3A_233 = arith.constant 112 : index
      %get3A_234 = tpu.vector_load %arg7[%get3A_232, %get3A_233] {strides = array<i32>} : memref<80x128xf32, #tpu.memory_space<vmem>>, vector<1x16xf32>,
      %get3A_235 = vector.shape_cast %get3A_234 : vector<1x16xf32> to vector<16xf32>
      %get3A_236 = arith.index_cast %add3A_108 : i32 to index
      %get3A_237 = arith.constant 112 : index
      %get3A_238 = tpu.vector_load %arg9[%get3A_236, %get3A_237] {strides = array<i32>} : memref<80x128xf32, #tpu.memory_space<vmem>>, vector<1x16xf32>,
      %get3A_239 = vector.shape_cast %get3A_238 : vector<1x16xf32> to vector<16xf32>
      %mul3A_240 = arith.mulf %get3A_235, %get3A_239 : vector<16xf32>
      %mul3A_241 = arith.constant 1.000000e-01 : f32
      %mul3A_242 = vector.broadcast %mul3A_241 : f32 to vector<16xf32>
      %mul3A_243 = arith.mulf %mul3A_240, %mul3A_242 : vector<16xf32>
      %max3A_244 = arith.maximumf %mul3A_240, %mul3A_243 : vector<16xf32>
      %swap3A_245 = arith.index_cast %add3A_108 : i32 to index
      %swap3A_246 = arith.constant 112 : index
      %swap3A_247 = tpu.vector_load %arg7[%swap3A_245, %swap3A_246] {strides = array<i32>} : memref<80x128xf32, #tpu.memory_space<vmem>>, vector<1x16xf32>,
      %swap3A_248 = vector.shape_cast %swap3A_247 : vector<1x16xf32> to vector<16xf32>
      %swap3A_249 = vector.shape_cast %max3A_244 : vector<16xf32> to vector<1x16xf32>
      tpu.vector_store %arg7[%swap3A_245, %swap3A_246], %swap3A_249 {strides = array<i32>} : memref<80x128xf32, #tpu.memory_space<vmem>>, vector<1x16xf32>,
      %mul3A_250 = arith.constant 4 : i32
      %mul3A_251 = arith.muli %scan3A_103, %mul3A_250 : i32
      %add3A_252 = arith.constant 1 : i32
      %add3A_253 = arith.addi %mul3A_251, %add3A_252 : i32
      %get3A_254 = arith.index_cast %add3A_253 : i32 to index
      %get3A_255 = arith.constant 0 : index
      %get3A_256 = tpu.vector_load %arg7[%get3A_254, %get3A_255] {strides = array<i32>} : memref<80x128xf32, #tpu.memory_space<vmem>>, vector<1x16xf32>,
      %get3A_257 = vector.shape_cast %get3A_256 : vector<1x16xf32> to vector<16xf32>
      %get3A_258 = arith.index_cast %add3A_253 : i32 to index
      %get3A_259 = arith.constant 0 : index
      %get3A_260 = tpu.vector_load %arg9[%get3A_258, %get3A_259] {strides = array<i32>} : memref<80x128xf32, #tpu.memory_space<vmem>>, vector<1x16xf32>,
      %get3A_261 = vector.shape_cast %get3A_260 : vector<1x16xf32> to vector<16xf32>
      %mul3A_262 = arith.mulf %get3A_257, %get3A_261 : vector<16xf32>
      %mul3A_263 = arith.constant 1.000000e-01 : f32
      %mul3A_264 = vector.broadcast %mul3A_263 : f32 to vector<16xf32>
      %mul3A_265 = arith.mulf %mul3A_262, %mul3A_264 : vector<16xf32>
      %max3A_266 = arith.maximumf %mul3A_262, %mul3A_265 : vector<16xf32>
      %swap3A_267 = arith.index_cast %add3A_253 : i32 to index
      %swap3A_268 = arith.constant 0 : index
      %swap3A_269 = tpu.vector_load %arg7[%swap3A_267, %swap3A_268] {strides = array<i32>} : memref<80x128xf32, #tpu.memory_space<vmem>>, vector<1x16xf32>,
      %swap3A_270 = vector.shape_cast %swap3A_269 : vector<1x16xf32> to vector<16xf32>
      %swap3A_271 = vector.shape_cast %max3A_266 : vector<16xf32> to vector<1x16xf32>
      tpu.vector_store %arg7[%swap3A_267, %swap3A_268], %swap3A_271 {strides = array<i32>} : memref<80x128xf32, #tpu.memory_space<vmem>>, vector<1x16xf32>,
      %get3A_272 = arith.index_cast %add3A_253 : i32 to index
      %get3A_273 = arith.constant 16 : index
      %get3A_274 = tpu.vector_load %arg7[%get3A_272, %get3A_273] {strides = array<i32>} : memref<80x128xf32, #tpu.memory_space<vmem>>, vector<1x16xf32>,
      %get3A_275 = vector.shape_cast %get3A_274 : vector<1x16xf32> to vector<16xf32>
      %get3A_276 = arith.index_cast %add3A_253 : i32 to index
      %get3A_277 = arith.constant 16 : index
      %get3A_278 = tpu.vector_load %arg9[%get3A_276, %get3A_277] {strides = array<i32>} : memref<80x128xf32, #tpu.memory_space<vmem>>, vector<1x16xf32>,
      %get3A_279 = vector.shape_cast %get3A_278 : vector<1x16xf32> to vector<16xf32>
      %mul3A_280 = arith.mulf %get3A_275, %get3A_279 : vector<16xf32>
      %mul3A_281 = arith.constant 1.000000e-01 : f32
      %mul3A_282 = vector.broadcast %mul3A_281 : f32 to vector<16xf32>
      %mul3A_283 = arith.mulf %mul3A_280, %mul3A_282 : vector<16xf32>
      %max3A_284 = arith.maximumf %mul3A_280, %mul3A_283 : vector<16xf32>
      %swap3A_285 = arith.index_cast %add3A_253 : i32 to index
      %swap3A_286 = arith.constant 16 : index
      %swap3A_287 = tpu.vector_load %arg7[%swap3A_285, %swap3A_286] {strides = array<i32>} : memref<80x128xf32, #tpu.memory_space<vmem>>, vector<1x16xf32>,
      %swap3A_288 = vector.shape_cast %swap3A_287 : vector<1x16xf32> to vector<16xf32>
      %swap3A_289 = vector.shape_cast %max3A_284 : vector<16xf32> to vector<1x16xf32>
      tpu.vector_store %arg7[%swap3A_285, %swap3A_286], %swap3A_289 {strides = array<i32>} : memref<80x128xf32, #tpu.memory_space<vmem>>, vector<1x16xf32>,
      %get3A_290 = arith.index_cast %add3A_253 : i32 to index
      %get3A_291 = arith.constant 32 : index
      %get3A_292 = tpu.vector_load %arg7[%get3A_290, %get3A_291] {strides = array<i32>} : memref<80x128xf32, #tpu.memory_space<vmem>>, vector<1x16xf32>,
      %get3A_293 = vector.shape_cast %get3A_292 : vector<1x16xf32> to vector<16xf32>
      %get3A_294 = arith.index_cast %add3A_253 : i32 to index
      %get3A_295 = arith.constant 32 : index
      %get3A_296 = tpu.vector_load %arg9[%get3A_294, %get3A_295] {strides = array<i32>} : memref<80x128xf32, #tpu.memory_space<vmem>>, vector<1x16xf32>,
      %get3A_297 = vector.shape_cast %get3A_296 : vector<1x16xf32> to vector<16xf32>
      %mul3A_298 = arith.mulf %get3A_293, %get3A_297 : vector<16xf32>
      %mul3A_299 = arith.constant 1.000000e-01 : f32
      %mul3A_300 = vector.broadcast %mul3A_299 : f32 to vector<16xf32>
      %mul3A_301 = arith.mulf %mul3A_298, %mul3A_300 : vector<16xf32>
      %max3A_302 = arith.maximumf %mul3A_298, %mul3A_301 : vector<16xf32>
      %swap3A_303 = arith.index_cast %add3A_253 : i32 to index
      %swap3A_304 = arith.constant 32 : index
      %swap3A_305 = tpu.vector_load %arg7[%swap3A_303, %swap3A_304] {strides = array<i32>} : memref<80x128xf32, #tpu.memory_space<vmem>>, vector<1x16xf32>,
      %swap3A_306 = vector.shape_cast %swap3A_305 : vector<1x16xf32> to vector<16xf32>
      %swap3A_307 = vector.shape_cast %max3A_302 : vector<16xf32> to vector<1x16xf32>
      tpu.vector_store %arg7[%swap3A_303, %swap3A_304], %swap3A_307 {strides = array<i32>} : memref<80x128xf32, #tpu.memory_space<vmem>>, vector<1x16xf32>,
      %get3A_308 = arith.index_cast %add3A_253 : i32 to index
      %get3A_309 = arith.constant 48 : index
      %get3A_310 = tpu.vector_load %arg7[%get3A_308, %get3A_309] {strides = array<i32>} : memref<80x128xf32, #tpu.memory_space<vmem>>, vector<1x16xf32>,
      %get3A_311 = vector.shape_cast %get3A_310 : vector<1x16xf32> to vector<16xf32>
      %get3A_312 = arith.index_cast %add3A_253 : i32 to index
      %get3A_313 = arith.constant 48 : index
      %get3A_314 = tpu.vector_load %arg9[%get3A_312, %get3A_313] {strides = array<i32>} : memref<80x128xf32, #tpu.memory_space<vmem>>, vector<1x16xf32>,
      %get3A_315 = vector.shape_cast %get3A_314 : vector<1x16xf32> to vector<16xf32>
      %mul3A_316 = arith.mulf %get3A_311, %get3A_315 : vector<16xf32>
      %mul3A_317 = arith.constant 1.000000e-01 : f32
      %mul3A_318 = vector.broadcast %mul3A_317 : f32 to vector<16xf32>
      %mul3A_319 = arith.mulf %mul3A_316, %mul3A_318 : vector<16xf32>
      %max3A_320 = arith.maximumf %mul3A_316, %mul3A_319 : vector<16xf32>
      %swap3A_321 = arith.index_cast %add3A_253 : i32 to index
      %swap3A_322 = arith.constant 48 : index
      %swap3A_323 = tpu.vector_load %arg7[%swap3A_321, %swap3A_322] {strides = array<i32>} : memref<80x128xf32, #tpu.memory_space<vmem>>, vector<1x16xf32>,
      %swap3A_324 = vector.shape_cast %swap3A_323 : vector<1x16xf32> to vector<16xf32>
      %swap3A_325 = vector.shape_cast %max3A_320 : vector<16xf32> to vector<1x16xf32>
      tpu.vector_store %arg7[%swap3A_321, %swap3A_322], %swap3A_325 {strides = array<i32>} : memref<80x128xf32, #tpu.memory_space<vmem>>, vector<1x16xf32>,
      %get3A_326 = arith.index_cast %add3A_253 : i32 to index
      %get3A_327 = arith.constant 64 : index
      %get3A_328 = tpu.vector_load %arg7[%get3A_326, %get3A_327] {strides = array<i32>} : memref<80x128xf32, #tpu.memory_space<vmem>>, vector<1x16xf32>,
      %get3A_329 = vector.shape_cast %get3A_328 : vector<1x16xf32> to vector<16xf32>
      %get3A_330 = arith.index_cast %add3A_253 : i32 to index
      %get3A_331 = arith.constant 64 : index
      %get3A_332 = tpu.vector_load %arg9[%get3A_330, %get3A_331] {strides = array<i32>} : memref<80x128xf32, #tpu.memory_space<vmem>>, vector<1x16xf32>,
      %get3A_333 = vector.shape_cast %get3A_332 : vector<1x16xf32> to vector<16xf32>
      %mul3A_334 = arith.mulf %get3A_329, %get3A_333 : vector<16xf32>
      %mul3A_335 = arith.constant 1.000000e-01 : f32
      %mul3A_336 = vector.broadcast %mul3A_335 : f32 to vector<16xf32>
      %mul3A_337 = arith.mulf %mul3A_334, %mul3A_336 : vector<16xf32>
      %max3A_338 = arith.maximumf %mul3A_334, %mul3A_337 : vector<16xf32>
      %swap3A_339 = arith.index_cast %add3A_253 : i32 to index
      %swap3A_340 = arith.constant 64 : index
      %swap3A_341 = tpu.vector_load %arg7[%swap3A_339, %swap3A_340] {strides = array<i32>} : memref<80x128xf32, #tpu.memory_space<vmem>>, vector<1x16xf32>,
      %swap3A_342 = vector.shape_cast %swap3A_341 : vector<1x16xf32> to vector<16xf32>
      %swap3A_343 = vector.shape_cast %max3A_338 : vector<16xf32> to vector<1x16xf32>
      tpu.vector_store %arg7[%swap3A_339, %swap3A_340], %swap3A_343 {strides = array<i32>} : memref<80x128xf32, #tpu.memory_space<vmem>>, vector<1x16xf32>,
      %get3A_344 = arith.index_cast %add3A_253 : i32 to index
      %get3A_345 = arith.constant 80 : index
      %get3A_346 = tpu.vector_load %arg7[%get3A_344, %get3A_345] {strides = array<i32>} : memref<80x128xf32, #tpu.memory_space<vmem>>, vector<1x16xf32>,
      %get3A_347 = vector.shape_cast %get3A_346 : vector<1x16xf32> to vector<16xf32>
      %get3A_348 = arith.index_cast %add3A_253 : i32 to index
      %get3A_349 = arith.constant 80 : index
      %get3A_350 = tpu.vector_load %arg9[%get3A_348, %get3A_349] {strides = array<i32>} : memref<80x128xf32, #tpu.memory_space<vmem>>, vector<1x16xf32>,
      %get3A_351 = vector.shape_cast %get3A_350 : vector<1x16xf32> to vector<16xf32>
      %mul3A_352 = arith.mulf %get3A_347, %get3A_351 : vector<16xf32>
      %mul3A_353 = arith.constant 1.000000e-01 : f32
      %mul3A_354 = vector.broadcast %mul3A_353 : f32 to vector<16xf32>
      %mul3A_355 = arith.mulf %mul3A_352, %mul3A_354 : vector<16xf32>
      %max3A_356 = arith.maximumf %mul3A_352, %mul3A_355 : vector<16xf32>
      %swap3A_357 = arith.index_cast %add3A_253 : i32 to index
      %swap3A_358 = arith.constant 80 : index
      %swap3A_359 = tpu.vector_load %arg7[%swap3A_357, %swap3A_358] {strides = array<i32>} : memref<80x128xf32, #tpu.memory_space<vmem>>, vector<1x16xf32>,
      %swap3A_360 = vector.shape_cast %swap3A_359 : vector<1x16xf32> to vector<16xf32>
      %swap3A_361 = vector.shape_cast %max3A_356 : vector<16xf32> to vector<1x16xf32>
      tpu.vector_store %arg7[%swap3A_357, %swap3A_358], %swap3A_361 {strides = array<i32>} : memref<80x128xf32, #tpu.memory_space<vmem>>, vector<1x16xf32>,
      %get3A_362 = arith.index_cast %add3A_253 : i32 to index
      %get3A_363 = arith.constant 96 : index
      %get3A_364 = tpu.vector_load %arg7[%get3A_362, %get3A_363] {strides = array<i32>} : memref<80x128xf32, #tpu.memory_space<vmem>>, vector<1x16xf32>,
      %get3A_365 = vector.shape_cast %get3A_364 : vector<1x16xf32> to vector<16xf32>
      %get3A_366 = arith.index_cast %add3A_253 : i32 to index
      %get3A_367 = arith.constant 96 : index
      %get3A_368 = tpu.vector_load %arg9[%get3A_366, %get3A_367] {strides = array<i32>} : memref<80x128xf32, #tpu.memory_space<vmem>>, vector<1x16xf32>,
      %get3A_369 = vector.shape_cast %get3A_368 : vector<1x16xf32> to vector<16xf32>
      %mul3A_370 = arith.mulf %get3A_365, %get3A_369 : vector<16xf32>
      %mul3A_371 = arith.constant 1.000000e-01 : f32
      %mul3A_372 = vector.broadcast %mul3A_371 : f32 to vector<16xf32>
      %mul3A_373 = arith.mulf %mul3A_370, %mul3A_372 : vector<16xf32>
      %max3A_374 = arith.maximumf %mul3A_370, %mul3A_373 : vector<16xf32>
      %swap3A_375 = arith.index_cast %add3A_253 : i32 to index
      %swap3A_376 = arith.constant 96 : index
      %swap3A_377 = tpu.vector_load %arg7[%swap3A_375, %swap3A_376] {strides = array<i32>} : memref<80x128xf32, #tpu.memory_space<vmem>>, vector<1x16xf32>,
      %swap3A_378 = vector.shape_cast %swap3A_377 : vector<1x16xf32> to vector<16xf32>
      %swap3A_379 = vector.shape_cast %max3A_374 : vector<16xf32> to vector<1x16xf32>
      tpu.vector_store %arg7[%swap3A_375, %swap3A_376], %swap3A_379 {strides = array<i32>} : memref<80x128xf32, #tpu.memory_space<vmem>>, vector<1x16xf32>,
      %get3A_380 = arith.index_cast %add3A_253 : i32 to index
      %get3A_381 = arith.constant 112 : index
      %get3A_382 = tpu.vector_load %arg7[%get3A_380, %get3A_381] {strides = array<i32>} : memref<80x128xf32, #tpu.memory_space<vmem>>, vector<1x16xf32>,
      %get3A_383 = vector.shape_cast %get3A_382 : vector<1x16xf32> to vector<16xf32>
      %get3A_384 = arith.index_cast %add3A_253 : i32 to index
      %get3A_385 = arith.constant 112 : index
      %get3A_386 = tpu.vector_load %arg9[%get3A_384, %get3A_385] {strides = array<i32>} : memref<80x128xf32, #tpu.memory_space<vmem>>, vector<1x16xf32>,
      %get3A_387 = vector.shape_cast %get3A_386 : vector<1x16xf32> to vector<16xf32>
      %mul3A_388 = arith.mulf %get3A_383, %get3A_387 : vector<16xf32>
      %mul3A_389 = arith.constant 1.000000e-01 : f32
      %mul3A_390 = vector.broadcast %mul3A_389 : f32 to vector<16xf32>
      %mul3A_391 = arith.mulf %mul3A_388, %mul3A_390 : vector<16xf32>
      %max3A_392 = arith.maximumf %mul3A_388, %mul3A_391 : vector<16xf32>
      %swap3A_393 = arith.index_cast %add3A_253 : i32 to index
      %swap3A_394 = arith.constant 112 : index
      %swap3A_395 = tpu.vector_load %arg7[%swap3A_393, %swap3A_394] {strides = array<i32>} : memref<80x128xf32, #tpu.memory_space<vmem>>, vector<1x16xf32>,
      %swap3A_396 = vector.shape_cast %swap3A_395 : vector<1x16xf32> to vector<16xf32>
      %swap3A_397 = vector.shape_cast %max3A_392 : vector<16xf32> to vector<1x16xf32>
      tpu.vector_store %arg7[%swap3A_393, %swap3A_394], %swap3A_397 {strides = array<i32>} : memref<80x128xf32, #tpu.memory_space<vmem>>, vector<1x16xf32>,
      %mul3A_398 = arith.constant 4 : i32
      %mul3A_399 = arith.muli %scan3A_103, %mul3A_398 : i32
      %add3A_400 = arith.constant 2 : i32
      %add3A_401 = arith.addi %mul3A_399, %add3A_400 : i32
      %get3A_402 = arith.index_cast %add3A_401 : i32 to index
      %get3A_403 = arith.constant 0 : index
      %get3A_404 = tpu.vector_load %arg7[%get3A_402, %get3A_403] {strides = array<i32>} : memref<80x128xf32, #tpu.memory_space<vmem>>, vector<1x16xf32>,
      %get3A_405 = vector.shape_cast %get3A_404 : vector<1x16xf32> to vector<16xf32>
      %get3A_406 = arith.index_cast %add3A_401 : i32 to index
      %get3A_407 = arith.constant 0 : index
      %get3A_408 = tpu.vector_load %arg9[%get3A_406, %get3A_407] {strides = array<i32>} : memref<80x128xf32, #tpu.memory_space<vmem>>, vector<1x16xf32>,
      %get3A_409 = vector.shape_cast %get3A_408 : vector<1x16xf32> to vector<16xf32>
      %mul3A_410 = arith.mulf %get3A_405, %get3A_409 : vector<16xf32>
      %mul3A_411 = arith.constant 1.000000e-01 : f32
      %mul3A_412 = vector.broadcast %mul3A_411 : f32 to vector<16xf32>
      %mul3A_413 = arith.mulf %mul3A_410, %mul3A_412 : vector<16xf32>
      %max3A_414 = arith.maximumf %mul3A_410, %mul3A_413 : vector<16xf32>
      %swap3A_415 = arith.index_cast %add3A_401 : i32 to index
      %swap3A_416 = arith.constant 0 : index
      %swap3A_417 = tpu.vector_load %arg7[%swap3A_415, %swap3A_416] {strides = array<i32>} : memref<80x128xf32, #tpu.memory_space<vmem>>, vector<1x16xf32>,
      %swap3A_418 = vector.shape_cast %swap3A_417 : vector<1x16xf32> to vector<16xf32>
      %swap3A_419 = vector.shape_cast %max3A_414 : vector<16xf32> to vector<1x16xf32>
      tpu.vector_store %arg7[%swap3A_415, %swap3A_416], %swap3A_419 {strides = array<i32>} : memref<80x128xf32, #tpu.memory_space<vmem>>, vector<1x16xf32>,
      %get3A_420 = arith.index_cast %add3A_401 : i32 to index
      %get3A_421 = arith.constant 16 : index
      %get3A_422 = tpu.vector_load %arg7[%get3A_420, %get3A_421] {strides = array<i32>} : memref<80x128xf32, #tpu.memory_space<vmem>>, vector<1x16xf32>,
      %get3A_423 = vector.shape_cast %get3A_422 : vector<1x16xf32> to vector<16xf32>
      %get3A_424 = arith.index_cast %add3A_401 : i32 to index
      %get3A_425 = arith.constant 16 : index
      %get3A_426 = tpu.vector_load %arg9[%get3A_424, %get3A_425] {strides = array<i32>} : memref<80x128xf32, #tpu.memory_space<vmem>>, vector<1x16xf32>,
      %get3A_427 = vector.shape_cast %get3A_426 : vector<1x16xf32> to vector<16xf32>
      %mul3A_428 = arith.mulf %get3A_423, %get3A_427 : vector<16xf32>
      %mul3A_429 = arith.constant 1.000000e-01 : f32
      %mul3A_430 = vector.broadcast %mul3A_429 : f32 to vector<16xf32>
      %mul3A_431 = arith.mulf %mul3A_428, %mul3A_430 : vector<16xf32>
      %max3A_432 = arith.maximumf %mul3A_428, %mul3A_431 : vector<16xf32>
      %swap3A_433 = arith.index_cast %add3A_401 : i32 to index
      %swap3A_434 = arith.constant 16 : index
      %swap3A_435 = tpu.vector_load %arg7[%swap3A_433, %swap3A_434] {strides = array<i32>} : memref<80x128xf32, #tpu.memory_space<vmem>>, vector<1x16xf32>,
      %swap3A_436 = vector.shape_cast %swap3A_435 : vector<1x16xf32> to vector<16xf32>
      %swap3A_437 = vector.shape_cast %max3A_432 : vector<16xf32> to vector<1x16xf32>
      tpu.vector_store %arg7[%swap3A_433, %swap3A_434], %swap3A_437 {strides = array<i32>} : memref<80x128xf32, #tpu.memory_space<vmem>>, vector<1x16xf32>,
      %get3A_438 = arith.index_cast %add3A_401 : i32 to index
      %get3A_439 = arith.constant 32 : index
      %get3A_440 = tpu.vector_load %arg7[%get3A_438, %get3A_439] {strides = array<i32>} : memref<80x128xf32, #tpu.memory_space<vmem>>, vector<1x16xf32>,
      %get3A_441 = vector.shape_cast %get3A_440 : vector<1x16xf32> to vector<16xf32>
      %get3A_442 = arith.index_cast %add3A_401 : i32 to index
      %get3A_443 = arith.constant 32 : index
      %get3A_444 = tpu.vector_load %arg9[%get3A_442, %get3A_443] {strides = array<i32>} : memref<80x128xf32, #tpu.memory_space<vmem>>, vector<1x16xf32>,
      %get3A_445 = vector.shape_cast %get3A_444 : vector<1x16xf32> to vector<16xf32>
      %mul3A_446 = arith.mulf %get3A_441, %get3A_445 : vector<16xf32>
      %mul3A_447 = arith.constant 1.000000e-01 : f32
      %mul3A_448 = vector.broadcast %mul3A_447 : f32 to vector<16xf32>
      %mul3A_449 = arith.mulf %mul3A_446, %mul3A_448 : vector<16xf32>
      %max3A_450 = arith.maximumf %mul3A_446, %mul3A_449 : vector<16xf32>
      %swap3A_451 = arith.index_cast %add3A_401 : i32 to index
      %swap3A_452 = arith.constant 32 : index
      %swap3A_453 = tpu.vector_load %arg7[%swap3A_451, %swap3A_452] {strides = array<i32>} : memref<80x128xf32, #tpu.memory_space<vmem>>, vector<1x16xf32>,
      %swap3A_454 = vector.shape_cast %swap3A_453 : vector<1x16xf32> to vector<16xf32>
      %swap3A_455 = vector.shape_cast %max3A_450 : vector<16xf32> to vector<1x16xf32>
      tpu.vector_store %arg7[%swap3A_451, %swap3A_452], %swap3A_455 {strides = array<i32>} : memref<80x128xf32, #tpu.memory_space<vmem>>, vector<1x16xf32>,
      %get3A_456 = arith.index_cast %add3A_401 : i32 to index
      %get3A_457 = arith.constant 48 : index
      %get3A_458 = tpu.vector_load %arg7[%get3A_456, %get3A_457] {strides = array<i32>} : memref<80x128xf32, #tpu.memory_space<vmem>>, vector<1x16xf32>,
      %get3A_459 = vector.shape_cast %get3A_458 : vector<1x16xf32> to vector<16xf32>
      %get3A_460 = arith.index_cast %add3A_401 : i32 to index
      %get3A_461 = arith.constant 48 : index
      %get3A_462 = tpu.vector_load %arg9[%get3A_460, %get3A_461] {strides = array<i32>} : memref<80x128xf32, #tpu.memory_space<vmem>>, vector<1x16xf32>,
      %get3A_463 = vector.shape_cast %get3A_462 : vector<1x16xf32> to vector<16xf32>
      %mul3A_464 = arith.mulf %get3A_459, %get3A_463 : vector<16xf32>
      %mul3A_465 = arith.constant 1.000000e-01 : f32
      %mul3A_466 = vector.broadcast %mul3A_465 : f32 to vector<16xf32>
      %mul3A_467 = arith.mulf %mul3A_464, %mul3A_466 : vector<16xf32>
      %max3A_468 = arith.maximumf %mul3A_464, %mul3A_467 : vector<16xf32>
      %swap3A_469 = arith.index_cast %add3A_401 : i32 to index
      %swap3A_470 = arith.constant 48 : index
      %swap3A_471 = tpu.vector_load %arg7[%swap3A_469, %swap3A_470] {strides = array<i32>} : memref<80x128xf32, #tpu.memory_space<vmem>>, vector<1x16xf32>,
      %swap3A_472 = vector.shape_cast %swap3A_471 : vector<1x16xf32> to vector<16xf32>
      %swap3A_473 = vector.shape_cast %max3A_468 : vector<16xf32> to vector<1x16xf32>
      tpu.vector_store %arg7[%swap3A_469, %swap3A_470], %swap3A_473 {strides = array<i32>} : memref<80x128xf32, #tpu.memory_space<vmem>>, vector<1x16xf32>,
      %get3A_474 = arith.index_cast %add3A_401 : i32 to index
      %get3A_475 = arith.constant 64 : index
      %get3A_476 = tpu.vector_load %arg7[%get3A_474, %get3A_475] {strides = array<i32>} : memref<80x128xf32, #tpu.memory_space<vmem>>, vector<1x16xf32>,
      %get3A_477 = vector.shape_cast %get3A_476 : vector<1x16xf32> to vector<16xf32>
      %get3A_478 = arith.index_cast %add3A_401 : i32 to index
      %get3A_479 = arith.constant 64 : index
      %get3A_480 = tpu.vector_load %arg9[%get3A_478, %get3A_479] {strides = array<i32>} : memref<80x128xf32, #tpu.memory_space<vmem>>, vector<1x16xf32>,
      %get3A_481 = vector.shape_cast %get3A_480 : vector<1x16xf32> to vector<16xf32>
      %mul3A_482 = arith.mulf %get3A_477, %get3A_481 : vector<16xf32>
      %mul3A_483 = arith.constant 1.000000e-01 : f32
      %mul3A_484 = vector.broadcast %mul3A_483 : f32 to vector<16xf32>
      %mul3A_485 = arith.mulf %mul3A_482, %mul3A_484 : vector<16xf32>
      %max3A_486 = arith.maximumf %mul3A_482, %mul3A_485 : vector<16xf32>
      %swap3A_487 = arith.index_cast %add3A_401 : i32 to index
      %swap3A_488 = arith.constant 64 : index
      %swap3A_489 = tpu.vector_load %arg7[%swap3A_487, %swap3A_488] {strides = array<i32>} : memref<80x128xf32, #tpu.memory_space<vmem>>, vector<1x16xf32>,
      %swap3A_490 = vector.shape_cast %swap3A_489 : vector<1x16xf32> to vector<16xf32>
      %swap3A_491 = vector.shape_cast %max3A_486 : vector<16xf32> to vector<1x16xf32>
      tpu.vector_store %arg7[%swap3A_487, %swap3A_488], %swap3A_491 {strides = array<i32>} : memref<80x128xf32, #tpu.memory_space<vmem>>, vector<1x16xf32>,
      %get3A_492 = arith.index_cast %add3A_401 : i32 to index
      %get3A_493 = arith.constant 80 : index
      %get3A_494 = tpu.vector_load %arg7[%get3A_492, %get3A_493] {strides = array<i32>} : memref<80x128xf32, #tpu.memory_space<vmem>>, vector<1x16xf32>,
      %get3A_495 = vector.shape_cast %get3A_494 : vector<1x16xf32> to vector<16xf32>
      %get3A_496 = arith.index_cast %add3A_401 : i32 to index
      %get3A_497 = arith.constant 80 : index
      %get3A_498 = tpu.vector_load %arg9[%get3A_496, %get3A_497] {strides = array<i32>} : memref<80x128xf32, #tpu.memory_space<vmem>>, vector<1x16xf32>,
      %get3A_499 = vector.shape_cast %get3A_498 : vector<1x16xf32> to vector<16xf32>
      %mul3A_500 = arith.mulf %get3A_495, %get3A_499 : vector<16xf32>
      %mul3A_501 = arith.constant 1.000000e-01 : f32
      %mul3A_502 = vector.broadcast %mul3A_501 : f32 to vector<16xf32>
      %mul3A_503 = arith.mulf %mul3A_500, %mul3A_502 : vector<16xf32>
      %max3A_504 = arith.maximumf %mul3A_500, %mul3A_503 : vector<16xf32>
      %swap3A_505 = arith.index_cast %add3A_401 : i32 to index
      %swap3A_506 = arith.constant 80 : index
      %swap3A_507 = tpu.vector_load %arg7[%swap3A_505, %swap3A_506] {strides = array<i32>} : memref<80x128xf32, #tpu.memory_space<vmem>>, vector<1x16xf32>,
      %swap3A_508 = vector.shape_cast %swap3A_507 : vector<1x16xf32> to vector<16xf32>
      %swap3A_509 = vector.shape_cast %max3A_504 : vector<16xf32> to vector<1x16xf32>
      tpu.vector_store %arg7[%swap3A_505, %swap3A_506], %swap3A_509 {strides = array<i32>} : memref<80x128xf32, #tpu.memory_space<vmem>>, vector<1x16xf32>,
      %get3A_510 = arith.index_cast %add3A_401 : i32 to index
      %get3A_511 = arith.constant 96 : index
      %get3A_512 = tpu.vector_load %arg7[%get3A_510, %get3A_511] {strides = array<i32>} : memref<80x128xf32, #tpu.memory_space<vmem>>, vector<1x16xf32>,
      %get3A_513 = vector.shape_cast %get3A_512 : vector<1x16xf32> to vector<16xf32>
      %get3A_514 = arith.index_cast %add3A_401 : i32 to index
      %get3A_515 = arith.constant 96 : index
      %get3A_516 = tpu.vector_load %arg9[%get3A_514, %get3A_515] {strides = array<i32>} : memref<80x128xf32, #tpu.memory_space<vmem>>, vector<1x16xf32>,
      %get3A_517 = vector.shape_cast %get3A_516 : vector<1x16xf32> to vector<16xf32>
      %mul3A_518 = arith.mulf %get3A_513, %get3A_517 : vector<16xf32>
      %mul3A_519 = arith.constant 1.000000e-01 : f32
      %mul3A_520 = vector.broadcast %mul3A_519 : f32 to vector<16xf32>
      %mul3A_521 = arith.mulf %mul3A_518, %mul3A_520 : vector<16xf32>
      %max3A_522 = arith.maximumf %mul3A_518, %mul3A_521 : vector<16xf32>
      %swap3A_523 = arith.index_cast %add3A_401 : i32 to index
      %swap3A_524 = arith.constant 96 : index
      %swap3A_525 = tpu.vector_load %arg7[%swap3A_523, %swap3A_524] {strides = array<i32>} : memref<80x128xf32, #tpu.memory_space<vmem>>, vector<1x16xf32>,
      %swap3A_526 = vector.shape_cast %swap3A_525 : vector<1x16xf32> to vector<16xf32>
      %swap3A_527 = vector.shape_cast %max3A_522 : vector<16xf32> to vector<1x16xf32>
      tpu.vector_store %arg7[%swap3A_523, %swap3A_524], %swap3A_527 {strides = array<i32>} : memref<80x128xf32, #tpu.memory_space<vmem>>, vector<1x16xf32>,
      %get3A_528 = arith.index_cast %add3A_401 : i32 to index
      %get3A_529 = arith.constant 112 : index
      %get3A_530 = tpu.vector_load %arg7[%get3A_528, %get3A_529] {strides = array<i32>} : memref<80x128xf32, #tpu.memory_space<vmem>>, vector<1x16xf32>,
      %get3A_531 = vector.shape_cast %get3A_530 : vector<1x16xf32> to vector<16xf32>
      %get3A_532 = arith.index_cast %add3A_401 : i32 to index
      %get3A_533 = arith.constant 112 : index
      %get3A_534 = tpu.vector_load %arg9[%get3A_532, %get3A_533] {strides = array<i32>} : memref<80x128xf32, #tpu.memory_space<vmem>>, vector<1x16xf32>,
      %get3A_535 = vector.shape_cast %get3A_534 : vector<1x16xf32> to vector<16xf32>
      %mul3A_536 = arith.mulf %get3A_531, %get3A_535 : vector<16xf32>
      %mul3A_537 = arith.constant 1.000000e-01 : f32
      %mul3A_538 = vector.broadcast %mul3A_537 : f32 to vector<16xf32>
      %mul3A_539 = arith.mulf %mul3A_536, %mul3A_538 : vector<16xf32>
      %max3A_540 = arith.maximumf %mul3A_536, %mul3A_539 : vector<16xf32>
      %swap3A_541 = arith.index_cast %add3A_401 : i32 to index
      %swap3A_542 = arith.constant 112 : index
      %swap3A_543 = tpu.vector_load %arg7[%swap3A_541, %swap3A_542] {strides = array<i32>} : memref<80x128xf32, #tpu.memory_space<vmem>>, vector<1x16xf32>,
      %swap3A_544 = vector.shape_cast %swap3A_543 : vector<1x16xf32> to vector<16xf32>
      %swap3A_545 = vector.shape_cast %max3A_540 : vector<16xf32> to vector<1x16xf32>
      tpu.vector_store %arg7[%swap3A_541, %swap3A_542], %swap3A_545 {strides = array<i32>} : memref<80x128xf32, #tpu.memory_space<vmem>>, vector<1x16xf32>,
      %mul3A_546 = arith.constant 4 : i32
      %mul3A_547 = arith.muli %scan3A_103, %mul3A_546 : i32
      %add3A_548 = arith.constant 3 : i32
      %add3A_549 = arith.addi %mul3A_547, %add3A_548 : i32
      %get3A_550 = arith.index_cast %add3A_549 : i32 to index
      %get3A_551 = arith.constant 0 : index
      %get3A_552 = tpu.vector_load %arg7[%get3A_550, %get3A_551] {strides = array<i32>} : memref<80x128xf32, #tpu.memory_space<vmem>>, vector<1x16xf32>,
      %get3A_553 = vector.shape_cast %get3A_552 : vector<1x16xf32> to vector<16xf32>
      %get3A_554 = arith.index_cast %add3A_549 : i32 to index
      %get3A_555 = arith.constant 0 : index
      %get3A_556 = tpu.vector_load %arg9[%get3A_554, %get3A_555] {strides = array<i32>} : memref<80x128xf32, #tpu.memory_space<vmem>>, vector<1x16xf32>,
      %get3A_557 = vector.shape_cast %get3A_556 : vector<1x16xf32> to vector<16xf32>
      %mul3A_558 = arith.mulf %get3A_553, %get3A_557 : vector<16xf32>
      %mul3A_559 = arith.constant 1.000000e-01 : f32
      %mul3A_560 = vector.broadcast %mul3A_559 : f32 to vector<16xf32>
      %mul3A_561 = arith.mulf %mul3A_558, %mul3A_560 : vector<16xf32>
      %max3A_562 = arith.maximumf %mul3A_558, %mul3A_561 : vector<16xf32>
      %swap3A_563 = arith.index_cast %add3A_549 : i32 to index
      %swap3A_564 = arith.constant 0 : index
      %swap3A_565 = tpu.vector_load %arg7[%swap3A_563, %swap3A_564] {strides = array<i32>} : memref<80x128xf32, #tpu.memory_space<vmem>>, vector<1x16xf32>,
      %swap3A_566 = vector.shape_cast %swap3A_565 : vector<1x16xf32> to vector<16xf32>
      %swap3A_567 = vector.shape_cast %max3A_562 : vector<16xf32> to vector<1x16xf32>
      tpu.vector_store %arg7[%swap3A_563, %swap3A_564], %swap3A_567 {strides = array<i32>} : memref<80x128xf32, #tpu.memory_space<vmem>>, vector<1x16xf32>,
      %get3A_568 = arith.index_cast %add3A_549 : i32 to index
      %get3A_569 = arith.constant 16 : index
      %get3A_570 = tpu.vector_load %arg7[%get3A_568, %get3A_569] {strides = array<i32>} : memref<80x128xf32, #tpu.memory_space<vmem>>, vector<1x16xf32>,
      %get3A_571 = vector.shape_cast %get3A_570 : vector<1x16xf32> to vector<16xf32>
      %get3A_572 = arith.index_cast %add3A_549 : i32 to index
      %get3A_573 = arith.constant 16 : index
      %get3A_574 = tpu.vector_load %arg9[%get3A_572, %get3A_573] {strides = array<i32>} : memref<80x128xf32, #tpu.memory_space<vmem>>, vector<1x16xf32>,
      %get3A_575 = vector.shape_cast %get3A_574 : vector<1x16xf32> to vector<16xf32>
      %mul3A_576 = arith.mulf %get3A_571, %get3A_575 : vector<16xf32>
      %mul3A_577 = arith.constant 1.000000e-01 : f32
      %mul3A_578 = vector.broadcast %mul3A_577 : f32 to vector<16xf32>
      %mul3A_579 = arith.mulf %mul3A_576, %mul3A_578 : vector<16xf32>
      %max3A_580 = arith.maximumf %mul3A_576, %mul3A_579 : vector<16xf32>
      %swap3A_581 = arith.index_cast %add3A_549 : i32 to index
      %swap3A_582 = arith.constant 16 : index
      %swap3A_583 = tpu.vector_load %arg7[%swap3A_581, %swap3A_582] {strides = array<i32>} : memref<80x128xf32, #tpu.memory_space<vmem>>, vector<1x16xf32>,
      %swap3A_584 = vector.shape_cast %swap3A_583 : vector<1x16xf32> to vector<16xf32>
      %swap3A_585 = vector.shape_cast %max3A_580 : vector<16xf32> to vector<1x16xf32>
      tpu.vector_store %arg7[%swap3A_581, %swap3A_582], %swap3A_585 {strides = array<i32>} : memref<80x128xf32, #tpu.memory_space<vmem>>, vector<1x16xf32>,
      %get3A_586 = arith.index_cast %add3A_549 : i32 to index
      %get3A_587 = arith.constant 32 : index
      %get3A_588 = tpu.vector_load %arg7[%get3A_586, %get3A_587] {strides = array<i32>} : memref<80x128xf32, #tpu.memory_space<vmem>>, vector<1x16xf32>,
      %get3A_589 = vector.shape_cast %get3A_588 : vector<1x16xf32> to vector<16xf32>
      %get3A_590 = arith.index_cast %add3A_549 : i32 to index
      %get3A_591 = arith.constant 32 : index
      %get3A_592 = tpu.vector_load %arg9[%get3A_590, %get3A_591] {strides = array<i32>} : memref<80x128xf32, #tpu.memory_space<vmem>>, vector<1x16xf32>,
      %get3A_593 = vector.shape_cast %get3A_592 : vector<1x16xf32> to vector<16xf32>
      %mul3A_594 = arith.mulf %get3A_589, %get3A_593 : vector<16xf32>
      %mul3A_595 = arith.constant 1.000000e-01 : f32
      %mul3A_596 = vector.broadcast %mul3A_595 : f32 to vector<16xf32>
      %mul3A_597 = arith.mulf %mul3A_594, %mul3A_596 : vector<16xf32>
      %max3A_598 = arith.maximumf %mul3A_594, %mul3A_597 : vector<16xf32>
      %swap3A_599 = arith.index_cast %add3A_549 : i32 to index
      %swap3A_600 = arith.constant 32 : index
      %swap3A_601 = tpu.vector_load %arg7[%swap3A_599, %swap3A_600] {strides = array<i32>} : memref<80x128xf32, #tpu.memory_space<vmem>>, vector<1x16xf32>,
      %swap3A_602 = vector.shape_cast %swap3A_601 : vector<1x16xf32> to vector<16xf32>
      %swap3A_603 = vector.shape_cast %max3A_598 : vector<16xf32> to vector<1x16xf32>
      tpu.vector_store %arg7[%swap3A_599, %swap3A_600], %swap3A_603 {strides = array<i32>} : memref<80x128xf32, #tpu.memory_space<vmem>>, vector<1x16xf32>,
      %get3A_604 = arith.index_cast %add3A_549 : i32 to index
      %get3A_605 = arith.constant 48 : index
      %get3A_606 = tpu.vector_load %arg7[%get3A_604, %get3A_605] {strides = array<i32>} : memref<80x128xf32, #tpu.memory_space<vmem>>, vector<1x16xf32>,
      %get3A_607 = vector.shape_cast %get3A_606 : vector<1x16xf32> to vector<16xf32>
      %get3A_608 = arith.index_cast %add3A_549 : i32 to index
      %get3A_609 = arith.constant 48 : index
      %get3A_610 = tpu.vector_load %arg9[%get3A_608, %get3A_609] {strides = array<i32>} : memref<80x128xf32, #tpu.memory_space<vmem>>, vector<1x16xf32>,
      %get3A_611 = vector.shape_cast %get3A_610 : vector<1x16xf32> to vector<16xf32>
      %mul3A_612 = arith.mulf %get3A_607, %get3A_611 : vector<16xf32>
      %mul3A_613 = arith.constant 1.000000e-01 : f32
      %mul3A_614 = vector.broadcast %mul3A_613 : f32 to vector<16xf32>
      %mul3A_615 = arith.mulf %mul3A_612, %mul3A_614 : vector<16xf32>
      %max3A_616 = arith.maximumf %mul3A_612, %mul3A_615 : vector<16xf32>
      %swap3A_617 = arith.index_cast %add3A_549 : i32 to index
      %swap3A_618 = arith.constant 48 : index
      %swap3A_619 = tpu.vector_load %arg7[%swap3A_617, %swap3A_618] {strides = array<i32>} : memref<80x128xf32, #tpu.memory_space<vmem>>, vector<1x16xf32>,
      %swap3A_620 = vector.shape_cast %swap3A_619 : vector<1x16xf32> to vector<16xf32>
      %swap3A_621 = vector.shape_cast %max3A_616 : vector<16xf32> to vector<1x16xf32>
      tpu.vector_store %arg7[%swap3A_617, %swap3A_618], %swap3A_621 {strides = array<i32>} : memref<80x128xf32, #tpu.memory_space<vmem>>, vector<1x16xf32>,
      %get3A_622 = arith.index_cast %add3A_549 : i32 to index
      %get3A_623 = arith.constant 64 : index
      %get3A_624 = tpu.vector_load %arg7[%get3A_622, %get3A_623] {strides = array<i32>} : memref<80x128xf32, #tpu.memory_space<vmem>>, vector<1x16xf32>,
      %get3A_625 = vector.shape_cast %get3A_624 : vector<1x16xf32> to vector<16xf32>
      %get3A_626 = arith.index_cast %add3A_549 : i32 to index
      %get3A_627 = arith.constant 64 : index
      %get3A_628 = tpu.vector_load %arg9[%get3A_626, %get3A_627] {strides = array<i32>} : memref<80x128xf32, #tpu.memory_space<vmem>>, vector<1x16xf32>,
      %get3A_629 = vector.shape_cast %get3A_628 : vector<1x16xf32> to vector<16xf32>
      %mul3A_630 = arith.mulf %get3A_625, %get3A_629 : vector<16xf32>
      %mul3A_631 = arith.constant 1.000000e-01 : f32
      %mul3A_632 = vector.broadcast %mul3A_631 : f32 to vector<16xf32>
      %mul3A_633 = arith.mulf %mul3A_630, %mul3A_632 : vector<16xf32>
      %max3A_634 = arith.maximumf %mul3A_630, %mul3A_633 : vector<16xf32>
      %swap3A_635 = arith.index_cast %add3A_549 : i32 to index
      %swap3A_636 = arith.constant 64 : index
      %swap3A_637 = tpu.vector_load %arg7[%swap3A_635, %swap3A_636] {strides = array<i32>} : memref<80x128xf32, #tpu.memory_space<vmem>>, vector<1x16xf32>,
      %swap3A_638 = vector.shape_cast %swap3A_637 : vector<1x16xf32> to vector<16xf32>
      %swap3A_639 = vector.shape_cast %max3A_634 : vector<16xf32> to vector<1x16xf32>
      tpu.vector_store %arg7[%swap3A_635, %swap3A_636], %swap3A_639 {strides = array<i32>} : memref<80x128xf32, #tpu.memory_space<vmem>>, vector<1x16xf32>,
      %get3A_640 = arith.index_cast %add3A_549 : i32 to index
      %get3A_641 = arith.constant 80 : index
      %get3A_642 = tpu.vector_load %arg7[%get3A_640, %get3A_641] {strides = array<i32>} : memref<80x128xf32, #tpu.memory_space<vmem>>, vector<1x16xf32>,
      %get3A_643 = vector.shape_cast %get3A_642 : vector<1x16xf32> to vector<16xf32>
      %get3A_644 = arith.index_cast %add3A_549 : i32 to index
      %get3A_645 = arith.constant 80 : index
      %get3A_646 = tpu.vector_load %arg9[%get3A_644, %get3A_645] {strides = array<i32>} : memref<80x128xf32, #tpu.memory_space<vmem>>, vector<1x16xf32>,
      %get3A_647 = vector.shape_cast %get3A_646 : vector<1x16xf32> to vector<16xf32>
      %mul3A_648 = arith.mulf %get3A_643, %get3A_647 : vector<16xf32>
      %mul3A_649 = arith.constant 1.000000e-01 : f32
      %mul3A_650 = vector.broadcast %mul3A_649 : f32 to vector<16xf32>
      %mul3A_651 = arith.mulf %mul3A_648, %mul3A_650 : vector<16xf32>
      %max3A_652 = arith.maximumf %mul3A_648, %mul3A_651 : vector<16xf32>
      %swap3A_653 = arith.index_cast %add3A_549 : i32 to index
      %swap3A_654 = arith.constant 80 : index
      %swap3A_655 = tpu.vector_load %arg7[%swap3A_653, %swap3A_654] {strides = array<i32>} : memref<80x128xf32, #tpu.memory_space<vmem>>, vector<1x16xf32>,
      %swap3A_656 = vector.shape_cast %swap3A_655 : vector<1x16xf32> to vector<16xf32>
      %swap3A_657 = vector.shape_cast %max3A_652 : vector<16xf32> to vector<1x16xf32>
      tpu.vector_store %arg7[%swap3A_653, %swap3A_654], %swap3A_657 {strides = array<i32>} : memref<80x128xf32, #tpu.memory_space<vmem>>, vector<1x16xf32>,
      %get3A_658 = arith.index_cast %add3A_549 : i32 to index
      %get3A_659 = arith.constant 96 : index
      %get3A_660 = tpu.vector_load %arg7[%get3A_658, %get3A_659] {strides = array<i32>} : memref<80x128xf32, #tpu.memory_space<vmem>>, vector<1x16xf32>,
      %get3A_661 = vector.shape_cast %get3A_660 : vector<1x16xf32> to vector<16xf32>
      %get3A_662 = arith.index_cast %add3A_549 : i32 to index
      %get3A_663 = arith.constant 96 : index
      %get3A_664 = tpu.vector_load %arg9[%get3A_662, %get3A_663] {strides = array<i32>} : memref<80x128xf32, #tpu.memory_space<vmem>>, vector<1x16xf32>,
      %get3A_665 = vector.shape_cast %get3A_664 : vector<1x16xf32> to vector<16xf32>
      %mul3A_666 = arith.mulf %get3A_661, %get3A_665 : vector<16xf32>
      %mul3A_667 = arith.constant 1.000000e-01 : f32
      %mul3A_668 = vector.broadcast %mul3A_667 : f32 to vector<16xf32>
      %mul3A_669 = arith.mulf %mul3A_666, %mul3A_668 : vector<16xf32>
      %max3A_670 = arith.maximumf %mul3A_666, %mul3A_669 : vector<16xf32>
      %swap3A_671 = arith.index_cast %add3A_549 : i32 to index
      %swap3A_672 = arith.constant 96 : index
      %swap3A_673 = tpu.vector_load %arg7[%swap3A_671, %swap3A_672] {strides = array<i32>} : memref<80x128xf32, #tpu.memory_space<vmem>>, vector<1x16xf32>,
      %swap3A_674 = vector.shape_cast %swap3A_673 : vector<1x16xf32> to vector<16xf32>
      %swap3A_675 = vector.shape_cast %max3A_670 : vector<16xf32> to vector<1x16xf32>
      tpu.vector_store %arg7[%swap3A_671, %swap3A_672], %swap3A_675 {strides = array<i32>} : memref<80x128xf32, #tpu.memory_space<vmem>>, vector<1x16xf32>,
      %get3A_676 = arith.index_cast %add3A_549 : i32 to index
      %get3A_677 = arith.constant 112 : index
      %get3A_678 = tpu.vector_load %arg7[%get3A_676, %get3A_677] {strides = array<i32>} : memref<80x128xf32, #tpu.memory_space<vmem>>, vector<1x16xf32>,
      %get3A_679 = vector.shape_cast %get3A_678 : vector<1x16xf32> to vector<16xf32>
      %get3A_680 = arith.index_cast %add3A_549 : i32 to index
      %get3A_681 = arith.constant 112 : index
      %get3A_682 = tpu.vector_load %arg9[%get3A_680, %get3A_681] {strides = array<i32>} : memref<80x128xf32, #tpu.memory_space<vmem>>, vector<1x16xf32>,
      %get3A_683 = vector.shape_cast %get3A_682 : vector<1x16xf32> to vector<16xf32>
      %mul3A_684 = arith.mulf %get3A_679, %get3A_683 : vector<16xf32>
      %mul3A_685 = arith.constant 1.000000e-01 : f32
      %mul3A_686 = vector.broadcast %mul3A_685 : f32 to vector<16xf32>
      %mul3A_687 = arith.mulf %mul3A_684, %mul3A_686 : vector<16xf32>
      %max3A_688 = arith.maximumf %mul3A_684, %mul3A_687 : vector<16xf32>
      %swap3A_689 = arith.index_cast %add3A_549 : i32 to index
      %swap3A_690 = arith.constant 112 : index
      %swap3A_691 = tpu.vector_load %arg7[%swap3A_689, %swap3A_690] {strides = array<i32>} : memref<80x128xf32, #tpu.memory_space<vmem>>, vector<1x16xf32>,
      %swap3A_692 = vector.shape_cast %swap3A_691 : vector<1x16xf32> to vector<16xf32>
      %swap3A_693 = vector.shape_cast %max3A_688 : vector<16xf32> to vector<1x16xf32>
      tpu.vector_store %arg7[%swap3A_689, %swap3A_690], %swap3A_693 {strides = array<i32>} : memref<80x128xf32, #tpu.memory_space<vmem>>, vector<1x16xf32>,
      %scan3A_694 = arith.constant 0 : i32
      scf.yield %scan3A_694 : i32
    }
    %scan3A_69 = arith.constant 20 : i32
    %dma_start3A_70 = arith.constant 0 : i32
    %dma_start3A_71 = arith.constant 0 : i32
    %dma_start3A_72 = tpu.memref_slice %arg29[%dma_start3A_70, %dma_start3A_71] : memref<10000x128xf32, #tpu.memory_space<vmem_shared>> -> memref<10000x128xf32, #tpu.memory_space<vmem_shared>>
    tpu.enqueue_indirect_dma source(%arg7 : memref<80x128xf32, #tpu.memory_space<vmem>>) target(%dma_start3A_72 : memref<10000x128xf32, #tpu.memory_space<vmem_shared>>) offsets(%arg15 : memref<80xi32, #tpu.memory_space<vmem>>) semaphore(%arg23 : memref<!tpu.dma_semaphore, #tpu.memory_space<semaphore_mem>>) {add = true}
    %dma_wait3A_73 = arith.constant 0 : i32
    %dma_wait3A_74 = arith.constant 0 : i32
    %dma_wait3A_75 = tpu.memref_slice %arg29[%dma_wait3A_73, %dma_wait3A_74] : memref<10000x128xf32, #tpu.memory_space<vmem_shared>> -> memref<80x128xf32, #tpu.memory_space<vmem_shared>>
    %dma_wait3A_76 = arith.constant 0 : i32
    %dma_wait3A_77 = arith.constant 0 : i32
    %dma_wait3A_78 = tpu.memref_slice %arg29[%dma_wait3A_76, %dma_wait3A_77] : memref<10000x128xf32, #tpu.memory_space<vmem_shared>> -> memref<80x128xf32, #tpu.memory_space<vmem_shared>>
    tpu.wait_dma2 semaphore(%arg23 : memref<!tpu.dma_semaphore, #tpu.memory_space<semaphore_mem>>) src(%arg7 : memref<80x128xf32, #tpu.memory_space<vmem>>) dst(%dma_wait3A_78 : memref<80x128xf32, #tpu.memory_space<vmem_shared>>)
    %dma_wait3A_79 = arith.constant 0 : i32
    %dma_wait3A_80 = arith.constant 0 : i32
    %dma_wait3A_81 = tpu.memref_slice %arg29[%dma_wait3A_79, %dma_wait3A_80] : memref<10000x128xf32, #tpu.memory_space<vmem_shared>> -> memref<80x128xf32, #tpu.memory_space<vmem_shared>>
    %dma_wait3A_82 = arith.constant 0 : i32
    %dma_wait3A_83 = arith.constant 0 : i32
    %dma_wait3A_84 = tpu.memref_slice %arg29[%dma_wait3A_82, %dma_wait3A_83] : memref<10000x128xf32, #tpu.memory_space<vmem_shared>> -> memref<80x128xf32, #tpu.memory_space<vmem_shared>>
    tpu.wait_dma2 semaphore(%arg24 : memref<!tpu.dma_semaphore, #tpu.memory_space<semaphore_mem>>) src(%arg8 : memref<80x128xf32, #tpu.memory_space<vmem>>) dst(%dma_wait3A_84 : memref<80x128xf32, #tpu.memory_space<vmem_shared>>)
    %barrier3A_85 = arith.constant 0 : index
    tpu.barrier barrier_id(%barrier3A_85)
    %eq3A_86 = arith.constant 15 : i32
    %eq3A_87 = arith.cmpi eq, %arg1, %eq3A_86 : i32
    %jit3A_88 = arith.constant 5 : i32
    %jit3A_89 = arith.constant 8 : i32
    %select_n3A_90 = arith.select %eq3A_87, %jit3A_88, %jit3A_89 : i32
    %while3A_91 = arith.constant 0 : i32
    %while3A_92 = arith.constant 0 : i32
    %while3A_93 = arith.subi %select_n3A_90, %while3A_91 : i32
    %while3A_94 = arith.addi %while3A_91, %while3A_93 : i32
    %while3A_95 = arith.constant 1 : i32
    %while3A_96 = arith.divsi %while3A_93, %while3A_95 : i32
    %while3A_97 = arith.muli %while3A_96, %while3A_95 : i32
    %while3A_98 = arith.addi %while3A_91, %while3A_97 : i32
    %while3A_99 = arith.constant 1 : i32
    %while3A_100 = scf.for %while3A_103 = %while3A_91 to %while3A_98 step %while3A_99 iter_args(%while3A_104 = %while3A_92) -> (i32)  : i32 {
      %mul3A_105 = arith.constant 640 : i32
      %mul3A_106 = arith.muli %arg1, %mul3A_105 : i32
      %mul3A_107 = arith.constant 80 : i32
      %mul3A_108 = arith.muli %while3A_103, %mul3A_107 : i32
      %add3A_109 = arith.addi %mul3A_106, %mul3A_108 : i32
      "tpu.region"() ({
        %run_scoped3A_111 = tpu.sem_alloc : memref<!tpu.dma_semaphore, #tpu.memory_space<semaphore_mem>>
        %dma_start3A_112 = arith.constant 0 : i32
        %dma_start3A_113 = tpu.memref_slice %arg6[%arg0, %add3A_109, %dma_start3A_112] : memref<2x10000x128xf32, #tpu.memory_space<hbm>> -> memref<1x80x128xf32, #tpu.memory_space<hbm>>
        %dma_start3A_114 = tpu.memref_squeeze %dma_start3A_113 : memref<1x80x128xf32, #tpu.memory_space<hbm>> -> memref<80x128xf32, #tpu.memory_space<hbm>>
        %dma_start3A_115 = arith.constant 0 : i32
        %dma_start3A_116 = tpu.memref_slice %arg29[%add3A_109, %dma_start3A_115] : memref<10000x128xf32, #tpu.memory_space<vmem_shared>> -> memref<80x128xf32, #tpu.memory_space<vmem_shared>>
        tpu.enqueue_dma source(%dma_start3A_116 : memref<80x128xf32, #tpu.memory_space<vmem_shared>>) target(%dma_start3A_114 : memref<80x128xf32, #tpu.memory_space<hbm>>) target_semaphore(%run_scoped3A_111 : memref<!tpu.dma_semaphore, #tpu.memory_space<semaphore_mem>>)
        %dma_wait3A_117 = arith.constant 0 : i32
        %dma_wait3A_118 = tpu.memref_slice %arg6[%arg0, %add3A_109, %dma_wait3A_117] : memref<2x10000x128xf32, #tpu.memory_space<hbm>> -> memref<1x80x128xf32, #tpu.memory_space<hbm>>
        %dma_wait3A_119 = tpu.memref_squeeze %dma_wait3A_118 : memref<1x80x128xf32, #tpu.memory_space<hbm>> -> memref<80x128xf32, #tpu.memory_space<hbm>>
        %dma_wait3A_120 = arith.constant 0 : i32
        %dma_wait3A_121 = tpu.memref_slice %arg29[%add3A_109, %dma_wait3A_120] : memref<10000x128xf32, #tpu.memory_space<vmem_shared>> -> memref<80x128xf32, #tpu.memory_space<vmem_shared>>
        tpu.wait_dma2 semaphore(%run_scoped3A_111 : memref<!tpu.dma_semaphore, #tpu.memory_space<semaphore_mem>>) src(%dma_wait3A_121 : memref<80x128xf32, #tpu.memory_space<vmem_shared>>) dst(%dma_wait3A_119 : memref<80x128xf32, #tpu.memory_space<hbm>>)
        tpu.yield
      }) : () -> ()
      %while3A_110 = arith.constant 0 : i32
      scf.yield %while3A_110 : i32
    }
    %while3A_101 = arith.constant 1 : i32
    %while3A_102 = scf.for %while3A_103 = %while3A_98 to %while3A_94 step %while3A_101 iter_args(%while3A_104 = %while3A_100) -> (i32)  : i32 {
      %mul3A_105 = arith.constant 640 : i32
      %mul3A_106 = arith.muli %arg1, %mul3A_105 : i32
      %mul3A_107 = arith.constant 80 : i32
      %mul3A_108 = arith.muli %while3A_103, %mul3A_107 : i32
      %add3A_109 = arith.addi %mul3A_106, %mul3A_108 : i32
      "tpu.region"() ({
        %run_scoped3A_111 = tpu.sem_alloc : memref<!tpu.dma_semaphore, #tpu.memory_space<semaphore_mem>>
        %dma_start3A_112 = arith.constant 0 : i32
        %dma_start3A_113 = tpu.memref_slice %arg6[%arg0, %add3A_109, %dma_start3A_112] : memref<2x10000x128xf32, #tpu.memory_space<hbm>> -> memref<1x80x128xf32, #tpu.memory_space<hbm>>
        %dma_start3A_114 = tpu.memref_squeeze %dma_start3A_113 : memref<1x80x128xf32, #tpu.memory_space<hbm>> -> memref<80x128xf32, #tpu.memory_space<hbm>>
        %dma_start3A_115 = arith.constant 0 : i32
        %dma_start3A_116 = tpu.memref_slice %arg29[%add3A_109, %dma_start3A_115] : memref<10000x128xf32, #tpu.memory_space<vmem_shared>> -> memref<80x128xf32, #tpu.memory_space<vmem_shared>>
        tpu.enqueue_dma source(%dma_start3A_116 : memref<80x128xf32, #tpu.memory_space<vmem_shared>>) target(%dma_start3A_114 : memref<80x128xf32, #tpu.memory_space<hbm>>) target_semaphore(%run_scoped3A_111 : memref<!tpu.dma_semaphore, #tpu.memory_space<semaphore_mem>>)
        %dma_wait3A_117 = arith.constant 0 : i32
        %dma_wait3A_118 = tpu.memref_slice %arg6[%arg0, %add3A_109, %dma_wait3A_117] : memref<2x10000x128xf32, #tpu.memory_space<hbm>> -> memref<1x80x128xf32, #tpu.memory_space<hbm>>
        %dma_wait3A_119 = tpu.memref_squeeze %dma_wait3A_118 : memref<1x80x128xf32, #tpu.memory_space<hbm>> -> memref<80x128xf32, #tpu.memory_space<hbm>>
        %dma_wait3A_120 = arith.constant 0 : i32
        %dma_wait3A_121 = tpu.memref_slice %arg29[%add3A_109, %dma_wait3A_120] : memref<10000x128xf32, #tpu.memory_space<vmem_shared>> -> memref<80x128xf32, #tpu.memory_space<vmem_shared>>
        tpu.wait_dma2 semaphore(%run_scoped3A_111 : memref<!tpu.dma_semaphore, #tpu.memory_space<semaphore_mem>>) src(%dma_wait3A_121 : memref<80x128xf32, #tpu.memory_space<vmem_shared>>) dst(%dma_wait3A_119 : memref<80x128xf32, #tpu.memory_space<hbm>>)
        tpu.yield
      }) : () -> ()
      %while3A_110 = arith.constant 0 : i32
      scf.yield %while3A_110 : i32
    }
    return
  }
}

module attributes {stable_mosaic.version = 14 : i64} {
  func.func @_ek_body(%arg0: i32, %arg1: memref<6400x16xf32, #tpu.memory_space<vmem>>, %arg2: memref<16x128xf32, #tpu.memory_space<vmem>>, %arg3: memref<1x128xf32, #tpu.memory_space<vmem>>, %arg4: memref<6400x128xf32, #tpu.memory_space<vmem>>) attributes {dimension_semantics = [#tpu.dimension_semantics<arbitrary>], iteration_bounds = array<i64: 50>, scalar_prefetch = 0 : i64, scratch_operands = 0 : i64, tpu.core_type = #tpu.core_type<tc>, window_params = [{transform_indices = @transform_0, window_bounds = array<i64: 6400, 16>}, {pipeline_mode = #tpu.pipeline_mode<synchronous>, transform_indices = @transform_1, window_bounds = array<i64: 16, 128>}, {pipeline_mode = #tpu.pipeline_mode<synchronous>, transform_indices = @transform_2, window_bounds = array<i64: 1, 128>}, {transform_indices = @transform_3, window_bounds = array<i64: 6400, 128>}]} {
    %get3A = arith.constant 0 : index
    %get3A_0 = arith.constant 0 : index
    %get3A_1 = vector.load %arg1[%get3A, %get3A_0] : memref<6400x16xf32, #tpu.memory_space<vmem>>, vector<6400x16xf32>
    %get3A_2 = arith.constant 0 : index
    %get3A_3 = arith.constant 0 : index
    %get3A_4 = vector.load %arg2[%get3A_2, %get3A_3] : memref<16x128xf32, #tpu.memory_space<vmem>>, vector<16x128xf32>
    %dot_general3A = arith.constant dense<0.000000e+00> : vector<6400x128xf32>
    %dot_general3A_5 = tpu.matmul %get3A_1, %get3A_4, %dot_general3A {dimension_numbers = #tpu.dot_dimension_numbers<[1], [0], [0], [1], [0, 0, 1, 1], [], []>, transpose_lhs_hint = false} : vector<6400x16xf32>, vector<16x128xf32>, vector<6400x128xf32> -> vector<6400x128xf32>
    %get3A_6 = arith.constant 0 : index
    %get3A_7 = arith.constant 0 : index
    %get3A_8 = vector.load %arg3[%get3A_6, %get3A_7] : memref<1x128xf32, #tpu.memory_space<vmem>>, vector<1x128xf32>
    %add3A = vector.broadcast %get3A_8 : vector<1x128xf32> to vector<6400x128xf32>
    %add3A_9 = arith.addf %dot_general3A_5, %add3A : vector<6400x128xf32>
    %swap3A = arith.constant 0 : index
    %swap3A_10 = arith.constant 0 : index
    %swap3A_11 = vector.load %arg4[%swap3A, %swap3A_10] : memref<6400x128xf32, #tpu.memory_space<vmem>>, vector<6400x128xf32>
    tpu.vector_store %arg4[%swap3A, %swap3A_10], %add3A_9 {strides = array<i32>} : memref<6400x128xf32, #tpu.memory_space<vmem>>, vector<6400x128xf32>,
    return
  }
  func.func @transform_0(%arg0: i32) -> (i32, i32) {
    %c0_i32 = arith.constant 0 : i32
    %c0_i32_0 = arith.constant 0 : i32
    return %arg0, %c0_i32 : i32, i32
  }
  func.func @transform_1(%arg0: i32) -> (i32, i32) {
    %c0_i32 = arith.constant 0 : i32
    %c0_i32_0 = arith.constant 0 : i32
    %c0_i32_1 = arith.constant 0 : i32
    return %c0_i32, %c0_i32_0 : i32, i32
  }
  func.func @transform_2(%arg0: i32) -> (i32, i32) {
    %c0_i32 = arith.constant 0 : i32
    %c0_i32_0 = arith.constant 0 : i32
    %c0_i32_1 = arith.constant 0 : i32
    return %c0_i32, %c0_i32_0 : i32, i32
  }
  func.func @transform_3(%arg0: i32) -> (i32, i32) {
    %c0_i32 = arith.constant 0 : i32
    %c0_i32_0 = arith.constant 0 : i32
    return %arg0, %c0_i32 : i32, i32
  }
}

module attributes {stable_mosaic.version = 14 : i64} {
  func.func @_node_body(%arg0: i32, %arg1: memref<1000x128xf32, #tpu.memory_space<vmem>>, %arg2: memref<2x1000x128xf32, #tpu.memory_space<vmem>>, %arg3: memref<1x1x1000xi32, #tpu.memory_space<vmem>>, %arg4: memref<256x128xf32, #tpu.memory_space<vmem>>, %arg5: memref<128x512xf32, #tpu.memory_space<vmem>>, %arg6: memref<1x512xf32, #tpu.memory_space<vmem>>, %arg7: memref<128x512xf32, #tpu.memory_space<vmem>>, %arg8: memref<1x512xf32, #tpu.memory_space<vmem>>, %arg9: memref<128x512xf32, #tpu.memory_space<vmem>>, %arg10: memref<1x512xf32, #tpu.memory_space<vmem>>, %arg11: memref<1x512xf32, #tpu.memory_space<vmem>>, %arg12: memref<1x128xf32, #tpu.memory_space<vmem>>, %arg13: memref<128x128xf32, #tpu.memory_space<vmem>>, %arg14: memref<1x128xf32, #tpu.memory_space<vmem>>, %arg15: memref<128x128xf32, #tpu.memory_space<vmem>>, %arg16: memref<1x128xf32, #tpu.memory_space<vmem>>, %arg17: memref<512x128xf32, #tpu.memory_space<vmem>>, %arg18: memref<1x128xf32, #tpu.memory_space<vmem>>, %arg19: memref<128x128xf32, #tpu.memory_space<vmem>>, %arg20: memref<128x128xf32, #tpu.memory_space<vmem>>, %arg21: memref<1x128xf32, #tpu.memory_space<vmem>>, %arg22: memref<128x128xf32, #tpu.memory_space<vmem>>, %arg23: memref<1x128xf32, #tpu.memory_space<vmem>>, %arg24: memref<128x128xf32, #tpu.memory_space<vmem>>, %arg25: memref<1x128xf32, #tpu.memory_space<vmem>>, %arg26: memref<128x384xf32, #tpu.memory_space<vmem>>, %arg27: memref<1x384xf32, #tpu.memory_space<vmem>>, %arg28: memref<128x384xf32, #tpu.memory_space<vmem>>, %arg29: memref<1x384xf32, #tpu.memory_space<vmem>>, %arg30: memref<128x128xf32, #tpu.memory_space<vmem>>, %arg31: memref<1x128xf32, #tpu.memory_space<vmem>>, %arg32: memref<128x128xf32, #tpu.memory_space<vmem>>, %arg33: memref<1x128xf32, #tpu.memory_space<vmem>>, %arg34: memref<128x384xf32, #tpu.memory_space<vmem>>, %arg35: memref<1x384xf32, #tpu.memory_space<vmem>>, %arg36: memref<128x384xf32, #tpu.memory_space<vmem>>, %arg37: memref<1x384xf32, #tpu.memory_space<vmem>>, %arg38: memref<1000x128xf32, #tpu.memory_space<vmem>>, %arg39: memref<200x128xf32, #tpu.memory_space<vmem>>, %arg40: memref<1024x128xf32, #tpu.memory_space<vmem>>, %arg41: memref<8x256xf32, #tpu.memory_space<vmem>>) attributes {dimension_semantics = [#tpu.dimension_semantics<arbitrary>], iteration_bounds = array<i64: 10>, scalar_prefetch = 0 : i64, scratch_operands = 2 : i64, tpu.core_type = #tpu.core_type<tc>, window_params = [{transform_indices = @transform_0, window_bounds = array<i64: 1000, 128>}, {transform_indices = @transform_1, window_bounds = array<i64: 2, 1000, 128>}, {transform_indices = @transform_2, window_bounds = array<i64: 1, 1, 1000>}, {pipeline_mode = #tpu.pipeline_mode<synchronous>, transform_indices = @transform_3, window_bounds = array<i64: 256, 128>}, {pipeline_mode = #tpu.pipeline_mode<synchronous>, transform_indices = @transform_4, window_bounds = array<i64: 128, 512>}, {pipeline_mode = #tpu.pipeline_mode<synchronous>, transform_indices = @transform_5, window_bounds = array<i64: 1, 512>}, {pipeline_mode = #tpu.pipeline_mode<synchronous>, transform_indices = @transform_6, window_bounds = array<i64: 128, 512>}, {pipeline_mode = #tpu.pipeline_mode<synchronous>, transform_indices = @transform_7, window_bounds = array<i64: 1, 512>}, {pipeline_mode = #tpu.pipeline_mode<synchronous>, transform_indices = @transform_8, window_bounds = array<i64: 128, 512>}, {pipeline_mode = #tpu.pipeline_mode<synchronous>, transform_indices = @transform_9, window_bounds = array<i64: 1, 512>}, {pipeline_mode = #tpu.pipeline_mode<synchronous>, transform_indices = @transform_10, window_bounds = array<i64: 1, 512>}, {pipeline_mode = #tpu.pipeline_mode<synchronous>, transform_indices = @transform_11, window_bounds = array<i64: 1, 128>}, {pipeline_mode = #tpu.pipeline_mode<synchronous>, transform_indices = @transform_12, window_bounds = array<i64: 128, 128>}, {pipeline_mode = #tpu.pipeline_mode<synchronous>, transform_indices = @transform_13, window_bounds = array<i64: 1, 128>}, {pipeline_mode = #tpu.pipeline_mode<synchronous>, transform_indices = @transform_14, window_bounds = array<i64: 128, 128>}, {pipeline_mode = #tpu.pipeline_mode<synchronous>, transform_indices = @transform_15, window_bounds = array<i64: 1, 128>}, {pipeline_mode = #tpu.pipeline_mode<synchronous>, transform_indices = @transform_16, window_bounds = array<i64: 512, 128>}, {pipeline_mode = #tpu.pipeline_mode<synchronous>, transform_indices = @transform_17, window_bounds = array<i64: 1, 128>}, {pipeline_mode = #tpu.pipeline_mode<synchronous>, transform_indices = @transform_18, window_bounds = array<i64: 128, 128>}, {pipeline_mode = #tpu.pipeline_mode<synchronous>, transform_indices = @transform_19, window_bounds = array<i64: 128, 128>}, {pipeline_mode = #tpu.pipeline_mode<synchronous>, transform_indices = @transform_20, window_bounds = array<i64: 1, 128>}, {pipeline_mode = #tpu.pipeline_mode<synchronous>, transform_indices = @transform_21, window_bounds = array<i64: 128, 128>}, {pipeline_mode = #tpu.pipeline_mode<synchronous>, transform_indices = @transform_22, window_bounds = array<i64: 1, 128>}, {pipeline_mode = #tpu.pipeline_mode<synchronous>, transform_indices = @transform_23, window_bounds = array<i64: 128, 128>}, {pipeline_mode = #tpu.pipeline_mode<synchronous>, transform_indices = @transform_24, window_bounds = array<i64: 1, 128>}, {pipeline_mode = #tpu.pipeline_mode<synchronous>, transform_indices = @transform_25, window_bounds = array<i64: 128, 384>}, {pipeline_mode = #tpu.pipeline_mode<synchronous>, transform_indices = @transform_26, window_bounds = array<i64: 1, 384>}, {pipeline_mode = #tpu.pipeline_mode<synchronous>, transform_indices = @transform_27, window_bounds = array<i64: 128, 384>}, {pipeline_mode = #tpu.pipeline_mode<synchronous>, transform_indices = @transform_28, window_bounds = array<i64: 1, 384>}, {pipeline_mode = #tpu.pipeline_mode<synchronous>, transform_indices = @transform_29, window_bounds = array<i64: 128, 128>}, {pipeline_mode = #tpu.pipeline_mode<synchronous>, transform_indices = @transform_30, window_bounds = array<i64: 1, 128>}, {pipeline_mode = #tpu.pipeline_mode<synchronous>, transform_indices = @transform_31, window_bounds = array<i64: 128, 128>}, {pipeline_mode = #tpu.pipeline_mode<synchronous>, transform_indices = @transform_32, window_bounds = array<i64: 1, 128>}, {pipeline_mode = #tpu.pipeline_mode<synchronous>, transform_indices = @transform_33, window_bounds = array<i64: 128, 384>}, {pipeline_mode = #tpu.pipeline_mode<synchronous>, transform_indices = @transform_34, window_bounds = array<i64: 1, 384>}, {pipeline_mode = #tpu.pipeline_mode<synchronous>, transform_indices = @transform_35, window_bounds = array<i64: 128, 384>}, {pipeline_mode = #tpu.pipeline_mode<synchronous>, transform_indices = @transform_36, window_bounds = array<i64: 1, 384>}, {transform_indices = @transform_37, window_bounds = array<i64: 1000, 128>}, {pipeline_mode = #tpu.pipeline_mode<synchronous>, transform_indices = @transform_38, window_bounds = array<i64: 200, 128>}]} {
    %eq3A = arith.constant 0 : i32
    %eq3A_0 = arith.cmpi eq, %arg0, %eq3A : i32
    %convert_element_type3A = arith.extui %eq3A_0 : i1 to i32
    %cond3A = arith.constant 0 : i32
    %cond3A_1 = arith.cmpi ne, %convert_element_type3A, %cond3A : i32
    scf.if %cond3A_1 {
      %broadcast_in_dim3A_313 = arith.constant 0.000000e+00 : f32
      %broadcast_in_dim3A_314 = vector.broadcast %broadcast_in_dim3A_313 : f32 to vector<1024x128xf32>
      %swap3A_315 = arith.constant 0 : index
      %swap3A_316 = arith.constant 0 : index
      %swap3A_317 = vector.load %arg40[%swap3A_315, %swap3A_316] : memref<1024x128xf32, #tpu.memory_space<vmem>>, vector<1024x128xf32>
      tpu.vector_store %arg40[%swap3A_315, %swap3A_316], %broadcast_in_dim3A_314 {strides = array<i32>} : memref<1024x128xf32, #tpu.memory_space<vmem>>, vector<1024x128xf32>,
      %broadcast_in_dim3A_318 = arith.constant 0.000000e+00 : f32
      %broadcast_in_dim3A_319 = vector.broadcast %broadcast_in_dim3A_318 : f32 to vector<8x256xf32>
      %swap3A_320 = arith.constant 0 : index
      %swap3A_321 = arith.constant 0 : index
      %swap3A_322 = vector.load %arg41[%swap3A_320, %swap3A_321] : memref<8x256xf32, #tpu.memory_space<vmem>>, vector<8x256xf32>
      tpu.vector_store %arg41[%swap3A_320, %swap3A_321], %broadcast_in_dim3A_319 {strides = array<i32>} : memref<8x256xf32, #tpu.memory_space<vmem>>, vector<8x256xf32>,
    } else {
    }
    %get3A = arith.constant 0 : index
    %get3A_2 = arith.constant 0 : index
    %get3A_3 = arith.constant 0 : index
    %get3A_4 = vector.load %arg3[%get3A, %get3A_2, %get3A_3] : memref<1x1x1000xi32, #tpu.memory_space<vmem>>, vector<1x1x1000xi32>
    %get3A_5 = vector.shape_cast %get3A_4 : vector<1x1x1000xi32> to vector<1000xi32>
    %iota3A = tpu.iota {dimensions = array<i32: 1>} : vector<1000x256xi32>
    %broadcast_in_dim3A = vector.shape_cast %get3A_5 : vector<1000xi32> to vector<1000x1xi32>
    %eq3A_6 = vector.broadcast %broadcast_in_dim3A : vector<1000x1xi32> to vector<1000x256xi32>
    %eq3A_7 = arith.cmpi eq, %eq3A_6, %iota3A : vector<1000x256xi32>
    %convert_element_type3A_8 = arith.extui %eq3A_7 : vector<1000x256xi1> to vector<1000x256xi32>
    %convert_element_type3A_9 = arith.sitofp %convert_element_type3A_8 : vector<1000x256xi32> to vector<1000x256xf32>
    %get3A_10 = arith.constant 0 : index
    %get3A_11 = arith.constant 0 : index
    %get3A_12 = vector.load %arg1[%get3A_10, %get3A_11] : memref<1000x128xf32, #tpu.memory_space<vmem>>, vector<1000x128xf32>
    %get3A_13 = arith.constant 0 : index
    %get3A_14 = arith.constant 0 : index
    %get3A_15 = vector.load %arg4[%get3A_13, %get3A_14] : memref<256x128xf32, #tpu.memory_space<vmem>>, vector<256x128xf32>
    %get3A_16 = arith.constant 0 : index
    %get3A_17 = arith.constant 0 : index
    %get3A_18 = vector.load %arg5[%get3A_16, %get3A_17] : memref<128x512xf32, #tpu.memory_space<vmem>>, vector<128x512xf32>
    %dot_general3A = arith.constant dense<0.000000e+00> : vector<1000x512xf32>
    %dot_general3A_19 = tpu.matmul %get3A_12, %get3A_18, %dot_general3A {dimension_numbers = #tpu.dot_dimension_numbers<[1], [0], [0], [1], [0, 0, 1, 1], [], []>, transpose_lhs_hint = false} : vector<1000x128xf32>, vector<128x512xf32>, vector<1000x512xf32> -> vector<1000x512xf32>
    %get3A_20 = arith.constant 0 : index
    %get3A_21 = arith.constant 0 : index
    %get3A_22 = vector.load %arg6[%get3A_20, %get3A_21] : memref<1x512xf32, #tpu.memory_space<vmem>>, vector<1x512xf32>
    %add3A = vector.broadcast %get3A_22 : vector<1x512xf32> to vector<1000x512xf32>
    %add3A_23 = arith.addf %dot_general3A_19, %add3A : vector<1000x512xf32>
    %tanh3A = math.tanh %add3A_23 : vector<1000x512xf32>
    %get3A_24 = arith.constant 0 : index
    %get3A_25 = arith.constant 0 : index
    %get3A_26 = vector.load %arg7[%get3A_24, %get3A_25] : memref<128x512xf32, #tpu.memory_space<vmem>>, vector<128x512xf32>
    %dot_general3A_27 = arith.constant dense<0.000000e+00> : vector<1000x512xf32>
    %dot_general3A_28 = tpu.matmul %get3A_12, %get3A_26, %dot_general3A_27 {dimension_numbers = #tpu.dot_dimension_numbers<[1], [0], [0], [1], [0, 0, 1, 1], [], []>, transpose_lhs_hint = false} : vector<1000x128xf32>, vector<128x512xf32>, vector<1000x512xf32> -> vector<1000x512xf32>
    %get3A_29 = arith.constant 0 : index
    %get3A_30 = arith.constant 0 : index
    %get3A_31 = vector.load %arg8[%get3A_29, %get3A_30] : memref<1x512xf32, #tpu.memory_space<vmem>>, vector<1x512xf32>
    %add3A_32 = vector.broadcast %get3A_31 : vector<1x512xf32> to vector<1000x512xf32>
    %add3A_33 = arith.addf %dot_general3A_28, %add3A_32 : vector<1000x512xf32>
    %get3A_34 = arith.constant 0 : index
    %get3A_35 = arith.constant 0 : index
    %get3A_36 = vector.load %arg9[%get3A_34, %get3A_35] : memref<128x512xf32, #tpu.memory_space<vmem>>, vector<128x512xf32>
    %dot_general3A_37 = arith.constant dense<0.000000e+00> : vector<256x512xf32>
    %dot_general3A_38 = tpu.matmul %get3A_15, %get3A_36, %dot_general3A_37 {dimension_numbers = #tpu.dot_dimension_numbers<[1], [0], [0], [1], [0, 0, 1, 1], [], []>, transpose_lhs_hint = false} : vector<256x128xf32>, vector<128x512xf32>, vector<256x512xf32> -> vector<256x512xf32>
    %get3A_39 = arith.constant 0 : index
    %get3A_40 = arith.constant 0 : index
    %get3A_41 = vector.load %arg10[%get3A_39, %get3A_40] : memref<1x512xf32, #tpu.memory_space<vmem>>, vector<1x512xf32>
    %add3A_42 = vector.broadcast %get3A_41 : vector<1x512xf32> to vector<256x512xf32>
    %add3A_43 = arith.addf %dot_general3A_38, %add3A_42 : vector<256x512xf32>
    %tanh3A_44 = math.tanh %add3A_43 : vector<256x512xf32>
    %get3A_45 = arith.constant 0 : index
    %get3A_46 = arith.constant 0 : index
    %get3A_47 = vector.load %arg11[%get3A_45, %get3A_46] : memref<1x512xf32, #tpu.memory_space<vmem>>, vector<1x512xf32>
    %mul3A = vector.broadcast %get3A_47 : vector<1x512xf32> to vector<256x512xf32>
    %mul3A_48 = arith.mulf %tanh3A_44, %mul3A : vector<256x512xf32>
    %dot_general3A_49 = arith.constant dense<0.000000e+00> : vector<1000x512xf32>
    %dot_general3A_50 = tpu.matmul %convert_element_type3A_9, %mul3A_48, %dot_general3A_49 {dimension_numbers = #tpu.dot_dimension_numbers<[1], [0], [0], [1], [0, 0, 1, 1], [], []>, transpose_lhs_hint = false} : vector<1000x256xf32>, vector<256x512xf32>, vector<1000x512xf32> -> vector<1000x512xf32>
    %mul3A_51 = arith.mulf %tanh3A, %dot_general3A_50 : vector<1000x512xf32>
    %get3A_52 = arith.constant 0 : index
    %get3A_53 = arith.constant 0 : index
    %get3A_54 = vector.load %arg12[%get3A_52, %get3A_53] : memref<1x128xf32, #tpu.memory_space<vmem>>, vector<1x128xf32>
    %slice3A = vector.extract_strided_slice %mul3A_51 {offsets = [0, 0], sizes = [1000, 128], strides = [1, 1]} : vector<1000x512xf32> to vector<1000x128xf32>
    %reduce_sum3A = arith.constant dense<0.000000e+00> : vector<1000xf32>
    %reduce_sum3A_55 = vector.multi_reduction <add>, %slice3A, %reduce_sum3A [1] : vector<1000x128xf32> to vector<1000xf32>
    %slice3A_56 = vector.extract_strided_slice %get3A_54 {offsets = [0, 0], sizes = [1, 1], strides = [1, 1]} : vector<1x128xf32> to vector<1x1xf32>
    %squeeze3A = vector.extract %slice3A_56[0, 0] : f32 from vector<1x1xf32>
    %add3A_57 = vector.broadcast %squeeze3A : f32 to vector<1000xf32>
    %add3A_58 = arith.addf %reduce_sum3A_55, %add3A_57 : vector<1000xf32>
    %exp3A = math.exp %add3A_58 : vector<1000xf32>
    %broadcast_in_dim3A_59 = vector.shape_cast %exp3A : vector<1000xf32> to vector<1000x1xf32>
    %mul3A_60 = vector.broadcast %broadcast_in_dim3A_59 : vector<1000x1xf32> to vector<1000x256xf32>
    %mul3A_61 = arith.mulf %convert_element_type3A_9, %mul3A_60 : vector<1000x256xf32>
    %slice3A_62 = vector.extract_strided_slice %add3A_33 {offsets = [0, 0], sizes = [1000, 128], strides = [1, 1]} : vector<1000x512xf32> to vector<1000x128xf32>
    %dot_general3A_63 = arith.constant dense<0.000000e+00> : vector<256x128xf32>
    %dot_general3A_64 = tpu.matmul %mul3A_61, %slice3A_62, %dot_general3A_63 {dimension_numbers = #tpu.dot_dimension_numbers<[0], [0], [1], [1], [0, 1, 1, 1], [], []>, transpose_lhs_hint = false} : vector<1000x256xf32>, vector<1000x128xf32>, vector<256x128xf32> -> vector<256x128xf32>
    %get3A_65 = arith.constant 0 : index
    %get3A_66 = arith.constant 0 : index
    %get3A_67 = vector.load %arg40[%get3A_65, %get3A_66] : memref<1024x128xf32, #tpu.memory_space<vmem>>, vector<256x128xf32>
    %add3A_68 = arith.addf %get3A_67, %dot_general3A_64 : vector<256x128xf32>
    %swap3A = arith.constant 0 : index
    %swap3A_69 = arith.constant 0 : index
    %swap3A_70 = vector.load %arg40[%swap3A, %swap3A_69] : memref<1024x128xf32, #tpu.memory_space<vmem>>, vector<256x128xf32>
    tpu.vector_store %arg40[%swap3A, %swap3A_69], %add3A_68 {strides = array<i32>} : memref<1024x128xf32, #tpu.memory_space<vmem>>, vector<256x128xf32>,
    %get3A_71 = arith.constant 0 : index
    %get3A_72 = arith.constant 0 : index
    %get3A_73 = vector.load %arg41[%get3A_71, %get3A_72] : memref<8x256xf32, #tpu.memory_space<vmem>>, vector<1x256xf32>
    %get3A_74 = vector.shape_cast %get3A_73 : vector<1x256xf32> to vector<256xf32>
    %reduce_sum3A_75 = arith.constant dense<0.000000e+00> : vector<256xf32>
    %reduce_sum3A_76 = vector.multi_reduction <add>, %mul3A_61, %reduce_sum3A_75 [0] : vector<1000x256xf32> to vector<256xf32>
    %add3A_77 = arith.addf %get3A_74, %reduce_sum3A_76 : vector<256xf32>
    %swap3A_78 = arith.constant 0 : index
    %swap3A_79 = arith.constant 0 : index
    %swap3A_80 = vector.load %arg41[%swap3A_78, %swap3A_79] : memref<8x256xf32, #tpu.memory_space<vmem>>, vector<1x256xf32>
    %swap3A_81 = vector.shape_cast %swap3A_80 : vector<1x256xf32> to vector<256xf32>
    %swap3A_82 = vector.shape_cast %add3A_77 : vector<256xf32> to vector<1x256xf32>
    tpu.vector_store %arg41[%swap3A_78, %swap3A_79], %swap3A_82 {strides = array<i32>} : memref<8x256xf32, #tpu.memory_space<vmem>>, vector<1x256xf32>,
    %slice3A_83 = vector.extract_strided_slice %mul3A_51 {offsets = [0, 128], sizes = [1000, 128], strides = [1, 1]} : vector<1000x512xf32> to vector<1000x128xf32>
    %reduce_sum3A_84 = arith.constant dense<0.000000e+00> : vector<1000xf32>
    %reduce_sum3A_85 = vector.multi_reduction <add>, %slice3A_83, %reduce_sum3A_84 [1] : vector<1000x128xf32> to vector<1000xf32>
    %slice3A_86 = vector.extract_strided_slice %get3A_54 {offsets = [0, 1], sizes = [1, 1], strides = [1, 1]} : vector<1x128xf32> to vector<1x1xf32>
    %squeeze3A_87 = vector.extract %slice3A_86[0, 0] : f32 from vector<1x1xf32>
    %add3A_88 = vector.broadcast %squeeze3A_87 : f32 to vector<1000xf32>
    %add3A_89 = arith.addf %reduce_sum3A_85, %add3A_88 : vector<1000xf32>
    %exp3A_90 = math.exp %add3A_89 : vector<1000xf32>
    %broadcast_in_dim3A_91 = vector.shape_cast %exp3A_90 : vector<1000xf32> to vector<1000x1xf32>
    %mul3A_92 = vector.broadcast %broadcast_in_dim3A_91 : vector<1000x1xf32> to vector<1000x256xf32>
    %mul3A_93 = arith.mulf %convert_element_type3A_9, %mul3A_92 : vector<1000x256xf32>
    %slice3A_94 = vector.extract_strided_slice %add3A_33 {offsets = [0, 128], sizes = [1000, 128], strides = [1, 1]} : vector<1000x512xf32> to vector<1000x128xf32>
    %dot_general3A_95 = arith.constant dense<0.000000e+00> : vector<256x128xf32>
    %dot_general3A_96 = tpu.matmul %mul3A_93, %slice3A_94, %dot_general3A_95 {dimension_numbers = #tpu.dot_dimension_numbers<[0], [0], [1], [1], [0, 1, 1, 1], [], []>, transpose_lhs_hint = false} : vector<1000x256xf32>, vector<1000x128xf32>, vector<256x128xf32> -> vector<256x128xf32>
    %get3A_97 = arith.constant 256 : index
    %get3A_98 = arith.constant 0 : index
    %get3A_99 = vector.load %arg40[%get3A_97, %get3A_98] : memref<1024x128xf32, #tpu.memory_space<vmem>>, vector<256x128xf32>
    %add3A_100 = arith.addf %get3A_99, %dot_general3A_96 : vector<256x128xf32>
    %swap3A_101 = arith.constant 256 : index
    %swap3A_102 = arith.constant 0 : index
    %swap3A_103 = vector.load %arg40[%swap3A_101, %swap3A_102] : memref<1024x128xf32, #tpu.memory_space<vmem>>, vector<256x128xf32>
    tpu.vector_store %arg40[%swap3A_101, %swap3A_102], %add3A_100 {strides = array<i32>} : memref<1024x128xf32, #tpu.memory_space<vmem>>, vector<256x128xf32>,
    %get3A_104 = arith.constant 1 : index
    %get3A_105 = arith.constant 0 : index
    %get3A_106 = vector.load %arg41[%get3A_104, %get3A_105] : memref<8x256xf32, #tpu.memory_space<vmem>>, vector<1x256xf32>
    %get3A_107 = vector.shape_cast %get3A_106 : vector<1x256xf32> to vector<256xf32>
    %reduce_sum3A_108 = arith.constant dense<0.000000e+00> : vector<256xf32>
    %reduce_sum3A_109 = vector.multi_reduction <add>, %mul3A_93, %reduce_sum3A_108 [0] : vector<1000x256xf32> to vector<256xf32>
    %add3A_110 = arith.addf %get3A_107, %reduce_sum3A_109 : vector<256xf32>
    %swap3A_111 = arith.constant 1 : index
    %swap3A_112 = arith.constant 0 : index
    %swap3A_113 = vector.load %arg41[%swap3A_111, %swap3A_112] : memref<8x256xf32, #tpu.memory_space<vmem>>, vector<1x256xf32>
    %swap3A_114 = vector.shape_cast %swap3A_113 : vector<1x256xf32> to vector<256xf32>
    %swap3A_115 = vector.shape_cast %add3A_110 : vector<256xf32> to vector<1x256xf32>
    tpu.vector_store %arg41[%swap3A_111, %swap3A_112], %swap3A_115 {strides = array<i32>} : memref<8x256xf32, #tpu.memory_space<vmem>>, vector<1x256xf32>,
    %slice3A_116 = vector.extract_strided_slice %mul3A_51 {offsets = [0, 256], sizes = [1000, 128], strides = [1, 1]} : vector<1000x512xf32> to vector<1000x128xf32>
    %reduce_sum3A_117 = arith.constant dense<0.000000e+00> : vector<1000xf32>
    %reduce_sum3A_118 = vector.multi_reduction <add>, %slice3A_116, %reduce_sum3A_117 [1] : vector<1000x128xf32> to vector<1000xf32>
    %slice3A_119 = vector.extract_strided_slice %get3A_54 {offsets = [0, 2], sizes = [1, 1], strides = [1, 1]} : vector<1x128xf32> to vector<1x1xf32>
    %squeeze3A_120 = vector.extract %slice3A_119[0, 0] : f32 from vector<1x1xf32>
    %add3A_121 = vector.broadcast %squeeze3A_120 : f32 to vector<1000xf32>
    %add3A_122 = arith.addf %reduce_sum3A_118, %add3A_121 : vector<1000xf32>
    %exp3A_123 = math.exp %add3A_122 : vector<1000xf32>
    %broadcast_in_dim3A_124 = vector.shape_cast %exp3A_123 : vector<1000xf32> to vector<1000x1xf32>
    %mul3A_125 = vector.broadcast %broadcast_in_dim3A_124 : vector<1000x1xf32> to vector<1000x256xf32>
    %mul3A_126 = arith.mulf %convert_element_type3A_9, %mul3A_125 : vector<1000x256xf32>
    %slice3A_127 = vector.extract_strided_slice %add3A_33 {offsets = [0, 256], sizes = [1000, 128], strides = [1, 1]} : vector<1000x512xf32> to vector<1000x128xf32>
    %dot_general3A_128 = arith.constant dense<0.000000e+00> : vector<256x128xf32>
    %dot_general3A_129 = tpu.matmul %mul3A_126, %slice3A_127, %dot_general3A_128 {dimension_numbers = #tpu.dot_dimension_numbers<[0], [0], [1], [1], [0, 1, 1, 1], [], []>, transpose_lhs_hint = false} : vector<1000x256xf32>, vector<1000x128xf32>, vector<256x128xf32> -> vector<256x128xf32>
    %get3A_130 = arith.constant 512 : index
    %get3A_131 = arith.constant 0 : index
    %get3A_132 = vector.load %arg40[%get3A_130, %get3A_131] : memref<1024x128xf32, #tpu.memory_space<vmem>>, vector<256x128xf32>
    %add3A_133 = arith.addf %get3A_132, %dot_general3A_129 : vector<256x128xf32>
    %swap3A_134 = arith.constant 512 : index
    %swap3A_135 = arith.constant 0 : index
    %swap3A_136 = vector.load %arg40[%swap3A_134, %swap3A_135] : memref<1024x128xf32, #tpu.memory_space<vmem>>, vector<256x128xf32>
    tpu.vector_store %arg40[%swap3A_134, %swap3A_135], %add3A_133 {strides = array<i32>} : memref<1024x128xf32, #tpu.memory_space<vmem>>, vector<256x128xf32>,
    %get3A_137 = arith.constant 2 : index
    %get3A_138 = arith.constant 0 : index
    %get3A_139 = vector.load %arg41[%get3A_137, %get3A_138] : memref<8x256xf32, #tpu.memory_space<vmem>>, vector<1x256xf32>
    %get3A_140 = vector.shape_cast %get3A_139 : vector<1x256xf32> to vector<256xf32>
    %reduce_sum3A_141 = arith.constant dense<0.000000e+00> : vector<256xf32>
    %reduce_sum3A_142 = vector.multi_reduction <add>, %mul3A_126, %reduce_sum3A_141 [0] : vector<1000x256xf32> to vector<256xf32>
    %add3A_143 = arith.addf %get3A_140, %reduce_sum3A_142 : vector<256xf32>
    %swap3A_144 = arith.constant 2 : index
    %swap3A_145 = arith.constant 0 : index
    %swap3A_146 = vector.load %arg41[%swap3A_144, %swap3A_145] : memref<8x256xf32, #tpu.memory_space<vmem>>, vector<1x256xf32>
    %swap3A_147 = vector.shape_cast %swap3A_146 : vector<1x256xf32> to vector<256xf32>
    %swap3A_148 = vector.shape_cast %add3A_143 : vector<256xf32> to vector<1x256xf32>
    tpu.vector_store %arg41[%swap3A_144, %swap3A_145], %swap3A_148 {strides = array<i32>} : memref<8x256xf32, #tpu.memory_space<vmem>>, vector<1x256xf32>,
    %slice3A_149 = vector.extract_strided_slice %mul3A_51 {offsets = [0, 384], sizes = [1000, 128], strides = [1, 1]} : vector<1000x512xf32> to vector<1000x128xf32>
    %reduce_sum3A_150 = arith.constant dense<0.000000e+00> : vector<1000xf32>
    %reduce_sum3A_151 = vector.multi_reduction <add>, %slice3A_149, %reduce_sum3A_150 [1] : vector<1000x128xf32> to vector<1000xf32>
    %slice3A_152 = vector.extract_strided_slice %get3A_54 {offsets = [0, 3], sizes = [1, 1], strides = [1, 1]} : vector<1x128xf32> to vector<1x1xf32>
    %squeeze3A_153 = vector.extract %slice3A_152[0, 0] : f32 from vector<1x1xf32>
    %add3A_154 = vector.broadcast %squeeze3A_153 : f32 to vector<1000xf32>
    %add3A_155 = arith.addf %reduce_sum3A_151, %add3A_154 : vector<1000xf32>
    %exp3A_156 = math.exp %add3A_155 : vector<1000xf32>
    %broadcast_in_dim3A_157 = vector.shape_cast %exp3A_156 : vector<1000xf32> to vector<1000x1xf32>
    %mul3A_158 = vector.broadcast %broadcast_in_dim3A_157 : vector<1000x1xf32> to vector<1000x256xf32>
    %mul3A_159 = arith.mulf %convert_element_type3A_9, %mul3A_158 : vector<1000x256xf32>
    %slice3A_160 = vector.extract_strided_slice %add3A_33 {offsets = [0, 384], sizes = [1000, 128], strides = [1, 1]} : vector<1000x512xf32> to vector<1000x128xf32>
    %dot_general3A_161 = arith.constant dense<0.000000e+00> : vector<256x128xf32>
    %dot_general3A_162 = tpu.matmul %mul3A_159, %slice3A_160, %dot_general3A_161 {dimension_numbers = #tpu.dot_dimension_numbers<[0], [0], [1], [1], [0, 1, 1, 1], [], []>, transpose_lhs_hint = false} : vector<1000x256xf32>, vector<1000x128xf32>, vector<256x128xf32> -> vector<256x128xf32>
    %get3A_163 = arith.constant 768 : index
    %get3A_164 = arith.constant 0 : index
    %get3A_165 = vector.load %arg40[%get3A_163, %get3A_164] : memref<1024x128xf32, #tpu.memory_space<vmem>>, vector<256x128xf32>
    %add3A_166 = arith.addf %get3A_165, %dot_general3A_162 : vector<256x128xf32>
    %swap3A_167 = arith.constant 768 : index
    %swap3A_168 = arith.constant 0 : index
    %swap3A_169 = vector.load %arg40[%swap3A_167, %swap3A_168] : memref<1024x128xf32, #tpu.memory_space<vmem>>, vector<256x128xf32>
    tpu.vector_store %arg40[%swap3A_167, %swap3A_168], %add3A_166 {strides = array<i32>} : memref<1024x128xf32, #tpu.memory_space<vmem>>, vector<256x128xf32>,
    %get3A_170 = arith.constant 3 : index
    %get3A_171 = arith.constant 0 : index
    %get3A_172 = vector.load %arg41[%get3A_170, %get3A_171] : memref<8x256xf32, #tpu.memory_space<vmem>>, vector<1x256xf32>
    %get3A_173 = vector.shape_cast %get3A_172 : vector<1x256xf32> to vector<256xf32>
    %reduce_sum3A_174 = arith.constant dense<0.000000e+00> : vector<256xf32>
    %reduce_sum3A_175 = vector.multi_reduction <add>, %mul3A_159, %reduce_sum3A_174 [0] : vector<1000x256xf32> to vector<256xf32>
    %add3A_176 = arith.addf %get3A_173, %reduce_sum3A_175 : vector<256xf32>
    %swap3A_177 = arith.constant 3 : index
    %swap3A_178 = arith.constant 0 : index
    %swap3A_179 = vector.load %arg41[%swap3A_177, %swap3A_178] : memref<8x256xf32, #tpu.memory_space<vmem>>, vector<1x256xf32>
    %swap3A_180 = vector.shape_cast %swap3A_179 : vector<1x256xf32> to vector<256xf32>
    %swap3A_181 = vector.shape_cast %add3A_176 : vector<256xf32> to vector<1x256xf32>
    tpu.vector_store %arg41[%swap3A_177, %swap3A_178], %swap3A_181 {strides = array<i32>} : memref<8x256xf32, #tpu.memory_space<vmem>>, vector<1x256xf32>,
    %get3A_182 = arith.constant 0 : index
    %get3A_183 = arith.constant 0 : index
    %get3A_184 = arith.constant 0 : index
    %get3A_185 = vector.load %arg2[%get3A_182, %get3A_183, %get3A_184] : memref<2x1000x128xf32, #tpu.memory_space<vmem>>, vector<1x1000x128xf32>
    %get3A_186 = vector.shape_cast %get3A_185 : vector<1x1000x128xf32> to vector<1000x128xf32>
    %get3A_187 = arith.constant 1 : index
    %get3A_188 = arith.constant 0 : index
    %get3A_189 = arith.constant 0 : index
    %get3A_190 = vector.load %arg2[%get3A_187, %get3A_188, %get3A_189] : memref<2x1000x128xf32, #tpu.memory_space<vmem>>, vector<1x1000x128xf32>
    %get3A_191 = vector.shape_cast %get3A_190 : vector<1x1000x128xf32> to vector<1000x128xf32>
    %add3A_192 = arith.addf %get3A_186, %get3A_191 : vector<1000x128xf32>
    %get3A_193 = arith.constant 0 : index
    %get3A_194 = arith.constant 0 : index
    %get3A_195 = vector.load %arg15[%get3A_193, %get3A_194] : memref<128x128xf32, #tpu.memory_space<vmem>>, vector<128x128xf32>
    %dot_general3A_196 = arith.constant dense<0.000000e+00> : vector<256x128xf32>
    %dot_general3A_197 = tpu.matmul %get3A_15, %get3A_195, %dot_general3A_196 {dimension_numbers = #tpu.dot_dimension_numbers<[1], [0], [0], [1], [0, 0, 1, 1], [], []>, transpose_lhs_hint = false} : vector<256x128xf32>, vector<128x128xf32>, vector<256x128xf32> -> vector<256x128xf32>
    %get3A_198 = arith.constant 0 : index
    %get3A_199 = arith.constant 0 : index
    %get3A_200 = vector.load %arg16[%get3A_198, %get3A_199] : memref<1x128xf32, #tpu.memory_space<vmem>>, vector<1x128xf32>
    %add3A_201 = vector.broadcast %get3A_200 : vector<1x128xf32> to vector<256x128xf32>
    %add3A_202 = arith.addf %dot_general3A_197, %add3A_201 : vector<256x128xf32>
    %tanh3A_203 = math.tanh %add3A_202 : vector<256x128xf32>
    %dot_general3A_204 = arith.constant dense<0.000000e+00> : vector<1000x128xf32>
    %dot_general3A_205 = tpu.matmul %convert_element_type3A_9, %tanh3A_203, %dot_general3A_204 {dimension_numbers = #tpu.dot_dimension_numbers<[1], [0], [0], [1], [0, 0, 1, 1], [], []>, transpose_lhs_hint = false} : vector<1000x256xf32>, vector<256x128xf32>, vector<1000x128xf32> -> vector<1000x128xf32>
    %get3A_206 = arith.constant 0 : index
    %get3A_207 = arith.constant 0 : index
    %get3A_208 = vector.load %arg19[%get3A_206, %get3A_207] : memref<128x128xf32, #tpu.memory_space<vmem>>, vector<128x128xf32>
    %dot_general3A_209 = arith.constant dense<0.000000e+00> : vector<1000x128xf32>
    %dot_general3A_210 = tpu.matmul %add3A_192, %get3A_208, %dot_general3A_209 {dimension_numbers = #tpu.dot_dimension_numbers<[1], [0], [0], [1], [0, 0, 1, 1], [], []>, transpose_lhs_hint = false} : vector<1000x128xf32>, vector<128x128xf32>, vector<1000x128xf32> -> vector<1000x128xf32>
    %get3A_211 = arith.constant 0 : index
    %get3A_212 = arith.constant 0 : index
    %get3A_213 = vector.load %arg20[%get3A_211, %get3A_212] : memref<128x128xf32, #tpu.memory_space<vmem>>, vector<128x128xf32>
    %dot_general3A_214 = arith.constant dense<0.000000e+00> : vector<1000x128xf32>
    %dot_general3A_215 = tpu.matmul %get3A_12, %get3A_213, %dot_general3A_214 {dimension_numbers = #tpu.dot_dimension_numbers<[1], [0], [0], [1], [0, 0, 1, 1], [], []>, transpose_lhs_hint = false} : vector<1000x128xf32>, vector<128x128xf32>, vector<1000x128xf32> -> vector<1000x128xf32>
    %add3A_216 = arith.addf %dot_general3A_210, %dot_general3A_215 : vector<1000x128xf32>
    %get3A_217 = arith.constant 0 : index
    %get3A_218 = arith.constant 0 : index
    %get3A_219 = vector.load %arg21[%get3A_217, %get3A_218] : memref<1x128xf32, #tpu.memory_space<vmem>>, vector<1x128xf32>
    %add3A_220 = vector.broadcast %get3A_219 : vector<1x128xf32> to vector<1000x128xf32>
    %add3A_221 = arith.addf %add3A_216, %add3A_220 : vector<1000x128xf32>
    %mul3A_222 = arith.constant 1.000000e-01 : f32
    %mul3A_223 = vector.broadcast %mul3A_222 : f32 to vector<1000x128xf32>
    %mul3A_224 = arith.mulf %add3A_221, %mul3A_223 : vector<1000x128xf32>
    %max3A = arith.maximumf %add3A_221, %mul3A_224 : vector<1000x128xf32>
    %get3A_225 = arith.constant 0 : index
    %get3A_226 = arith.constant 0 : index
    %get3A_227 = vector.load %arg22[%get3A_225, %get3A_226] : memref<128x128xf32, #tpu.memory_space<vmem>>, vector<128x128xf32>
    %dot_general3A_228 = arith.constant dense<0.000000e+00> : vector<1000x128xf32>
    %dot_general3A_229 = tpu.matmul %max3A, %get3A_227, %dot_general3A_228 {dimension_numbers = #tpu.dot_dimension_numbers<[1], [0], [0], [1], [0, 0, 1, 1], [], []>, transpose_lhs_hint = false} : vector<1000x128xf32>, vector<128x128xf32>, vector<1000x128xf32> -> vector<1000x128xf32>
    %get3A_230 = arith.constant 0 : index
    %get3A_231 = arith.constant 0 : index
    %get3A_232 = vector.load %arg23[%get3A_230, %get3A_231] : memref<1x128xf32, #tpu.memory_space<vmem>>, vector<1x128xf32>
    %add3A_233 = vector.broadcast %get3A_232 : vector<1x128xf32> to vector<1000x128xf32>
    %add3A_234 = arith.addf %dot_general3A_229, %add3A_233 : vector<1000x128xf32>
    %get3A_235 = arith.constant 0 : index
    %get3A_236 = arith.constant 0 : index
    %get3A_237 = vector.load %arg24[%get3A_235, %get3A_236] : memref<128x128xf32, #tpu.memory_space<vmem>>, vector<128x128xf32>
    %dot_general3A_238 = arith.constant dense<0.000000e+00> : vector<1000x128xf32>
    %dot_general3A_239 = tpu.matmul %dot_general3A_205, %get3A_237, %dot_general3A_238 {dimension_numbers = #tpu.dot_dimension_numbers<[1], [0], [0], [1], [0, 0, 1, 1], [], []>, transpose_lhs_hint = false} : vector<1000x128xf32>, vector<128x128xf32>, vector<1000x128xf32> -> vector<1000x128xf32>
    %add3A_240 = arith.addf %add3A_234, %dot_general3A_239 : vector<1000x128xf32>
    %get3A_241 = arith.constant 0 : index
    %get3A_242 = arith.constant 0 : index
    %get3A_243 = vector.load %arg25[%get3A_241, %get3A_242] : memref<1x128xf32, #tpu.memory_space<vmem>>, vector<1x128xf32>
    %add3A_244 = vector.broadcast %get3A_243 : vector<1x128xf32> to vector<1000x128xf32>
    %add3A_245 = arith.addf %add3A_240, %add3A_244 : vector<1000x128xf32>
    %logistic3A = arith.negf %add3A_245 : vector<1000x128xf32>
    %logistic3A_246 = math.exp %logistic3A : vector<1000x128xf32>
    %logistic3A_247 = arith.constant 1.000000e+00 : f32
    %logistic3A_248 = vector.broadcast %logistic3A_247 : f32 to vector<1000x128xf32>
    %logistic3A_249 = arith.addf %logistic3A_248, %logistic3A_246 : vector<1000x128xf32>
    %logistic3A_250 = arith.divf %logistic3A_248, %logistic3A_249 : vector<1000x128xf32>
    %mul3A_251 = arith.mulf %logistic3A_250, %dot_general3A_205 : vector<1000x128xf32>
    %sub3A = arith.constant 1.000000e+00 : f32
    %sub3A_252 = vector.broadcast %sub3A : f32 to vector<1000x128xf32>
    %sub3A_253 = arith.subf %sub3A_252, %logistic3A_250 : vector<1000x128xf32>
    %mul3A_254 = arith.mulf %sub3A_253, %max3A : vector<1000x128xf32>
    %add3A_255 = arith.addf %mul3A_251, %mul3A_254 : vector<1000x128xf32>
    %get3A_256 = arith.constant 0 : index
    %get3A_257 = arith.constant 0 : index
    %get3A_258 = vector.load %arg26[%get3A_256, %get3A_257] : memref<128x384xf32, #tpu.memory_space<vmem>>, vector<128x384xf32>
    %dot_general3A_259 = arith.constant dense<0.000000e+00> : vector<1000x384xf32>
    %dot_general3A_260 = tpu.matmul %get3A_12, %get3A_258, %dot_general3A_259 {dimension_numbers = #tpu.dot_dimension_numbers<[1], [0], [0], [1], [0, 0, 1, 1], [], []>, transpose_lhs_hint = false} : vector<1000x128xf32>, vector<128x384xf32>, vector<1000x384xf32> -> vector<1000x384xf32>
    %get3A_261 = arith.constant 0 : index
    %get3A_262 = arith.constant 0 : index
    %get3A_263 = vector.load %arg27[%get3A_261, %get3A_262] : memref<1x384xf32, #tpu.memory_space<vmem>>, vector<1x384xf32>
    %add3A_264 = vector.broadcast %get3A_263 : vector<1x384xf32> to vector<1000x384xf32>
    %add3A_265 = arith.addf %dot_general3A_260, %add3A_264 : vector<1000x384xf32>
    %get3A_266 = arith.constant 0 : index
    %get3A_267 = arith.constant 0 : index
    %get3A_268 = vector.load %arg28[%get3A_266, %get3A_267] : memref<128x384xf32, #tpu.memory_space<vmem>>, vector<128x384xf32>
    %dot_general3A_269 = arith.constant dense<0.000000e+00> : vector<1000x384xf32>
    %dot_general3A_270 = tpu.matmul %add3A_255, %get3A_268, %dot_general3A_269 {dimension_numbers = #tpu.dot_dimension_numbers<[1], [0], [0], [1], [0, 0, 1, 1], [], []>, transpose_lhs_hint = false} : vector<1000x128xf32>, vector<128x384xf32>, vector<1000x384xf32> -> vector<1000x384xf32>
    %get3A_271 = arith.constant 0 : index
    %get3A_272 = arith.constant 0 : index
    %get3A_273 = vector.load %arg29[%get3A_271, %get3A_272] : memref<1x384xf32, #tpu.memory_space<vmem>>, vector<1x384xf32>
    %add3A_274 = vector.broadcast %get3A_273 : vector<1x384xf32> to vector<1000x384xf32>
    %add3A_275 = arith.addf %dot_general3A_270, %add3A_274 : vector<1000x384xf32>
    %slice3A_276 = vector.extract_strided_slice %add3A_265 {offsets = [0, 0], sizes = [1000, 128], strides = [1, 1]} : vector<1000x384xf32> to vector<1000x128xf32>
    %slice3A_277 = vector.extract_strided_slice %add3A_275 {offsets = [0, 0], sizes = [1000, 128], strides = [1, 1]} : vector<1000x384xf32> to vector<1000x128xf32>
    %add3A_278 = arith.addf %slice3A_276, %slice3A_277 : vector<1000x128xf32>
    %logistic3A_279 = arith.negf %add3A_278 : vector<1000x128xf32>
    %logistic3A_280 = math.exp %logistic3A_279 : vector<1000x128xf32>
    %logistic3A_281 = arith.constant 1.000000e+00 : f32
    %logistic3A_282 = vector.broadcast %logistic3A_281 : f32 to vector<1000x128xf32>
    %logistic3A_283 = arith.addf %logistic3A_282, %logistic3A_280 : vector<1000x128xf32>
    %logistic3A_284 = arith.divf %logistic3A_282, %logistic3A_283 : vector<1000x128xf32>
    %slice3A_285 = vector.extract_strided_slice %add3A_265 {offsets = [0, 128], sizes = [1000, 128], strides = [1, 1]} : vector<1000x384xf32> to vector<1000x128xf32>
    %slice3A_286 = vector.extract_strided_slice %add3A_275 {offsets = [0, 128], sizes = [1000, 128], strides = [1, 1]} : vector<1000x384xf32> to vector<1000x128xf32>
    %add3A_287 = arith.addf %slice3A_285, %slice3A_286 : vector<1000x128xf32>
    %logistic3A_288 = arith.negf %add3A_287 : vector<1000x128xf32>
    %logistic3A_289 = math.exp %logistic3A_288 : vector<1000x128xf32>
    %logistic3A_290 = arith.constant 1.000000e+00 : f32
    %logistic3A_291 = vector.broadcast %logistic3A_290 : f32 to vector<1000x128xf32>
    %logistic3A_292 = arith.addf %logistic3A_291, %logistic3A_289 : vector<1000x128xf32>
    %logistic3A_293 = arith.divf %logistic3A_291, %logistic3A_292 : vector<1000x128xf32>
    %slice3A_294 = vector.extract_strided_slice %add3A_265 {offsets = [0, 256], sizes = [1000, 128], strides = [1, 1]} : vector<1000x384xf32> to vector<1000x128xf32>
    %slice3A_295 = vector.extract_strided_slice %add3A_275 {offsets = [0, 256], sizes = [1000, 128], strides = [1, 1]} : vector<1000x384xf32> to vector<1000x128xf32>
    %mul3A_296 = arith.mulf %logistic3A_284, %slice3A_295 : vector<1000x128xf32>
    %add3A_297 = arith.addf %slice3A_294, %mul3A_296 : vector<1000x128xf32>
    %tanh3A_298 = math.tanh %add3A_297 : vector<1000x128xf32>
    %sub3A_299 = arith.constant 1.000000e+00 : f32
    %sub3A_300 = vector.broadcast %sub3A_299 : f32 to vector<1000x128xf32>
    %sub3A_301 = arith.subf %sub3A_300, %logistic3A_293 : vector<1000x128xf32>
    %mul3A_302 = arith.mulf %sub3A_301, %tanh3A_298 : vector<1000x128xf32>
    %mul3A_303 = arith.mulf %logistic3A_293, %add3A_255 : vector<1000x128xf32>
    %add3A_304 = arith.addf %mul3A_302, %mul3A_303 : vector<1000x128xf32>
    %swap3A_305 = arith.constant 0 : index
    %swap3A_306 = arith.constant 0 : index
    %swap3A_307 = vector.load %arg38[%swap3A_305, %swap3A_306] : memref<1000x128xf32, #tpu.memory_space<vmem>>, vector<1000x128xf32>
    tpu.vector_store %arg38[%swap3A_305, %swap3A_306], %add3A_304 {strides = array<i32>} : memref<1000x128xf32, #tpu.memory_space<vmem>>, vector<1000x128xf32>,
    %eq3A_308 = arith.constant 9 : i32
    %eq3A_309 = arith.cmpi eq, %arg0, %eq3A_308 : i32
    %convert_element_type3A_310 = arith.extui %eq3A_309 : i1 to i32
    %cond3A_311 = arith.constant 0 : i32
    %cond3A_312 = arith.cmpi ne, %convert_element_type3A_310, %cond3A_311 : i32
    scf.if %cond3A_312 {
      %get3A_313 = arith.constant 0 : index
      %get3A_314 = arith.constant 0 : index
      %get3A_315 = vector.load %arg41[%get3A_313, %get3A_314] : memref<8x256xf32, #tpu.memory_space<vmem>>, vector<8x256xf32>
      %slice3A_316 = vector.extract_strided_slice %get3A_315 {offsets = [0, 0], sizes = [1, 256], strides = [1, 1]} : vector<8x256xf32> to vector<1x256xf32>
      %squeeze3A_317 = vector.shape_cast %slice3A_316 : vector<1x256xf32> to vector<256xf32>
      %eq3A_318 = arith.constant 0.000000e+00 : f32
      %eq3A_319 = vector.broadcast %eq3A_318 : f32 to vector<256xf32>
      %eq3A_320 = arith.cmpf oeq, %squeeze3A_317, %eq3A_319 : vector<256xf32>
      %jit3A = arith.constant 1.000000e+00 : f32
      %broadcast_in_dim3A_321 = vector.broadcast %jit3A : f32 to vector<256xf32>
      %select_n3A = arith.select %eq3A_320, %broadcast_in_dim3A_321, %squeeze3A_317 : vector<256xi1>, vector<256xf32>
      %get3A_322 = arith.constant 0 : index
      %get3A_323 = arith.constant 0 : index
      %get3A_324 = vector.load %arg40[%get3A_322, %get3A_323] : memref<1024x128xf32, #tpu.memory_space<vmem>>, vector<256x128xf32>
      %broadcast_in_dim3A_325 = vector.shape_cast %select_n3A : vector<256xf32> to vector<256x1xf32>
      %div3A = vector.broadcast %broadcast_in_dim3A_325 : vector<256x1xf32> to vector<256x128xf32>
      %div3A_326 = arith.divf %get3A_324, %div3A : vector<256x128xf32>
      %slice3A_327 = vector.extract_strided_slice %get3A_315 {offsets = [1, 0], sizes = [1, 256], strides = [1, 1]} : vector<8x256xf32> to vector<1x256xf32>
      %squeeze3A_328 = vector.shape_cast %slice3A_327 : vector<1x256xf32> to vector<256xf32>
      %eq3A_329 = arith.constant 0.000000e+00 : f32
      %eq3A_330 = vector.broadcast %eq3A_329 : f32 to vector<256xf32>
      %eq3A_331 = arith.cmpf oeq, %squeeze3A_328, %eq3A_330 : vector<256xf32>
      %jit3A_332 = arith.constant 1.000000e+00 : f32
      %broadcast_in_dim3A_333 = vector.broadcast %jit3A_332 : f32 to vector<256xf32>
      %select_n3A_334 = arith.select %eq3A_331, %broadcast_in_dim3A_333, %squeeze3A_328 : vector<256xi1>, vector<256xf32>
      %get3A_335 = arith.constant 256 : index
      %get3A_336 = arith.constant 0 : index
      %get3A_337 = vector.load %arg40[%get3A_335, %get3A_336] : memref<1024x128xf32, #tpu.memory_space<vmem>>, vector<256x128xf32>
      %broadcast_in_dim3A_338 = vector.shape_cast %select_n3A_334 : vector<256xf32> to vector<256x1xf32>
      %div3A_339 = vector.broadcast %broadcast_in_dim3A_338 : vector<256x1xf32> to vector<256x128xf32>
      %div3A_340 = arith.divf %get3A_337, %div3A_339 : vector<256x128xf32>
      %slice3A_341 = vector.extract_strided_slice %get3A_315 {offsets = [2, 0], sizes = [1, 256], strides = [1, 1]} : vector<8x256xf32> to vector<1x256xf32>
      %squeeze3A_342 = vector.shape_cast %slice3A_341 : vector<1x256xf32> to vector<256xf32>
      %eq3A_343 = arith.constant 0.000000e+00 : f32
      %eq3A_344 = vector.broadcast %eq3A_343 : f32 to vector<256xf32>
      %eq3A_345 = arith.cmpf oeq, %squeeze3A_342, %eq3A_344 : vector<256xf32>
      %jit3A_346 = arith.constant 1.000000e+00 : f32
      %broadcast_in_dim3A_347 = vector.broadcast %jit3A_346 : f32 to vector<256xf32>
      %select_n3A_348 = arith.select %eq3A_345, %broadcast_in_dim3A_347, %squeeze3A_342 : vector<256xi1>, vector<256xf32>
      %get3A_349 = arith.constant 512 : index
      %get3A_350 = arith.constant 0 : index
      %get3A_351 = vector.load %arg40[%get3A_349, %get3A_350] : memref<1024x128xf32, #tpu.memory_space<vmem>>, vector<256x128xf32>
      %broadcast_in_dim3A_352 = vector.shape_cast %select_n3A_348 : vector<256xf32> to vector<256x1xf32>
      %div3A_353 = vector.broadcast %broadcast_in_dim3A_352 : vector<256x1xf32> to vector<256x128xf32>
      %div3A_354 = arith.divf %get3A_351, %div3A_353 : vector<256x128xf32>
      %slice3A_355 = vector.extract_strided_slice %get3A_315 {offsets = [3, 0], sizes = [1, 256], strides = [1, 1]} : vector<8x256xf32> to vector<1x256xf32>
      %squeeze3A_356 = vector.shape_cast %slice3A_355 : vector<1x256xf32> to vector<256xf32>
      %eq3A_357 = arith.constant 0.000000e+00 : f32
      %eq3A_358 = vector.broadcast %eq3A_357 : f32 to vector<256xf32>
      %eq3A_359 = arith.cmpf oeq, %squeeze3A_356, %eq3A_358 : vector<256xf32>
      %jit3A_360 = arith.constant 1.000000e+00 : f32
      %broadcast_in_dim3A_361 = vector.broadcast %jit3A_360 : f32 to vector<256xf32>
      %select_n3A_362 = arith.select %eq3A_359, %broadcast_in_dim3A_361, %squeeze3A_356 : vector<256xi1>, vector<256xf32>
      %get3A_363 = arith.constant 768 : index
      %get3A_364 = arith.constant 0 : index
      %get3A_365 = vector.load %arg40[%get3A_363, %get3A_364] : memref<1024x128xf32, #tpu.memory_space<vmem>>, vector<256x128xf32>
      %broadcast_in_dim3A_366 = vector.shape_cast %select_n3A_362 : vector<256xf32> to vector<256x1xf32>
      %div3A_367 = vector.broadcast %broadcast_in_dim3A_366 : vector<256x1xf32> to vector<256x128xf32>
      %div3A_368 = arith.divf %get3A_365, %div3A_367 : vector<256x128xf32>
      %concatenate3A = tpu.concatenate %div3A_326, %div3A_340, %div3A_354, %div3A_368 in 1 : vector<256x128xf32>, vector<256x128xf32>, vector<256x128xf32>, vector<256x128xf32> -> vector<256x512xf32>
      %get3A_369 = arith.constant 0 : index
      %get3A_370 = arith.constant 0 : index
      %get3A_371 = vector.load %arg17[%get3A_369, %get3A_370] : memref<512x128xf32, #tpu.memory_space<vmem>>, vector<512x128xf32>
      %dot_general3A_372 = arith.constant dense<0.000000e+00> : vector<256x128xf32>
      %dot_general3A_373 = tpu.matmul %concatenate3A, %get3A_371, %dot_general3A_372 {dimension_numbers = #tpu.dot_dimension_numbers<[1], [0], [0], [1], [0, 0, 1, 1], [], []>, transpose_lhs_hint = false} : vector<256x512xf32>, vector<512x128xf32>, vector<256x128xf32> -> vector<256x128xf32>
      %get3A_374 = arith.constant 0 : index
      %get3A_375 = arith.constant 0 : index
      %get3A_376 = vector.load %arg18[%get3A_374, %get3A_375] : memref<1x128xf32, #tpu.memory_space<vmem>>, vector<1x128xf32>
      %add3A_377 = vector.broadcast %get3A_376 : vector<1x128xf32> to vector<256x128xf32>
      %add3A_378 = arith.addf %dot_general3A_373, %add3A_377 : vector<256x128xf32>
      %tanh3A_379 = math.tanh %add3A_378 : vector<256x128xf32>
      %get3A_380 = arith.constant 0 : index
      %get3A_381 = arith.constant 0 : index
      %get3A_382 = vector.load %arg13[%get3A_380, %get3A_381] : memref<128x128xf32, #tpu.memory_space<vmem>>, vector<128x128xf32>
      %dot_general3A_383 = arith.constant dense<0.000000e+00> : vector<256x128xf32>
      %dot_general3A_384 = tpu.matmul %get3A_15, %get3A_382, %dot_general3A_383 {dimension_numbers = #tpu.dot_dimension_numbers<[1], [0], [0], [1], [0, 0, 1, 1], [], []>, transpose_lhs_hint = false} : vector<256x128xf32>, vector<128x128xf32>, vector<256x128xf32> -> vector<256x128xf32>
      %get3A_385 = arith.constant 0 : index
      %get3A_386 = arith.constant 0 : index
      %get3A_387 = vector.load %arg14[%get3A_385, %get3A_386] : memref<1x128xf32, #tpu.memory_space<vmem>>, vector<1x128xf32>
      %add3A_388 = vector.broadcast %get3A_387 : vector<1x128xf32> to vector<256x128xf32>
      %add3A_389 = arith.addf %dot_general3A_384, %add3A_388 : vector<256x128xf32>
      %tanh3A_390 = math.tanh %add3A_389 : vector<256x128xf32>
      %get3A_391 = arith.constant 0 : index
      %get3A_392 = arith.constant 0 : index
      %get3A_393 = vector.load %arg30[%get3A_391, %get3A_392] : memref<128x128xf32, #tpu.memory_space<vmem>>, vector<128x128xf32>
      %dot_general3A_394 = arith.constant dense<0.000000e+00> : vector<256x128xf32>
      %dot_general3A_395 = tpu.matmul %tanh3A_390, %get3A_393, %dot_general3A_394 {dimension_numbers = #tpu.dot_dimension_numbers<[1], [0], [0], [1], [0, 0, 1, 1], [], []>, transpose_lhs_hint = false} : vector<256x128xf32>, vector<128x128xf32>, vector<256x128xf32> -> vector<256x128xf32>
      %get3A_396 = arith.constant 0 : index
      %get3A_397 = arith.constant 0 : index
      %get3A_398 = vector.load %arg31[%get3A_396, %get3A_397] : memref<1x128xf32, #tpu.memory_space<vmem>>, vector<1x128xf32>
      %add3A_399 = vector.broadcast %get3A_398 : vector<1x128xf32> to vector<256x128xf32>
      %add3A_400 = arith.addf %dot_general3A_395, %add3A_399 : vector<256x128xf32>
      %get3A_401 = arith.constant 0 : index
      %get3A_402 = arith.constant 0 : index
      %get3A_403 = vector.load %arg32[%get3A_401, %get3A_402] : memref<128x128xf32, #tpu.memory_space<vmem>>, vector<128x128xf32>
      %dot_general3A_404 = arith.constant dense<0.000000e+00> : vector<256x128xf32>
      %dot_general3A_405 = tpu.matmul %tanh3A_379, %get3A_403, %dot_general3A_404 {dimension_numbers = #tpu.dot_dimension_numbers<[1], [0], [0], [1], [0, 0, 1, 1], [], []>, transpose_lhs_hint = false} : vector<256x128xf32>, vector<128x128xf32>, vector<256x128xf32> -> vector<256x128xf32>
      %add3A_406 = arith.addf %add3A_400, %dot_general3A_405 : vector<256x128xf32>
      %get3A_407 = arith.constant 0 : index
      %get3A_408 = arith.constant 0 : index
      %get3A_409 = vector.load %arg33[%get3A_407, %get3A_408] : memref<1x128xf32, #tpu.memory_space<vmem>>, vector<1x128xf32>
      %add3A_410 = vector.broadcast %get3A_409 : vector<1x128xf32> to vector<256x128xf32>
      %add3A_411 = arith.addf %add3A_406, %add3A_410 : vector<256x128xf32>
      %logistic3A_412 = arith.negf %add3A_411 : vector<256x128xf32>
      %logistic3A_413 = math.exp %logistic3A_412 : vector<256x128xf32>
      %logistic3A_414 = arith.constant 1.000000e+00 : f32
      %logistic3A_415 = vector.broadcast %logistic3A_414 : f32 to vector<256x128xf32>
      %logistic3A_416 = arith.addf %logistic3A_415, %logistic3A_413 : vector<256x128xf32>
      %logistic3A_417 = arith.divf %logistic3A_415, %logistic3A_416 : vector<256x128xf32>
      %mul3A_418 = arith.mulf %logistic3A_417, %tanh3A_379 : vector<256x128xf32>
      %sub3A_419 = arith.constant 1.000000e+00 : f32
      %sub3A_420 = vector.broadcast %sub3A_419 : f32 to vector<256x128xf32>
      %sub3A_421 = arith.subf %sub3A_420, %logistic3A_417 : vector<256x128xf32>
      %mul3A_422 = arith.mulf %sub3A_421, %tanh3A_390 : vector<256x128xf32>
      %add3A_423 = arith.addf %mul3A_418, %mul3A_422 : vector<256x128xf32>
      %get3A_424 = arith.constant 0 : index
      %get3A_425 = arith.constant 0 : index
      %get3A_426 = vector.load %arg34[%get3A_424, %get3A_425] : memref<128x384xf32, #tpu.memory_space<vmem>>, vector<128x384xf32>
      %dot_general3A_427 = arith.constant dense<0.000000e+00> : vector<256x384xf32>
      %dot_general3A_428 = tpu.matmul %get3A_15, %get3A_426, %dot_general3A_427 {dimension_numbers = #tpu.dot_dimension_numbers<[1], [0], [0], [1], [0, 0, 1, 1], [], []>, transpose_lhs_hint = false} : vector<256x128xf32>, vector<128x384xf32>, vector<256x384xf32> -> vector<256x384xf32>
      %get3A_429 = arith.constant 0 : index
      %get3A_430 = arith.constant 0 : index
      %get3A_431 = vector.load %arg35[%get3A_429, %get3A_430] : memref<1x384xf32, #tpu.memory_space<vmem>>, vector<1x384xf32>
      %add3A_432 = vector.broadcast %get3A_431 : vector<1x384xf32> to vector<256x384xf32>
      %add3A_433 = arith.addf %dot_general3A_428, %add3A_432 : vector<256x384xf32>
      %get3A_434 = arith.constant 0 : index
      %get3A_435 = arith.constant 0 : index
      %get3A_436 = vector.load %arg36[%get3A_434, %get3A_435] : memref<128x384xf32, #tpu.memory_space<vmem>>, vector<128x384xf32>
      %dot_general3A_437 = arith.constant dense<0.000000e+00> : vector<256x384xf32>
      %dot_general3A_438 = tpu.matmul %add3A_423, %get3A_436, %dot_general3A_437 {dimension_numbers = #tpu.dot_dimension_numbers<[1], [0], [0], [1], [0, 0, 1, 1], [], []>, transpose_lhs_hint = false} : vector<256x128xf32>, vector<128x384xf32>, vector<256x384xf32> -> vector<256x384xf32>
      %get3A_439 = arith.constant 0 : index
      %get3A_440 = arith.constant 0 : index
      %get3A_441 = vector.load %arg37[%get3A_439, %get3A_440] : memref<1x384xf32, #tpu.memory_space<vmem>>, vector<1x384xf32>
      %add3A_442 = vector.broadcast %get3A_441 : vector<1x384xf32> to vector<256x384xf32>
      %add3A_443 = arith.addf %dot_general3A_438, %add3A_442 : vector<256x384xf32>
      %slice3A_444 = vector.extract_strided_slice %add3A_433 {offsets = [0, 0], sizes = [256, 128], strides = [1, 1]} : vector<256x384xf32> to vector<256x128xf32>
      %slice3A_445 = vector.extract_strided_slice %add3A_443 {offsets = [0, 0], sizes = [256, 128], strides = [1, 1]} : vector<256x384xf32> to vector<256x128xf32>
      %add3A_446 = arith.addf %slice3A_444, %slice3A_445 : vector<256x128xf32>
      %logistic3A_447 = arith.negf %add3A_446 : vector<256x128xf32>
      %logistic3A_448 = math.exp %logistic3A_447 : vector<256x128xf32>
      %logistic3A_449 = arith.constant 1.000000e+00 : f32
      %logistic3A_450 = vector.broadcast %logistic3A_449 : f32 to vector<256x128xf32>
      %logistic3A_451 = arith.addf %logistic3A_450, %logistic3A_448 : vector<256x128xf32>
      %logistic3A_452 = arith.divf %logistic3A_450, %logistic3A_451 : vector<256x128xf32>
      %slice3A_453 = vector.extract_strided_slice %add3A_433 {offsets = [0, 128], sizes = [256, 128], strides = [1, 1]} : vector<256x384xf32> to vector<256x128xf32>
      %slice3A_454 = vector.extract_strided_slice %add3A_443 {offsets = [0, 128], sizes = [256, 128], strides = [1, 1]} : vector<256x384xf32> to vector<256x128xf32>
      %add3A_455 = arith.addf %slice3A_453, %slice3A_454 : vector<256x128xf32>
      %logistic3A_456 = arith.negf %add3A_455 : vector<256x128xf32>
      %logistic3A_457 = math.exp %logistic3A_456 : vector<256x128xf32>
      %logistic3A_458 = arith.constant 1.000000e+00 : f32
      %logistic3A_459 = vector.broadcast %logistic3A_458 : f32 to vector<256x128xf32>
      %logistic3A_460 = arith.addf %logistic3A_459, %logistic3A_457 : vector<256x128xf32>
      %logistic3A_461 = arith.divf %logistic3A_459, %logistic3A_460 : vector<256x128xf32>
      %slice3A_462 = vector.extract_strided_slice %add3A_433 {offsets = [0, 256], sizes = [256, 128], strides = [1, 1]} : vector<256x384xf32> to vector<256x128xf32>
      %slice3A_463 = vector.extract_strided_slice %add3A_443 {offsets = [0, 256], sizes = [256, 128], strides = [1, 1]} : vector<256x384xf32> to vector<256x128xf32>
      %mul3A_464 = arith.mulf %logistic3A_452, %slice3A_463 : vector<256x128xf32>
      %add3A_465 = arith.addf %slice3A_462, %mul3A_464 : vector<256x128xf32>
      %tanh3A_466 = math.tanh %add3A_465 : vector<256x128xf32>
      %sub3A_467 = arith.constant 1.000000e+00 : f32
      %sub3A_468 = vector.broadcast %sub3A_467 : f32 to vector<256x128xf32>
      %sub3A_469 = arith.subf %sub3A_468, %logistic3A_461 : vector<256x128xf32>
      %mul3A_470 = arith.mulf %sub3A_469, %tanh3A_466 : vector<256x128xf32>
      %mul3A_471 = arith.mulf %logistic3A_461, %add3A_423 : vector<256x128xf32>
      %add3A_472 = arith.addf %mul3A_470, %mul3A_471 : vector<256x128xf32>
      %slice3A_473 = vector.extract_strided_slice %add3A_472 {offsets = [0, 0], sizes = [200, 128], strides = [1, 1]} : vector<256x128xf32> to vector<200x128xf32>
      %swap3A_474 = arith.constant 0 : index
      %swap3A_475 = arith.constant 0 : index
      %swap3A_476 = vector.load %arg39[%swap3A_474, %swap3A_475] : memref<200x128xf32, #tpu.memory_space<vmem>>, vector<200x128xf32>
      tpu.vector_store %arg39[%swap3A_474, %swap3A_475], %slice3A_473 {strides = array<i32>} : memref<200x128xf32, #tpu.memory_space<vmem>>, vector<200x128xf32>,
    } else {
    }
    return
  }
  func.func @transform_0(%arg0: i32) -> (i32, i32) {
    %c0_i32 = arith.constant 0 : i32
    %c0_i32_0 = arith.constant 0 : i32
    return %arg0, %c0_i32 : i32, i32
  }
  func.func @transform_1(%arg0: i32) -> (i32, i32, i32) {
    %c0_i32 = arith.constant 0 : i32
    %c0_i32_0 = arith.constant 0 : i32
    %c0_i32_1 = arith.constant 0 : i32
    return %c0_i32, %arg0, %c0_i32_0 : i32, i32, i32
  }
  func.func @transform_2(%arg0: i32) -> (i32, i32, i32) {
    %c0_i32 = arith.constant 0 : i32
    %c0_i32_0 = arith.constant 0 : i32
    %c0_i32_1 = arith.constant 0 : i32
    return %arg0, %c0_i32, %c0_i32_0 : i32, i32, i32
  }
  func.func @transform_3(%arg0: i32) -> (i32, i32) {
    %c0_i32 = arith.constant 0 : i32
    %c0_i32_0 = arith.constant 0 : i32
    %c0_i32_1 = arith.constant 0 : i32
    return %c0_i32, %c0_i32_0 : i32, i32
  }
  func.func @transform_4(%arg0: i32) -> (i32, i32) {
    %c0_i32 = arith.constant 0 : i32
    %c0_i32_0 = arith.constant 0 : i32
    %c0_i32_1 = arith.constant 0 : i32
    return %c0_i32, %c0_i32_0 : i32, i32
  }
  func.func @transform_5(%arg0: i32) -> (i32, i32) {
    %c0_i32 = arith.constant 0 : i32
    %c0_i32_0 = arith.constant 0 : i32
    %c0_i32_1 = arith.constant 0 : i32
    return %c0_i32, %c0_i32_0 : i32, i32
  }
  func.func @transform_6(%arg0: i32) -> (i32, i32) {
    %c0_i32 = arith.constant 0 : i32
    %c0_i32_0 = arith.constant 0 : i32
    %c0_i32_1 = arith.constant 0 : i32
    return %c0_i32, %c0_i32_0 : i32, i32
  }
  func.func @transform_7(%arg0: i32) -> (i32, i32) {
    %c0_i32 = arith.constant 0 : i32
    %c0_i32_0 = arith.constant 0 : i32
    %c0_i32_1 = arith.constant 0 : i32
    return %c0_i32, %c0_i32_0 : i32, i32
  }
  func.func @transform_8(%arg0: i32) -> (i32, i32) {
    %c0_i32 = arith.constant 0 : i32
    %c0_i32_0 = arith.constant 0 : i32
    %c0_i32_1 = arith.constant 0 : i32
    return %c0_i32, %c0_i32_0 : i32, i32
  }
  func.func @transform_9(%arg0: i32) -> (i32, i32) {
    %c0_i32 = arith.constant 0 : i32
    %c0_i32_0 = arith.constant 0 : i32
    %c0_i32_1 = arith.constant 0 : i32
    return %c0_i32, %c0_i32_0 : i32, i32
  }
  func.func @transform_10(%arg0: i32) -> (i32, i32) {
    %c0_i32 = arith.constant 0 : i32
    %c0_i32_0 = arith.constant 0 : i32
    %c0_i32_1 = arith.constant 0 : i32
    return %c0_i32, %c0_i32_0 : i32, i32
  }
  func.func @transform_11(%arg0: i32) -> (i32, i32) {
    %c0_i32 = arith.constant 0 : i32
    %c0_i32_0 = arith.constant 0 : i32
    %c0_i32_1 = arith.constant 0 : i32
    return %c0_i32, %c0_i32_0 : i32, i32
  }
  func.func @transform_12(%arg0: i32) -> (i32, i32) {
    %c0_i32 = arith.constant 0 : i32
    %c0_i32_0 = arith.constant 0 : i32
    %c0_i32_1 = arith.constant 0 : i32
    return %c0_i32, %c0_i32_0 : i32, i32
  }
  func.func @transform_13(%arg0: i32) -> (i32, i32) {
    %c0_i32 = arith.constant 0 : i32
    %c0_i32_0 = arith.constant 0 : i32
    %c0_i32_1 = arith.constant 0 : i32
    return %c0_i32, %c0_i32_0 : i32, i32
  }
  func.func @transform_14(%arg0: i32) -> (i32, i32) {
    %c0_i32 = arith.constant 0 : i32
    %c0_i32_0 = arith.constant 0 : i32
    %c0_i32_1 = arith.constant 0 : i32
    return %c0_i32, %c0_i32_0 : i32, i32
  }
  func.func @transform_15(%arg0: i32) -> (i32, i32) {
    %c0_i32 = arith.constant 0 : i32
    %c0_i32_0 = arith.constant 0 : i32
    %c0_i32_1 = arith.constant 0 : i32
    return %c0_i32, %c0_i32_0 : i32, i32
  }
  func.func @transform_16(%arg0: i32) -> (i32, i32) {
    %c0_i32 = arith.constant 0 : i32
    %c0_i32_0 = arith.constant 0 : i32
    %c0_i32_1 = arith.constant 0 : i32
    return %c0_i32, %c0_i32_0 : i32, i32
  }
  func.func @transform_17(%arg0: i32) -> (i32, i32) {
    %c0_i32 = arith.constant 0 : i32
    %c0_i32_0 = arith.constant 0 : i32
    %c0_i32_1 = arith.constant 0 : i32
    return %c0_i32, %c0_i32_0 : i32, i32
  }
  func.func @transform_18(%arg0: i32) -> (i32, i32) {
    %c0_i32 = arith.constant 0 : i32
    %c0_i32_0 = arith.constant 0 : i32
    %c0_i32_1 = arith.constant 0 : i32
    return %c0_i32, %c0_i32_0 : i32, i32
  }
  func.func @transform_19(%arg0: i32) -> (i32, i32) {
    %c0_i32 = arith.constant 0 : i32
    %c0_i32_0 = arith.constant 0 : i32
    %c0_i32_1 = arith.constant 0 : i32
    return %c0_i32, %c0_i32_0 : i32, i32
  }
  func.func @transform_20(%arg0: i32) -> (i32, i32) {
    %c0_i32 = arith.constant 0 : i32
    %c0_i32_0 = arith.constant 0 : i32
    %c0_i32_1 = arith.constant 0 : i32
    return %c0_i32, %c0_i32_0 : i32, i32
  }
  func.func @transform_21(%arg0: i32) -> (i32, i32) {
    %c0_i32 = arith.constant 0 : i32
    %c0_i32_0 = arith.constant 0 : i32
    %c0_i32_1 = arith.constant 0 : i32
    return %c0_i32, %c0_i32_0 : i32, i32
  }
  func.func @transform_22(%arg0: i32) -> (i32, i32) {
    %c0_i32 = arith.constant 0 : i32
    %c0_i32_0 = arith.constant 0 : i32
    %c0_i32_1 = arith.constant 0 : i32
    return %c0_i32, %c0_i32_0 : i32, i32
  }
  func.func @transform_23(%arg0: i32) -> (i32, i32) {
    %c0_i32 = arith.constant 0 : i32
    %c0_i32_0 = arith.constant 0 : i32
    %c0_i32_1 = arith.constant 0 : i32
    return %c0_i32, %c0_i32_0 : i32, i32
  }
  func.func @transform_24(%arg0: i32) -> (i32, i32) {
    %c0_i32 = arith.constant 0 : i32
    %c0_i32_0 = arith.constant 0 : i32
    %c0_i32_1 = arith.constant 0 : i32
    return %c0_i32, %c0_i32_0 : i32, i32
  }
  func.func @transform_25(%arg0: i32) -> (i32, i32) {
    %c0_i32 = arith.constant 0 : i32
    %c0_i32_0 = arith.constant 0 : i32
    %c0_i32_1 = arith.constant 0 : i32
    return %c0_i32, %c0_i32_0 : i32, i32
  }
  func.func @transform_26(%arg0: i32) -> (i32, i32) {
    %c0_i32 = arith.constant 0 : i32
    %c0_i32_0 = arith.constant 0 : i32
    %c0_i32_1 = arith.constant 0 : i32
    return %c0_i32, %c0_i32_0 : i32, i32
  }
  func.func @transform_27(%arg0: i32) -> (i32, i32) {
    %c0_i32 = arith.constant 0 : i32
    %c0_i32_0 = arith.constant 0 : i32
    %c0_i32_1 = arith.constant 0 : i32
    return %c0_i32, %c0_i32_0 : i32, i32
  }
  func.func @transform_28(%arg0: i32) -> (i32, i32) {
    %c0_i32 = arith.constant 0 : i32
    %c0_i32_0 = arith.constant 0 : i32
    %c0_i32_1 = arith.constant 0 : i32
    return %c0_i32, %c0_i32_0 : i32, i32
  }
  func.func @transform_29(%arg0: i32) -> (i32, i32) {
    %c0_i32 = arith.constant 0 : i32
    %c0_i32_0 = arith.constant 0 : i32
    %c0_i32_1 = arith.constant 0 : i32
    return %c0_i32, %c0_i32_0 : i32, i32
  }
  func.func @transform_30(%arg0: i32) -> (i32, i32) {
    %c0_i32 = arith.constant 0 : i32
    %c0_i32_0 = arith.constant 0 : i32
    %c0_i32_1 = arith.constant 0 : i32
    return %c0_i32, %c0_i32_0 : i32, i32
  }
  func.func @transform_31(%arg0: i32) -> (i32, i32) {
    %c0_i32 = arith.constant 0 : i32
    %c0_i32_0 = arith.constant 0 : i32
    %c0_i32_1 = arith.constant 0 : i32
    return %c0_i32, %c0_i32_0 : i32, i32
  }
  func.func @transform_32(%arg0: i32) -> (i32, i32) {
    %c0_i32 = arith.constant 0 : i32
    %c0_i32_0 = arith.constant 0 : i32
    %c0_i32_1 = arith.constant 0 : i32
    return %c0_i32, %c0_i32_0 : i32, i32
  }
  func.func @transform_33(%arg0: i32) -> (i32, i32) {
    %c0_i32 = arith.constant 0 : i32
    %c0_i32_0 = arith.constant 0 : i32
    %c0_i32_1 = arith.constant 0 : i32
    return %c0_i32, %c0_i32_0 : i32, i32
  }
  func.func @transform_34(%arg0: i32) -> (i32, i32) {
    %c0_i32 = arith.constant 0 : i32
    %c0_i32_0 = arith.constant 0 : i32
    %c0_i32_1 = arith.constant 0 : i32
    return %c0_i32, %c0_i32_0 : i32, i32
  }
  func.func @transform_35(%arg0: i32) -> (i32, i32) {
    %c0_i32 = arith.constant 0 : i32
    %c0_i32_0 = arith.constant 0 : i32
    %c0_i32_1 = arith.constant 0 : i32
    return %c0_i32, %c0_i32_0 : i32, i32
  }
  func.func @transform_36(%arg0: i32) -> (i32, i32) {
    %c0_i32 = arith.constant 0 : i32
    %c0_i32_0 = arith.constant 0 : i32
    %c0_i32_1 = arith.constant 0 : i32
    return %c0_i32, %c0_i32_0 : i32, i32
  }
  func.func @transform_37(%arg0: i32) -> (i32, i32) {
    %c0_i32 = arith.constant 0 : i32
    %c0_i32_0 = arith.constant 0 : i32
    return %arg0, %c0_i32 : i32, i32
  }
  func.func @transform_38(%arg0: i32) -> (i32, i32) {
    %c0_i32 = arith.constant 0 : i32
    %c0_i32_0 = arith.constant 0 : i32
    %c0_i32_1 = arith.constant 0 : i32
    return %c0_i32, %c0_i32_0 : i32, i32
  }
}

</mosaic_0001>

<sc_bundles>
// kernel: kernel.5.cloned.1.call-start
scs
__scs_entry_jumppad:
0x0: {  	(pc) =	sbr.rel $0x88, $3  }
0x1: {  	(tag) =	ssettag $0x0;
	lr =	simm.s32 $0x1  }
0x2: {  	[smem:$0x3F62] =	sst lr;
	_ =	strace $0xD0000000  }
0x3: {  	_ = 	snop  }
0x4: {  	_ = 	snop  }
0x5: {  	_ = 	snop  }
0x6: {  	_ = 	snop  }
0x7: {  	_ = 	snop  }
__scs_overlays_trampoline_lowered:
0x8: {  	[smem:$0x3F71] =	sst s0  }
0x9: {  	[smem:$0x3F72] =	sst s1  }
0xa: {  	[smem:$0x3F73] =	sst s2  }
0xb: {  	[smem:$0x3F74] =	sst s3  }
0xc: {  	[smem:$0x3F75] =	sst s4  }
0xd: {  	[smem:$0x3F76] =	sst s5  }
0xe: {  	[smem:$0x3F77] =	sst s6  }
0xf: {  	[smem:$0x3F78] =	sst s7  }
0x10: {  	[smem:$0x3F79] =	sst s8  }
0x11: {  	[smem:$0x3F7A] =	sst s9;
	s0 =	simm.s32 @!p0 $0x0  }
0x12: {  	s1 =	sld [smem:$0x3F60];
	s0 =	simm.s32 @p0 $0x1  }
0x13: {  	[smem:$0x3F7B] =	sst s0;
	s0 =	simm.s32 @!p1 $0x0  }
0x14: {  	s2 =	sld [smem:$0x3F5F];
	s0 =	simm.s32 @p1 $0x1  }
0x15: {  	[smem:$0x3F7C] =	sst s0;
	s0 =	simm.s32 @!p2 $0x0  }
0x16: {  	s3 =	sld [smem:$0x3FDB];
	s0 =	simm.s32 @p2 $0x1  }
0x17: {  	s4 =	simm.s32 $0x1BF5;
	[smem:$0x3F7E] =	sst s0  }
0x18: {  	s0 =	sld [smem:$0x3F61];
	_ =	swait.ge [sflag:s4], $0x0  }
0x19: {  	s7 =	sld [smem:$0x3F62]  }
0x1a: {  	s8 =	sadd.s32 $0xFFFFE003, lr  }
0x1b: {  	s9 =	sadd.s32 $0xFFFFFEF7, lr;
	s5 =	simm.s32 $0xFFFFFFFF;
	p2 =	slt.u32 s8, $0xFFFFF086  }
0x1c: {  	p1 =	slt.u32 s9, $0xF7A;
	s5 =	simm.s32 @!p2 $0x0  }
0x1d: {  	s5 =	simm.s32 @p1 $0x1;
	p0 =	seq.s32 s7, s2  }
0x1e: {  	s7 =	smul.u32 @!p0 $0xF7A, s2;
	p2 =	seq.s32 @!p0 s5, $0x0  }
0x1f: {  	s9 =	smul.u32 $0xF7A, s1;
	s8 =	simm.s32 @!p0 $0x1BF5;
	p2 =	por !p2, p0  }
0x20: {  	[sflag:s8] =	ssyncset.s32 @!p0 $0xFFFFF086;
	s6 =	sadd.s32 @!p0 s3, s7;
	s7 =	simm.s32 @!p0 $0x108  }
0x21: {  	s3 =	sadd.s32 s3, s9;
	s6 =	sadd.s32 @!p0 $0x88, s6;
	s7 =	simm.s32 @p2 $0x1082  }
0x22: {  	[simem:s7], [sflag:s8] =	dma.local @!p0 [hbm:s6], $0xF7A  }
0x23: {  	s9 =	sor.u32 $0xD0000000, s2;
	s6 =	simm.s32 $0x108;
	_ =	swait.ge @!p0 [sflag:s8], $0x0  }
0x24: {  	s3 =	sadd.s32 $0x88, s3;
	s6 =	simm.s32 @!p1 $0x1082;
	[sflag:s4] =	ssyncset.s32 $0xFFFFF086  }
0x25: {  	[simem:s6], [sflag:s4] =	dma.local [hbm:s3], $0xF7A  }
0x26: {  	[smem:$0x3F62] =	sst s1;
	(tag) =	ssettag s2;
	_ =	strace s9  }
0x27: {  	s1 =	sld [smem:$0x3F72]  }
0x28: {  	s2 =	sld [smem:$0x3F73]  }
0x29: {  	s4 =	sld [smem:$0x3F75]  }
0x2a: {  	p0 =	seq.s32 s5, $0x0;
	s5 =	sld [smem:$0x3F76]  }
0x2b: {  	s6 =	sld [smem:$0x3F77]  }
0x2c: {  	s7 =	sld [smem:$0x3F78]  }
0x2d: {  	s3 =	simm.s32 $0x108;
	s8 =	sld [smem:$0x3F79]  }
0x2e: {  	s3 =	simm.s32 @!p0 $0x1082;
	s9 =	sld [smem:$0x3F7A]  }
0x2f: {  	lr =	sadd.s32 s0, s3;
	s0 =	sld [smem:$0x3F71]  }
0x30: {  	s3 =	sld [smem:$0x3F74]  }
0x31: {  	[smem:$0x3F7D] =	sst s10  }
0x32: {  	s10 =	sld [smem:$0x3F7B];
	_ =	sdelay $0x3  }
0x33: {  	p0 =	seq.s32 s10, $0x1;
	s10 =	sld [smem:$0x3F7D];
	_ =	sdelay $0x3  }
0x34: {  	[smem:$0x3F7D] =	sst s10  }
0x35: {  	s10 =	sld [smem:$0x3F7C];
	_ =	sdelay $0x3  }
0x36: {  	p1 =	seq.s32 s10, $0x1;
	s10 =	sld [smem:$0x3F7D];
	_ =	sdelay $0x3  }
0x37: {  	[smem:$0x3F7D] =	sst s10  }
0x38: {  	s10 =	sld [smem:$0x3F7E]  }
0x39: {  	_ = 	snop;
	(pc) =	sbr.ind lr, $3  }
0x3a: {  	_ = 	snop  }
0x3b: {  	_ = 	snop  }
0x3c: {  	p2 =	seq.s32 s10, $0x1;
	s10 =	sld [smem:$0x3F7D]  }
0x3d: {  	_ =	shalt  }
0x3e: {  	_ =	shalt  }
0x3f: {  	_ =	shalt  }
0x40: {  	_ =	shalt  }
0x41: {  	_ =	shalt  }
0x42: {  	_ =	shalt  }
0x43: {  	_ =	shalt  }
0x44: {  	_ =	shalt  }
0x45: {  	_ =	shalt  }
0x46: {  	_ =	shalt  }
0x47: {  	_ =	shalt  }
0x48: {  	_ =	shalt  }
0x49: {  	_ =	shalt  }
0x4a: {  	_ =	shalt  }
0x4b: {  	_ =	shalt  }
0x4c: {  	_ =	shalt  }
0x4d: {  	_ =	shalt  }
0x4e: {  	_ =	shalt  }
0x4f: {  	_ =	shalt  }
0x50: {  	_ =	shalt  }
0x51: {  	_ =	shalt  }
0x52: {  	_ =	shalt  }
0x53: {  	_ =	shalt  }
0x54: {  	_ =	shalt  }
0x55: {  	_ =	shalt  }
0x56: {  	_ =	shalt  }
0x57: {  	_ =	shalt  }
0x58: {  	_ =	shalt  }
0x59: {  	_ =	shalt  }
0x5a: {  	_ =	shalt  }
0x5b: {  	_ =	shalt  }
0x5c: {  	_ =	shalt  }
0x5d: {  	_ =	shalt  }
0x5e: {  	_ =	shalt  }
0x5f: {  	_ =	shalt  }
0x60: {  	_ =	shalt  }
0x61: {  	_ =	shalt  }
0x62: {  	_ =	shalt  }
0x63: {  	_ =	shalt  }
0x64: {  	_ =	shalt  }
0x65: {  	_ =	shalt  }
0x66: {  	_ =	shalt  }
0x67: {  	_ =	shalt  }
0x68: {  	_ =	shalt  }
0x69: {  	_ =	shalt  }
0x6a: {  	_ =	shalt  }
0x6b: {  	_ =	shalt  }
0x6c: {  	_ =	shalt  }
0x6d: {  	_ =	shalt  }
0x6e: {  	_ =	shalt  }
0x6f: {  	_ =	shalt  }
0x70: {  	_ =	shalt  }
0x71: {  	_ =	shalt  }
0x72: {  	_ =	shalt  }
0x73: {  	_ =	shalt  }
0x74: {  	_ =	shalt  }
0x75: {  	_ =	shalt  }
0x76: {  	_ =	shalt  }
0x77: {  	_ =	shalt  }
0x78: {  	_ =	shalt  }
0x79: {  	_ =	shalt  }
0x7a: {  	_ =	shalt  }
0x7b: {  	_ =	shalt  }
0x7c: {  	_ =	shalt  }
0x7d: {  	_ =	shalt  }
0x7e: {  	_ =	shalt  }
0x7f: {  	_ =	shalt  }
0x80: {  	_ =	shalt  }
0x81: {  	_ =	shalt  }
0x82: {  	_ =	shalt  }
0x83: {  	_ =	shalt  }
0x84: {  	_ =	shalt  }
0x85: {  	_ =	shalt  }
0x86: {  	_ =	shalt  }
0x87: {  	_ =	shalt  }
.Lfunc_end0:
.L_simem_size_0:
called_computation_lowered:
.L_overlay_start_0:
0x88: {  	s2 =	sld [smem:$0x3FD9]  }
0x89: {  	s3 =	sld [smem:$0x3FFE];
	_ =	sdelay $0x1  }
0x8a: {  	s1 =	srdreg.scid  }
0x8b: {  	s0 =	sand.u32 $0x1, s1  }
0x8c: {  	s14 =	sshll.u32 s0, $0xA;
	s2 =	sadd.s32 s3, s2  }
0x8d: {  	s2 =	sadd.s32 s2, s14  }
0x8e: {  	[smem:$0x3F89] =	sst s2  }
0x8f: {  	_ = 	snop  }
0x90: {  	s2 =	sld [smem:$0x3FD0];
	_ =	sdelay $0x2  }
0x91: {  	s4 =	simm.s32 $0xA;
	s5 =	simm.s32 $0x10;
	s15 =	sld [smem:$0x3FC7]  }
0x92: {  	[smem:s5], [sflag:s4] =	dma.local [hbm:s2], $0x1  }
0x93: {  	_ =	swait.eq [sflag:s4], $0x1  }
0x94: {  	[sflag:s4] =	ssyncset.done $0x0  }
0x95: {  	[sflag:s4] =	ssyncadd.s32 $0xFFFFFFFF  }
0x96: {  	s16 =	sld [smem:$0x10];
	(tm) =	ssettm $0x1  }
0x97: {  	s17 =	sld [smem:$0x3FFB];
	_ =	sdelay $0x3  }
0x98: {  	_ =	strace s17  }
0x99: {  	s4 =	sld [smem:$0x3FFC];
	_ =	sdelay $0x3  }
0x9a: {  	_ =	strace s4  }
0x9b: {  	s4 =	sld [smem:$0x3FFD];
	_ =	sdelay $0x3  }
0x9c: {  	_ =	strace s4  }
0x9d: {  	_ =	strace $0x8FFFFFFF  }
0x9e: {  	s18 =	sld [smem:$0x3FDB];
	_ =	sdelay $0x1  }
0x9f: {  	s19 =	simm.s32 $_scs_section_size  }
0xa0: {  	s6 =	simm.s32 $_size__tile_overlayer_lowered;
	s7 =	simm.s32 $_tile_overlayer_lowered  }
0xa1: {  	s22 =	simm.s32 $0x1BFF;
	s21 =	sshll.u32 s7, $0x1;
	s4 =	sadd.s32 s19, s18  }
0xa2: {  	s8 =	simm.s32 $0x0;
	s20 =	sshll.u32 s6, $0x1;
	s6 =	sadd.s32 s21, s4  }
0xa3: {  	[timem:s8], [sflag:s22] =	dma.local [hbm:s6], s20  }
0xa4: {  	_ =	swait.ge [sflag:s22], s20  }
0xa5: {  	s5 =	ssub.s32 $0x0, s20;
	[sflag:s22] =	ssyncset.done $0x0  }
0xa6: {  	[sflag:s22] =	ssyncadd.s32 s5;
	_ =	sdelay $0x1  }
0xa7: {  	s23 =	simm.s32 $0x1B8B  }
0xa8: {  	_ =	swait.ge [sflag:s23], $0x1  }
0xa9: {  	[sflag:s23] =	ssyncset.done $0x0  }
0xaa: {  	s25 =	simm.s32 $0x1B8E;
	s24 =	sld [smem:$0x3FFE];
	[sflag:s23] =	ssyncadd.s32 $0xFFFFFFFF  }
0xab: {  	s26 =	simm.s32 $execute0_lowered;
	[smem:$0x3FD2] =	sst s25  }
0xac: {  	s6 =	sshll.u32 s26, $0x1;
	_ =	strace $0x80000046;
	[dreg:$0x1] =	wrdreg $0xFFFFFFFF  }
0xad: {  	s28 =	simm.s32 $_size_execute0_lowered;
	s4 =	sadd.s32 s4, s6;
	[dreg:$0x0] =	wrdreg $0x0  }
0xae: {  	s6 =	sshll.u32 s28, $0x1;
	[dreg:$0x2] =	wrdreg s4  }
0xaf: {  	[dreg:$0x3] =	wrdreg s6  }
0xb0: {  	[dreg:$0x4] =	wrdreg $0xC0  }
0xb1: {  	_ =	task [dreg:s8], $0x5FFFF  }
0xb2: {  	[dreg:$0x1] =	wrdreg $0xFFFFFFFF  }
0xb3: {  	[dreg:$0x0] =	wrdreg $0x60  }
0xb4: {  	[dreg:$0x2] =	wrdreg s24  }
0xb5: {  	[dreg:$0x3] =	wrdreg s15  }
0xb6: {  	[dreg:$0x4] =	wrdreg s16  }
0xb7: {  	[dreg:$0x5] =	wrdreg $0xA4000  }
0xb8: {  	[dreg:$0x6] =	wrdreg $0x9  }
0xb9: {  	_ =	task.clear_ibuf [dreg:s8], $0x7FFFF;
	_ =	strace $0x90000046  }
0xba: {  	s29 =	simm.s32 $0x9;
	_ =	strace $0x80000048  }
0xbb: {  	_ =	swait.ge [sflag:s29], $0x1  }
0xbc: {  	[sflag:s29] =	ssyncadd.s32 $0xFFFFFFFF  }
0xbd: {  	_ =	strace $0x90000048  }
0xbe: {  	_ =	sfence  }
0xbf: {  	s30 =	sld [smem:$0x0];
	_ =	sdelay $0x2  }
0xc0: {  	s31 =	sshll.u32 s1, $0xD;
	s1 =	sshrl.u32 s1, $0x2  }
0xc1: {  	s3 =	sand.u32 $0x4000, s31;
	s1 =	sadd.s32 s1, s30  }
0xc2: {  	s0 =	sor.u32 s3, s0;
	s1 =	sshll.u32 s1, $0x11  }
0xc3: {  	s0 =	sor.u32 s1, s0  }
0xc4: {  	s0 =	sadd.s32 $0x8F2B, s0  }
0xc5: {  	[sflag:s0] =	ssyncadd.remote.s32 $0x1  }
0xc6: {  	_ =	sfence.sel $0xFFFF  }
0xc7: {  	[dreg:$0x0] =	wrdreg $0xFFFFFFFF;
	(pc) =	sbr.abs _section_cstart, $3  }
0xc8: {  	[dreg:$0x1] =	wrdreg $0xFFFFFFFF  }
0xc9: {  	_ =	task.clear_ibuf [dreg:s8], $0x2FFFF;
	_ =	strace $0x9FFFFFFF  }
0xca: {  	(tm) =	ssettm $0x7FFFFFFF  }
0xcb: {  	_ =	shalt  }
tec
execute0_lowered:
.L_overlay_start_1:
0x0: {  	(tag) =	ssettag $0x1  }
0x1: {  	s0 =	rddreg [dreg:$0x0]  }
0x2: {  	s1 =	rddreg [dreg:$0x1]  }
0x3: {  	s2 =	rddreg [dreg:$0x2]  }
0x4: {  	s3 =	rddreg [dreg:$0x3];
	s4 =	simm.s32 $0x0  }
0x5: {  	s5 =	srdreg.scid;
	s15 =	stileid.u32;
	s26 =	simm.s32 $0x5  }
0x6: {  	s30 =	simm.s32 $0x1;
	s31 =	simm.s32 $0x3;
	s28 =	simm.s32 $0x7  }
0x7: {  	[smem:$0x7FF] =	sst s4;
	s5 =	sand.u32 $0x1, s5;
	s6 =	sadd.s32 $0x4F7E00, s0  }
0x8: {  	s7 =	sadd.s32 $0x4E7E00, s0;
	s11 =	sshll.u32 s15, $0x1;
	s19 =	smul.u32 $0x50000, s15  }
0x9: {  	s8 =	sadd.s32 $0x5E00, s0;
	p0 =	seq.s32 s15, $0xF;
	s23 =	smul.u32 $0x14000, s15  }
0xa: {  	_ =	strace $0x80000047;
	s9 =	ssub.s32 $0x2, s5;
	s17 =	sor.u32 s5, s11  }
0xb: {  	s11 =	simm.s32 $0x5;
	s26 =	simm.s32 @!p0 $0x8;
	s5 =	smul.u32 $0x138800, s5  }
0xc: {  	s10 =	sshrl.u32 s9, $0x1;
	s13 =	sshll.u32 s17, $0xB;
	s12 =	sshll.u32 s17, $0xE  }
0xd: {  	s22 =	sshrl.u32 s19, $0x2;
	s19 =	simm.s32 $0x9;
	[dreg:$0x5] =	wrdreg s26  }
0xe: {  	s16 =	ssub.s32 s9, s10;
	s9 =	smul.u32 $0x2710, s17;
	s14 =	sadd.s32 s2, s13  }
0xf: {  	s10 =	smul.u32 $0x27100, s17;
	s18 =	sadd.s32 s7, s13;
	s13 =	sor.u32 $0x10, s13  }
0x10: {  	s29 =	sadd.s32 s22, s3;
	s25 =	sadd.s32 s23, s5;
	[dreg:$0x6] =	wrdreg s14  }
0x11: {  	s22 =	simm.s32 $0xB;
	s5 =	simm.s32 $0x2800;
	[dreg:$0x7] =	wrdreg s18  }
0x12: {  	s17 =	simm.s32 $0x4;
	s20 =	sadd.s32 s2, s13;
	[dreg:$0xe] =	wrdreg s25  }
0x13: {  	s21 =	sadd.s32 s7, s13;
	s0 =	smax.u32 s16, $0x1;
	[dreg:$0xd] =	wrdreg s29  }
0x14: {  	s25 =	simm.s32 $0x50;
	s14 =	simm.s32 $0xA080;
	[dreg:$0x9] =	wrdreg s20  }
0x15: {  	s16 =	simm.s32 $0x2;
	s18 =	simm.s32 $0x6;
	[dreg:$0xa] =	wrdreg s21  }
0x16: {  	s13 =	simm.s32 $0x0;
	s10 =	sadd.s32 s6, s10;
	[dreg:$0xc] =	wrdreg s0  }
0x17: {  	s24 =	sadd.s32 $0x50, s9;
	s0 =	simm.s32 $0x8;
	[dreg:$0x8] =	wrdreg s10  }
0x18: {  	v0 =	vimm.f32 $0.0e+00;
	s20 =	simm.s32 $0xA;
	[dreg:$0xb] =	wrdreg s24;
	s24 =	simm.s32 $0xA200  }
.LBB2_1:
0x19: {  	[dreg:$0xf] =	wrdreg s13;
	s10 =	simm.s32 $0x0;
	s13 =	simm.s32 $0x200  }
.LBB2_2:
0x1a: {  	p0 =	sne.s32 s13, $0x9E00;
	[tilespmem:s10+$0x70] =	vst v0  }
0x1b: {  	[tilespmem:s10+$0x0] =	vst v0  }
0x1c: {  	[tilespmem:s10+$0x10] =	vst v0  }
.Ltmp0:
0x1d: {  	[tilespmem:s10+$0x20] =	vst v0;
	(pc) =	sbr.rel @p0 .LBB2_2-.Ltmp0, $4  }
0x1e: {  	[tilespmem:s10+$0x30] =	vst v0  }
0x1f: {  	[tilespmem:s10+$0x40] =	vst v0  }
0x20: {  	[tilespmem:s10+$0x50] =	vst v0  }
0x21: {  	[tilespmem:s10+$0x60] =	vst v0;
	s10 =	sshra.s32 s13, $0x2;
	s13 =	sadd.s32 $0x200, s13  }
0x22: {  	[tilespmem:s10+$0x70] =	vst v0  }
0x23: {  	[tilespmem:s10+$0x0] =	vst v0  }
0x24: {  	[tilespmem:s10+$0x10] =	vst v0  }
0x25: {  	[tilespmem:s10+$0x20] =	vst v0  }
0x26: {  	[tilespmem:s10+$0x30] =	vst v0  }
0x27: {  	[tilespmem:s10+$0x40] =	vst v0;
	p0 =	sne.s32 s26, $0x1  }
.Ltmp1:
0x28: {  	[tilespmem:s10+$0x50] =	vst v0;
	(pc) =	sbr.rel @!p0 .LBB2_5-.Ltmp1, $4  }
0x29: {  	[tilespmem:s10+$0x60] =	vst v0  }
0x2a: {  	[spmem:s29] =	stream.linear.scatter [tilespmem:s4], [sflag:$0xB], $0x2800, $0x38;
	[tilespmem:$0x1DC80] =	vst v63  }
0x2b: {  	_ =	swait.ge [sflag:s22], $0x2800  }
0x2c: {  	s10 =	sadd.s32 $0xFFFFFFFF, s26;
	s13 =	smov.u32 s29;
	[sflag:s22] =	ssyncset.done $0x0  }
.LBB2_4:
0x2d: {  	p1 =	sne.s32 s10, $0x1;
	[sflag:s22] =	ssyncadd.s32 $0xFFFFD800;
	s13 =	sadd.s32 $0x2800, s13  }
.Ltmp2:
0x2e: {  	s10 =	sadd.s32 $0xFFFFFFFF, s10;
	(pc) =	sbr.rel @p1 .LBB2_4-.Ltmp2, $4  }
0x2f: {  	_ = 	snop  }
0x30: {  	[spmem:s13] =	stream.linear.scatter [tilespmem:s4], [sflag:$0xB], $0x2800, $0x38;
	[tilespmem:$0x1DC80] =	vst v63  }
0x31: {  	_ =	swait.ge [sflag:s22], $0x2800  }
0x32: {  	[sflag:s22] =	ssyncset.done $0x0  }
.LBB2_5:
0x33: {  	[sflag:s22] =	ssyncadd.s32 $0xFFFFD800  }
0x34: {  	[bflag:$0x0] =	sbarrier.arrive $0xFFFF  }
0x35: {  	s15 =	simm.s32 $0x0;
	s13 =	simm.s32 $0xA000;
	s10 =	rddreg [dreg:$0x6]  }
0x36: {  	[tilespmem:s13], [sflag:$0xB] =	stream.linear.gather [hbm4b:s10+s15], $0x80, $0x38;
	[tilespmem:$0x1DC80] =	vst v63  }
0x37: {  	_ =	swait.ge [sflag:s22], $0x80  }
0x38: {  	[sflag:s22] =	ssyncset.done $0x0  }
0x39: {  	s21 =	rddreg [dreg:$0x7];
	[sflag:s22] =	ssyncadd.s32 $0xFFFFFF80  }
0x3a: {  	[tilespmem:s24], [sflag:$0xB] =	stream.linear.gather [hbm4b:s21+s15], $0x80, $0x38;
	[tilespmem:$0x1DC80] =	vst v63  }
0x3b: {  	_ =	swait.ge [sflag:s22], $0x80  }
0x3c: {  	[sflag:s22] =	ssyncset.done $0x0  }
0x3d: {  	[sflag:s22] =	ssyncadd.s32 $0xFFFFFF80  }
0x3e: {  	[tilespmem:s15], [sflag:$0x1] =	stream.indirect.gather [hbm4b:s1+s25], $0x80, s13, s25, $0xb8;
	[tilespmem:$0x1DC80] =	vst v63  }
0x3f: {  	s26 =	simm.s32 $0x5000;
	s23 =	rddreg [dreg:$0x8]  }
0x40: {  	[tilespmem:s26], [sflag:$0x3] =	stream.linear.gather [hbm4b:s23+s15], $0x2800, $0x38;
	[tilespmem:$0x1DC80] =	vst v63  }
0x41: {  	s21 =	rddreg [dreg:$0x9]  }
0x42: {  	[tilespmem:s14], [sflag:$0x8] =	stream.linear.gather [hbm4b:s21+s15], $0x80, $0x38;
	[tilespmem:$0x1DC80] =	vst v63  }
0x43: {  	s29 =	simm.s32 $0x0;
	s23 =	rddreg [dreg:$0xa];
	s26 =	simm.s32 $0xA280  }
0x44: {  	[tilespmem:s26], [sflag:$0x8] =	stream.linear.gather [hbm4b:s23+s15], $0x80, $0x38;
	[tilespmem:$0x1DC80] =	vst v63  }
.LBB2_6:
0x45: {  	_ =	swait.ge [sflag:s30], $0x2800  }
0x46: {  	[sflag:s30] =	ssyncset.done $0x0  }
0x47: {  	[sflag:s30] =	ssyncadd.s32 $0xFFFFD800  }
0x48: {  	_ =	swait.ge [sflag:s31], $0x2800  }
0x49: {  	[sflag:s31] =	ssyncset.done $0x0  }
0x4a: {  	[sflag:s31] =	ssyncadd.s32 $0xFFFFD800  }
0x4b: {  	_ =	swait.ge [sflag:s0], $0x80  }
0x4c: {  	[sflag:s0] =	ssyncset.done $0x0  }
0x4d: {  	[sflag:s0] =	ssyncadd.s32 $0xFFFFFF80  }
0x4e: {  	_ =	swait.ge [sflag:s0], $0x80  }
0x4f: {  	p1 =	seq.s32 s29, $0x0;
	[sflag:s0] =	ssyncset.done $0x0  }
0x50: {  	s10 =	simm.s32 @!p1 $0x6;
	[sflag:s0] =	ssyncadd.s32 $0xFFFFFF80  }
0x51: {  	s21 =	smul.u32 $0x140, s29;
	_ =	swait.ge @!p1 [sflag:s10], $0x2800  }
0x52: {  	[sflag:s10] =	ssyncset.done @!p1 $0x0;
	s13 =	rddreg [dreg:$0xb]  }
0x53: {  	[sflag:s10] =	ssyncadd.s32 @!p1 $0xFFFFD800;
	s10 =	sadd.s32 s21, s13  }
0x54: {  	[tilespmem:s5], [sflag:$0x2] =	stream.indirect.gather [hbm4b:s1+s25], $0x80, s14, s25, $0xb8;
	[tilespmem:$0x1DC80] =	vst v63  }
0x55: {  	s23 =	simm.s32 $0x7800;
	s10 =	sshll.u32 s10, $0x4  }
0x56: {  	s26 =	simm.s32 $0x0;
	s13 =	simm.s32 $0x0;
	s10 =	sadd.s32 s6, s10  }
0x57: {  	[tilespmem:s23], [sflag:$0x4] =	stream.linear.gather [hbm4b:s10+s26], $0x2800, $0x38;
	[tilespmem:$0x1DC80] =	vst v63  }
0x58: {  	v8 =	vld [tilespmem:s13+$0x5000]  }
0x59: {  	v9 =	vld [tilespmem:s13+$0x5010]  }
0x5a: {  	v10 =	vld [tilespmem:s13+$0x5020]  }
0x5b: {  	v11 =	vld [tilespmem:s13+$0x5030]  }
0x5c: {  	v12 =	vld [tilespmem:s13+$0x5040]  }
0x5d: {  	v13 =	vld [tilespmem:s13+$0x5050]  }
0x5e: {  	v14 =	vld [tilespmem:s13+$0x5060]  }
0x5f: {  	v15 =	vld [tilespmem:s13+$0x5070]  }
0x60: {  	v16 =	vld [tilespmem:s13+$0x5080]  }
0x61: {  	v17 =	vld [tilespmem:s13+$0x5090]  }
0x62: {  	v18 =	vld [tilespmem:s13+$0x50A0]  }
0x63: {  	v19 =	vld [tilespmem:s13+$0x50B0]  }
0x64: {  	v20 =	vld [tilespmem:s13+$0x50C0]  }
0x65: {  	v21 =	vld [tilespmem:s13+$0x50D0]  }
0x66: {  	v22 =	vld [tilespmem:s13+$0x50E0]  }
0x67: {  	v23 =	vld [tilespmem:s13+$0x50F0]  }
0x68: {  	v24 =	vld [tilespmem:s13+$0x5100]  }
0x69: {  	v25 =	vld [tilespmem:s13+$0x5110]  }
0x6a: {  	v26 =	vld [tilespmem:s13+$0x5120]  }
0x6b: {  	v33 =	vld [tilespmem:s13+$0x0]  }
0x6c: {  	v34 =	vld [tilespmem:s13+$0x10]  }
0x6d: {  	v27 =	vld [tilespmem:s13+$0x5130]  }
0x6e: {  	v35 =	vld [tilespmem:s13+$0x20]  }
0x6f: {  	v28 =	vld [tilespmem:s13+$0x5140]  }
0x70: {  	v36 =	vld [tilespmem:s13+$0x30];
	v8 =	vmul.f32 v8, v33  }
0x71: {  	v37 =	vld [tilespmem:s13+$0x40];
	v9 =	vmul.f32 v9, v34  }
0x72: {  	v29 =	vld [tilespmem:s13+$0x5150];
	v60 =	vmul.f32 $1.000000010e-01, v8  }
0x73: {  	v59 =	vld [tilespmem:s13+$0x50];
	v10 =	vmul.f32 v10, v35;
	v61 =	vmul.f32 $1.000000010e-01, v9  }
0x74: {  	v30 =	vld [tilespmem:s13+$0x5160];
	v8 =	vmax.f32 v8, v60  }
0x75: {  	v38 =	vld [tilespmem:s13+$0x60];
	v9 =	vmax.f32 v9, v61;
	[tilespmem:s13+$0x0] =	vst v8;
	v8 =	vmul.f32 v11, v36;
	v11 =	vmul.f32 $1.000000010e-01, v10  }
0x76: {  	v39 =	vld [tilespmem:s13+$0x70];
	[tilespmem:s13+$0x10] =	vst v9;
	v9 =	vmul.f32 v12, v37  }
0x77: {  	v31 =	vld [tilespmem:s13+$0x5170];
	v12 =	vmul.f32 $1.000000010e-01, v8;
	v10 =	vmax.f32 v10, v11  }
0x78: {  	v40 =	vld [tilespmem:s13+$0x80];
	[tilespmem:s13+$0x20] =	vst v10;
	v10 =	vmul.f32 v13, v59;
	v13 =	vmul.f32 $1.000000010e-01, v9  }
0x79: {  	v32 =	vld [tilespmem:s13+$0x5180];
	v8 =	vmax.f32 v8, v12  }
0x7a: {  	v62 =	vld [tilespmem:s13+$0x90];
	[tilespmem:s13+$0x30] =	vst v8;
	v8 =	vmul.f32 v14, v38;
	v14 =	vmul.f32 $1.000000010e-01, v10;
	v9 =	vmax.f32 v9, v13  }
0x7b: {  	v63 =	vld [tilespmem:s13+$0xA0];
	[tilespmem:s13+$0x40] =	vst v9;
	v9 =	vmul.f32 v15, v39  }
0x7c: {  	v7 =	vld [tilespmem:s13+$0x5190];
	v15 =	vmul.f32 $1.000000010e-01, v8;
	v10 =	vmax.f32 v10, v14  }
0x7d: {  	v11 =	vld [tilespmem:s13+$0xB0];
	[tilespmem:s13+$0x50] =	vst v10;
	v10 =	vmul.f32 v16, v40;
	v16 =	vmul.f32 $1.000000010e-01, v9  }
0x7e: {  	v6 =	vld [tilespmem:s13+$0x51A0];
	v8 =	vmax.f32 v8, v15  }
0x7f: {  	v12 =	vld [tilespmem:s13+$0xC0];
	[tilespmem:s13+$0x60] =	vst v8;
	v8 =	vmul.f32 v17, v62;
	v17 =	vmul.f32 $1.000000010e-01, v10;
	v9 =	vmax.f32 v9, v16  }
0x80: {  	v13 =	vld [tilespmem:s13+$0xD0];
	[tilespmem:s13+$0x70] =	vst v9;
	v9 =	vmul.f32 v18, v63  }
0x81: {  	v5 =	vld [tilespmem:s13+$0x51B0];
	v18 =	vmul.f32 $1.000000010e-01, v8;
	v10 =	vmax.f32 v10, v17  }
0x82: {  	v14 =	vld [tilespmem:s13+$0xE0];
	[tilespmem:s13+$0x80] =	vst v10;
	v10 =	vmul.f32 v19, v11;
	v11 =	vmul.f32 $1.000000010e-01, v9  }
0x83: {  	v4 =	vld [tilespmem:s13+$0x51C0];
	v8 =	vmax.f32 v8, v18  }
0x84: {  	v15 =	vld [tilespmem:s13+$0xF0];
	[tilespmem:s13+$0x90] =	vst v8;
	v8 =	vmul.f32 v20, v12;
	v12 =	vmul.f32 $1.000000010e-01, v10;
	v9 =	vmax.f32 v9, v11  }
0x85: {  	v16 =	vld [tilespmem:s13+$0x100];
	[tilespmem:s13+$0xA0] =	vst v9;
	v9 =	vmul.f32 v21, v13  }
0x86: {  	v3 =	vld [tilespmem:s13+$0x51D0];
	v13 =	vmul.f32 $1.000000010e-01, v8;
	v10 =	vmax.f32 v10, v12  }
0x87: {  	v2 =	vld [tilespmem:s13+$0x51E0];
	[tilespmem:s13+$0xB0] =	vst v10;
	v10 =	vmul.f32 v22, v14;
	v14 =	vmul.f32 $1.000000010e-01, v9  }
0x88: {  	v17 =	vld [tilespmem:s13+$0x110];
	v8 =	vmax.f32 v8, v13  }
0x89: {  	v18 =	vld [tilespmem:s13+$0x120];
	[tilespmem:s13+$0xC0] =	vst v8;
	v8 =	vmul.f32 v23, v15;
	v9 =	vmax.f32 v9, v14  }
0x8a: {  	v11 =	vld [tilespmem:s13+$0x130];
	v15 =	vmul.f32 $1.000000010e-01, v10;
	[tilespmem:s13+$0xD0] =	vst v9;
	v9 =	vmul.f32 v24, v16  }
0x8b: {  	v1 =	vld [tilespmem:s13+$0x51F0];
	v16 =	vmul.f32 $1.000000010e-01, v8  }
0x8c: {  	v12 =	vld [tilespmem:s13+$0x140];
	v10 =	vmax.f32 v10, v15;
	v15 =	vmul.f32 $1.000000010e-01, v9  }
0x8d: {  	v13 =	vld [tilespmem:s13+$0x150];
	[tilespmem:s13+$0xE0] =	vst v10;
	v10 =	vmul.f32 v25, v17;
	v8 =	vmax.f32 v8, v16  }
0x8e: {  	v14 =	vld [tilespmem:s13+$0x160];
	[tilespmem:s13+$0xF0] =	vst v8;
	v8 =	vmul.f32 v26, v18;
	v9 =	vmax.f32 v9, v15  }
0x8f: {  	v19 =	vld [tilespmem:s13+$0x170];
	v17 =	vmul.f32 $1.000000010e-01, v10;
	[tilespmem:s13+$0x100] =	vst v9;
	v9 =	vmul.f32 v27, v11  }
0x90: {  	v16 =	vld [tilespmem:s13+$0x180];
	v15 =	vmul.f32 $1.000000010e-01, v8  }
0x91: {  	v20 =	vld [tilespmem:s13+$0x190];
	v12 =	vmul.f32 v28, v12;
	v10 =	vmax.f32 v10, v17;
	v17 =	vmul.f32 $1.000000010e-01, v9  }
0x92: {  	v18 =	vmul.f32 v29, v13;
	v11 =	vld [tilespmem:s13+$0x1A0];
	[tilespmem:s13+$0x110] =	vst v10;
	v8 =	vmax.f32 v8, v15  }
0x93: {  	v10 =	vld [tilespmem:s13+$0x1B0];
	v15 =	vmul.f32 v30, v14;
	[tilespmem:s13+$0x120] =	vst v8;
	v8 =	vmul.f32 $1.000000010e-01, v12;
	v13 =	vmax.f32 v9, v17  }
0x94: {  	v14 =	vmul.f32 $1.000000010e-01, v18;
	v9 =	vld [tilespmem:s13+$0x1C0];
	[tilespmem:s13+$0x130] =	vst v13;
	v13 =	vmul.f32 v31, v19  }
0x95: {  	v17 =	vmul.f32 $1.000000010e-01, v15;
	v19 =	vmax.f32 v12, v8;
	v8 =	vld [tilespmem:s13+$0x1D0];
	v12 =	vmul.f32 v32, v16  }
0x96: {  	s15 =	simm.s32 $0x800;
	s14 =	sshll.u32 s29, $0x2;
	v18 =	vmax.f32 v18, v14;
	v14 =	vmul.f32 v7, v20;
	v7 =	vld [tilespmem:s13+$0x1E0];
	[tilespmem:s13+$0x140] =	vst v19;
	v16 =	vmul.f32 $1.000000010e-01, v13  }
.LBB2_7:
0x97: {  	s10 =	sshra.s32 s15, $0x2;
	p1 =	sne.s32 s15, $0x9800;
	[tilespmem:s13+$0x150] =	vst v18;
	v15 =	vmax.f32 v15, v17;
	v17 =	vmul.f32 $1.000000010e-01, v12;
	v6 =	vmul.f32 v6, v11;
	v11 =	vld [tilespmem:s13+$0x1F0]  }
0x98: {  	v18 =	vld [tilespmem:s10+$0x5000];
	[tilespmem:s13+$0x160] =	vst v15;
	v13 =	vmax.f32 v13, v16;
	v15 =	vmul.f32 $1.000000010e-01, v14;
	v5 =	vmul.f32 v5, v10  }
0x99: {  	v19 =	vld [tilespmem:s10+$0x5010];
	[tilespmem:s13+$0x170] =	vst v13;
	v10 =	vmax.f32 v12, v17;
	v12 =	vmul.f32 $1.000000010e-01, v6;
	v4 =	vmul.f32 v4, v9  }
0x9a: {  	v17 =	vld [tilespmem:s10+$0x5020];
	[tilespmem:s13+$0x180] =	vst v10;
	v9 =	vmax.f32 v14, v15;
	v10 =	vmul.f32 $1.000000010e-01, v5;
	v3 =	vmul.f32 v3, v8  }
0x9b: {  	v20 =	vld [tilespmem:s10+$0x5030];
	[tilespmem:s13+$0x190] =	vst v9;
	v6 =	vmax.f32 v6, v12;
	v8 =	vmul.f32 $1.000000010e-01, v4;
	v2 =	vmul.f32 v2, v7  }
0x9c: {  	v21 =	vld [tilespmem:s10+$0x5040];
	[tilespmem:s13+$0x1A0] =	vst v6;
	v5 =	vmax.f32 v5, v10;
	v6 =	vmul.f32 $1.000000010e-01, v3;
	v1 =	vmul.f32 v1, v11  }
0x9d: {  	v22 =	vld [tilespmem:s10+$0x5050];
	[tilespmem:s13+$0x1B0] =	vst v5;
	v4 =	vmax.f32 v4, v8;
	v5 =	vmul.f32 $1.000000010e-01, v2  }
0x9e: {  	v23 =	vld [tilespmem:s10+$0x5060];
	[tilespmem:s13+$0x1C0] =	vst v4;
	v3 =	vmax.f32 v3, v6;
	v4 =	vmul.f32 $1.000000010e-01, v1  }
0x9f: {  	v24 =	vld [tilespmem:s10+$0x5070];
	[tilespmem:s13+$0x1D0] =	vst v3;
	v2 =	vmax.f32 v2, v5  }
0xa0: {  	v25 =	vld [tilespmem:s10+$0x5080];
	[tilespmem:s13+$0x1E0] =	vst v2;
	v1 =	vmax.f32 v1, v4  }
0xa1: {  	v26 =	vld [tilespmem:s10+$0x5090];
	[tilespmem:s13+$0x1F0] =	vst v1;
	s13 =	smov.u32 s10  }
0xa2: {  	v27 =	vld [tilespmem:s13+$0x50A0]  }
0xa3: {  	v28 =	vld [tilespmem:s13+$0x50B0]  }
0xa4: {  	v29 =	vld [tilespmem:s13+$0x50C0]  }
0xa5: {  	v30 =	vld [tilespmem:s13+$0x50D0]  }
0xa6: {  	v31 =	vld [tilespmem:s13+$0x50E0]  }
0xa7: {  	v32 =	vld [tilespmem:s13+$0x50F0]  }
0xa8: {  	v16 =	vld [tilespmem:s13+$0x5100]  }
0xa9: {  	v15 =	vld [tilespmem:s13+$0x5110]  }
0xaa: {  	v14 =	vld [tilespmem:s13+$0x5120]  }
0xab: {  	v13 =	vld [tilespmem:s13+$0x5130]  }
0xac: {  	v12 =	vld [tilespmem:s13+$0x5140]  }
0xad: {  	v11 =	vld [tilespmem:s13+$0x5150]  }
0xae: {  	v10 =	vld [tilespmem:s13+$0x5160]  }
0xaf: {  	v9 =	vld [tilespmem:s13+$0x5170]  }
0xb0: {  	v8 =	vld [tilespmem:s13+$0x5180]  }
0xb1: {  	v7 =	vld [tilespmem:s13+$0x5190]  }
0xb2: {  	v6 =	vld [tilespmem:s13+$0x51A0]  }
0xb3: {  	v5 =	vld [tilespmem:s13+$0x51B0]  }
0xb4: {  	v4 =	vld [tilespmem:s13+$0x51C0]  }
0xb5: {  	v3 =	vld [tilespmem:s13+$0x51D0]  }
0xb6: {  	v2 =	vld [tilespmem:s13+$0x51E0]  }
0xb7: {  	v1 =	vld [tilespmem:s13+$0x51F0]  }
0xb8: {  	v33 =	vld [tilespmem:s13+$0x0]  }
0xb9: {  	v34 =	vld [tilespmem:s13+$0x10]  }
0xba: {  	v35 =	vld [tilespmem:s13+$0x20]  }
0xbb: {  	v36 =	vld [tilespmem:s13+$0x30]  }
0xbc: {  	v37 =	vld [tilespmem:s13+$0x40]  }
0xbd: {  	v18 =	vmul.f32 v18, v33;
	v33 =	vld [tilespmem:s13+$0x50]  }
0xbe: {  	v19 =	vmul.f32 v19, v34;
	v34 =	vld [tilespmem:s13+$0x60]  }
0xbf: {  	v38 =	vmul.f32 $1.000000010e-01, v18;
	v17 =	vmul.f32 v17, v35;
	v35 =	vld [tilespmem:s13+$0x70]  }
0xc0: {  	v39 =	vmul.f32 $1.000000010e-01, v19;
	v20 =	vmul.f32 v20, v36;
	v36 =	vld [tilespmem:s13+$0x80]  }
0xc1: {  	v18 =	vmax.f32 v18, v38;
	v38 =	vmul.f32 $1.000000010e-01, v17;
	v21 =	vmul.f32 v21, v37;
	v37 =	vld [tilespmem:s13+$0x90]  }
0xc2: {  	[tilespmem:s13+$0x0] =	vst v18;
	v18 =	vmax.f32 v19, v39;
	v19 =	vmul.f32 $1.000000010e-01, v20;
	v22 =	vmul.f32 v22, v33;
	v33 =	vld [tilespmem:s13+$0xA0]  }
0xc3: {  	[tilespmem:s13+$0x10] =	vst v18;
	v17 =	vmax.f32 v17, v38;
	v18 =	vmul.f32 $1.000000010e-01, v21;
	v23 =	vmul.f32 v23, v34;
	v34 =	vld [tilespmem:s13+$0xB0]  }
0xc4: {  	[tilespmem:s13+$0x20] =	vst v17;
	v17 =	vmax.f32 v20, v19;
	v19 =	vmul.f32 $1.000000010e-01, v22;
	v20 =	vmul.f32 v24, v35;
	v24 =	vld [tilespmem:s13+$0xC0]  }
0xc5: {  	[tilespmem:s13+$0x30] =	vst v17;
	v17 =	vmax.f32 v21, v18;
	v18 =	vmul.f32 $1.000000010e-01, v23;
	v21 =	vmul.f32 v25, v36;
	v25 =	vld [tilespmem:s13+$0xD0]  }
0xc6: {  	[tilespmem:s13+$0x40] =	vst v17;
	v17 =	vmax.f32 v22, v19;
	v19 =	vmul.f32 $1.000000010e-01, v20;
	v22 =	vmul.f32 v26, v37;
	v26 =	vld [tilespmem:s13+$0xE0]  }
0xc7: {  	[tilespmem:s13+$0x50] =	vst v17;
	v17 =	vmax.f32 v23, v18;
	v18 =	vmul.f32 $1.000000010e-01, v21;
	v23 =	vmul.f32 v27, v33;
	v27 =	vld [tilespmem:s13+$0xF0]  }
0xc8: {  	[tilespmem:s13+$0x60] =	vst v17;
	v17 =	vmax.f32 v20, v19;
	v19 =	vmul.f32 $1.000000010e-01, v22;
	v20 =	vmul.f32 v28, v34;
	v28 =	vld [tilespmem:s13+$0x100]  }
0xc9: {  	[tilespmem:s13+$0x70] =	vst v17;
	v17 =	vmax.f32 v21, v18;
	v18 =	vmul.f32 $1.000000010e-01, v23;
	v21 =	vmul.f32 v29, v24;
	v24 =	vld [tilespmem:s13+$0x110]  }
0xca: {  	[tilespmem:s13+$0x80] =	vst v17;
	v17 =	vmax.f32 v22, v19;
	v19 =	vmul.f32 $1.000000010e-01, v20;
	v22 =	vmul.f32 v30, v25;
	v25 =	vld [tilespmem:s13+$0x120]  }
0xcb: {  	[tilespmem:s13+$0x90] =	vst v17;
	v17 =	vmax.f32 v23, v18;
	v18 =	vmul.f32 $1.000000010e-01, v21;
	v23 =	vmul.f32 v31, v26;
	v26 =	vld [tilespmem:s13+$0x130]  }
0xcc: {  	[tilespmem:s13+$0xA0] =	vst v17;
	v17 =	vmax.f32 v20, v19;
	v19 =	vmul.f32 $1.000000010e-01, v22;
	v20 =	vmul.f32 v32, v27;
	v27 =	vld [tilespmem:s13+$0x140]  }
0xcd: {  	[tilespmem:s13+$0xB0] =	vst v17;
	v17 =	vmax.f32 v21, v18;
	v18 =	vmul.f32 $1.000000010e-01, v23;
	v16 =	vmul.f32 v16, v28;
	v21 =	vld [tilespmem:s13+$0x150]  }
0xce: {  	[tilespmem:s13+$0xC0] =	vst v17;
	v17 =	vmax.f32 v22, v19;
	v19 =	vmul.f32 $1.000000010e-01, v20;
	v15 =	vmul.f32 v15, v24;
	v22 =	vld [tilespmem:s13+$0x160]  }
0xcf: {  	[tilespmem:s13+$0xD0] =	vst v17;
	v17 =	vmax.f32 v23, v18;
	v18 =	vmul.f32 $1.000000010e-01, v16;
	v14 =	vmul.f32 v14, v25;
	v23 =	vld [tilespmem:s13+$0x170]  }
0xd0: {  	[tilespmem:s13+$0xE0] =	vst v17;
	v17 =	vmax.f32 v20, v19;
	v19 =	vmul.f32 $1.000000010e-01, v15;
	v13 =	vmul.f32 v13, v26;
	v20 =	vld [tilespmem:s13+$0x180]  }
0xd1: {  	[tilespmem:s13+$0xF0] =	vst v17;
	v16 =	vmax.f32 v16, v18;
	v17 =	vmul.f32 $1.000000010e-01, v14;
	v12 =	vmul.f32 v12, v27;
	v24 =	vld [tilespmem:s13+$0x190]  }
.Ltmp3:
0xd2: {  	[tilespmem:s13+$0x100] =	vst v16;
	v15 =	vmax.f32 v15, v19;
	v16 =	vmul.f32 $1.000000010e-01, v13;
	v18 =	vmul.f32 v11, v21;
	v11 =	vld [tilespmem:s13+$0x1A0];
	(pc) =	sbr.rel @p1 .LBB2_7-.Ltmp3, $4  }
0xd3: {  	[tilespmem:s13+$0x110] =	vst v15;
	v14 =	vmax.f32 v14, v17;
	v17 =	vmul.f32 $1.000000010e-01, v12;
	v15 =	vmul.f32 v10, v22;
	v10 =	vld [tilespmem:s13+$0x1B0]  }
0xd4: {  	[tilespmem:s13+$0x120] =	vst v14;
	v14 =	vmax.f32 v13, v16;
	v16 =	vmul.f32 $1.000000010e-01, v18;
	v13 =	vmul.f32 v9, v23;
	v9 =	vld [tilespmem:s13+$0x1C0]  }
0xd5: {  	[tilespmem:s13+$0x130] =	vst v14;
	v14 =	vmax.f32 v12, v17;
	v17 =	vmul.f32 $1.000000010e-01, v15;
	v12 =	vmul.f32 v8, v20;
	v8 =	vld [tilespmem:s13+$0x1D0]  }
0xd6: {  	s15 =	sadd.s32 $0x800, s15;
	[tilespmem:s13+$0x140] =	vst v14;
	v18 =	vmax.f32 v18, v16;
	v16 =	vmul.f32 $1.000000010e-01, v13;
	v14 =	vmul.f32 v7, v24;
	v7 =	vld [tilespmem:s13+$0x1E0]  }
0xd7: {  	[tilespmem:s13+$0x150] =	vst v18;
	v15 =	vmax.f32 v15, v17;
	v17 =	vmul.f32 $1.000000010e-01, v12;
	v6 =	vmul.f32 v6, v11;
	v11 =	vld [tilespmem:s13+$0x1F0]  }
0xd8: {  	[tilespmem:s13+$0x160] =	vst v15;
	v13 =	vmax.f32 v13, v16;
	v15 =	vmul.f32 $1.000000010e-01, v14;
	v5 =	vmul.f32 v5, v10  }
0xd9: {  	[tilespmem:s13+$0x170] =	vst v13;
	v10 =	vmax.f32 v12, v17;
	v12 =	vmul.f32 $1.000000010e-01, v6;
	v4 =	vmul.f32 v4, v9  }
0xda: {  	[tilespmem:s13+$0x180] =	vst v10;
	v9 =	vmax.f32 v14, v15;
	v10 =	vmul.f32 $1.000000010e-01, v5;
	v3 =	vmul.f32 v3, v8  }
0xdb: {  	[tilespmem:s13+$0x190] =	vst v9;
	v6 =	vmax.f32 v6, v12;
	v8 =	vmul.f32 $1.000000010e-01, v4;
	v2 =	vmul.f32 v2, v7  }
0xdc: {  	[tilespmem:s13+$0x1A0] =	vst v6;
	v5 =	vmax.f32 v5, v10;
	v6 =	vmul.f32 $1.000000010e-01, v3;
	v1 =	vmul.f32 v1, v11  }
0xdd: {  	[tilespmem:s13+$0x1B0] =	vst v5;
	v4 =	vmax.f32 v4, v8;
	v5 =	vmul.f32 $1.000000010e-01, v2  }
0xde: {  	[tilespmem:s13+$0x1C0] =	vst v4;
	v3 =	vmax.f32 v3, v6;
	v4 =	vmul.f32 $1.000000010e-01, v1  }
0xdf: {  	[tilespmem:s13+$0x1D0] =	vst v3;
	v2 =	vmax.f32 v2, v5  }
0xe0: {  	s21 =	sor.u32 $0x2, s14;
	[tilespmem:s13+$0x1E0] =	vst v2;
	v1 =	vmax.f32 v1, v4  }
0xe1: {  	s10 =	simm.s32 $0x0;
	s15 =	sshll.u32 s21, $0x7;
	[tilespmem:s13+$0x1F0] =	vst v1;
	s13 =	sshll.u32 s29, $0x9  }
0xe2: {  	[spmem:s3] =	stream.indirect.scatter.add.f32 [tilespmem:s10], [sflag:$0x5], $0x80, s24, s25, $0xb8;
	[tilespmem:$0x1DC80] =	vst v63  }
0xe3: {  	s26 =	sand.u32 $0x300, s15;
	s15 =	sand.u32 $0x3C00, s13  }
0xe4: {  	s26 =	sor.u32 s26, s15  }
0xe5: {  	s26 =	sor.u32 s12, s26  }
0xe6: {  	s26 =	sshrl.u32 s26, $0x3  }
0xe7: {  	s24 =	simm.s32 $0xA100;
	s23 =	sadd.s32 s2, s26  }
0xe8: {  	[tilespmem:s24], [sflag:$0x9] =	stream.linear.gather [hbm4b:s23+s10], $0x80, $0x38;
	[tilespmem:$0x1DC80] =	vst v63  }
0xe9: {  	s23 =	sadd.s32 s7, s26;
	s26 =	simm.s32 $0xA300  }
0xea: {  	[tilespmem:s26], [sflag:$0x9] =	stream.linear.gather [hbm4b:s23+s10], $0x80, $0x38;
	[tilespmem:$0x1DC80] =	vst v63  }
0xeb: {  	_ =	swait.ge [sflag:s16], $0x2800  }
0xec: {  	[sflag:s16] =	ssyncset.done $0x0  }
0xed: {  	[sflag:s16] =	ssyncadd.s32 $0xFFFFD800  }
0xee: {  	_ =	swait.ge [sflag:s17], $0x2800  }
0xef: {  	[sflag:s17] =	ssyncset.done $0x0  }
0xf0: {  	[sflag:s17] =	ssyncadd.s32 $0xFFFFD800  }
0xf1: {  	_ =	swait.ge [sflag:s19], $0x80  }
0xf2: {  	[sflag:s19] =	ssyncset.done $0x0  }
0xf3: {  	[sflag:s19] =	ssyncadd.s32 $0xFFFFFF80  }
0xf4: {  	_ =	swait.ge [sflag:s19], $0x80  }
0xf5: {  	[sflag:s19] =	ssyncset.done $0x0  }
0xf6: {  	s21 =	smul.u32 $0x50, s21;
	[sflag:s19] =	ssyncadd.s32 $0xFFFFFF80  }
0xf7: {  	_ =	swait.ge [sflag:s11], $0x2800  }
0xf8: {  	s21 =	sadd.s32 s9, s21;
	[sflag:s11] =	ssyncset.done $0x0  }
0xf9: {  	s21 =	sshll.u32 s21, $0x4;
	[sflag:s11] =	ssyncadd.s32 $0xFFFFD800  }
0xfa: {  	[tilespmem:s10], [sflag:$0x1] =	stream.indirect.gather [hbm4b:s1+s25], $0x80, s24, s25, $0xb8;
	[tilespmem:$0x1DC80] =	vst v63  }
0xfb: {  	s21 =	sadd.s32 s6, s21;
	s26 =	simm.s32 $0x5000  }
0xfc: {  	[tilespmem:s26], [sflag:$0x3] =	stream.linear.gather [hbm4b:s21+s10], $0x2800, $0x38;
	[tilespmem:$0x1DC80] =	vst v63  }
0xfd: {  	s21 =	simm.s32 $0x0  }
0xfe: {  	v8 =	vld [tilespmem:s21+$0x7800]  }
0xff: {  	v9 =	vld [tilespmem:s21+$0x7810]  }
0x100: {  	v10 =	vld [tilespmem:s21+$0x7820]  }
0x101: {  	v11 =	vld [tilespmem:s21+$0x7830]  }
0x102: {  	v12 =	vld [tilespmem:s21+$0x7840]  }
0x103: {  	v13 =	vld [tilespmem:s21+$0x7850]  }
0x104: {  	v14 =	vld [tilespmem:s21+$0x7860]  }
0x105: {  	v15 =	vld [tilespmem:s21+$0x7870]  }
0x106: {  	v16 =	vld [tilespmem:s21+$0x7880]  }
0x107: {  	v17 =	vld [tilespmem:s21+$0x7890]  }
0x108: {  	v18 =	vld [tilespmem:s21+$0x78A0]  }
0x109: {  	v19 =	vld [tilespmem:s21+$0x78B0]  }
0x10a: {  	v20 =	vld [tilespmem:s21+$0x78C0]  }
0x10b: {  	v21 =	vld [tilespmem:s21+$0x78D0]  }
0x10c: {  	v22 =	vld [tilespmem:s21+$0x78E0]  }
0x10d: {  	v23 =	vld [tilespmem:s21+$0x78F0]  }
0x10e: {  	v24 =	vld [tilespmem:s21+$0x7900]  }
0x10f: {  	v25 =	vld [tilespmem:s21+$0x7910]  }
0x110: {  	v26 =	vld [tilespmem:s21+$0x7920]  }
0x111: {  	v33 =	vld [tilespmem:s21+$0x2800]  }
0x112: {  	v34 =	vld [tilespmem:s21+$0x2810]  }
0x113: {  	v27 =	vld [tilespmem:s21+$0x7930]  }
0x114: {  	v35 =	vld [tilespmem:s21+$0x2820]  }
0x115: {  	v28 =	vld [tilespmem:s21+$0x7940]  }
0x116: {  	v36 =	vld [tilespmem:s21+$0x2830];
	v8 =	vmul.f32 v8, v33  }
0x117: {  	v37 =	vld [tilespmem:s21+$0x2840];
	v9 =	vmul.f32 v9, v34  }
0x118: {  	v29 =	vld [tilespmem:s21+$0x7950];
	v60 =	vmul.f32 $1.000000010e-01, v8  }
0x119: {  	v59 =	vld [tilespmem:s21+$0x2850];
	v10 =	vmul.f32 v10, v35;
	v61 =	vmul.f32 $1.000000010e-01, v9  }
0x11a: {  	v30 =	vld [tilespmem:s21+$0x7960];
	v8 =	vmax.f32 v8, v60  }
0x11b: {  	v38 =	vld [tilespmem:s21+$0x2860];
	v9 =	vmax.f32 v9, v61;
	[tilespmem:s21+$0x2800] =	vst v8;
	v8 =	vmul.f32 v11, v36;
	v11 =	vmul.f32 $1.000000010e-01, v10  }
0x11c: {  	v39 =	vld [tilespmem:s21+$0x2870];
	[tilespmem:s21+$0x2810] =	vst v9;
	v9 =	vmul.f32 v12, v37  }
0x11d: {  	v31 =	vld [tilespmem:s21+$0x7970];
	v12 =	vmul.f32 $1.000000010e-01, v8;
	v10 =	vmax.f32 v10, v11  }
0x11e: {  	v40 =	vld [tilespmem:s21+$0x2880];
	[tilespmem:s21+$0x2820] =	vst v10;
	v10 =	vmul.f32 v13, v59;
	v13 =	vmul.f32 $1.000000010e-01, v9  }
0x11f: {  	v32 =	vld [tilespmem:s21+$0x7980];
	v8 =	vmax.f32 v8, v12  }
0x120: {  	v62 =	vld [tilespmem:s21+$0x2890];
	[tilespmem:s21+$0x2830] =	vst v8;
	v8 =	vmul.f32 v14, v38;
	v14 =	vmul.f32 $1.000000010e-01, v10;
	v9 =	vmax.f32 v9, v13  }
0x121: {  	v63 =	vld [tilespmem:s21+$0x28A0];
	[tilespmem:s21+$0x2840] =	vst v9;
	v9 =	vmul.f32 v15, v39  }
0x122: {  	v7 =	vld [tilespmem:s21+$0x7990];
	v15 =	vmul.f32 $1.000000010e-01, v8;
	v10 =	vmax.f32 v10, v14  }
0x123: {  	v11 =	vld [tilespmem:s21+$0x28B0];
	[tilespmem:s21+$0x2850] =	vst v10;
	v10 =	vmul.f32 v16, v40;
	v16 =	vmul.f32 $1.000000010e-01, v9  }
0x124: {  	v6 =	vld [tilespmem:s21+$0x79A0];
	v8 =	vmax.f32 v8, v15  }
0x125: {  	v12 =	vld [tilespmem:s21+$0x28C0];
	[tilespmem:s21+$0x2860] =	vst v8;
	v8 =	vmul.f32 v17, v62;
	v17 =	vmul.f32 $1.000000010e-01, v10;
	v9 =	vmax.f32 v9, v16  }
0x126: {  	v13 =	vld [tilespmem:s21+$0x28D0];
	[tilespmem:s21+$0x2870] =	vst v9;
	v9 =	vmul.f32 v18, v63  }
0x127: {  	v5 =	vld [tilespmem:s21+$0x79B0];
	v18 =	vmul.f32 $1.000000010e-01, v8;
	v10 =	vmax.f32 v10, v17  }
0x128: {  	v14 =	vld [tilespmem:s21+$0x28E0];
	[tilespmem:s21+$0x2880] =	vst v10;
	v10 =	vmul.f32 v19, v11;
	v11 =	vmul.f32 $1.000000010e-01, v9  }
0x129: {  	v4 =	vld [tilespmem:s21+$0x79C0];
	v8 =	vmax.f32 v8, v18  }
0x12a: {  	v15 =	vld [tilespmem:s21+$0x28F0];
	[tilespmem:s21+$0x2890] =	vst v8;
	v8 =	vmul.f32 v20, v12;
	v12 =	vmul.f32 $1.000000010e-01, v10;
	v9 =	vmax.f32 v9, v11  }
0x12b: {  	v16 =	vld [tilespmem:s21+$0x2900];
	[tilespmem:s21+$0x28A0] =	vst v9;
	v9 =	vmul.f32 v21, v13  }
0x12c: {  	v3 =	vld [tilespmem:s21+$0x79D0];
	v13 =	vmul.f32 $1.000000010e-01, v8;
	v10 =	vmax.f32 v10, v12  }
0x12d: {  	v2 =	vld [tilespmem:s21+$0x79E0];
	[tilespmem:s21+$0x28B0] =	vst v10;
	v10 =	vmul.f32 v22, v14;
	v14 =	vmul.f32 $1.000000010e-01, v9  }
0x12e: {  	v17 =	vld [tilespmem:s21+$0x2910];
	v8 =	vmax.f32 v8, v13  }
0x12f: {  	v18 =	vld [tilespmem:s21+$0x2920];
	[tilespmem:s21+$0x28C0] =	vst v8;
	v8 =	vmul.f32 v23, v15;
	v9 =	vmax.f32 v9, v14  }
0x130: {  	v11 =	vld [tilespmem:s21+$0x2930];
	v15 =	vmul.f32 $1.000000010e-01, v10;
	[tilespmem:s21+$0x28D0] =	vst v9;
	v9 =	vmul.f32 v24, v16  }
0x131: {  	v1 =	vld [tilespmem:s21+$0x79F0];
	v16 =	vmul.f32 $1.000000010e-01, v8  }
0x132: {  	v12 =	vld [tilespmem:s21+$0x2940];
	v10 =	vmax.f32 v10, v15;
	v15 =	vmul.f32 $1.000000010e-01, v9  }
0x133: {  	v13 =	vld [tilespmem:s21+$0x2950];
	[tilespmem:s21+$0x28E0] =	vst v10;
	v10 =	vmul.f32 v25, v17;
	v8 =	vmax.f32 v8, v16  }
0x134: {  	v14 =	vld [tilespmem:s21+$0x2960];
	[tilespmem:s21+$0x28F0] =	vst v8;
	v8 =	vmul.f32 v26, v18;
	v9 =	vmax.f32 v9, v15  }
0x135: {  	v19 =	vld [tilespmem:s21+$0x2970];
	v17 =	vmul.f32 $1.000000010e-01, v10;
	[tilespmem:s21+$0x2900] =	vst v9;
	v9 =	vmul.f32 v27, v11  }
0x136: {  	v16 =	vld [tilespmem:s21+$0x2980];
	v15 =	vmul.f32 $1.000000010e-01, v8  }
0x137: {  	v20 =	vld [tilespmem:s21+$0x2990];
	v12 =	vmul.f32 v28, v12;
	v10 =	vmax.f32 v10, v17;
	v17 =	vmul.f32 $1.000000010e-01, v9  }
0x138: {  	v18 =	vmul.f32 v29, v13;
	v11 =	vld [tilespmem:s21+$0x29A0];
	[tilespmem:s21+$0x2910] =	vst v10;
	v8 =	vmax.f32 v8, v15  }
0x139: {  	v10 =	vld [tilespmem:s21+$0x29B0];
	v15 =	vmul.f32 v30, v14;
	[tilespmem:s21+$0x2920] =	vst v8;
	v8 =	vmul.f32 $1.000000010e-01, v12;
	v13 =	vmax.f32 v9, v17  }
0x13a: {  	v14 =	vmul.f32 $1.000000010e-01, v18;
	v9 =	vld [tilespmem:s21+$0x29C0];
	[tilespmem:s21+$0x2930] =	vst v13;
	v13 =	vmul.f32 v31, v19  }
0x13b: {  	v17 =	vmul.f32 $1.000000010e-01, v15;
	v19 =	vmax.f32 v12, v8;
	v8 =	vld [tilespmem:s21+$0x29D0];
	v12 =	vmul.f32 v32, v16  }
0x13c: {  	s10 =	simm.s32 $0x800;
	v18 =	vmax.f32 v18, v14;
	v14 =	vmul.f32 v7, v20;
	v7 =	vld [tilespmem:s21+$0x29E0];
	[tilespmem:s21+$0x2940] =	vst v19;
	v16 =	vmul.f32 $1.000000010e-01, v13  }
.LBB2_9:
0x13d: {  	s23 =	sshra.s32 s10, $0x2;
	p1 =	sne.s32 s10, $0x9800;
	[tilespmem:s21+$0x2950] =	vst v18;
	v15 =	vmax.f32 v15, v17;
	v17 =	vmul.f32 $1.000000010e-01, v12;
	v6 =	vmul.f32 v6, v11;
	v11 =	vld [tilespmem:s21+$0x29F0]  }
0x13e: {  	v18 =	vld [tilespmem:s23+$0x7800];
	[tilespmem:s21+$0x2960] =	vst v15;
	v13 =	vmax.f32 v13, v16;
	v15 =	vmul.f32 $1.000000010e-01, v14;
	v5 =	vmul.f32 v5, v10  }
0x13f: {  	v19 =	vld [tilespmem:s23+$0x7810];
	[tilespmem:s21+$0x2970] =	vst v13;
	v10 =	vmax.f32 v12, v17;
	v12 =	vmul.f32 $1.000000010e-01, v6;
	v4 =	vmul.f32 v4, v9  }
0x140: {  	v17 =	vld [tilespmem:s23+$0x7820];
	[tilespmem:s21+$0x2980] =	vst v10;
	v9 =	vmax.f32 v14, v15;
	v10 =	vmul.f32 $1.000000010e-01, v5;
	v3 =	vmul.f32 v3, v8  }
0x141: {  	v20 =	vld [tilespmem:s23+$0x7830];
	[tilespmem:s21+$0x2990] =	vst v9;
	v6 =	vmax.f32 v6, v12;
	v8 =	vmul.f32 $1.000000010e-01, v4;
	v2 =	vmul.f32 v2, v7  }
0x142: {  	v21 =	vld [tilespmem:s23+$0x7840];
	[tilespmem:s21+$0x29A0] =	vst v6;
	v5 =	vmax.f32 v5, v10;
	v6 =	vmul.f32 $1.000000010e-01, v3;
	v1 =	vmul.f32 v1, v11  }
0x143: {  	v22 =	vld [tilespmem:s23+$0x7850];
	[tilespmem:s21+$0x29B0] =	vst v5;
	v4 =	vmax.f32 v4, v8;
	v5 =	vmul.f32 $1.000000010e-01, v2  }
0x144: {  	v23 =	vld [tilespmem:s23+$0x7860];
	[tilespmem:s21+$0x29C0] =	vst v4;
	v3 =	vmax.f32 v3, v6;
	v4 =	vmul.f32 $1.000000010e-01, v1  }
0x145: {  	v24 =	vld [tilespmem:s23+$0x7870];
	[tilespmem:s21+$0x29D0] =	vst v3;
	v2 =	vmax.f32 v2, v5  }
0x146: {  	v25 =	vld [tilespmem:s23+$0x7880];
	[tilespmem:s21+$0x29E0] =	vst v2;
	v1 =	vmax.f32 v1, v4  }
0x147: {  	v26 =	vld [tilespmem:s23+$0x7890];
	[tilespmem:s21+$0x29F0] =	vst v1;
	s21 =	smov.u32 s23  }
0x148: {  	v27 =	vld [tilespmem:s21+$0x78A0]  }
0x149: {  	v28 =	vld [tilespmem:s21+$0x78B0]  }
0x14a: {  	v29 =	vld [tilespmem:s21+$0x78C0]  }
0x14b: {  	v30 =	vld [tilespmem:s21+$0x78D0]  }
0x14c: {  	v31 =	vld [tilespmem:s21+$0x78E0]  }
0x14d: {  	v32 =	vld [tilespmem:s21+$0x78F0]  }
0x14e: {  	v16 =	vld [tilespmem:s21+$0x7900]  }
0x14f: {  	v15 =	vld [tilespmem:s21+$0x7910]  }
0x150: {  	v14 =	vld [tilespmem:s21+$0x7920]  }
0x151: {  	v13 =	vld [tilespmem:s21+$0x7930]  }
0x152: {  	v12 =	vld [tilespmem:s21+$0x7940]  }
0x153: {  	v11 =	vld [tilespmem:s21+$0x7950]  }
0x154: {  	v10 =	vld [tilespmem:s21+$0x7960]  }
0x155: {  	v9 =	vld [tilespmem:s21+$0x7970]  }
0x156: {  	v8 =	vld [tilespmem:s21+$0x7980]  }
0x157: {  	v7 =	vld [tilespmem:s21+$0x7990]  }
0x158: {  	v6 =	vld [tilespmem:s21+$0x79A0]  }
0x159: {  	v5 =	vld [tilespmem:s21+$0x79B0]  }
0x15a: {  	v4 =	vld [tilespmem:s21+$0x79C0]  }
0x15b: {  	v3 =	vld [tilespmem:s21+$0x79D0]  }
0x15c: {  	v2 =	vld [tilespmem:s21+$0x79E0]  }
0x15d: {  	v1 =	vld [tilespmem:s21+$0x79F0]  }
0x15e: {  	v33 =	vld [tilespmem:s21+$0x2800]  }
0x15f: {  	v34 =	vld [tilespmem:s21+$0x2810]  }
0x160: {  	v35 =	vld [tilespmem:s21+$0x2820]  }
0x161: {  	v36 =	vld [tilespmem:s21+$0x2830]  }
0x162: {  	v37 =	vld [tilespmem:s21+$0x2840]  }
0x163: {  	v18 =	vmul.f32 v18, v33;
	v33 =	vld [tilespmem:s21+$0x2850]  }
0x164: {  	v19 =	vmul.f32 v19, v34;
	v34 =	vld [tilespmem:s21+$0x2860]  }
0x165: {  	v38 =	vmul.f32 $1.000000010e-01, v18;
	v17 =	vmul.f32 v17, v35;
	v35 =	vld [tilespmem:s21+$0x2870]  }
0x166: {  	v39 =	vmul.f32 $1.000000010e-01, v19;
	v20 =	vmul.f32 v20, v36;
	v36 =	vld [tilespmem:s21+$0x2880]  }
0x167: {  	v18 =	vmax.f32 v18, v38;
	v38 =	vmul.f32 $1.000000010e-01, v17;
	v21 =	vmul.f32 v21, v37;
	v37 =	vld [tilespmem:s21+$0x2890]  }
0x168: {  	[tilespmem:s21+$0x2800] =	vst v18;
	v18 =	vmax.f32 v19, v39;
	v19 =	vmul.f32 $1.000000010e-01, v20;
	v22 =	vmul.f32 v22, v33;
	v33 =	vld [tilespmem:s21+$0x28A0]  }
0x169: {  	[tilespmem:s21+$0x2810] =	vst v18;
	v17 =	vmax.f32 v17, v38;
	v18 =	vmul.f32 $1.000000010e-01, v21;
	v23 =	vmul.f32 v23, v34;
	v34 =	vld [tilespmem:s21+$0x28B0]  }
0x16a: {  	[tilespmem:s21+$0x2820] =	vst v17;
	v17 =	vmax.f32 v20, v19;
	v19 =	vmul.f32 $1.000000010e-01, v22;
	v20 =	vmul.f32 v24, v35;
	v24 =	vld [tilespmem:s21+$0x28C0]  }
0x16b: {  	[tilespmem:s21+$0x2830] =	vst v17;
	v17 =	vmax.f32 v21, v18;
	v18 =	vmul.f32 $1.000000010e-01, v23;
	v21 =	vmul.f32 v25, v36;
	v25 =	vld [tilespmem:s21+$0x28D0]  }
0x16c: {  	[tilespmem:s21+$0x2840] =	vst v17;
	v17 =	vmax.f32 v22, v19;
	v19 =	vmul.f32 $1.000000010e-01, v20;
	v22 =	vmul.f32 v26, v37;
	v26 =	vld [tilespmem:s21+$0x28E0]  }
0x16d: {  	[tilespmem:s21+$0x2850] =	vst v17;
	v17 =	vmax.f32 v23, v18;
	v18 =	vmul.f32 $1.000000010e-01, v21;
	v23 =	vmul.f32 v27, v33;
	v27 =	vld [tilespmem:s21+$0x28F0]  }
0x16e: {  	[tilespmem:s21+$0x2860] =	vst v17;
	v17 =	vmax.f32 v20, v19;
	v19 =	vmul.f32 $1.000000010e-01, v22;
	v20 =	vmul.f32 v28, v34;
	v28 =	vld [tilespmem:s21+$0x2900]  }
0x16f: {  	[tilespmem:s21+$0x2870] =	vst v17;
	v17 =	vmax.f32 v21, v18;
	v18 =	vmul.f32 $1.000000010e-01, v23;
	v21 =	vmul.f32 v29, v24;
	v24 =	vld [tilespmem:s21+$0x2910]  }
0x170: {  	[tilespmem:s21+$0x2880] =	vst v17;
	v17 =	vmax.f32 v22, v19;
	v19 =	vmul.f32 $1.000000010e-01, v20;
	v22 =	vmul.f32 v30, v25;
	v25 =	vld [tilespmem:s21+$0x2920]  }
0x171: {  	[tilespmem:s21+$0x2890] =	vst v17;
	v17 =	vmax.f32 v23, v18;
	v18 =	vmul.f32 $1.000000010e-01, v21;
	v23 =	vmul.f32 v31, v26;
	v26 =	vld [tilespmem:s21+$0x2930]  }
0x172: {  	[tilespmem:s21+$0x28A0] =	vst v17;
	v17 =	vmax.f32 v20, v19;
	v19 =	vmul.f32 $1.000000010e-01, v22;
	v20 =	vmul.f32 v32, v27;
	v27 =	vld [tilespmem:s21+$0x2940]  }
0x173: {  	[tilespmem:s21+$0x28B0] =	vst v17;
	v17 =	vmax.f32 v21, v18;
	v18 =	vmul.f32 $1.000000010e-01, v23;
	v16 =	vmul.f32 v16, v28;
	v21 =	vld [tilespmem:s21+$0x2950]  }
0x174: {  	[tilespmem:s21+$0x28C0] =	vst v17;
	v17 =	vmax.f32 v22, v19;
	v19 =	vmul.f32 $1.000000010e-01, v20;
	v15 =	vmul.f32 v15, v24;
	v22 =	vld [tilespmem:s21+$0x2960]  }
0x175: {  	[tilespmem:s21+$0x28D0] =	vst v17;
	v17 =	vmax.f32 v23, v18;
	v18 =	vmul.f32 $1.000000010e-01, v16;
	v14 =	vmul.f32 v14, v25;
	v23 =	vld [tilespmem:s21+$0x2970]  }
0x176: {  	[tilespmem:s21+$0x28E0] =	vst v17;
	v17 =	vmax.f32 v20, v19;
	v19 =	vmul.f32 $1.000000010e-01, v15;
	v13 =	vmul.f32 v13, v26;
	v20 =	vld [tilespmem:s21+$0x2980]  }
0x177: {  	[tilespmem:s21+$0x28F0] =	vst v17;
	v16 =	vmax.f32 v16, v18;
	v17 =	vmul.f32 $1.000000010e-01, v14;
	v12 =	vmul.f32 v12, v27;
	v24 =	vld [tilespmem:s21+$0x2990]  }
.Ltmp4:
0x178: {  	[tilespmem:s21+$0x2900] =	vst v16;
	v15 =	vmax.f32 v15, v19;
	v16 =	vmul.f32 $1.000000010e-01, v13;
	v18 =	vmul.f32 v11, v21;
	v11 =	vld [tilespmem:s21+$0x29A0];
	(pc) =	sbr.rel @p1 .LBB2_9-.Ltmp4, $4  }
0x179: {  	[tilespmem:s21+$0x2910] =	vst v15;
	v14 =	vmax.f32 v14, v17;
	v17 =	vmul.f32 $1.000000010e-01, v12;
	v15 =	vmul.f32 v10, v22;
	v10 =	vld [tilespmem:s21+$0x29B0]  }
0x17a: {  	[tilespmem:s21+$0x2920] =	vst v14;
	v14 =	vmax.f32 v13, v16;
	v16 =	vmul.f32 $1.000000010e-01, v18;
	v13 =	vmul.f32 v9, v23;
	v9 =	vld [tilespmem:s21+$0x29C0]  }
0x17b: {  	[tilespmem:s21+$0x2930] =	vst v14;
	v14 =	vmax.f32 v12, v17;
	v17 =	vmul.f32 $1.000000010e-01, v15;
	v12 =	vmul.f32 v8, v20;
	v8 =	vld [tilespmem:s21+$0x29D0]  }
0x17c: {  	s10 =	sadd.s32 $0x800, s10;
	[tilespmem:s21+$0x2940] =	vst v14;
	v18 =	vmax.f32 v18, v16;
	v16 =	vmul.f32 $1.000000010e-01, v13;
	v14 =	vmul.f32 v7, v24;
	v7 =	vld [tilespmem:s21+$0x29E0]  }
0x17d: {  	[tilespmem:s21+$0x2950] =	vst v18;
	v15 =	vmax.f32 v15, v17;
	v17 =	vmul.f32 $1.000000010e-01, v12;
	v6 =	vmul.f32 v6, v11;
	v11 =	vld [tilespmem:s21+$0x29F0]  }
0x17e: {  	[tilespmem:s21+$0x2960] =	vst v15;
	v13 =	vmax.f32 v13, v16;
	v15 =	vmul.f32 $1.000000010e-01, v14;
	v5 =	vmul.f32 v5, v10  }
0x17f: {  	[tilespmem:s21+$0x2970] =	vst v13;
	v10 =	vmax.f32 v12, v17;
	v12 =	vmul.f32 $1.000000010e-01, v6;
	v4 =	vmul.f32 v4, v9  }
0x180: {  	[tilespmem:s21+$0x2980] =	vst v10;
	v9 =	vmax.f32 v14, v15;
	v10 =	vmul.f32 $1.000000010e-01, v5;
	v3 =	vmul.f32 v3, v8  }
0x181: {  	[tilespmem:s21+$0x2990] =	vst v9;
	v6 =	vmax.f32 v6, v12;
	v8 =	vmul.f32 $1.000000010e-01, v4;
	v2 =	vmul.f32 v2, v7  }
0x182: {  	[tilespmem:s21+$0x29A0] =	vst v6;
	v5 =	vmax.f32 v5, v10;
	v6 =	vmul.f32 $1.000000010e-01, v3;
	v1 =	vmul.f32 v1, v11  }
0x183: {  	[tilespmem:s21+$0x29B0] =	vst v5;
	v4 =	vmax.f32 v4, v8;
	v5 =	vmul.f32 $1.000000010e-01, v2  }
0x184: {  	[tilespmem:s21+$0x29C0] =	vst v4;
	v3 =	vmax.f32 v3, v6;
	v4 =	vmul.f32 $1.000000010e-01, v1  }
0x185: {  	[tilespmem:s21+$0x29D0] =	vst v3;
	v2 =	vmax.f32 v2, v5  }
0x186: {  	[tilespmem:s21+$0x29E0] =	vst v2;
	v1 =	vmax.f32 v1, v4  }
0x187: {  	s10 =	simm.s32 $0xA280;
	[tilespmem:s21+$0x29F0] =	vst v1  }
0x188: {  	[spmem:s3] =	stream.indirect.scatter.add.f32 [tilespmem:s5], [sflag:$0x6], $0x80, s10, s25, $0xb8;
	[tilespmem:$0x1DC80] =	vst v63  }
0x189: {  	s10 =	sor.u32 $0x3, s14  }
0x18a: {  	s24 =	sshll.u32 s10, $0x7  }
0x18b: {  	s21 =	sand.u32 $0x380, s24  }
0x18c: {  	s15 =	sor.u32 s21, s15  }
0x18d: {  	s15 =	sor.u32 s12, s15  }
0x18e: {  	s15 =	sshrl.u32 s15, $0x3  }
0x18f: {  	s23 =	simm.s32 $0x0;
	s24 =	simm.s32 $0xA180;
	s26 =	sadd.s32 s2, s15  }
0x190: {  	[tilespmem:s24], [sflag:$0xA] =	stream.linear.gather [hbm4b:s26+s23], $0x80, $0x38;
	[tilespmem:$0x1DC80] =	vst v63  }
0x191: {  	s15 =	sadd.s32 s7, s15;
	s26 =	simm.s32 $0xA380  }
0x192: {  	[tilespmem:s26], [sflag:$0xA] =	stream.linear.gather [hbm4b:s15+s23], $0x80, $0x38;
	[tilespmem:$0x1DC80] =	vst v63  }
0x193: {  	_ =	swait.ge [sflag:s30], $0x2800  }
0x194: {  	[sflag:s30] =	ssyncset.done $0x0  }
0x195: {  	[sflag:s30] =	ssyncadd.s32 $0xFFFFD800  }
0x196: {  	_ =	swait.ge [sflag:s31], $0x2800  }
0x197: {  	[sflag:s31] =	ssyncset.done $0x0  }
0x198: {  	[sflag:s31] =	ssyncadd.s32 $0xFFFFD800  }
0x199: {  	_ =	swait.ge [sflag:s20], $0x80  }
0x19a: {  	[sflag:s20] =	ssyncset.done $0x0  }
0x19b: {  	[sflag:s20] =	ssyncadd.s32 $0xFFFFFF80  }
0x19c: {  	_ =	swait.ge [sflag:s20], $0x80  }
0x19d: {  	[sflag:s20] =	ssyncset.done $0x0  }
0x19e: {  	s10 =	smul.u32 $0x50, s10;
	[sflag:s20] =	ssyncadd.s32 $0xFFFFFF80  }
0x19f: {  	_ =	swait.ge [sflag:s18], $0x2800  }
0x1a0: {  	s10 =	sadd.s32 s9, s10;
	[sflag:s18] =	ssyncset.done $0x0  }
0x1a1: {  	s10 =	sshll.u32 s10, $0x4;
	[sflag:s18] =	ssyncadd.s32 $0xFFFFD800  }
0x1a2: {  	[tilespmem:s5], [sflag:$0x2] =	stream.indirect.gather [hbm4b:s1+s25], $0x80, s24, s25, $0xb8;
	[tilespmem:$0x1DC80] =	vst v63  }
0x1a3: {  	s10 =	sadd.s32 s6, s10;
	s26 =	simm.s32 $0x7800;
	s15 =	simm.s32 $0x0  }
0x1a4: {  	[tilespmem:s26], [sflag:$0x4] =	stream.linear.gather [hbm4b:s10+s23], $0x2800, $0x38;
	[tilespmem:$0x1DC80] =	vst v63  }
0x1a5: {  	v8 =	vld [tilespmem:s15+$0x5000]  }
0x1a6: {  	v9 =	vld [tilespmem:s15+$0x5010]  }
0x1a7: {  	v10 =	vld [tilespmem:s15+$0x5020]  }
0x1a8: {  	v11 =	vld [tilespmem:s15+$0x5030]  }
0x1a9: {  	v12 =	vld [tilespmem:s15+$0x5040]  }
0x1aa: {  	v13 =	vld [tilespmem:s15+$0x5050]  }
0x1ab: {  	v14 =	vld [tilespmem:s15+$0x5060]  }
0x1ac: {  	v15 =	vld [tilespmem:s15+$0x5070]  }
0x1ad: {  	v16 =	vld [tilespmem:s15+$0x5080]  }
0x1ae: {  	v17 =	vld [tilespmem:s15+$0x5090]  }
0x1af: {  	v18 =	vld [tilespmem:s15+$0x50A0]  }
0x1b0: {  	v19 =	vld [tilespmem:s15+$0x50B0]  }
0x1b1: {  	v20 =	vld [tilespmem:s15+$0x50C0]  }
0x1b2: {  	v21 =	vld [tilespmem:s15+$0x50D0]  }
0x1b3: {  	v22 =	vld [tilespmem:s15+$0x50E0]  }
0x1b4: {  	v23 =	vld [tilespmem:s15+$0x50F0]  }
0x1b5: {  	v24 =	vld [tilespmem:s15+$0x5100]  }
0x1b6: {  	v25 =	vld [tilespmem:s15+$0x5110]  }
0x1b7: {  	v26 =	vld [tilespmem:s15+$0x5120]  }
0x1b8: {  	v33 =	vld [tilespmem:s15+$0x0]  }
0x1b9: {  	v34 =	vld [tilespmem:s15+$0x10]  }
0x1ba: {  	v27 =	vld [tilespmem:s15+$0x5130]  }
0x1bb: {  	v35 =	vld [tilespmem:s15+$0x20]  }
0x1bc: {  	v28 =	vld [tilespmem:s15+$0x5140]  }
0x1bd: {  	v36 =	vld [tilespmem:s15+$0x30];
	v8 =	vmul.f32 v8, v33  }
0x1be: {  	v37 =	vld [tilespmem:s15+$0x40];
	v9 =	vmul.f32 v9, v34  }
0x1bf: {  	v29 =	vld [tilespmem:s15+$0x5150];
	v60 =	vmul.f32 $1.000000010e-01, v8  }
0x1c0: {  	v59 =	vld [tilespmem:s15+$0x50];
	v10 =	vmul.f32 v10, v35;
	v61 =	vmul.f32 $1.000000010e-01, v9  }
0x1c1: {  	v30 =	vld [tilespmem:s15+$0x5160];
	v8 =	vmax.f32 v8, v60  }
0x1c2: {  	v38 =	vld [tilespmem:s15+$0x60];
	v9 =	vmax.f32 v9, v61;
	[tilespmem:s15+$0x0] =	vst v8;
	v8 =	vmul.f32 v11, v36;
	v11 =	vmul.f32 $1.000000010e-01, v10  }
0x1c3: {  	v39 =	vld [tilespmem:s15+$0x70];
	[tilespmem:s15+$0x10] =	vst v9;
	v9 =	vmul.f32 v12, v37  }
0x1c4: {  	v31 =	vld [tilespmem:s15+$0x5170];
	v12 =	vmul.f32 $1.000000010e-01, v8;
	v10 =	vmax.f32 v10, v11  }
0x1c5: {  	v40 =	vld [tilespmem:s15+$0x80];
	[tilespmem:s15+$0x20] =	vst v10;
	v10 =	vmul.f32 v13, v59;
	v13 =	vmul.f32 $1.000000010e-01, v9  }
0x1c6: {  	v32 =	vld [tilespmem:s15+$0x5180];
	v8 =	vmax.f32 v8, v12  }
0x1c7: {  	v62 =	vld [tilespmem:s15+$0x90];
	[tilespmem:s15+$0x30] =	vst v8;
	v8 =	vmul.f32 v14, v38;
	v14 =	vmul.f32 $1.000000010e-01, v10;
	v9 =	vmax.f32 v9, v13  }
0x1c8: {  	v63 =	vld [tilespmem:s15+$0xA0];
	[tilespmem:s15+$0x40] =	vst v9;
	v9 =	vmul.f32 v15, v39  }
0x1c9: {  	v7 =	vld [tilespmem:s15+$0x5190];
	v15 =	vmul.f32 $1.000000010e-01, v8;
	v10 =	vmax.f32 v10, v14  }
0x1ca: {  	v11 =	vld [tilespmem:s15+$0xB0];
	[tilespmem:s15+$0x50] =	vst v10;
	v10 =	vmul.f32 v16, v40;
	v16 =	vmul.f32 $1.000000010e-01, v9  }
0x1cb: {  	v6 =	vld [tilespmem:s15+$0x51A0];
	v8 =	vmax.f32 v8, v15  }
0x1cc: {  	v12 =	vld [tilespmem:s15+$0xC0];
	[tilespmem:s15+$0x60] =	vst v8;
	v8 =	vmul.f32 v17, v62;
	v17 =	vmul.f32 $1.000000010e-01, v10;
	v9 =	vmax.f32 v9, v16  }
0x1cd: {  	v13 =	vld [tilespmem:s15+$0xD0];
	[tilespmem:s15+$0x70] =	vst v9;
	v9 =	vmul.f32 v18, v63  }
0x1ce: {  	v5 =	vld [tilespmem:s15+$0x51B0];
	v18 =	vmul.f32 $1.000000010e-01, v8;
	v10 =	vmax.f32 v10, v17  }
0x1cf: {  	v14 =	vld [tilespmem:s15+$0xE0];
	[tilespmem:s15+$0x80] =	vst v10;
	v10 =	vmul.f32 v19, v11;
	v11 =	vmul.f32 $1.000000010e-01, v9  }
0x1d0: {  	v4 =	vld [tilespmem:s15+$0x51C0];
	v8 =	vmax.f32 v8, v18  }
0x1d1: {  	v15 =	vld [tilespmem:s15+$0xF0];
	[tilespmem:s15+$0x90] =	vst v8;
	v8 =	vmul.f32 v20, v12;
	v12 =	vmul.f32 $1.000000010e-01, v10;
	v9 =	vmax.f32 v9, v11  }
0x1d2: {  	v16 =	vld [tilespmem:s15+$0x100];
	[tilespmem:s15+$0xA0] =	vst v9;
	v9 =	vmul.f32 v21, v13  }
0x1d3: {  	v3 =	vld [tilespmem:s15+$0x51D0];
	v13 =	vmul.f32 $1.000000010e-01, v8;
	v10 =	vmax.f32 v10, v12  }
0x1d4: {  	v2 =	vld [tilespmem:s15+$0x51E0];
	[tilespmem:s15+$0xB0] =	vst v10;
	v10 =	vmul.f32 v22, v14;
	v14 =	vmul.f32 $1.000000010e-01, v9  }
0x1d5: {  	v17 =	vld [tilespmem:s15+$0x110];
	v8 =	vmax.f32 v8, v13  }
0x1d6: {  	v18 =	vld [tilespmem:s15+$0x120];
	[tilespmem:s15+$0xC0] =	vst v8;
	v8 =	vmul.f32 v23, v15;
	v9 =	vmax.f32 v9, v14  }
0x1d7: {  	v11 =	vld [tilespmem:s15+$0x130];
	v15 =	vmul.f32 $1.000000010e-01, v10;
	[tilespmem:s15+$0xD0] =	vst v9;
	v9 =	vmul.f32 v24, v16  }
0x1d8: {  	v1 =	vld [tilespmem:s15+$0x51F0];
	v16 =	vmul.f32 $1.000000010e-01, v8  }
0x1d9: {  	v12 =	vld [tilespmem:s15+$0x140];
	v10 =	vmax.f32 v10, v15;
	v15 =	vmul.f32 $1.000000010e-01, v9  }
0x1da: {  	v13 =	vld [tilespmem:s15+$0x150];
	[tilespmem:s15+$0xE0] =	vst v10;
	v10 =	vmul.f32 v25, v17;
	v8 =	vmax.f32 v8, v16  }
0x1db: {  	v14 =	vld [tilespmem:s15+$0x160];
	[tilespmem:s15+$0xF0] =	vst v8;
	v8 =	vmul.f32 v26, v18;
	v9 =	vmax.f32 v9, v15  }
0x1dc: {  	v19 =	vld [tilespmem:s15+$0x170];
	v17 =	vmul.f32 $1.000000010e-01, v10;
	[tilespmem:s15+$0x100] =	vst v9;
	v9 =	vmul.f32 v27, v11  }
0x1dd: {  	v16 =	vld [tilespmem:s15+$0x180];
	v15 =	vmul.f32 $1.000000010e-01, v8  }
0x1de: {  	v20 =	vld [tilespmem:s15+$0x190];
	v12 =	vmul.f32 v28, v12;
	v10 =	vmax.f32 v10, v17;
	v17 =	vmul.f32 $1.000000010e-01, v9  }
0x1df: {  	v18 =	vmul.f32 v29, v13;
	v11 =	vld [tilespmem:s15+$0x1A0];
	[tilespmem:s15+$0x110] =	vst v10;
	v8 =	vmax.f32 v8, v15  }
0x1e0: {  	v10 =	vld [tilespmem:s15+$0x1B0];
	v15 =	vmul.f32 v30, v14;
	[tilespmem:s15+$0x120] =	vst v8;
	v8 =	vmul.f32 $1.000000010e-01, v12;
	v13 =	vmax.f32 v9, v17  }
0x1e1: {  	v14 =	vmul.f32 $1.000000010e-01, v18;
	v9 =	vld [tilespmem:s15+$0x1C0];
	[tilespmem:s15+$0x130] =	vst v13;
	v13 =	vmul.f32 v31, v19  }
0x1e2: {  	v17 =	vmul.f32 $1.000000010e-01, v15;
	v19 =	vmax.f32 v12, v8;
	v8 =	vld [tilespmem:s15+$0x1D0];
	v12 =	vmul.f32 v32, v16  }
0x1e3: {  	s10 =	simm.s32 $0x800;
	v18 =	vmax.f32 v18, v14;
	v14 =	vmul.f32 v7, v20;
	v7 =	vld [tilespmem:s15+$0x1E0];
	[tilespmem:s15+$0x140] =	vst v19;
	v16 =	vmul.f32 $1.000000010e-01, v13  }
.LBB2_11:
0x1e4: {  	s21 =	sshra.s32 s10, $0x2;
	p1 =	sne.s32 s10, $0x9800;
	[tilespmem:s15+$0x150] =	vst v18;
	v15 =	vmax.f32 v15, v17;
	v17 =	vmul.f32 $1.000000010e-01, v12;
	v6 =	vmul.f32 v6, v11;
	v11 =	vld [tilespmem:s15+$0x1F0]  }
0x1e5: {  	v18 =	vld [tilespmem:s21+$0x5000];
	[tilespmem:s15+$0x160] =	vst v15;
	v13 =	vmax.f32 v13, v16;
	v15 =	vmul.f32 $1.000000010e-01, v14;
	v5 =	vmul.f32 v5, v10  }
0x1e6: {  	v19 =	vld [tilespmem:s21+$0x5010];
	[tilespmem:s15+$0x170] =	vst v13;
	v10 =	vmax.f32 v12, v17;
	v12 =	vmul.f32 $1.000000010e-01, v6;
	v4 =	vmul.f32 v4, v9  }
0x1e7: {  	v17 =	vld [tilespmem:s21+$0x5020];
	[tilespmem:s15+$0x180] =	vst v10;
	v9 =	vmax.f32 v14, v15;
	v10 =	vmul.f32 $1.000000010e-01, v5;
	v3 =	vmul.f32 v3, v8  }
0x1e8: {  	v20 =	vld [tilespmem:s21+$0x5030];
	[tilespmem:s15+$0x190] =	vst v9;
	v6 =	vmax.f32 v6, v12;
	v8 =	vmul.f32 $1.000000010e-01, v4;
	v2 =	vmul.f32 v2, v7  }
0x1e9: {  	v21 =	vld [tilespmem:s21+$0x5040];
	[tilespmem:s15+$0x1A0] =	vst v6;
	v5 =	vmax.f32 v5, v10;
	v6 =	vmul.f32 $1.000000010e-01, v3;
	v1 =	vmul.f32 v1, v11  }
0x1ea: {  	v22 =	vld [tilespmem:s21+$0x5050];
	[tilespmem:s15+$0x1B0] =	vst v5;
	v4 =	vmax.f32 v4, v8;
	v5 =	vmul.f32 $1.000000010e-01, v2  }
0x1eb: {  	v23 =	vld [tilespmem:s21+$0x5060];
	[tilespmem:s15+$0x1C0] =	vst v4;
	v3 =	vmax.f32 v3, v6;
	v4 =	vmul.f32 $1.000000010e-01, v1  }
0x1ec: {  	v24 =	vld [tilespmem:s21+$0x5070];
	[tilespmem:s15+$0x1D0] =	vst v3;
	v2 =	vmax.f32 v2, v5  }
0x1ed: {  	v25 =	vld [tilespmem:s21+$0x5080];
	[tilespmem:s15+$0x1E0] =	vst v2;
	v1 =	vmax.f32 v1, v4  }
0x1ee: {  	v26 =	vld [tilespmem:s21+$0x5090];
	[tilespmem:s15+$0x1F0] =	vst v1;
	s15 =	smov.u32 s21  }
0x1ef: {  	v27 =	vld [tilespmem:s15+$0x50A0]  }
0x1f0: {  	v28 =	vld [tilespmem:s15+$0x50B0]  }
0x1f1: {  	v29 =	vld [tilespmem:s15+$0x50C0]  }
0x1f2: {  	v30 =	vld [tilespmem:s15+$0x50D0]  }
0x1f3: {  	v31 =	vld [tilespmem:s15+$0x50E0]  }
0x1f4: {  	v32 =	vld [tilespmem:s15+$0x50F0]  }
0x1f5: {  	v16 =	vld [tilespmem:s15+$0x5100]  }
0x1f6: {  	v15 =	vld [tilespmem:s15+$0x5110]  }
0x1f7: {  	v14 =	vld [tilespmem:s15+$0x5120]  }
0x1f8: {  	v13 =	vld [tilespmem:s15+$0x5130]  }
0x1f9: {  	v12 =	vld [tilespmem:s15+$0x5140]  }
0x1fa: {  	v11 =	vld [tilespmem:s15+$0x5150]  }
0x1fb: {  	v10 =	vld [tilespmem:s15+$0x5160]  }
0x1fc: {  	v9 =	vld [tilespmem:s15+$0x5170]  }
0x1fd: {  	v8 =	vld [tilespmem:s15+$0x5180]  }
0x1fe: {  	v7 =	vld [tilespmem:s15+$0x5190]  }
0x1ff: {  	v6 =	vld [tilespmem:s15+$0x51A0]  }
0x200: {  	v5 =	vld [tilespmem:s15+$0x51B0]  }
0x201: {  	v4 =	vld [tilespmem:s15+$0x51C0]  }
0x202: {  	v3 =	vld [tilespmem:s15+$0x51D0]  }
0x203: {  	v2 =	vld [tilespmem:s15+$0x51E0]  }
0x204: {  	v1 =	vld [tilespmem:s15+$0x51F0]  }
0x205: {  	v33 =	vld [tilespmem:s15+$0x0]  }
0x206: {  	v34 =	vld [tilespmem:s15+$0x10]  }
0x207: {  	v35 =	vld [tilespmem:s15+$0x20]  }
0x208: {  	v36 =	vld [tilespmem:s15+$0x30]  }
0x209: {  	v37 =	vld [tilespmem:s15+$0x40]  }
0x20a: {  	v18 =	vmul.f32 v18, v33;
	v33 =	vld [tilespmem:s15+$0x50]  }
0x20b: {  	v19 =	vmul.f32 v19, v34;
	v34 =	vld [tilespmem:s15+$0x60]  }
0x20c: {  	v38 =	vmul.f32 $1.000000010e-01, v18;
	v17 =	vmul.f32 v17, v35;
	v35 =	vld [tilespmem:s15+$0x70]  }
0x20d: {  	v39 =	vmul.f32 $1.000000010e-01, v19;
	v20 =	vmul.f32 v20, v36;
	v36 =	vld [tilespmem:s15+$0x80]  }
0x20e: {  	v18 =	vmax.f32 v18, v38;
	v38 =	vmul.f32 $1.000000010e-01, v17;
	v21 =	vmul.f32 v21, v37;
	v37 =	vld [tilespmem:s15+$0x90]  }
0x20f: {  	[tilespmem:s15+$0x0] =	vst v18;
	v18 =	vmax.f32 v19, v39;
	v19 =	vmul.f32 $1.000000010e-01, v20;
	v22 =	vmul.f32 v22, v33;
	v33 =	vld [tilespmem:s15+$0xA0]  }
0x210: {  	[tilespmem:s15+$0x10] =	vst v18;
	v17 =	vmax.f32 v17, v38;
	v18 =	vmul.f32 $1.000000010e-01, v21;
	v23 =	vmul.f32 v23, v34;
	v34 =	vld [tilespmem:s15+$0xB0]  }
0x211: {  	[tilespmem:s15+$0x20] =	vst v17;
	v17 =	vmax.f32 v20, v19;
	v19 =	vmul.f32 $1.000000010e-01, v22;
	v20 =	vmul.f32 v24, v35;
	v24 =	vld [tilespmem:s15+$0xC0]  }
0x212: {  	[tilespmem:s15+$0x30] =	vst v17;
	v17 =	vmax.f32 v21, v18;
	v18 =	vmul.f32 $1.000000010e-01, v23;
	v21 =	vmul.f32 v25, v36;
	v25 =	vld [tilespmem:s15+$0xD0]  }
0x213: {  	[tilespmem:s15+$0x40] =	vst v17;
	v17 =	vmax.f32 v22, v19;
	v19 =	vmul.f32 $1.000000010e-01, v20;
	v22 =	vmul.f32 v26, v37;
	v26 =	vld [tilespmem:s15+$0xE0]  }
0x214: {  	[tilespmem:s15+$0x50] =	vst v17;
	v17 =	vmax.f32 v23, v18;
	v18 =	vmul.f32 $1.000000010e-01, v21;
	v23 =	vmul.f32 v27, v33;
	v27 =	vld [tilespmem:s15+$0xF0]  }
0x215: {  	[tilespmem:s15+$0x60] =	vst v17;
	v17 =	vmax.f32 v20, v19;
	v19 =	vmul.f32 $1.000000010e-01, v22;
	v20 =	vmul.f32 v28, v34;
	v28 =	vld [tilespmem:s15+$0x100]  }
0x216: {  	[tilespmem:s15+$0x70] =	vst v17;
	v17 =	vmax.f32 v21, v18;
	v18 =	vmul.f32 $1.000000010e-01, v23;
	v21 =	vmul.f32 v29, v24;
	v24 =	vld [tilespmem:s15+$0x110]  }
0x217: {  	[tilespmem:s15+$0x80] =	vst v17;
	v17 =	vmax.f32 v22, v19;
	v19 =	vmul.f32 $1.000000010e-01, v20;
	v22 =	vmul.f32 v30, v25;
	v25 =	vld [tilespmem:s15+$0x120]  }
0x218: {  	[tilespmem:s15+$0x90] =	vst v17;
	v17 =	vmax.f32 v23, v18;
	v18 =	vmul.f32 $1.000000010e-01, v21;
	v23 =	vmul.f32 v31, v26;
	v26 =	vld [tilespmem:s15+$0x130]  }
0x219: {  	[tilespmem:s15+$0xA0] =	vst v17;
	v17 =	vmax.f32 v20, v19;
	v19 =	vmul.f32 $1.000000010e-01, v22;
	v20 =	vmul.f32 v32, v27;
	v27 =	vld [tilespmem:s15+$0x140]  }
0x21a: {  	[tilespmem:s15+$0xB0] =	vst v17;
	v17 =	vmax.f32 v21, v18;
	v18 =	vmul.f32 $1.000000010e-01, v23;
	v16 =	vmul.f32 v16, v28;
	v21 =	vld [tilespmem:s15+$0x150]  }
0x21b: {  	[tilespmem:s15+$0xC0] =	vst v17;
	v17 =	vmax.f32 v22, v19;
	v19 =	vmul.f32 $1.000000010e-01, v20;
	v15 =	vmul.f32 v15, v24;
	v22 =	vld [tilespmem:s15+$0x160]  }
0x21c: {  	[tilespmem:s15+$0xD0] =	vst v17;
	v17 =	vmax.f32 v23, v18;
	v18 =	vmul.f32 $1.000000010e-01, v16;
	v14 =	vmul.f32 v14, v25;
	v23 =	vld [tilespmem:s15+$0x170]  }
0x21d: {  	[tilespmem:s15+$0xE0] =	vst v17;
	v17 =	vmax.f32 v20, v19;
	v19 =	vmul.f32 $1.000000010e-01, v15;
	v13 =	vmul.f32 v13, v26;
	v20 =	vld [tilespmem:s15+$0x180]  }
0x21e: {  	[tilespmem:s15+$0xF0] =	vst v17;
	v16 =	vmax.f32 v16, v18;
	v17 =	vmul.f32 $1.000000010e-01, v14;
	v12 =	vmul.f32 v12, v27;
	v24 =	vld [tilespmem:s15+$0x190]  }
.Ltmp5:
0x21f: {  	[tilespmem:s15+$0x100] =	vst v16;
	v15 =	vmax.f32 v15, v19;
	v16 =	vmul.f32 $1.000000010e-01, v13;
	v18 =	vmul.f32 v11, v21;
	v11 =	vld [tilespmem:s15+$0x1A0];
	(pc) =	sbr.rel @p1 .LBB2_11-.Ltmp5, $4  }
0x220: {  	[tilespmem:s15+$0x110] =	vst v15;
	v14 =	vmax.f32 v14, v17;
	v17 =	vmul.f32 $1.000000010e-01, v12;
	v15 =	vmul.f32 v10, v22;
	v10 =	vld [tilespmem:s15+$0x1B0]  }
0x221: {  	[tilespmem:s15+$0x120] =	vst v14;
	v14 =	vmax.f32 v13, v16;
	v16 =	vmul.f32 $1.000000010e-01, v18;
	v13 =	vmul.f32 v9, v23;
	v9 =	vld [tilespmem:s15+$0x1C0]  }
0x222: {  	[tilespmem:s15+$0x130] =	vst v14;
	v14 =	vmax.f32 v12, v17;
	v17 =	vmul.f32 $1.000000010e-01, v15;
	v12 =	vmul.f32 v8, v20;
	v8 =	vld [tilespmem:s15+$0x1D0]  }
0x223: {  	s10 =	sadd.s32 $0x800, s10;
	[tilespmem:s15+$0x140] =	vst v14;
	v18 =	vmax.f32 v18, v16;
	v16 =	vmul.f32 $1.000000010e-01, v13;
	v14 =	vmul.f32 v7, v24;
	v7 =	vld [tilespmem:s15+$0x1E0]  }
0x224: {  	[tilespmem:s15+$0x150] =	vst v18;
	v15 =	vmax.f32 v15, v17;
	v17 =	vmul.f32 $1.000000010e-01, v12;
	v6 =	vmul.f32 v6, v11;
	v11 =	vld [tilespmem:s15+$0x1F0]  }
0x225: {  	[tilespmem:s15+$0x160] =	vst v15;
	v13 =	vmax.f32 v13, v16;
	v15 =	vmul.f32 $1.000000010e-01, v14;
	v5 =	vmul.f32 v5, v10  }
0x226: {  	[tilespmem:s15+$0x170] =	vst v13;
	v10 =	vmax.f32 v12, v17;
	v12 =	vmul.f32 $1.000000010e-01, v6;
	v4 =	vmul.f32 v4, v9  }
0x227: {  	[tilespmem:s15+$0x180] =	vst v10;
	v9 =	vmax.f32 v14, v15;
	v10 =	vmul.f32 $1.000000010e-01, v5;
	v3 =	vmul.f32 v3, v8  }
0x228: {  	[tilespmem:s15+$0x190] =	vst v9;
	v6 =	vmax.f32 v6, v12;
	v8 =	vmul.f32 $1.000000010e-01, v4;
	v2 =	vmul.f32 v2, v7  }
0x229: {  	[tilespmem:s15+$0x1A0] =	vst v6;
	v5 =	vmax.f32 v5, v10;
	v6 =	vmul.f32 $1.000000010e-01, v3;
	v1 =	vmul.f32 v1, v11  }
0x22a: {  	[tilespmem:s15+$0x1B0] =	vst v5;
	v4 =	vmax.f32 v4, v8;
	v5 =	vmul.f32 $1.000000010e-01, v2  }
0x22b: {  	[tilespmem:s15+$0x1C0] =	vst v4;
	v3 =	vmax.f32 v3, v6;
	v4 =	vmul.f32 $1.000000010e-01, v1  }
0x22c: {  	[tilespmem:s15+$0x1D0] =	vst v3;
	v2 =	vmax.f32 v2, v5  }
0x22d: {  	s14 =	sadd.s32 $0x4, s14;
	[tilespmem:s15+$0x1E0] =	vst v2;
	v1 =	vmax.f32 v1, v4  }
0x22e: {  	s10 =	simm.s32 $0x0;
	s21 =	simm.s32 $0xA300;
	s23 =	sshll.u32 s14, $0x7;
	[tilespmem:s15+$0x1F0] =	vst v1  }
0x22f: {  	[spmem:s3] =	stream.indirect.scatter.add.f32 [tilespmem:s10], [sflag:$0x5], $0x80, s21, s25, $0xb8;
	[tilespmem:$0x1DC80] =	vst v63  }
0x230: {  	s21 =	sand.u32 $0x7C00, s23  }
0x231: {  	s15 =	sand.u32 $0x200, s23;
	s21 =	sadd.s32 s12, s21  }
0x232: {  	s15 =	sor.u32 s15, s21  }
0x233: {  	s15 =	sshrl.u32 s15, $0x3  }
0x234: {  	s23 =	simm.s32 $0xA000;
	s24 =	sadd.s32 s2, s15  }
0x235: {  	[tilespmem:s23], [sflag:$0x7] =	stream.linear.gather [hbm4b:s24+s10], $0x80, $0x38;
	[tilespmem:$0x1DC80] =	vst v63  }
0x236: {  	s15 =	sadd.s32 s7, s15;
	s24 =	simm.s32 $0xA200  }
0x237: {  	[tilespmem:s24], [sflag:$0x7] =	stream.linear.gather [hbm4b:s15+s10], $0x80, $0x38;
	[tilespmem:$0x1DC80] =	vst v63  }
0x238: {  	_ =	swait.ge [sflag:s16], $0x2800  }
0x239: {  	[sflag:s16] =	ssyncset.done $0x0  }
0x23a: {  	[sflag:s16] =	ssyncadd.s32 $0xFFFFD800  }
0x23b: {  	_ =	swait.ge [sflag:s17], $0x2800  }
0x23c: {  	[sflag:s17] =	ssyncset.done $0x0  }
0x23d: {  	[sflag:s17] =	ssyncadd.s32 $0xFFFFD800  }
0x23e: {  	_ =	swait.ge [sflag:s28], $0x80  }
0x23f: {  	[sflag:s28] =	ssyncset.done $0x0  }
0x240: {  	[sflag:s28] =	ssyncadd.s32 $0xFFFFFF80  }
0x241: {  	_ =	swait.ge [sflag:s28], $0x80  }
0x242: {  	[sflag:s28] =	ssyncset.done $0x0  }
0x243: {  	s14 =	smul.u32 $0x50, s14;
	[sflag:s28] =	ssyncadd.s32 $0xFFFFFF80  }
0x244: {  	_ =	swait.ge [sflag:s11], $0x2800  }
0x245: {  	s14 =	sadd.s32 s9, s14;
	[sflag:s11] =	ssyncset.done $0x0  }
0x246: {  	s14 =	sshll.u32 s14, $0x4;
	[sflag:s11] =	ssyncadd.s32 $0xFFFFD800  }
0x247: {  	[tilespmem:s10], [sflag:$0x1] =	stream.indirect.gather [hbm4b:s1+s25], $0x80, s23, s25, $0xb8;
	[tilespmem:$0x1DC80] =	vst v63  }
0x248: {  	s26 =	simm.s32 $0x5000;
	s14 =	sadd.s32 s6, s14  }
0x249: {  	[tilespmem:s26], [sflag:$0x3] =	stream.linear.gather [hbm4b:s14+s10], $0x2800, $0x38;
	[tilespmem:$0x1DC80] =	vst v63  }
0x24a: {  	s14 =	simm.s32 $0x0  }
0x24b: {  	v8 =	vld [tilespmem:s14+$0x7800]  }
0x24c: {  	v9 =	vld [tilespmem:s14+$0x7810]  }
0x24d: {  	v10 =	vld [tilespmem:s14+$0x7820]  }
0x24e: {  	v11 =	vld [tilespmem:s14+$0x7830]  }
0x24f: {  	v12 =	vld [tilespmem:s14+$0x7840]  }
0x250: {  	v13 =	vld [tilespmem:s14+$0x7850]  }
0x251: {  	v14 =	vld [tilespmem:s14+$0x7860]  }
0x252: {  	v15 =	vld [tilespmem:s14+$0x7870]  }
0x253: {  	v16 =	vld [tilespmem:s14+$0x7880]  }
0x254: {  	v17 =	vld [tilespmem:s14+$0x7890]  }
0x255: {  	v18 =	vld [tilespmem:s14+$0x78A0]  }
0x256: {  	v19 =	vld [tilespmem:s14+$0x78B0]  }
0x257: {  	v20 =	vld [tilespmem:s14+$0x78C0]  }
0x258: {  	v21 =	vld [tilespmem:s14+$0x78D0]  }
0x259: {  	v22 =	vld [tilespmem:s14+$0x78E0]  }
0x25a: {  	v23 =	vld [tilespmem:s14+$0x78F0]  }
0x25b: {  	v24 =	vld [tilespmem:s14+$0x7900]  }
0x25c: {  	v25 =	vld [tilespmem:s14+$0x7910]  }
0x25d: {  	v26 =	vld [tilespmem:s14+$0x7920]  }
0x25e: {  	v33 =	vld [tilespmem:s14+$0x2800]  }
0x25f: {  	v34 =	vld [tilespmem:s14+$0x2810]  }
0x260: {  	v27 =	vld [tilespmem:s14+$0x7930]  }
0x261: {  	v35 =	vld [tilespmem:s14+$0x2820]  }
0x262: {  	v28 =	vld [tilespmem:s14+$0x7940]  }
0x263: {  	v36 =	vld [tilespmem:s14+$0x2830];
	v8 =	vmul.f32 v8, v33  }
0x264: {  	v37 =	vld [tilespmem:s14+$0x2840];
	v9 =	vmul.f32 v9, v34  }
0x265: {  	v29 =	vld [tilespmem:s14+$0x7950];
	v60 =	vmul.f32 $1.000000010e-01, v8  }
0x266: {  	v59 =	vld [tilespmem:s14+$0x2850];
	v10 =	vmul.f32 v10, v35;
	v61 =	vmul.f32 $1.000000010e-01, v9  }
0x267: {  	v30 =	vld [tilespmem:s14+$0x7960];
	v8 =	vmax.f32 v8, v60  }
0x268: {  	v38 =	vld [tilespmem:s14+$0x2860];
	v9 =	vmax.f32 v9, v61;
	[tilespmem:s14+$0x2800] =	vst v8;
	v8 =	vmul.f32 v11, v36;
	v11 =	vmul.f32 $1.000000010e-01, v10  }
0x269: {  	v39 =	vld [tilespmem:s14+$0x2870];
	[tilespmem:s14+$0x2810] =	vst v9;
	v9 =	vmul.f32 v12, v37  }
0x26a: {  	v31 =	vld [tilespmem:s14+$0x7970];
	v12 =	vmul.f32 $1.000000010e-01, v8;
	v10 =	vmax.f32 v10, v11  }
0x26b: {  	v40 =	vld [tilespmem:s14+$0x2880];
	[tilespmem:s14+$0x2820] =	vst v10;
	v10 =	vmul.f32 v13, v59;
	v13 =	vmul.f32 $1.000000010e-01, v9  }
0x26c: {  	v32 =	vld [tilespmem:s14+$0x7980];
	v8 =	vmax.f32 v8, v12  }
0x26d: {  	v62 =	vld [tilespmem:s14+$0x2890];
	[tilespmem:s14+$0x2830] =	vst v8;
	v8 =	vmul.f32 v14, v38;
	v14 =	vmul.f32 $1.000000010e-01, v10;
	v9 =	vmax.f32 v9, v13  }
0x26e: {  	v63 =	vld [tilespmem:s14+$0x28A0];
	[tilespmem:s14+$0x2840] =	vst v9;
	v9 =	vmul.f32 v15, v39  }
0x26f: {  	v7 =	vld [tilespmem:s14+$0x7990];
	v15 =	vmul.f32 $1.000000010e-01, v8;
	v10 =	vmax.f32 v10, v14  }
0x270: {  	v11 =	vld [tilespmem:s14+$0x28B0];
	[tilespmem:s14+$0x2850] =	vst v10;
	v10 =	vmul.f32 v16, v40;
	v16 =	vmul.f32 $1.000000010e-01, v9  }
0x271: {  	v6 =	vld [tilespmem:s14+$0x79A0];
	v8 =	vmax.f32 v8, v15  }
0x272: {  	v12 =	vld [tilespmem:s14+$0x28C0];
	[tilespmem:s14+$0x2860] =	vst v8;
	v8 =	vmul.f32 v17, v62;
	v17 =	vmul.f32 $1.000000010e-01, v10;
	v9 =	vmax.f32 v9, v16  }
0x273: {  	v13 =	vld [tilespmem:s14+$0x28D0];
	[tilespmem:s14+$0x2870] =	vst v9;
	v9 =	vmul.f32 v18, v63  }
0x274: {  	v5 =	vld [tilespmem:s14+$0x79B0];
	v18 =	vmul.f32 $1.000000010e-01, v8;
	v10 =	vmax.f32 v10, v17  }
0x275: {  	v14 =	vld [tilespmem:s14+$0x28E0];
	[tilespmem:s14+$0x2880] =	vst v10;
	v10 =	vmul.f32 v19, v11;
	v11 =	vmul.f32 $1.000000010e-01, v9  }
0x276: {  	v4 =	vld [tilespmem:s14+$0x79C0];
	v8 =	vmax.f32 v8, v18  }
0x277: {  	v15 =	vld [tilespmem:s14+$0x28F0];
	[tilespmem:s14+$0x2890] =	vst v8;
	v8 =	vmul.f32 v20, v12;
	v12 =	vmul.f32 $1.000000010e-01, v10;
	v9 =	vmax.f32 v9, v11  }
0x278: {  	v16 =	vld [tilespmem:s14+$0x2900];
	[tilespmem:s14+$0x28A0] =	vst v9;
	v9 =	vmul.f32 v21, v13  }
0x279: {  	v3 =	vld [tilespmem:s14+$0x79D0];
	v13 =	vmul.f32 $1.000000010e-01, v8;
	v10 =	vmax.f32 v10, v12  }
0x27a: {  	v2 =	vld [tilespmem:s14+$0x79E0];
	[tilespmem:s14+$0x28B0] =	vst v10;
	v10 =	vmul.f32 v22, v14;
	v14 =	vmul.f32 $1.000000010e-01, v9  }
0x27b: {  	v17 =	vld [tilespmem:s14+$0x2910];
	v8 =	vmax.f32 v8, v13  }
0x27c: {  	v18 =	vld [tilespmem:s14+$0x2920];
	[tilespmem:s14+$0x28C0] =	vst v8;
	v8 =	vmul.f32 v23, v15;
	v9 =	vmax.f32 v9, v14  }
0x27d: {  	v11 =	vld [tilespmem:s14+$0x2930];
	v15 =	vmul.f32 $1.000000010e-01, v10;
	[tilespmem:s14+$0x28D0] =	vst v9;
	v9 =	vmul.f32 v24, v16  }
0x27e: {  	v1 =	vld [tilespmem:s14+$0x79F0];
	v16 =	vmul.f32 $1.000000010e-01, v8  }
0x27f: {  	v12 =	vld [tilespmem:s14+$0x2940];
	v10 =	vmax.f32 v10, v15;
	v15 =	vmul.f32 $1.000000010e-01, v9  }
0x280: {  	v13 =	vld [tilespmem:s14+$0x2950];
	[tilespmem:s14+$0x28E0] =	vst v10;
	v10 =	vmul.f32 v25, v17;
	v8 =	vmax.f32 v8, v16  }
0x281: {  	v14 =	vld [tilespmem:s14+$0x2960];
	[tilespmem:s14+$0x28F0] =	vst v8;
	v8 =	vmul.f32 v26, v18;
	v9 =	vmax.f32 v9, v15  }
0x282: {  	v19 =	vld [tilespmem:s14+$0x2970];
	v17 =	vmul.f32 $1.000000010e-01, v10;
	[tilespmem:s14+$0x2900] =	vst v9;
	v9 =	vmul.f32 v27, v11  }
0x283: {  	v16 =	vld [tilespmem:s14+$0x2980];
	v15 =	vmul.f32 $1.000000010e-01, v8  }
0x284: {  	v20 =	vld [tilespmem:s14+$0x2990];
	v12 =	vmul.f32 v28, v12;
	v10 =	vmax.f32 v10, v17;
	v17 =	vmul.f32 $1.000000010e-01, v9  }
0x285: {  	v18 =	vmul.f32 v29, v13;
	v11 =	vld [tilespmem:s14+$0x29A0];
	[tilespmem:s14+$0x2910] =	vst v10;
	v8 =	vmax.f32 v8, v15  }
0x286: {  	v10 =	vld [tilespmem:s14+$0x29B0];
	v15 =	vmul.f32 v30, v14;
	[tilespmem:s14+$0x2920] =	vst v8;
	v8 =	vmul.f32 $1.000000010e-01, v12;
	v13 =	vmax.f32 v9, v17  }
0x287: {  	v14 =	vmul.f32 $1.000000010e-01, v18;
	v9 =	vld [tilespmem:s14+$0x29C0];
	[tilespmem:s14+$0x2930] =	vst v13;
	v13 =	vmul.f32 v31, v19  }
0x288: {  	v17 =	vmul.f32 $1.000000010e-01, v15;
	v19 =	vmax.f32 v12, v8;
	v8 =	vld [tilespmem:s14+$0x29D0];
	v12 =	vmul.f32 v32, v16  }
0x289: {  	s10 =	simm.s32 $0x800;
	v18 =	vmax.f32 v18, v14;
	v14 =	vmul.f32 v7, v20;
	v7 =	vld [tilespmem:s14+$0x29E0];
	[tilespmem:s14+$0x2940] =	vst v19;
	v16 =	vmul.f32 $1.000000010e-01, v13  }
.LBB2_13:
0x28a: {  	s15 =	sshra.s32 s10, $0x2;
	p1 =	sne.s32 s10, $0x9800;
	[tilespmem:s14+$0x2950] =	vst v18;
	v15 =	vmax.f32 v15, v17;
	v17 =	vmul.f32 $1.000000010e-01, v12;
	v6 =	vmul.f32 v6, v11;
	v11 =	vld [tilespmem:s14+$0x29F0]  }
0x28b: {  	v18 =	vld [tilespmem:s15+$0x7800];
	[tilespmem:s14+$0x2960] =	vst v15;
	v13 =	vmax.f32 v13, v16;
	v15 =	vmul.f32 $1.000000010e-01, v14;
	v5 =	vmul.f32 v5, v10  }
0x28c: {  	v19 =	vld [tilespmem:s15+$0x7810];
	[tilespmem:s14+$0x2970] =	vst v13;
	v10 =	vmax.f32 v12, v17;
	v12 =	vmul.f32 $1.000000010e-01, v6;
	v4 =	vmul.f32 v4, v9  }
0x28d: {  	v17 =	vld [tilespmem:s15+$0x7820];
	[tilespmem:s14+$0x2980] =	vst v10;
	v9 =	vmax.f32 v14, v15;
	v10 =	vmul.f32 $1.000000010e-01, v5;
	v3 =	vmul.f32 v3, v8  }
0x28e: {  	v20 =	vld [tilespmem:s15+$0x7830];
	[tilespmem:s14+$0x2990] =	vst v9;
	v6 =	vmax.f32 v6, v12;
	v8 =	vmul.f32 $1.000000010e-01, v4;
	v2 =	vmul.f32 v2, v7  }
0x28f: {  	v21 =	vld [tilespmem:s15+$0x7840];
	[tilespmem:s14+$0x29A0] =	vst v6;
	v5 =	vmax.f32 v5, v10;
	v6 =	vmul.f32 $1.000000010e-01, v3;
	v1 =	vmul.f32 v1, v11  }
0x290: {  	v22 =	vld [tilespmem:s15+$0x7850];
	[tilespmem:s14+$0x29B0] =	vst v5;
	v4 =	vmax.f32 v4, v8;
	v5 =	vmul.f32 $1.000000010e-01, v2  }
0x291: {  	v23 =	vld [tilespmem:s15+$0x7860];
	[tilespmem:s14+$0x29C0] =	vst v4;
	v3 =	vmax.f32 v3, v6;
	v4 =	vmul.f32 $1.000000010e-01, v1  }
0x292: {  	v24 =	vld [tilespmem:s15+$0x7870];
	[tilespmem:s14+$0x29D0] =	vst v3;
	v2 =	vmax.f32 v2, v5  }
0x293: {  	v25 =	vld [tilespmem:s15+$0x7880];
	[tilespmem:s14+$0x29E0] =	vst v2;
	v1 =	vmax.f32 v1, v4  }
0x294: {  	v26 =	vld [tilespmem:s15+$0x7890];
	[tilespmem:s14+$0x29F0] =	vst v1;
	s14 =	smov.u32 s15  }
0x295: {  	v27 =	vld [tilespmem:s14+$0x78A0]  }
0x296: {  	v28 =	vld [tilespmem:s14+$0x78B0]  }
0x297: {  	v29 =	vld [tilespmem:s14+$0x78C0]  }
0x298: {  	v30 =	vld [tilespmem:s14+$0x78D0]  }
0x299: {  	v31 =	vld [tilespmem:s14+$0x78E0]  }
0x29a: {  	v32 =	vld [tilespmem:s14+$0x78F0]  }
0x29b: {  	v16 =	vld [tilespmem:s14+$0x7900]  }
0x29c: {  	v15 =	vld [tilespmem:s14+$0x7910]  }
0x29d: {  	v14 =	vld [tilespmem:s14+$0x7920]  }
0x29e: {  	v13 =	vld [tilespmem:s14+$0x7930]  }
0x29f: {  	v12 =	vld [tilespmem:s14+$0x7940]  }
0x2a0: {  	v11 =	vld [tilespmem:s14+$0x7950]  }
0x2a1: {  	v10 =	vld [tilespmem:s14+$0x7960]  }
0x2a2: {  	v9 =	vld [tilespmem:s14+$0x7970]  }
0x2a3: {  	v8 =	vld [tilespmem:s14+$0x7980]  }
0x2a4: {  	v7 =	vld [tilespmem:s14+$0x7990]  }
0x2a5: {  	v6 =	vld [tilespmem:s14+$0x79A0]  }
0x2a6: {  	v5 =	vld [tilespmem:s14+$0x79B0]  }
0x2a7: {  	v4 =	vld [tilespmem:s14+$0x79C0]  }
0x2a8: {  	v3 =	vld [tilespmem:s14+$0x79D0]  }
0x2a9: {  	v2 =	vld [tilespmem:s14+$0x79E0]  }
0x2aa: {  	v1 =	vld [tilespmem:s14+$0x79F0]  }
0x2ab: {  	v33 =	vld [tilespmem:s14+$0x2800]  }
0x2ac: {  	v34 =	vld [tilespmem:s14+$0x2810]  }
0x2ad: {  	v35 =	vld [tilespmem:s14+$0x2820]  }
0x2ae: {  	v36 =	vld [tilespmem:s14+$0x2830]  }
0x2af: {  	v37 =	vld [tilespmem:s14+$0x2840]  }
0x2b0: {  	v18 =	vmul.f32 v18, v33;
	v33 =	vld [tilespmem:s14+$0x2850]  }
0x2b1: {  	v19 =	vmul.f32 v19, v34;
	v34 =	vld [tilespmem:s14+$0x2860]  }
0x2b2: {  	v38 =	vmul.f32 $1.000000010e-01, v18;
	v17 =	vmul.f32 v17, v35;
	v35 =	vld [tilespmem:s14+$0x2870]  }
0x2b3: {  	v39 =	vmul.f32 $1.000000010e-01, v19;
	v20 =	vmul.f32 v20, v36;
	v36 =	vld [tilespmem:s14+$0x2880]  }
0x2b4: {  	v18 =	vmax.f32 v18, v38;
	v38 =	vmul.f32 $1.000000010e-01, v17;
	v21 =	vmul.f32 v21, v37;
	v37 =	vld [tilespmem:s14+$0x2890]  }
0x2b5: {  	[tilespmem:s14+$0x2800] =	vst v18;
	v18 =	vmax.f32 v19, v39;
	v19 =	vmul.f32 $1.000000010e-01, v20;
	v22 =	vmul.f32 v22, v33;
	v33 =	vld [tilespmem:s14+$0x28A0]  }
0x2b6: {  	[tilespmem:s14+$0x2810] =	vst v18;
	v17 =	vmax.f32 v17, v38;
	v18 =	vmul.f32 $1.000000010e-01, v21;
	v23 =	vmul.f32 v23, v34;
	v34 =	vld [tilespmem:s14+$0x28B0]  }
0x2b7: {  	[tilespmem:s14+$0x2820] =	vst v17;
	v17 =	vmax.f32 v20, v19;
	v19 =	vmul.f32 $1.000000010e-01, v22;
	v20 =	vmul.f32 v24, v35;
	v24 =	vld [tilespmem:s14+$0x28C0]  }
0x2b8: {  	[tilespmem:s14+$0x2830] =	vst v17;
	v17 =	vmax.f32 v21, v18;
	v18 =	vmul.f32 $1.000000010e-01, v23;
	v21 =	vmul.f32 v25, v36;
	v25 =	vld [tilespmem:s14+$0x28D0]  }
0x2b9: {  	[tilespmem:s14+$0x2840] =	vst v17;
	v17 =	vmax.f32 v22, v19;
	v19 =	vmul.f32 $1.000000010e-01, v20;
	v22 =	vmul.f32 v26, v37;
	v26 =	vld [tilespmem:s14+$0x28E0]  }
0x2ba: {  	[tilespmem:s14+$0x2850] =	vst v17;
	v17 =	vmax.f32 v23, v18;
	v18 =	vmul.f32 $1.000000010e-01, v21;
	v23 =	vmul.f32 v27, v33;
	v27 =	vld [tilespmem:s14+$0x28F0]  }
0x2bb: {  	[tilespmem:s14+$0x2860] =	vst v17;
	v17 =	vmax.f32 v20, v19;
	v19 =	vmul.f32 $1.000000010e-01, v22;
	v20 =	vmul.f32 v28, v34;
	v28 =	vld [tilespmem:s14+$0x2900]  }
0x2bc: {  	[tilespmem:s14+$0x2870] =	vst v17;
	v17 =	vmax.f32 v21, v18;
	v18 =	vmul.f32 $1.000000010e-01, v23;
	v21 =	vmul.f32 v29, v24;
	v24 =	vld [tilespmem:s14+$0x2910]  }
0x2bd: {  	[tilespmem:s14+$0x2880] =	vst v17;
	v17 =	vmax.f32 v22, v19;
	v19 =	vmul.f32 $1.000000010e-01, v20;
	v22 =	vmul.f32 v30, v25;
	v25 =	vld [tilespmem:s14+$0x2920]  }
0x2be: {  	[tilespmem:s14+$0x2890] =	vst v17;
	v17 =	vmax.f32 v23, v18;
	v18 =	vmul.f32 $1.000000010e-01, v21;
	v23 =	vmul.f32 v31, v26;
	v26 =	vld [tilespmem:s14+$0x2930]  }
0x2bf: {  	[tilespmem:s14+$0x28A0] =	vst v17;
	v17 =	vmax.f32 v20, v19;
	v19 =	vmul.f32 $1.000000010e-01, v22;
	v20 =	vmul.f32 v32, v27;
	v27 =	vld [tilespmem:s14+$0x2940]  }
0x2c0: {  	[tilespmem:s14+$0x28B0] =	vst v17;
	v17 =	vmax.f32 v21, v18;
	v18 =	vmul.f32 $1.000000010e-01, v23;
	v16 =	vmul.f32 v16, v28;
	v21 =	vld [tilespmem:s14+$0x2950]  }
0x2c1: {  	[tilespmem:s14+$0x28C0] =	vst v17;
	v17 =	vmax.f32 v22, v19;
	v19 =	vmul.f32 $1.000000010e-01, v20;
	v15 =	vmul.f32 v15, v24;
	v22 =	vld [tilespmem:s14+$0x2960]  }
0x2c2: {  	[tilespmem:s14+$0x28D0] =	vst v17;
	v17 =	vmax.f32 v23, v18;
	v18 =	vmul.f32 $1.000000010e-01, v16;
	v14 =	vmul.f32 v14, v25;
	v23 =	vld [tilespmem:s14+$0x2970]  }
0x2c3: {  	[tilespmem:s14+$0x28E0] =	vst v17;
	v17 =	vmax.f32 v20, v19;
	v19 =	vmul.f32 $1.000000010e-01, v15;
	v13 =	vmul.f32 v13, v26;
	v20 =	vld [tilespmem:s14+$0x2980]  }
0x2c4: {  	[tilespmem:s14+$0x28F0] =	vst v17;
	v16 =	vmax.f32 v16, v18;
	v17 =	vmul.f32 $1.000000010e-01, v14;
	v12 =	vmul.f32 v12, v27;
	v24 =	vld [tilespmem:s14+$0x2990]  }
.Ltmp6:
0x2c5: {  	[tilespmem:s14+$0x2900] =	vst v16;
	v15 =	vmax.f32 v15, v19;
	v16 =	vmul.f32 $1.000000010e-01, v13;
	v18 =	vmul.f32 v11, v21;
	v11 =	vld [tilespmem:s14+$0x29A0];
	(pc) =	sbr.rel @p1 .LBB2_13-.Ltmp6, $4  }
0x2c6: {  	[tilespmem:s14+$0x2910] =	vst v15;
	v14 =	vmax.f32 v14, v17;
	v17 =	vmul.f32 $1.000000010e-01, v12;
	v15 =	vmul.f32 v10, v22;
	v10 =	vld [tilespmem:s14+$0x29B0]  }
0x2c7: {  	[tilespmem:s14+$0x2920] =	vst v14;
	v14 =	vmax.f32 v13, v16;
	v16 =	vmul.f32 $1.000000010e-01, v18;
	v13 =	vmul.f32 v9, v23;
	v9 =	vld [tilespmem:s14+$0x29C0]  }
0x2c8: {  	[tilespmem:s14+$0x2930] =	vst v14;
	v14 =	vmax.f32 v12, v17;
	v17 =	vmul.f32 $1.000000010e-01, v15;
	v12 =	vmul.f32 v8, v20;
	v8 =	vld [tilespmem:s14+$0x29D0]  }
0x2c9: {  	s10 =	sadd.s32 $0x800, s10;
	[tilespmem:s14+$0x2940] =	vst v14;
	v18 =	vmax.f32 v18, v16;
	v16 =	vmul.f32 $1.000000010e-01, v13;
	v14 =	vmul.f32 v7, v24;
	v7 =	vld [tilespmem:s14+$0x29E0]  }
0x2ca: {  	[tilespmem:s14+$0x2950] =	vst v18;
	v15 =	vmax.f32 v15, v17;
	v53 =	vmul.f32 $1.000000010e-01, v12;
	v6 =	vmul.f32 v6, v11;
	v54 =	vld [tilespmem:s14+$0x29F0]  }
0x2cb: {  	[tilespmem:s14+$0x2960] =	vst v15;
	v13 =	vmax.f32 v13, v16;
	v55 =	vmul.f32 $1.000000010e-01, v14;
	v5 =	vmul.f32 v5, v10  }
0x2cc: {  	[tilespmem:s14+$0x2970] =	vst v13;
	v56 =	vmax.f32 v12, v53;
	v57 =	vmul.f32 $1.000000010e-01, v6;
	v4 =	vmul.f32 v4, v9  }
0x2cd: {  	[tilespmem:s14+$0x2980] =	vst v56;
	v58 =	vmax.f32 v14, v55;
	v59 =	vmul.f32 $1.000000010e-01, v5;
	v3 =	vmul.f32 v3, v8  }
0x2ce: {  	[tilespmem:s14+$0x2990] =	vst v58;
	v6 =	vmax.f32 v6, v57;
	v60 =	vmul.f32 $1.000000010e-01, v4;
	v2 =	vmul.f32 v2, v7  }
0x2cf: {  	[tilespmem:s14+$0x29A0] =	vst v6;
	v5 =	vmax.f32 v5, v59;
	v61 =	vmul.f32 $1.000000010e-01, v3;
	v1 =	vmul.f32 v1, v54  }
0x2d0: {  	p1 =	seq.s32 s29, $0x1E;
	[tilespmem:s14+$0x29B0] =	vst v5;
	v4 =	vmax.f32 v4, v60;
	v62 =	vmul.f32 $1.000000010e-01, v2  }
.Ltmp7:
0x2d1: {  	[tilespmem:s14+$0x29C0] =	vst v4;
	v3 =	vmax.f32 v3, v61;
	v63 =	vmul.f32 $1.000000010e-01, v1;
	(pc) =	sbr.rel @p1 .LBB2_16-.Ltmp7, $4  }
0x2d2: {  	[tilespmem:s14+$0x29D0] =	vst v3;
	v2 =	vmax.f32 v2, v62  }
0x2d3: {  	[tilespmem:s14+$0x29E0] =	vst v2;
	v1 =	vmax.f32 v1, v63  }
0x2d4: {  	s10 =	simm.s32 $0xA380;
	[tilespmem:s14+$0x29F0] =	vst v1  }
0x2d5: {  	[spmem:s3] =	stream.indirect.scatter.add.f32 [tilespmem:s5], [sflag:$0x6], $0x80, s10, s25, $0xb8;
	[tilespmem:$0x1DC80] =	vst v63  }
0x2d6: {  	s10 =	sadd.s32 $0x280, s13  }
0x2d7: {  	s13 =	sand.u32 $0x7C00, s10  }
0x2d8: {  	s10 =	sand.u32 $0x280, s10;
	s13 =	sadd.s32 s12, s13  }
0x2d9: {  	s10 =	sor.u32 s10, s13  }
.Ltmp8:
0x2da: {  	s10 =	sshrl.u32 s10, $0x3;
	(pc) =	sbr.rel .LBB2_6-.Ltmp8, $4  }
0x2db: {  	s14 =	simm.s32 $0xA080;
	s23 =	sadd.s32 s2, s10  }
0x2dc: {  	[tilespmem:s14], [sflag:$0x8] =	stream.linear.gather [hbm4b:s23+s4], $0x80, $0x38;
	[tilespmem:$0x1DC80] =	vst v63  }
0x2dd: {  	s26 =	simm.s32 $0xA280;
	s29 =	sadd.s32 $0x1, s29;
	s10 =	sadd.s32 s7, s10  }
0x2de: {  	[tilespmem:s26], [sflag:$0x8] =	stream.linear.gather [hbm4b:s10+s4], $0x80, $0x38;
	[tilespmem:$0x1DC80] =	vst v63  }
.LBB2_16:
0x2df: {  	_ =	swait.ge [sflag:s30], $0x2800  }
0x2e0: {  	[sflag:s30] =	ssyncset.done $0x0  }
0x2e1: {  	[sflag:s30] =	ssyncadd.s32 $0xFFFFD800  }
0x2e2: {  	_ =	swait.ge [sflag:s31], $0x2800  }
0x2e3: {  	[sflag:s31] =	ssyncset.done $0x0  }
0x2e4: {  	s13 =	simm.s32 $0x0;
	[sflag:s31] =	ssyncadd.s32 $0xFFFFD800  }
0x2e5: {  	v8 =	vld [tilespmem:s13+$0x5000]  }
0x2e6: {  	v9 =	vld [tilespmem:s13+$0x5010]  }
0x2e7: {  	v10 =	vld [tilespmem:s13+$0x5020]  }
0x2e8: {  	v11 =	vld [tilespmem:s13+$0x5030]  }
0x2e9: {  	v12 =	vld [tilespmem:s13+$0x5040]  }
0x2ea: {  	v13 =	vld [tilespmem:s13+$0x5050]  }
0x2eb: {  	v14 =	vld [tilespmem:s13+$0x5060]  }
0x2ec: {  	v15 =	vld [tilespmem:s13+$0x5070]  }
0x2ed: {  	v16 =	vld [tilespmem:s13+$0x5080]  }
0x2ee: {  	v17 =	vld [tilespmem:s13+$0x5090]  }
0x2ef: {  	v18 =	vld [tilespmem:s13+$0x50A0]  }
0x2f0: {  	v19 =	vld [tilespmem:s13+$0x50B0]  }
0x2f1: {  	v20 =	vld [tilespmem:s13+$0x50C0]  }
0x2f2: {  	v21 =	vld [tilespmem:s13+$0x50D0]  }
0x2f3: {  	v22 =	vld [tilespmem:s13+$0x50E0]  }
0x2f4: {  	v23 =	vld [tilespmem:s13+$0x50F0]  }
0x2f5: {  	v24 =	vld [tilespmem:s13+$0x5100]  }
0x2f6: {  	v25 =	vld [tilespmem:s13+$0x5110]  }
0x2f7: {  	v26 =	vld [tilespmem:s13+$0x5120]  }
0x2f8: {  	v33 =	vld [tilespmem:s13+$0x0]  }
0x2f9: {  	v34 =	vld [tilespmem:s13+$0x10]  }
0x2fa: {  	v27 =	vld [tilespmem:s13+$0x5130]  }
0x2fb: {  	v35 =	vld [tilespmem:s13+$0x20]  }
0x2fc: {  	v28 =	vld [tilespmem:s13+$0x5140]  }
0x2fd: {  	v36 =	vld [tilespmem:s13+$0x30];
	v8 =	vmul.f32 v8, v33  }
0x2fe: {  	v37 =	vld [tilespmem:s13+$0x40];
	v9 =	vmul.f32 v9, v34  }
0x2ff: {  	v29 =	vld [tilespmem:s13+$0x5150];
	v60 =	vmul.f32 $1.000000010e-01, v8  }
0x300: {  	v59 =	vld [tilespmem:s13+$0x50];
	v10 =	vmul.f32 v10, v35;
	v61 =	vmul.f32 $1.000000010e-01, v9  }
0x301: {  	v30 =	vld [tilespmem:s13+$0x5160];
	v8 =	vmax.f32 v8, v60  }
0x302: {  	v38 =	vld [tilespmem:s13+$0x60];
	v9 =	vmax.f32 v9, v61;
	[tilespmem:s13+$0x0] =	vst v8;
	v8 =	vmul.f32 v11, v36;
	v11 =	vmul.f32 $1.000000010e-01, v10  }
0x303: {  	v39 =	vld [tilespmem:s13+$0x70];
	[tilespmem:s13+$0x10] =	vst v9;
	v9 =	vmul.f32 v12, v37  }
0x304: {  	v31 =	vld [tilespmem:s13+$0x5170];
	v12 =	vmul.f32 $1.000000010e-01, v8;
	v10 =	vmax.f32 v10, v11  }
0x305: {  	v40 =	vld [tilespmem:s13+$0x80];
	[tilespmem:s13+$0x20] =	vst v10;
	v10 =	vmul.f32 v13, v59;
	v13 =	vmul.f32 $1.000000010e-01, v9  }
0x306: {  	v32 =	vld [tilespmem:s13+$0x5180];
	v8 =	vmax.f32 v8, v12  }
0x307: {  	v62 =	vld [tilespmem:s13+$0x90];
	[tilespmem:s13+$0x30] =	vst v8;
	v8 =	vmul.f32 v14, v38;
	v14 =	vmul.f32 $1.000000010e-01, v10;
	v9 =	vmax.f32 v9, v13  }
0x308: {  	v63 =	vld [tilespmem:s13+$0xA0];
	[tilespmem:s13+$0x40] =	vst v9;
	v9 =	vmul.f32 v15, v39  }
0x309: {  	v7 =	vld [tilespmem:s13+$0x5190];
	v15 =	vmul.f32 $1.000000010e-01, v8;
	v10 =	vmax.f32 v10, v14  }
0x30a: {  	v11 =	vld [tilespmem:s13+$0xB0];
	[tilespmem:s13+$0x50] =	vst v10;
	v10 =	vmul.f32 v16, v40;
	v16 =	vmul.f32 $1.000000010e-01, v9  }
0x30b: {  	v6 =	vld [tilespmem:s13+$0x51A0];
	v8 =	vmax.f32 v8, v15  }
0x30c: {  	v12 =	vld [tilespmem:s13+$0xC0];
	[tilespmem:s13+$0x60] =	vst v8;
	v8 =	vmul.f32 v17, v62;
	v17 =	vmul.f32 $1.000000010e-01, v10;
	v9 =	vmax.f32 v9, v16  }
0x30d: {  	v13 =	vld [tilespmem:s13+$0xD0];
	[tilespmem:s13+$0x70] =	vst v9;
	v9 =	vmul.f32 v18, v63  }
0x30e: {  	v5 =	vld [tilespmem:s13+$0x51B0];
	v18 =	vmul.f32 $1.000000010e-01, v8;
	v10 =	vmax.f32 v10, v17  }
0x30f: {  	v14 =	vld [tilespmem:s13+$0xE0];
	[tilespmem:s13+$0x80] =	vst v10;
	v10 =	vmul.f32 v19, v11;
	v11 =	vmul.f32 $1.000000010e-01, v9  }
0x310: {  	v4 =	vld [tilespmem:s13+$0x51C0];
	v8 =	vmax.f32 v8, v18  }
0x311: {  	v15 =	vld [tilespmem:s13+$0xF0];
	[tilespmem:s13+$0x90] =	vst v8;
	v8 =	vmul.f32 v20, v12;
	v12 =	vmul.f32 $1.000000010e-01, v10;
	v9 =	vmax.f32 v9, v11  }
0x312: {  	v16 =	vld [tilespmem:s13+$0x100];
	[tilespmem:s13+$0xA0] =	vst v9;
	v9 =	vmul.f32 v21, v13  }
0x313: {  	v3 =	vld [tilespmem:s13+$0x51D0];
	v13 =	vmul.f32 $1.000000010e-01, v8;
	v10 =	vmax.f32 v10, v12  }
0x314: {  	v2 =	vld [tilespmem:s13+$0x51E0];
	[tilespmem:s13+$0xB0] =	vst v10;
	v10 =	vmul.f32 v22, v14;
	v14 =	vmul.f32 $1.000000010e-01, v9  }
0x315: {  	v17 =	vld [tilespmem:s13+$0x110];
	v8 =	vmax.f32 v8, v13  }
0x316: {  	v18 =	vld [tilespmem:s13+$0x120];
	[tilespmem:s13+$0xC0] =	vst v8;
	v8 =	vmul.f32 v23, v15;
	v9 =	vmax.f32 v9, v14  }
0x317: {  	v11 =	vld [tilespmem:s13+$0x130];
	v15 =	vmul.f32 $1.000000010e-01, v10;
	[tilespmem:s13+$0xD0] =	vst v9;
	v9 =	vmul.f32 v24, v16  }
0x318: {  	v1 =	vld [tilespmem:s13+$0x51F0];
	v16 =	vmul.f32 $1.000000010e-01, v8  }
0x319: {  	v12 =	vld [tilespmem:s13+$0x140];
	v10 =	vmax.f32 v10, v15;
	v15 =	vmul.f32 $1.000000010e-01, v9  }
0x31a: {  	v13 =	vld [tilespmem:s13+$0x150];
	[tilespmem:s13+$0xE0] =	vst v10;
	v10 =	vmul.f32 v25, v17;
	v8 =	vmax.f32 v8, v16  }
0x31b: {  	v14 =	vld [tilespmem:s13+$0x160];
	[tilespmem:s13+$0xF0] =	vst v8;
	v8 =	vmul.f32 v26, v18;
	v9 =	vmax.f32 v9, v15  }
0x31c: {  	v19 =	vld [tilespmem:s13+$0x170];
	v17 =	vmul.f32 $1.000000010e-01, v10;
	[tilespmem:s13+$0x100] =	vst v9;
	v9 =	vmul.f32 v27, v11  }
0x31d: {  	v16 =	vld [tilespmem:s13+$0x180];
	v15 =	vmul.f32 $1.000000010e-01, v8  }
0x31e: {  	v20 =	vld [tilespmem:s13+$0x190];
	v12 =	vmul.f32 v28, v12;
	v10 =	vmax.f32 v10, v17;
	v17 =	vmul.f32 $1.000000010e-01, v9  }
0x31f: {  	v18 =	vmul.f32 v29, v13;
	v11 =	vld [tilespmem:s13+$0x1A0];
	[tilespmem:s13+$0x110] =	vst v10;
	v8 =	vmax.f32 v8, v15  }
0x320: {  	v10 =	vld [tilespmem:s13+$0x1B0];
	v15 =	vmul.f32 v30, v14;
	[tilespmem:s13+$0x120] =	vst v8;
	v8 =	vmul.f32 $1.000000010e-01, v12;
	v13 =	vmax.f32 v9, v17  }
0x321: {  	v14 =	vmul.f32 $1.000000010e-01, v18;
	v9 =	vld [tilespmem:s13+$0x1C0];
	[tilespmem:s13+$0x130] =	vst v13;
	v13 =	vmul.f32 v31, v19  }
0x322: {  	v17 =	vmul.f32 $1.000000010e-01, v15;
	v19 =	vmax.f32 v12, v8;
	v8 =	vld [tilespmem:s13+$0x1D0];
	v12 =	vmul.f32 v32, v16  }
0x323: {  	s10 =	simm.s32 $0x800;
	v18 =	vmax.f32 v18, v14;
	v14 =	vmul.f32 v7, v20;
	v7 =	vld [tilespmem:s13+$0x1E0];
	[tilespmem:s13+$0x140] =	vst v19;
	v16 =	vmul.f32 $1.000000010e-01, v13  }
.LBB2_17:
0x324: {  	s14 =	sshra.s32 s10, $0x2;
	p1 =	sne.s32 s10, $0x9800;
	[tilespmem:s13+$0x150] =	vst v18;
	v15 =	vmax.f32 v15, v17;
	v17 =	vmul.f32 $1.000000010e-01, v12;
	v6 =	vmul.f32 v6, v11;
	v11 =	vld [tilespmem:s13+$0x1F0]  }
0x325: {  	v18 =	vld [tilespmem:s14+$0x5000];
	[tilespmem:s13+$0x160] =	vst v15;
	v13 =	vmax.f32 v13, v16;
	v15 =	vmul.f32 $1.000000010e-01, v14;
	v5 =	vmul.f32 v5, v10  }
0x326: {  	v19 =	vld [tilespmem:s14+$0x5010];
	[tilespmem:s13+$0x170] =	vst v13;
	v10 =	vmax.f32 v12, v17;
	v12 =	vmul.f32 $1.000000010e-01, v6;
	v4 =	vmul.f32 v4, v9  }
0x327: {  	v17 =	vld [tilespmem:s14+$0x5020];
	[tilespmem:s13+$0x180] =	vst v10;
	v9 =	vmax.f32 v14, v15;
	v10 =	vmul.f32 $1.000000010e-01, v5;
	v3 =	vmul.f32 v3, v8  }
0x328: {  	v20 =	vld [tilespmem:s14+$0x5030];
	[tilespmem:s13+$0x190] =	vst v9;
	v6 =	vmax.f32 v6, v12;
	v8 =	vmul.f32 $1.000000010e-01, v4;
	v2 =	vmul.f32 v2, v7  }
0x329: {  	v21 =	vld [tilespmem:s14+$0x5040];
	[tilespmem:s13+$0x1A0] =	vst v6;
	v5 =	vmax.f32 v5, v10;
	v6 =	vmul.f32 $1.000000010e-01, v3;
	v1 =	vmul.f32 v1, v11  }
0x32a: {  	v22 =	vld [tilespmem:s14+$0x5050];
	[tilespmem:s13+$0x1B0] =	vst v5;
	v4 =	vmax.f32 v4, v8;
	v5 =	vmul.f32 $1.000000010e-01, v2  }
0x32b: {  	v23 =	vld [tilespmem:s14+$0x5060];
	[tilespmem:s13+$0x1C0] =	vst v4;
	v3 =	vmax.f32 v3, v6;
	v4 =	vmul.f32 $1.000000010e-01, v1  }
0x32c: {  	v24 =	vld [tilespmem:s14+$0x5070];
	[tilespmem:s13+$0x1D0] =	vst v3;
	v2 =	vmax.f32 v2, v5  }
0x32d: {  	v25 =	vld [tilespmem:s14+$0x5080];
	[tilespmem:s13+$0x1E0] =	vst v2;
	v1 =	vmax.f32 v1, v4  }
0x32e: {  	v26 =	vld [tilespmem:s14+$0x5090];
	[tilespmem:s13+$0x1F0] =	vst v1;
	s13 =	smov.u32 s14  }
0x32f: {  	v27 =	vld [tilespmem:s13+$0x50A0]  }
0x330: {  	v28 =	vld [tilespmem:s13+$0x50B0]  }
0x331: {  	v29 =	vld [tilespmem:s13+$0x50C0]  }
0x332: {  	v30 =	vld [tilespmem:s13+$0x50D0]  }
0x333: {  	v31 =	vld [tilespmem:s13+$0x50E0]  }
0x334: {  	v32 =	vld [tilespmem:s13+$0x50F0]  }
0x335: {  	v16 =	vld [tilespmem:s13+$0x5100]  }
0x336: {  	v15 =	vld [tilespmem:s13+$0x5110]  }
0x337: {  	v14 =	vld [tilespmem:s13+$0x5120]  }
0x338: {  	v13 =	vld [tilespmem:s13+$0x5130]  }
0x339: {  	v12 =	vld [tilespmem:s13+$0x5140]  }
0x33a: {  	v11 =	vld [tilespmem:s13+$0x5150]  }
0x33b: {  	v10 =	vld [tilespmem:s13+$0x5160]  }
0x33c: {  	v9 =	vld [tilespmem:s13+$0x5170]  }
0x33d: {  	v8 =	vld [tilespmem:s13+$0x5180]  }
0x33e: {  	v7 =	vld [tilespmem:s13+$0x5190]  }
0x33f: {  	v6 =	vld [tilespmem:s13+$0x51A0]  }
0x340: {  	v5 =	vld [tilespmem:s13+$0x51B0]  }
0x341: {  	v4 =	vld [tilespmem:s13+$0x51C0]  }
0x342: {  	v3 =	vld [tilespmem:s13+$0x51D0]  }
0x343: {  	v2 =	vld [tilespmem:s13+$0x51E0]  }
0x344: {  	v1 =	vld [tilespmem:s13+$0x51F0]  }
0x345: {  	v33 =	vld [tilespmem:s13+$0x0]  }
0x346: {  	v34 =	vld [tilespmem:s13+$0x10]  }
0x347: {  	v35 =	vld [tilespmem:s13+$0x20]  }
0x348: {  	v36 =	vld [tilespmem:s13+$0x30]  }
0x349: {  	v37 =	vld [tilespmem:s13+$0x40]  }
0x34a: {  	v18 =	vmul.f32 v18, v33;
	v33 =	vld [tilespmem:s13+$0x50]  }
0x34b: {  	v19 =	vmul.f32 v19, v34;
	v34 =	vld [tilespmem:s13+$0x60]  }
0x34c: {  	v38 =	vmul.f32 $1.000000010e-01, v18;
	v17 =	vmul.f32 v17, v35;
	v35 =	vld [tilespmem:s13+$0x70]  }
0x34d: {  	v39 =	vmul.f32 $1.000000010e-01, v19;
	v20 =	vmul.f32 v20, v36;
	v36 =	vld [tilespmem:s13+$0x80]  }
0x34e: {  	v18 =	vmax.f32 v18, v38;
	v38 =	vmul.f32 $1.000000010e-01, v17;
	v21 =	vmul.f32 v21, v37;
	v37 =	vld [tilespmem:s13+$0x90]  }
0x34f: {  	[tilespmem:s13+$0x0] =	vst v18;
	v18 =	vmax.f32 v19, v39;
	v19 =	vmul.f32 $1.000000010e-01, v20;
	v22 =	vmul.f32 v22, v33;
	v33 =	vld [tilespmem:s13+$0xA0]  }
0x350: {  	[tilespmem:s13+$0x10] =	vst v18;
	v17 =	vmax.f32 v17, v38;
	v18 =	vmul.f32 $1.000000010e-01, v21;
	v23 =	vmul.f32 v23, v34;
	v34 =	vld [tilespmem:s13+$0xB0]  }
0x351: {  	[tilespmem:s13+$0x20] =	vst v17;
	v17 =	vmax.f32 v20, v19;
	v19 =	vmul.f32 $1.000000010e-01, v22;
	v20 =	vmul.f32 v24, v35;
	v24 =	vld [tilespmem:s13+$0xC0]  }
0x352: {  	[tilespmem:s13+$0x30] =	vst v17;
	v17 =	vmax.f32 v21, v18;
	v18 =	vmul.f32 $1.000000010e-01, v23;
	v21 =	vmul.f32 v25, v36;
	v25 =	vld [tilespmem:s13+$0xD0]  }
0x353: {  	[tilespmem:s13+$0x40] =	vst v17;
	v17 =	vmax.f32 v22, v19;
	v19 =	vmul.f32 $1.000000010e-01, v20;
	v22 =	vmul.f32 v26, v37;
	v26 =	vld [tilespmem:s13+$0xE0]  }
0x354: {  	[tilespmem:s13+$0x50] =	vst v17;
	v17 =	vmax.f32 v23, v18;
	v18 =	vmul.f32 $1.000000010e-01, v21;
	v23 =	vmul.f32 v27, v33;
	v27 =	vld [tilespmem:s13+$0xF0]  }
0x355: {  	[tilespmem:s13+$0x60] =	vst v17;
	v17 =	vmax.f32 v20, v19;
	v19 =	vmul.f32 $1.000000010e-01, v22;
	v20 =	vmul.f32 v28, v34;
	v28 =	vld [tilespmem:s13+$0x100]  }
0x356: {  	[tilespmem:s13+$0x70] =	vst v17;
	v17 =	vmax.f32 v21, v18;
	v18 =	vmul.f32 $1.000000010e-01, v23;
	v21 =	vmul.f32 v29, v24;
	v24 =	vld [tilespmem:s13+$0x110]  }
0x357: {  	[tilespmem:s13+$0x80] =	vst v17;
	v17 =	vmax.f32 v22, v19;
	v19 =	vmul.f32 $1.000000010e-01, v20;
	v22 =	vmul.f32 v30, v25;
	v25 =	vld [tilespmem:s13+$0x120]  }
0x358: {  	[tilespmem:s13+$0x90] =	vst v17;
	v17 =	vmax.f32 v23, v18;
	v18 =	vmul.f32 $1.000000010e-01, v21;
	v23 =	vmul.f32 v31, v26;
	v26 =	vld [tilespmem:s13+$0x130]  }
0x359: {  	[tilespmem:s13+$0xA0] =	vst v17;
	v17 =	vmax.f32 v20, v19;
	v19 =	vmul.f32 $1.000000010e-01, v22;
	v20 =	vmul.f32 v32, v27;
	v27 =	vld [tilespmem:s13+$0x140]  }
0x35a: {  	[tilespmem:s13+$0xB0] =	vst v17;
	v17 =	vmax.f32 v21, v18;
	v18 =	vmul.f32 $1.000000010e-01, v23;
	v16 =	vmul.f32 v16, v28;
	v21 =	vld [tilespmem:s13+$0x150]  }
0x35b: {  	[tilespmem:s13+$0xC0] =	vst v17;
	v17 =	vmax.f32 v22, v19;
	v19 =	vmul.f32 $1.000000010e-01, v20;
	v15 =	vmul.f32 v15, v24;
	v22 =	vld [tilespmem:s13+$0x160]  }
0x35c: {  	[tilespmem:s13+$0xD0] =	vst v17;
	v17 =	vmax.f32 v23, v18;
	v18 =	vmul.f32 $1.000000010e-01, v16;
	v14 =	vmul.f32 v14, v25;
	v23 =	vld [tilespmem:s13+$0x170]  }
0x35d: {  	[tilespmem:s13+$0xE0] =	vst v17;
	v17 =	vmax.f32 v20, v19;
	v19 =	vmul.f32 $1.000000010e-01, v15;
	v13 =	vmul.f32 v13, v26;
	v20 =	vld [tilespmem:s13+$0x180]  }
0x35e: {  	[tilespmem:s13+$0xF0] =	vst v17;
	v16 =	vmax.f32 v16, v18;
	v17 =	vmul.f32 $1.000000010e-01, v14;
	v12 =	vmul.f32 v12, v27;
	v24 =	vld [tilespmem:s13+$0x190]  }
.Ltmp9:
0x35f: {  	[tilespmem:s13+$0x100] =	vst v16;
	v15 =	vmax.f32 v15, v19;
	v16 =	vmul.f32 $1.000000010e-01, v13;
	v18 =	vmul.f32 v11, v21;
	v11 =	vld [tilespmem:s13+$0x1A0];
	(pc) =	sbr.rel @p1 .LBB2_17-.Ltmp9, $4  }
0x360: {  	[tilespmem:s13+$0x110] =	vst v15;
	v14 =	vmax.f32 v14, v17;
	v17 =	vmul.f32 $1.000000010e-01, v12;
	v15 =	vmul.f32 v10, v22;
	v10 =	vld [tilespmem:s13+$0x1B0]  }
0x361: {  	[tilespmem:s13+$0x120] =	vst v14;
	v14 =	vmax.f32 v13, v16;
	v16 =	vmul.f32 $1.000000010e-01, v18;
	v13 =	vmul.f32 v9, v23;
	v9 =	vld [tilespmem:s13+$0x1C0]  }
0x362: {  	[tilespmem:s13+$0x130] =	vst v14;
	v14 =	vmax.f32 v12, v17;
	v17 =	vmul.f32 $1.000000010e-01, v15;
	v12 =	vmul.f32 v8, v20;
	v8 =	vld [tilespmem:s13+$0x1D0]  }
0x363: {  	s10 =	sadd.s32 $0x800, s10;
	[tilespmem:s13+$0x140] =	vst v14;
	v18 =	vmax.f32 v18, v16;
	v16 =	vmul.f32 $1.000000010e-01, v13;
	v14 =	vmul.f32 v7, v24;
	v7 =	vld [tilespmem:s13+$0x1E0]  }
0x364: {  	[tilespmem:s13+$0x150] =	vst v18;
	v15 =	vmax.f32 v15, v17;
	v53 =	vmul.f32 $1.000000010e-01, v12;
	v6 =	vmul.f32 v6, v11;
	v54 =	vld [tilespmem:s13+$0x1F0]  }
0x365: {  	[tilespmem:s13+$0x160] =	vst v15;
	v13 =	vmax.f32 v13, v16;
	v55 =	vmul.f32 $1.000000010e-01, v14;
	v5 =	vmul.f32 v5, v10  }
0x366: {  	[tilespmem:s13+$0x170] =	vst v13;
	v56 =	vmax.f32 v12, v53;
	v57 =	vmul.f32 $1.000000010e-01, v6;
	v4 =	vmul.f32 v4, v9  }
0x367: {  	[tilespmem:s13+$0x180] =	vst v56;
	v58 =	vmax.f32 v14, v55;
	v59 =	vmul.f32 $1.000000010e-01, v5;
	v3 =	vmul.f32 v3, v8  }
0x368: {  	[tilespmem:s13+$0x190] =	vst v58;
	v6 =	vmax.f32 v6, v57;
	v60 =	vmul.f32 $1.000000010e-01, v4;
	v2 =	vmul.f32 v2, v7  }
0x369: {  	[tilespmem:s13+$0x1A0] =	vst v6;
	v5 =	vmax.f32 v5, v59;
	v61 =	vmul.f32 $1.000000010e-01, v3;
	v1 =	vmul.f32 v1, v54  }
0x36a: {  	[tilespmem:s13+$0x1B0] =	vst v5;
	v4 =	vmax.f32 v4, v60;
	v62 =	vmul.f32 $1.000000010e-01, v2  }
0x36b: {  	[tilespmem:s13+$0x1C0] =	vst v4;
	v3 =	vmax.f32 v3, v61;
	v63 =	vmul.f32 $1.000000010e-01, v1  }
0x36c: {  	[tilespmem:s13+$0x1D0] =	vst v3;
	v2 =	vmax.f32 v2, v62  }
0x36d: {  	[tilespmem:s13+$0x1E0] =	vst v2;
	v1 =	vmax.f32 v1, v63  }
0x36e: {  	[tilespmem:s13+$0x1F0] =	vst v1  }
0x36f: {  	[spmem:s3] =	stream.indirect.scatter.add.f32 [tilespmem:s4], [sflag:$0x5], $0x80, s24, s25, $0xb8;
	[tilespmem:$0x1DC80] =	vst v63  }
0x370: {  	_ =	swait.ge [sflag:s11], $0x2800  }
0x371: {  	[sflag:s11] =	ssyncset.done $0x0  }
0x372: {  	[sflag:s11] =	ssyncadd.s32 $0xFFFFD800  }
0x373: {  	_ =	swait.ge [sflag:s18], $0x2800  }
0x374: {  	[sflag:s18] =	ssyncset.done $0x0  }
0x375: {  	[sflag:s18] =	ssyncadd.s32 $0xFFFFD800  }
0x376: {  	s10 =	stileid.u32;
	[bflag:$0x0] =	sbarrier.arrive $0xFFFF  }
0x377: {  	s10 =	sshll.u32 s10, $0x6;
	s15 =	rddreg [dreg:$0xe]  }
.Ltmp10:
0x378: {  	s29 =	rddreg [dreg:$0xd];
	s26 =	sshrl.u32 s15, $0x3;
	(pc) =	sbr.rel @!p0 .LBB2_20-.Ltmp10, $4  }
0x379: {  	s10 =	sor.u32 $0x1C0B, s10;
	s14 =	sshrl.u32 s29, $0x3;
	s13 =	sadd.s32 s8, s26  }
0x37a: {  	[hbm:s13], [sflag:s10] =	dma.local [spmem:s14], $0x500  }
0x37b: {  	s26 =	rddreg [dreg:$0x5]  }
0x37c: {  	s14 =	sadd.s32 $0x2800, s15;
	s15 =	smov.u32 s29;
	s13 =	sadd.s32 $0xFFFFFFFF, s26  }
.LBB2_19:
0x37d: {  	_ =	swait.ge [sflag:s22], $0x500  }
0x37e: {  	s15 =	sadd.s32 $0x2800, s15;
	s21 =	sshrl.u32 s14, $0x3;
	p0 =	sne.s32 s13, $0x1  }
.Ltmp11:
0x37f: {  	s23 =	sshrl.u32 s15, $0x3;
	[sflag:s22] =	ssyncset.done $0x0;
	(pc) =	sbr.rel @p0 .LBB2_19-.Ltmp11, $4  }
0x380: {  	s21 =	sadd.s32 s8, s21;
	[sflag:s22] =	ssyncadd.s32 $0xFFFFFB00  }
0x381: {  	[hbm:s21], [sflag:s10] =	dma.local [spmem:s23], $0x500  }
0x382: {  	s13 =	sadd.s32 $0xFFFFFFFF, s13  }
0x383: {  	s14 =	sadd.s32 $0x2800, s14  }
.LBB2_20:
0x384: {  	_ =	swait.ge [sflag:s22], $0x500  }
0x385: {  	s13 =	rddreg [dreg:$0xf]  }
0x386: {  	s10 =	rddreg [dreg:$0xc];
	s13 =	sadd.s32 $0x1, s13  }
0x387: {  	p0 =	sne.s32 s13, s10  }
.Ltmp12:
0x388: {  	_ = 	snop;
	(pc) =	sbr.rel @p0 .LBB2_1-.Ltmp12, $3  }
0x389: {  	_ =	sdelay $0x1  }
0x38a: {  	[sflag:s22] =	ssyncset.done $0x0  }
0x38b: {  	s14 =	simm.s32 $0xA080;
	[sflag:s22] =	ssyncadd.s32 $0xFFFFFB00  }
0x38c: {  	_ =	sfence.sel $0x180000  }
0x38d: {  	[bflag:$0x0] =	sbarrier.arrive $0xFFFF  }
0x38e: {  	_ =	strace $0x90000047  }
0x38f: {  	s0 =	stileid.u32;
	[bflag:$0x2] =	sbarrier.arrive $0xFFFF  }
0x390: {  	p0 =	sne.s32 s0, $0x0;
	s0 =	rddreg [dreg:$0x4]  }
0x391: {  	s0 =	sadd.s32 @!p0 $0x100000, s0  }
0x392: {  	[sflag:s0] =	ssyncadd.tile.s32 @!p0 $0x1;
	_ =	shalt  }
.Lfunc_end2:
_tile_overlayer_lowered:
.L_overlay_start_2:
0x393: {  	(tag) =	ssettag $0x2  }
0x394: {  	s0 =	rddreg [dreg:$0x0];
	s2 =	stileid.u32  }
0x395: {  	s1 =	rddreg [dreg:$0x1];
	p0 =	sne.s32 s2, $0x0  }
0x396: {  	s3 =	rddreg [dreg:$0x2];
	[bflag:$0x3] =	sbarrier.arrive $0xFFFF;
	s2 =	simm.s32 @!p0 $0x1C0B  }
0x397: {  	[timem:s3], [sflag:s2] =	dma.local @!p0 [hbm:s0], s1  }
0x398: {  	s0 =	simm.s32 @!p0 $0xB  }
0x399: {  	_ =	swait.ge @!p0 [sflag:s0], s1  }
0x39a: {  	s1 =	ssub.s32 @!p0 $0x0, s1;
	[sflag:s0] =	ssyncset.done @!p0 $0x0  }
0x39b: {  	[sflag:s0] =	ssyncadd.s32 @!p0 s1  }
0x39c: {  	[bflag:$0x3] =	sbarrier.arrive $0xFFFF  }
0x39d: {  	_ =	shalt  }

</sc_bundles>
